<compile_context>
chip_gen: v7x
topology: tpu7x:2x2x1
jax: 0.10.2.dev20260603
libtpu: 0.0.44.dev20260713+nightly
codegen_flags: <defaults>
</compile_context>

<pallas_src>
import functools

import jax
import jax.numpy as jnp
from jax import lax
from jax.experimental import pallas as pl
from jax.experimental.pallas import tpu as pltpu
from jax.experimental.pallas import tpu_sc as plsc

N = 10000
E = 320000
D = 128
G = 64
NC = 2
NS = 16
L = 16

ROWS_PER_TILE = N // NS
DEG_CHUNK = 2000
DEG_PER_TILE = E // (NC * NS)
OUT_STRIDE = 624
OUT_LEN = 640
EDGE_C = 40
EDGES_PER_W = E // (NC * NS)
NB = 7

R = 2000
GRID = N // R


def _mesh():
    return plsc.VectorSubcoreMesh(
        core_axis_name="c", subcore_axis_name="s", num_cores=NC, num_subcores=NS
    )


def _dinv_body(dst_hbm, deg_hbm, hist, dbuf, shared, rbuf, obuf):
    cid = lax.axis_index("c")
    sid = lax.axis_index("s")

    zeros16 = jnp.zeros((L,), jnp.float32)
    ones16 = jnp.ones((L,), jnp.float32)

    def zbody(k, c):
        hist[pl.ds(k * L, L)] = zeros16
        return c

    lax.fori_loop(0, N // L, zbody, 0)

    base_t = (cid * NS + sid) * DEG_PER_TILE

    def obody(i, c):
        off = pl.multiple_of(base_t + i * DEG_CHUNK, 8)
        pltpu.sync_copy(dst_hbm.at[pl.ds(off, DEG_CHUNK)], dbuf)

        def ibody(k, c2):
            idx = dbuf[pl.ds(k * L, L)]
            plsc.addupdate_scatter(hist, [idx], ones16)
            return c2

        lax.fori_loop(0, DEG_CHUNK // L, ibody, 0)
        return c

    lax.fori_loop(0, DEG_PER_TILE // DEG_CHUNK, obody, 0)

    pltpu.sync_copy(hist, shared.at[sid])
    plsc.subcore_barrier()

    start = pl.multiple_of(sid * OUT_STRIDE, 8)
    for r in range(NS):
        pltpu.sync_copy(shared.at[r, pl.ds(start, OUT_LEN)], rbuf.at[r])

    def rbody(j, c):
        col = j * L
        deg = rbuf[0, pl.ds(col, L)]
        for r in range(1, NS):
            deg = deg + rbuf[r, pl.ds(col, L)]
        obuf[pl.ds(col, L)] = deg
        return c

    lax.fori_loop(0, OUT_LEN // L, rbody, 0)
    pltpu.sync_copy(obuf, deg_hbm.at[cid, pl.ds(start, OUT_LEN)])


_dinv_call = functools.partial(
    pl.kernel,
    out_type=jax.ShapeDtypeStruct((NC, N), jnp.float32),
    mesh=_mesh(),
    compiler_params=pltpu.CompilerParams(use_tc_tiling_on_sc=False, needs_layout_passes=False),
    scratch_types=[
        pltpu.VMEM((N,), jnp.float32),
        pltpu.VMEM((DEG_CHUNK,), jnp.int32),
        pltpu.VMEM_SHARED((NS, N), jnp.float32),
        pltpu.VMEM((NS, OUT_LEN), jnp.float32),
        pltpu.VMEM((OUT_LEN,), jnp.float32),
    ],
)(_dinv_body)


NCHUNK = EDGES_PER_W // EDGE_C
NGROUP = NCHUNK // NB
NTAIL = NCHUNK - NGROUP * NB


def _conv_body(y_hbm, src_hbm, dst_hbm, out_hbm, acc, sall, dbuf,
               rows, isem, dsem, gsems, ssems):
    cid = lax.axis_index("c")
    sid = lax.axis_index("s")
    r0 = sid * ROWS_PER_TILE
    init = pltpu.async_copy(y_hbm.at[pl.ds(r0, ROWS_PER_TILE)],
                            acc.at[pl.ds(r0, ROWS_PER_TILE)], isem)

    c0 = (cid * NS + sid) * NCHUNK
    pltpu.sync_copy(src_hbm.at[pl.ds(c0, NCHUNK)], sall)
    pltpu.async_copy(dst_hbm.at[pl.ds(c0, NB)], dbuf.at[0], dsem)

    def gather(i, b):
        pltpu.async_copy(y_hbm.at[sall.at[i]], rows.at[b], gsems[b])

    def drain_gather(b):
        pltpu.make_async_copy(y_hbm.at[pl.ds(0, EDGE_C)], rows.at[b],
                              gsems[b]).wait()

    def scatter(par, b):
        pltpu.async_copy(rows.at[b], acc.at[dbuf.at[par, b]], ssems[b], add=True)

    def drain_scatter(b):
        pltpu.make_async_copy(y_hbm.at[pl.ds(0, EDGE_C)], rows.at[b],
                              ssems[b]).wait()

    for b in range(NB):
        gather(b, b)
    init.wait()
    plsc.subcore_barrier()

    def pbody(g, c):
        i0 = g * NB
        parity = lax.rem(g, 2)
        pltpu.make_async_copy(dst_hbm.at[pl.ds(0, NB)], dbuf.at[0], dsem).wait()

        @pl.when(g + 2 <= NGROUP)
        def _():
            pltpu.async_copy(dst_hbm.at[pl.ds(c0 + (g + 1) * NB, NB)],
                             dbuf.at[1 - parity], dsem)

        if NTAIL > 0:
            @pl.when(g + 1 == NGROUP)
            def _():
                pltpu.async_copy(dst_hbm.at[pl.ds(c0 + NGROUP * NB, NTAIL)],
                                 dbuf.at[1 - parity, pl.ds(0, NTAIL)], dsem)

        for b in range(NB):
            drain_gather(b)
            scatter(parity, b)
        for b in range(NB):
            drain_scatter(b)

            @pl.when(i0 + NB + b < NCHUNK)
            def _():
                gather(i0 + NB + b, b)
        return c

    lax.fori_loop(0, NGROUP, pbody, 0)
    if NTAIL > 0:
        tail_par = NGROUP % 2
        pltpu.make_async_copy(dst_hbm.at[pl.ds(0, NTAIL)],
                              dbuf.at[0, pl.ds(0, NTAIL)], dsem).wait()
        for b in range(NTAIL):
            drain_gather(b)
            scatter(tail_par, b)
        for b in range(NTAIL):
            drain_scatter(b)
    plsc.subcore_barrier()
    pltpu.sync_copy(acc.at[pl.ds(r0, ROWS_PER_TILE)], out_hbm.at[cid, pl.ds(r0, ROWS_PER_TILE)])


_conv_call = functools.partial(
    pl.kernel,
    out_type=jax.ShapeDtypeStruct((NC, N, D), jnp.float32),
    mesh=_mesh(),
    compiler_params=pltpu.CompilerParams(use_tc_tiling_on_sc=False, needs_layout_passes=False),
    scratch_types=[
        pltpu.VMEM_SHARED((N, D), jnp.float32),
        pltpu.VMEM((NCHUNK, EDGE_C), jnp.int32),
        pltpu.VMEM((2, NB, EDGE_C), jnp.int32),
        pltpu.VMEM((NB, EDGE_C, D), jnp.float32),
        pltpu.SemaphoreType.DMA,
        pltpu.SemaphoreType.DMA,
        [pltpu.SemaphoreType.DMA] * NB,
        [pltpu.SemaphoreType.DMA] * NB,
    ],
)(_conv_body)


def _enc_kernel(x_ref, w1, b1, w2, b2, gw0, y1_ref):
    h = jnp.dot(x_ref[...], w1[...], preferred_element_type=jnp.float32) + b1[...]
    h = jnp.maximum(h, 0.0)
    h = jnp.dot(h, w2[...], preferred_element_type=jnp.float32) + b2[...]
    y1_ref[...] = jnp.dot(h, gw0[...], preferred_element_type=jnp.float32)


def _scale_kernel(u_ref, d0_ref, d1_ref, y_ref, dinv_ref):
    dv = jax.lax.rsqrt(d0_ref[...] + d1_ref[...] + 1.0)
    dinv_ref[...] = dv
    y_ref[...] = dv * u_ref[...]


def _mid_kernel(p0, p1, y1, dinv_ref, gb0, gw1, y2_ref):
    dv = dinv_ref[...]
    h = jnp.maximum(dv * (p0[...] + p1[...] - y1[...]) + gb0[...], 0.0)
    y2_ref[...] = dv * jnp.dot(h, gw1[...], preferred_element_type=jnp.float32)


def _fin_kernel(q0, q1, y2, dinv_ref, gb1, batch_ref, dw1, db1, dw2, db2,
                out_ref, pooled):
    i = pl.program_id(0)
    dv = dinv_ref[...]
    h = jnp.maximum(dv * (q0[...] + q1[...] - y2[...]) + gb1[...], 0.0)
    onehot = (batch_ref[...] == lax.broadcasted_iota(jnp.int32, (1, G), 1)
              ).astype(jnp.float32)
    contrib = lax.dot_general(onehot, h, (((0,), (0,)), ((), ())),
                              preferred_element_type=jnp.float32)

    @pl.when(i == 0)
    def _():
        pooled[...] = jnp.zeros_like(pooled)

    pooled[...] += contrib

    @pl.when(i == pl.num_programs(0) - 1)
    def _():
        t = jnp.maximum(
            jnp.dot(pooled[...], dw1[...], preferred_element_type=jnp.float32) + db1[...],
            0.0)
        out_ref[...] = jnp.dot(t, dw2[...], preferred_element_type=jnp.float32) + db2[...]


def _row_spec():
    return pl.BlockSpec((R, D), lambda i: (i, 0))


def _full_spec(shape):
    nd = len(shape)
    return pl.BlockSpec(shape, lambda i: (0,) * nd)


def _col_spec():
    return pl.BlockSpec((R, 1), lambda i: (i, 0))


def _enc_call(x, w1, b1, w2, b2, gw0):
    return pl.pallas_call(
        _enc_kernel,
        grid=(GRID,),
        in_specs=[_row_spec(), _full_spec((D, D)), _full_spec((1, D)),
                  _full_spec((D, D)), _full_spec((1, D)), _full_spec((D, D))],
        out_specs=_row_spec(),
        out_shape=jax.ShapeDtypeStruct((N, D), jnp.float32),
    )(x, w1, b1, w2, b2, gw0)


def _scale_call(u, deg0, deg1):
    return pl.pallas_call(
        _scale_kernel,
        grid=(GRID,),
        in_specs=[_row_spec(), _col_spec(), _col_spec()],
        out_specs=[_row_spec(), _col_spec()],
        out_shape=[jax.ShapeDtypeStruct((N, D), jnp.float32),
                   jax.ShapeDtypeStruct((N, 1), jnp.float32)],
    )(u, deg0, deg1)


def _mid_call(p0, p1, y1, dinv2, gb0, gw1):
    return pl.pallas_call(
        _mid_kernel,
        grid=(GRID,),
        in_specs=[_row_spec(), _row_spec(), _row_spec(), _col_spec(),
                  _full_spec((1, D)), _full_spec((D, D))],
        out_specs=_row_spec(),
        out_shape=jax.ShapeDtypeStruct((N, D), jnp.float32),
    )(p0, p1, y1, dinv2, gb0, gw1)


def _fin_call(q0, q1, y2, dinv2, gb1, batch2, dw1, db1, dw2, db2):
    return pl.pallas_call(
        _fin_kernel,
        grid=(GRID,),
        in_specs=[_row_spec(), _row_spec(), _row_spec(), _col_spec(),
                  _full_spec((1, D)),
                  pl.BlockSpec((R, 1), lambda i: (i, 0)),
                  _full_spec((D, D)), _full_spec((1, D)),
                  _full_spec((D, D)), _full_spec((1, D))],
        out_specs=_full_spec((G, D)),
        out_shape=jax.ShapeDtypeStruct((G, D), jnp.float32),
        scratch_shapes=[pltpu.VMEM((G, D), jnp.float32)],
    )(q0, q1, y2, dinv2, gb1, batch2, dw1, db1, dw2, db2)


@jax.jit
def kernel(x, edge_index, batch, enc_W1, enc_b1, enc_W2, enc_b2,
           gW0, gb0, gW1, gb1, dec_W1, dec_b1, dec_W2, dec_b2):
    src = edge_index[0]
    dst = edge_index[1]
    src2 = src.reshape(E // EDGE_C, EDGE_C)
    dst2 = dst.reshape(E // EDGE_C, EDGE_C)
    xw1 = _enc_call(x, enc_W1, enc_b1.reshape(1, D), enc_W2, enc_b2.reshape(1, D),
                    gW0)
    degp = _dinv_call(dst)
    y1, dinv2 = _scale_call(xw1, degp[0].reshape(N, 1), degp[1].reshape(N, 1))
    p = _conv_call(y1, src2, dst2)
    y2 = _mid_call(p[0], p[1], y1, dinv2, gb0.reshape(1, D), gW1)
    q = _conv_call(y2, src2, dst2)
    return _fin_call(q[0], q[1], y2, dinv2, gb1.reshape(1, D),
                     batch.reshape(N, 1), dec_W1, dec_b1.reshape(1, D),
                     dec_W2, dec_b2.reshape(1, D))

# --- scband reference (transcript-rebuilt; emitter-appended) ---
"""Pipeline reference for scband-gcn-16338055594649 (READ-ONLY COPY).

The authoritative reference and input builder live on the scoring server;
editing this copy changes nothing except your own understanding.
"""

import jax, jax.numpy as jnp
import numpy as np

N = 10000
E = 320000
D = 128
H = 128
OUT = 128
G = 64


def _init_linear(key, fan_in, fan_out):
    kw, kb = jax.random.split(key)
    bound = 1.0 / np.sqrt(fan_in)
    W = jax.random.uniform(kw, (fan_in, fan_out), minval=-bound, maxval=bound, dtype=jnp.float32)
    b = jax.random.uniform(kb, (fan_out,), minval=-bound, maxval=bound, dtype=jnp.float32)
    return W, b


def setup_inputs(seed: int = 0) -> dict:
    key = jax.random.key(seed)
    ks = jax.random.split(key, 10)
    x = jax.random.normal(ks[0], (N, D), dtype=jnp.float32)
    edge_index = jax.random.randint(ks[1], (2, E), 0, N, dtype=jnp.int32)
    batch = jnp.sort(jax.random.randint(ks[2], (N,), 0, G, dtype=jnp.int32))
    enc_W1, enc_b1 = _init_linear(ks[3], D, H)
    enc_W2, enc_b2 = _init_linear(ks[4], H, H)
    gW0, gb0 = _init_linear(ks[5], H, H)
    gW1, gb1 = _init_linear(ks[6], H, H)
    dec_W1, dec_b1 = _init_linear(ks[7], H, H)
    dec_W2, dec_b2 = _init_linear(ks[8], H, OUT)
    return {"x": x, "edge_index": edge_index, "batch": batch,
            "enc_W1": enc_W1, "enc_b1": enc_b1, "enc_W2": enc_W2, "enc_b2": enc_b2,
            "gW0": gW0, "gb0": gb0, "gW1": gW1, "gb1": gb1,
            "dec_W1": dec_W1, "dec_b1": dec_b1, "dec_W2": dec_W2, "dec_b2": dec_b2}


def _mlp_block(x, W1, b1, W2, b2):
    # Linear -> ReLU -> (dropout=0, eval) -> Linear
    h = jax.nn.relu(x @ W1 + b1)
    return h @ W2 + b2


def _gcn_conv(x, edge_index, W, b):
    # GCNConv (Kipf & Welling): x' = D^{-1/2} (A + I) D^{-1/2} X W + b
    xw = x @ W
    src = edge_index[0]
    dst = edge_index[1]
    loop = jnp.arange(N, dtype=src.dtype)
    src = jnp.concatenate([src, loop])
    dst = jnp.concatenate([dst, loop])
    deg = jax.ops.segment_sum(jnp.ones(src.shape, dtype=xw.dtype), dst, num_segments=N)
    dinv = jnp.where(deg > 0, deg ** -0.5, 0.0)
    norm = dinv[src] * dinv[dst]
    msgs = xw[src] * norm[:, None]
    out = jax.ops.segment_sum(msgs, dst, num_segments=N)
    return out + b


def reference(x, edge_index, batch, enc_W1, enc_b1, enc_W2, enc_b2, gW0, gb0, gW1, gb1, dec_W1, dec_b1, dec_W2, dec_b2):
    # encoder MLP
    h = _mlp_block(x, enc_W1, enc_b1, enc_W2, enc_b2)
    # GCN block: conv_depth=2, non-linear (ReLU), dropout=0 (eval), control_type='null'
    h = jax.nn.relu(_gcn_conv(h, edge_index, gW0, gb0))
    h = jax.nn.relu(_gcn_conv(h, edge_index, gW1, gb1))
    # global_add_pool over batch assignment (graph-level readout)
    pooled = jax.ops.segment_sum(h, batch, num_segments=G)
    # decoder MLP
    out = _mlp_block(pooled, dec_W1, dec_b1, dec_W2, dec_b2)
    return out

if __name__ == "__main__":
    import jax
    _d = setup_inputs()
    print(jax.jit(kernel)(*tuple(_d.values())))

</pallas_src>

<mosaic_0001>
#map = affine_map<(d0, d1) -> (0, 0)>
#map1 = affine_map<(d0, d1) -> (0, 0, 0)>
module attributes {stable_mosaic.version = 14 : i64} {
  func.func @_conv_body(%arg0: i32, %arg1: i32, %arg2: memref<10000x128xf32, #tpu.memory_space<hbm>>, %arg3: memref<8000x40xi32, #tpu.memory_space<hbm>>, %arg4: memref<8000x40xi32, #tpu.memory_space<hbm>>, %arg5: memref<2x10000x128xf32, #tpu.memory_space<hbm>>, %arg6: memref<10000x128xf32, #tpu.memory_space<vmem_shared>>, %arg7: memref<250x40xi32, #tpu.memory_space<vmem>>, %arg8: memref<2x7x40xi32, #tpu.memory_space<vmem>>, %arg9: memref<7x40x128xf32, #tpu.memory_space<vmem>>, %arg10: memref<!tpu.dma_semaphore, #tpu.memory_space<semaphore_mem>>, %arg11: memref<!tpu.dma_semaphore, #tpu.memory_space<semaphore_mem>>, %arg12: memref<!tpu.dma_semaphore, #tpu.memory_space<semaphore_mem>>, %arg13: memref<!tpu.dma_semaphore, #tpu.memory_space<semaphore_mem>>, %arg14: memref<!tpu.dma_semaphore, #tpu.memory_space<semaphore_mem>>, %arg15: memref<!tpu.dma_semaphore, #tpu.memory_space<semaphore_mem>>, %arg16: memref<!tpu.dma_semaphore, #tpu.memory_space<semaphore_mem>>, %arg17: memref<!tpu.dma_semaphore, #tpu.memory_space<semaphore_mem>>, %arg18: memref<!tpu.dma_semaphore, #tpu.memory_space<semaphore_mem>>, %arg19: memref<!tpu.dma_semaphore, #tpu.memory_space<semaphore_mem>>, %arg20: memref<!tpu.dma_semaphore, #tpu.memory_space<semaphore_mem>>, %arg21: memref<!tpu.dma_semaphore, #tpu.memory_space<semaphore_mem>>, %arg22: memref<!tpu.dma_semaphore, #tpu.memory_space<semaphore_mem>>, %arg23: memref<!tpu.dma_semaphore, #tpu.memory_space<semaphore_mem>>, %arg24: memref<!tpu.dma_semaphore, #tpu.memory_space<semaphore_mem>>, %arg25: memref<!tpu.dma_semaphore, #tpu.memory_space<semaphore_mem>>) attributes {dimension_semantics = [#tpu.dimension_semantics<core_parallel>, #tpu.dimension_semantics<subcore_parallel>], iteration_bounds = array<i64: 2, 16>, scalar_prefetch = 0 : i64, scratch_operands = 20 : i64, tpu.core_type = #tpu.core_type<sc_vector_subcore>, window_params = [{transform_indices = #map}, {transform_indices = #map}, {transform_indices = #map}, {transform_indices = #map1}]} {
    %mul3A = arith.constant 625 : i32
    %mul3A_0 = arith.muli %arg1, %mul3A : i32
    %dma_start3A = arith.constant 0 : i32
    %dma_start3A_1 = tpu.memref_slice %arg6[%mul3A_0, %dma_start3A] : memref<10000x128xf32, #tpu.memory_space<vmem_shared>> -> memref<625x128xf32, #tpu.memory_space<vmem_shared>>
    %dma_start3A_2 = arith.constant 0 : i32
    %dma_start3A_3 = tpu.memref_slice %arg2[%mul3A_0, %dma_start3A_2] : memref<10000x128xf32, #tpu.memory_space<hbm>> -> memref<625x128xf32, #tpu.memory_space<hbm>>
    tpu.enqueue_dma source(%dma_start3A_3 : memref<625x128xf32, #tpu.memory_space<hbm>>) target(%dma_start3A_1 : memref<625x128xf32, #tpu.memory_space<vmem_shared>>) target_semaphore(%arg10 : memref<!tpu.dma_semaphore, #tpu.memory_space<semaphore_mem>>)
    %mul3A_4 = arith.constant 16 : i32
    %mul3A_5 = arith.muli %arg0, %mul3A_4 : i32
    %add3A = arith.addi %mul3A_5, %arg1 : i32
    %mul3A_6 = arith.constant 250 : i32
    %mul3A_7 = arith.muli %add3A, %mul3A_6 : i32
    "tpu.region"() ({
      %run_scoped3A = tpu.sem_alloc : memref<!tpu.dma_semaphore, #tpu.memory_space<semaphore_mem>>
      %dma_start3A_344 = arith.constant 0 : i32
      %dma_start3A_345 = tpu.memref_slice %arg3[%mul3A_7, %dma_start3A_344] : memref<8000x40xi32, #tpu.memory_space<hbm>> -> memref<250x40xi32, #tpu.memory_space<hbm>>
      %dma_start3A_346 = arith.constant 0 : i32
      %dma_start3A_347 = tpu.memref_slice %arg3[%mul3A_7, %dma_start3A_346] : memref<8000x40xi32, #tpu.memory_space<hbm>> -> memref<250x40xi32, #tpu.memory_space<hbm>>
      tpu.enqueue_dma source(%dma_start3A_347 : memref<250x40xi32, #tpu.memory_space<hbm>>) target(%arg7 : memref<250x40xi32, #tpu.memory_space<vmem>>) target_semaphore(%run_scoped3A : memref<!tpu.dma_semaphore, #tpu.memory_space<semaphore_mem>>)
      %dma_wait3A_348 = arith.constant 0 : i32
      %dma_wait3A_349 = tpu.memref_slice %arg3[%mul3A_7, %dma_wait3A_348] : memref<8000x40xi32, #tpu.memory_space<hbm>> -> memref<250x40xi32, #tpu.memory_space<hbm>>
      %dma_wait3A_350 = arith.constant 0 : i32
      %dma_wait3A_351 = tpu.memref_slice %arg3[%mul3A_7, %dma_wait3A_350] : memref<8000x40xi32, #tpu.memory_space<hbm>> -> memref<250x40xi32, #tpu.memory_space<hbm>>
      tpu.wait_dma2 semaphore(%run_scoped3A : memref<!tpu.dma_semaphore, #tpu.memory_space<semaphore_mem>>) src(%dma_wait3A_351 : memref<250x40xi32, #tpu.memory_space<hbm>>) dst(%arg7 : memref<250x40xi32, #tpu.memory_space<vmem>>)
      tpu.yield
    }) : () -> ()
    %dma_start3A_8 = arith.constant 0 : i32
    %dma_start3A_9 = arith.constant 0 : i32
    %dma_start3A_10 = arith.constant 0 : i32
    %dma_start3A_11 = tpu.memref_slice %arg8[%dma_start3A_8, %dma_start3A_9, %dma_start3A_10] : memref<2x7x40xi32, #tpu.memory_space<vmem>> -> memref<1x7x40xi32, #tpu.memory_space<vmem>>
    %dma_start3A_12 = tpu.memref_squeeze %dma_start3A_11 : memref<1x7x40xi32, #tpu.memory_space<vmem>> -> memref<7x40xi32, #tpu.memory_space<vmem>>
    %dma_start3A_13 = arith.constant 0 : i32
    %dma_start3A_14 = tpu.memref_slice %arg4[%mul3A_7, %dma_start3A_13] : memref<8000x40xi32, #tpu.memory_space<hbm>> -> memref<7x40xi32, #tpu.memory_space<hbm>>
    %dma_start3A_15 = arith.constant 0 : i32
    %dma_start3A_16 = arith.constant 0 : i32
    %dma_start3A_17 = tpu.memref_slice %arg8[%dma_start3A_8, %dma_start3A_15, %dma_start3A_16] : memref<2x7x40xi32, #tpu.memory_space<vmem>> -> memref<1x7x40xi32, #tpu.memory_space<vmem>>
    %dma_start3A_18 = tpu.memref_squeeze %dma_start3A_17 : memref<1x7x40xi32, #tpu.memory_space<vmem>> -> memref<7x40xi32, #tpu.memory_space<vmem>>
    %dma_start3A_19 = arith.constant 0 : i32
    %dma_start3A_20 = tpu.memref_slice %arg4[%mul3A_7, %dma_start3A_19] : memref<8000x40xi32, #tpu.memory_space<hbm>> -> memref<7x40xi32, #tpu.memory_space<hbm>>
    tpu.enqueue_dma source(%dma_start3A_20 : memref<7x40xi32, #tpu.memory_space<hbm>>) target(%dma_start3A_18 : memref<7x40xi32, #tpu.memory_space<vmem>>) target_semaphore(%arg11 : memref<!tpu.dma_semaphore, #tpu.memory_space<semaphore_mem>>)
    %dma_start3A_21 = arith.constant 0 : i32
    %dma_start3A_22 = arith.constant 0 : i32
    %dma_start3A_23 = arith.constant 0 : i32
    %dma_start3A_24 = arith.constant 0 : i32
    %dma_start3A_25 = tpu.memref_slice %arg9[%dma_start3A_22, %dma_start3A_23, %dma_start3A_24] : memref<7x40x128xf32, #tpu.memory_space<vmem>> -> memref<1x40x128xf32, #tpu.memory_space<vmem>>
    %dma_start3A_26 = tpu.memref_squeeze %dma_start3A_25 : memref<1x40x128xf32, #tpu.memory_space<vmem>> -> memref<40x128xf32, #tpu.memory_space<vmem>>
    %dma_start3A_27 = arith.constant 0 : i32
    %dma_start3A_28 = tpu.memref_slice %arg7[%dma_start3A_21, %dma_start3A_27] : memref<250x40xi32, #tpu.memory_space<vmem>> -> memref<1x40xi32, #tpu.memory_space<vmem>>
    %dma_start3A_29 = tpu.memref_squeeze %dma_start3A_28 : memref<1x40xi32, #tpu.memory_space<vmem>> -> memref<40xi32, #tpu.memory_space<vmem>>
    %dma_start3A_30 = arith.constant 0 : i32
    %dma_start3A_31 = arith.constant 0 : i32
    %dma_start3A_32 = tpu.memref_slice %arg2[%dma_start3A_30, %dma_start3A_31] : memref<10000x128xf32, #tpu.memory_space<hbm>> -> memref<10000x128xf32, #tpu.memory_space<hbm>>
    tpu.enqueue_indirect_dma source(%dma_start3A_32 : memref<10000x128xf32, #tpu.memory_space<hbm>>) target(%dma_start3A_26 : memref<40x128xf32, #tpu.memory_space<vmem>>) offsets(%dma_start3A_29 : memref<40xi32, #tpu.memory_space<vmem>>) semaphore(%arg12 : memref<!tpu.dma_semaphore, #tpu.memory_space<semaphore_mem>>)
    %dma_start3A_33 = arith.constant 1 : i32
    %dma_start3A_34 = arith.constant 1 : i32
    %dma_start3A_35 = arith.constant 0 : i32
    %dma_start3A_36 = arith.constant 0 : i32
    %dma_start3A_37 = tpu.memref_slice %arg9[%dma_start3A_34, %dma_start3A_35, %dma_start3A_36] : memref<7x40x128xf32, #tpu.memory_space<vmem>> -> memref<1x40x128xf32, #tpu.memory_space<vmem>>
    %dma_start3A_38 = tpu.memref_squeeze %dma_start3A_37 : memref<1x40x128xf32, #tpu.memory_space<vmem>> -> memref<40x128xf32, #tpu.memory_space<vmem>>
    %dma_start3A_39 = arith.constant 0 : i32
    %dma_start3A_40 = tpu.memref_slice %arg7[%dma_start3A_33, %dma_start3A_39] : memref<250x40xi32, #tpu.memory_space<vmem>> -> memref<1x40xi32, #tpu.memory_space<vmem>>
    %dma_start3A_41 = tpu.memref_squeeze %dma_start3A_40 : memref<1x40xi32, #tpu.memory_space<vmem>> -> memref<40xi32, #tpu.memory_space<vmem>>
    %dma_start3A_42 = arith.constant 0 : i32
    %dma_start3A_43 = arith.constant 0 : i32
    %dma_start3A_44 = tpu.memref_slice %arg2[%dma_start3A_42, %dma_start3A_43] : memref<10000x128xf32, #tpu.memory_space<hbm>> -> memref<10000x128xf32, #tpu.memory_space<hbm>>
    tpu.enqueue_indirect_dma source(%dma_start3A_44 : memref<10000x128xf32, #tpu.memory_space<hbm>>) target(%dma_start3A_38 : memref<40x128xf32, #tpu.memory_space<vmem>>) offsets(%dma_start3A_41 : memref<40xi32, #tpu.memory_space<vmem>>) semaphore(%arg13 : memref<!tpu.dma_semaphore, #tpu.memory_space<semaphore_mem>>)
    %dma_start3A_45 = arith.constant 2 : i32
    %dma_start3A_46 = arith.constant 2 : i32
    %dma_start3A_47 = arith.constant 0 : i32
    %dma_start3A_48 = arith.constant 0 : i32
    %dma_start3A_49 = tpu.memref_slice %arg9[%dma_start3A_46, %dma_start3A_47, %dma_start3A_48] : memref<7x40x128xf32, #tpu.memory_space<vmem>> -> memref<1x40x128xf32, #tpu.memory_space<vmem>>
    %dma_start3A_50 = tpu.memref_squeeze %dma_start3A_49 : memref<1x40x128xf32, #tpu.memory_space<vmem>> -> memref<40x128xf32, #tpu.memory_space<vmem>>
    %dma_start3A_51 = arith.constant 0 : i32
    %dma_start3A_52 = tpu.memref_slice %arg7[%dma_start3A_45, %dma_start3A_51] : memref<250x40xi32, #tpu.memory_space<vmem>> -> memref<1x40xi32, #tpu.memory_space<vmem>>
    %dma_start3A_53 = tpu.memref_squeeze %dma_start3A_52 : memref<1x40xi32, #tpu.memory_space<vmem>> -> memref<40xi32, #tpu.memory_space<vmem>>
    %dma_start3A_54 = arith.constant 0 : i32
    %dma_start3A_55 = arith.constant 0 : i32
    %dma_start3A_56 = tpu.memref_slice %arg2[%dma_start3A_54, %dma_start3A_55] : memref<10000x128xf32, #tpu.memory_space<hbm>> -> memref<10000x128xf32, #tpu.memory_space<hbm>>
    tpu.enqueue_indirect_dma source(%dma_start3A_56 : memref<10000x128xf32, #tpu.memory_space<hbm>>) target(%dma_start3A_50 : memref<40x128xf32, #tpu.memory_space<vmem>>) offsets(%dma_start3A_53 : memref<40xi32, #tpu.memory_space<vmem>>) semaphore(%arg14 : memref<!tpu.dma_semaphore, #tpu.memory_space<semaphore_mem>>)
    %dma_start3A_57 = arith.constant 3 : i32
    %dma_start3A_58 = arith.constant 3 : i32
    %dma_start3A_59 = arith.constant 0 : i32
    %dma_start3A_60 = arith.constant 0 : i32
    %dma_start3A_61 = tpu.memref_slice %arg9[%dma_start3A_58, %dma_start3A_59, %dma_start3A_60] : memref<7x40x128xf32, #tpu.memory_space<vmem>> -> memref<1x40x128xf32, #tpu.memory_space<vmem>>
    %dma_start3A_62 = tpu.memref_squeeze %dma_start3A_61 : memref<1x40x128xf32, #tpu.memory_space<vmem>> -> memref<40x128xf32, #tpu.memory_space<vmem>>
    %dma_start3A_63 = arith.constant 0 : i32
    %dma_start3A_64 = tpu.memref_slice %arg7[%dma_start3A_57, %dma_start3A_63] : memref<250x40xi32, #tpu.memory_space<vmem>> -> memref<1x40xi32, #tpu.memory_space<vmem>>
    %dma_start3A_65 = tpu.memref_squeeze %dma_start3A_64 : memref<1x40xi32, #tpu.memory_space<vmem>> -> memref<40xi32, #tpu.memory_space<vmem>>
    %dma_start3A_66 = arith.constant 0 : i32
    %dma_start3A_67 = arith.constant 0 : i32
    %dma_start3A_68 = tpu.memref_slice %arg2[%dma_start3A_66, %dma_start3A_67] : memref<10000x128xf32, #tpu.memory_space<hbm>> -> memref<10000x128xf32, #tpu.memory_space<hbm>>
    tpu.enqueue_indirect_dma source(%dma_start3A_68 : memref<10000x128xf32, #tpu.memory_space<hbm>>) target(%dma_start3A_62 : memref<40x128xf32, #tpu.memory_space<vmem>>) offsets(%dma_start3A_65 : memref<40xi32, #tpu.memory_space<vmem>>) semaphore(%arg15 : memref<!tpu.dma_semaphore, #tpu.memory_space<semaphore_mem>>)
    %dma_start3A_69 = arith.constant 4 : i32
    %dma_start3A_70 = arith.constant 4 : i32
    %dma_start3A_71 = arith.constant 0 : i32
    %dma_start3A_72 = arith.constant 0 : i32
    %dma_start3A_73 = tpu.memref_slice %arg9[%dma_start3A_70, %dma_start3A_71, %dma_start3A_72] : memref<7x40x128xf32, #tpu.memory_space<vmem>> -> memref<1x40x128xf32, #tpu.memory_space<vmem>>
    %dma_start3A_74 = tpu.memref_squeeze %dma_start3A_73 : memref<1x40x128xf32, #tpu.memory_space<vmem>> -> memref<40x128xf32, #tpu.memory_space<vmem>>
    %dma_start3A_75 = arith.constant 0 : i32
    %dma_start3A_76 = tpu.memref_slice %arg7[%dma_start3A_69, %dma_start3A_75] : memref<250x40xi32, #tpu.memory_space<vmem>> -> memref<1x40xi32, #tpu.memory_space<vmem>>
    %dma_start3A_77 = tpu.memref_squeeze %dma_start3A_76 : memref<1x40xi32, #tpu.memory_space<vmem>> -> memref<40xi32, #tpu.memory_space<vmem>>
    %dma_start3A_78 = arith.constant 0 : i32
    %dma_start3A_79 = arith.constant 0 : i32
    %dma_start3A_80 = tpu.memref_slice %arg2[%dma_start3A_78, %dma_start3A_79] : memref<10000x128xf32, #tpu.memory_space<hbm>> -> memref<10000x128xf32, #tpu.memory_space<hbm>>
    tpu.enqueue_indirect_dma source(%dma_start3A_80 : memref<10000x128xf32, #tpu.memory_space<hbm>>) target(%dma_start3A_74 : memref<40x128xf32, #tpu.memory_space<vmem>>) offsets(%dma_start3A_77 : memref<40xi32, #tpu.memory_space<vmem>>) semaphore(%arg16 : memref<!tpu.dma_semaphore, #tpu.memory_space<semaphore_mem>>)
    %dma_start3A_81 = arith.constant 5 : i32
    %dma_start3A_82 = arith.constant 5 : i32
    %dma_start3A_83 = arith.constant 0 : i32
    %dma_start3A_84 = arith.constant 0 : i32
    %dma_start3A_85 = tpu.memref_slice %arg9[%dma_start3A_82, %dma_start3A_83, %dma_start3A_84] : memref<7x40x128xf32, #tpu.memory_space<vmem>> -> memref<1x40x128xf32, #tpu.memory_space<vmem>>
    %dma_start3A_86 = tpu.memref_squeeze %dma_start3A_85 : memref<1x40x128xf32, #tpu.memory_space<vmem>> -> memref<40x128xf32, #tpu.memory_space<vmem>>
    %dma_start3A_87 = arith.constant 0 : i32
    %dma_start3A_88 = tpu.memref_slice %arg7[%dma_start3A_81, %dma_start3A_87] : memref<250x40xi32, #tpu.memory_space<vmem>> -> memref<1x40xi32, #tpu.memory_space<vmem>>
    %dma_start3A_89 = tpu.memref_squeeze %dma_start3A_88 : memref<1x40xi32, #tpu.memory_space<vmem>> -> memref<40xi32, #tpu.memory_space<vmem>>
    %dma_start3A_90 = arith.constant 0 : i32
    %dma_start3A_91 = arith.constant 0 : i32
    %dma_start3A_92 = tpu.memref_slice %arg2[%dma_start3A_90, %dma_start3A_91] : memref<10000x128xf32, #tpu.memory_space<hbm>> -> memref<10000x128xf32, #tpu.memory_space<hbm>>
    tpu.enqueue_indirect_dma source(%dma_start3A_92 : memref<10000x128xf32, #tpu.memory_space<hbm>>) target(%dma_start3A_86 : memref<40x128xf32, #tpu.memory_space<vmem>>) offsets(%dma_start3A_89 : memref<40xi32, #tpu.memory_space<vmem>>) semaphore(%arg17 : memref<!tpu.dma_semaphore, #tpu.memory_space<semaphore_mem>>)
    %dma_start3A_93 = arith.constant 6 : i32
    %dma_start3A_94 = arith.constant 6 : i32
    %dma_start3A_95 = arith.constant 0 : i32
    %dma_start3A_96 = arith.constant 0 : i32
    %dma_start3A_97 = tpu.memref_slice %arg9[%dma_start3A_94, %dma_start3A_95, %dma_start3A_96] : memref<7x40x128xf32, #tpu.memory_space<vmem>> -> memref<1x40x128xf32, #tpu.memory_space<vmem>>
    %dma_start3A_98 = tpu.memref_squeeze %dma_start3A_97 : memref<1x40x128xf32, #tpu.memory_space<vmem>> -> memref<40x128xf32, #tpu.memory_space<vmem>>
    %dma_start3A_99 = arith.constant 0 : i32
    %dma_start3A_100 = tpu.memref_slice %arg7[%dma_start3A_93, %dma_start3A_99] : memref<250x40xi32, #tpu.memory_space<vmem>> -> memref<1x40xi32, #tpu.memory_space<vmem>>
    %dma_start3A_101 = tpu.memref_squeeze %dma_start3A_100 : memref<1x40xi32, #tpu.memory_space<vmem>> -> memref<40xi32, #tpu.memory_space<vmem>>
    %dma_start3A_102 = arith.constant 0 : i32
    %dma_start3A_103 = arith.constant 0 : i32
    %dma_start3A_104 = tpu.memref_slice %arg2[%dma_start3A_102, %dma_start3A_103] : memref<10000x128xf32, #tpu.memory_space<hbm>> -> memref<10000x128xf32, #tpu.memory_space<hbm>>
    tpu.enqueue_indirect_dma source(%dma_start3A_104 : memref<10000x128xf32, #tpu.memory_space<hbm>>) target(%dma_start3A_98 : memref<40x128xf32, #tpu.memory_space<vmem>>) offsets(%dma_start3A_101 : memref<40xi32, #tpu.memory_space<vmem>>) semaphore(%arg18 : memref<!tpu.dma_semaphore, #tpu.memory_space<semaphore_mem>>)
    %dma_wait3A = arith.constant 0 : i32
    %dma_wait3A_105 = tpu.memref_slice %arg6[%mul3A_0, %dma_wait3A] : memref<10000x128xf32, #tpu.memory_space<vmem_shared>> -> memref<625x128xf32, #tpu.memory_space<vmem_shared>>
    %dma_wait3A_106 = arith.constant 0 : i32
    %dma_wait3A_107 = tpu.memref_slice %arg2[%mul3A_0, %dma_wait3A_106] : memref<10000x128xf32, #tpu.memory_space<hbm>> -> memref<625x128xf32, #tpu.memory_space<hbm>>
    tpu.wait_dma2 semaphore(%arg10 : memref<!tpu.dma_semaphore, #tpu.memory_space<semaphore_mem>>) src(%dma_wait3A_107 : memref<625x128xf32, #tpu.memory_space<hbm>>) dst(%dma_wait3A_105 : memref<625x128xf32, #tpu.memory_space<vmem_shared>>)
    %barrier3A = arith.constant 0 : index
    tpu.barrier barrier_id(%barrier3A)
    %scan3A = arith.constant 0 : i32
    %scan3A_108 = arith.constant 0 : i32
    %scan3A_109 = arith.constant 35 : i32
    %scan3A_110 = arith.addi %scan3A_108, %scan3A_109 : i32
    %scan3A_111 = arith.constant 1 : i32
    scf.for %scan3A_344 = %scan3A_108 to %scan3A_110 step %scan3A_111  : i32 {
      %mul3A_345 = arith.constant 7 : i32
      %mul3A_346 = arith.muli %scan3A_344, %mul3A_345 : i32
      %rem3A = arith.constant 2 : i32
      %rem3A_347 = arith.remsi %scan3A_344, %rem3A : i32
      %dma_wait3A_348 = arith.constant 0 : i32
      %dma_wait3A_349 = arith.constant 0 : i32
      %dma_wait3A_350 = arith.constant 0 : i32
      %dma_wait3A_351 = tpu.memref_slice %arg8[%dma_wait3A_348, %dma_wait3A_349, %dma_wait3A_350] : memref<2x7x40xi32, #tpu.memory_space<vmem>> -> memref<1x7x40xi32, #tpu.memory_space<vmem>>
      %dma_wait3A_352 = tpu.memref_squeeze %dma_wait3A_351 : memref<1x7x40xi32, #tpu.memory_space<vmem>> -> memref<7x40xi32, #tpu.memory_space<vmem>>
      %dma_wait3A_353 = arith.constant 0 : i32
      %dma_wait3A_354 = arith.constant 0 : i32
      %dma_wait3A_355 = tpu.memref_slice %arg4[%dma_wait3A_353, %dma_wait3A_354] : memref<8000x40xi32, #tpu.memory_space<hbm>> -> memref<7x40xi32, #tpu.memory_space<hbm>>
      %dma_wait3A_356 = arith.constant 0 : i32
      %dma_wait3A_357 = arith.constant 0 : i32
      %dma_wait3A_358 = tpu.memref_slice %arg8[%dma_wait3A_348, %dma_wait3A_356, %dma_wait3A_357] : memref<2x7x40xi32, #tpu.memory_space<vmem>> -> memref<1x7x40xi32, #tpu.memory_space<vmem>>
      %dma_wait3A_359 = tpu.memref_squeeze %dma_wait3A_358 : memref<1x7x40xi32, #tpu.memory_space<vmem>> -> memref<7x40xi32, #tpu.memory_space<vmem>>
      %dma_wait3A_360 = arith.constant 0 : i32
      %dma_wait3A_361 = arith.constant 0 : i32
      %dma_wait3A_362 = tpu.memref_slice %arg4[%dma_wait3A_360, %dma_wait3A_361] : memref<8000x40xi32, #tpu.memory_space<hbm>> -> memref<7x40xi32, #tpu.memory_space<hbm>>
      tpu.wait_dma2 semaphore(%arg11 : memref<!tpu.dma_semaphore, #tpu.memory_space<semaphore_mem>>) src(%dma_wait3A_362 : memref<7x40xi32, #tpu.memory_space<hbm>>) dst(%dma_wait3A_359 : memref<7x40xi32, #tpu.memory_space<vmem>>)
      %add3A_363 = arith.constant 2 : i32
      %add3A_364 = arith.addi %scan3A_344, %add3A_363 : i32
      %le3A = arith.constant 35 : i32
      %le3A_365 = arith.cmpi sle, %add3A_364, %le3A : i32
      %convert_element_type3A = arith.extui %le3A_365 : i1 to i32
      %cond3A = arith.constant 0 : i32
      %cond3A_366 = arith.cmpi ne, %convert_element_type3A, %cond3A : i32
      scf.if %cond3A_366 {
        %add3A_729 = arith.constant 1 : i32
        %add3A_730 = arith.addi %scan3A_344, %add3A_729 : i32
        %mul3A_731 = arith.constant 7 : i32
        %mul3A_732 = arith.muli %add3A_730, %mul3A_731 : i32
        %add3A_733 = arith.addi %mul3A_7, %mul3A_732 : i32
        %sub3A = arith.constant 1 : i32
        %sub3A_734 = arith.subi %sub3A, %rem3A_347 : i32
        %dma_start3A_735 = arith.constant 0 : i32
        %dma_start3A_736 = arith.constant 0 : i32
        %dma_start3A_737 = tpu.memref_slice %arg8[%sub3A_734, %dma_start3A_735, %dma_start3A_736] : memref<2x7x40xi32, #tpu.memory_space<vmem>> -> memref<1x7x40xi32, #tpu.memory_space<vmem>>
        %dma_start3A_738 = tpu.memref_squeeze %dma_start3A_737 : memref<1x7x40xi32, #tpu.memory_space<vmem>> -> memref<7x40xi32, #tpu.memory_space<vmem>>
        %dma_start3A_739 = arith.constant 0 : i32
        %dma_start3A_740 = tpu.memref_slice %arg4[%add3A_733, %dma_start3A_739] : memref<8000x40xi32, #tpu.memory_space<hbm>> -> memref<7x40xi32, #tpu.memory_space<hbm>>
        %dma_start3A_741 = arith.constant 0 : i32
        %dma_start3A_742 = arith.constant 0 : i32
        %dma_start3A_743 = tpu.memref_slice %arg8[%sub3A_734, %dma_start3A_741, %dma_start3A_742] : memref<2x7x40xi32, #tpu.memory_space<vmem>> -> memref<1x7x40xi32, #tpu.memory_space<vmem>>
        %dma_start3A_744 = tpu.memref_squeeze %dma_start3A_743 : memref<1x7x40xi32, #tpu.memory_space<vmem>> -> memref<7x40xi32, #tpu.memory_space<vmem>>
        %dma_start3A_745 = arith.constant 0 : i32
        %dma_start3A_746 = tpu.memref_slice %arg4[%add3A_733, %dma_start3A_745] : memref<8000x40xi32, #tpu.memory_space<hbm>> -> memref<7x40xi32, #tpu.memory_space<hbm>>
        tpu.enqueue_dma source(%dma_start3A_746 : memref<7x40xi32, #tpu.memory_space<hbm>>) target(%dma_start3A_744 : memref<7x40xi32, #tpu.memory_space<vmem>>) target_semaphore(%arg11 : memref<!tpu.dma_semaphore, #tpu.memory_space<semaphore_mem>>)
      } else {
      }
      %add3A_367 = arith.constant 1 : i32
      %add3A_368 = arith.addi %scan3A_344, %add3A_367 : i32
      %eq3A = arith.constant 35 : i32
      %eq3A_369 = arith.cmpi eq, %add3A_368, %eq3A : i32
      %convert_element_type3A_370 = arith.extui %eq3A_369 : i1 to i32
      %cond3A_371 = arith.constant 0 : i32
      %cond3A_372 = arith.cmpi ne, %convert_element_type3A_370, %cond3A_371 : i32
      scf.if %cond3A_372 {
        %add3A_729 = arith.constant 245 : i32
        %add3A_730 = arith.addi %mul3A_7, %add3A_729 : i32
        %sub3A = arith.constant 1 : i32
        %sub3A_731 = arith.subi %sub3A, %rem3A_347 : i32
        %dma_start3A_732 = arith.constant 0 : i32
        %dma_start3A_733 = arith.constant 0 : i32
        %dma_start3A_734 = tpu.memref_slice %arg8[%sub3A_731, %dma_start3A_732, %dma_start3A_733] : memref<2x7x40xi32, #tpu.memory_space<vmem>> -> memref<1x5x40xi32, #tpu.memory_space<vmem>>
        %dma_start3A_735 = tpu.memref_squeeze %dma_start3A_734 : memref<1x5x40xi32, #tpu.memory_space<vmem>> -> memref<5x40xi32, #tpu.memory_space<vmem>>
        %dma_start3A_736 = arith.constant 0 : i32
        %dma_start3A_737 = tpu.memref_slice %arg4[%add3A_730, %dma_start3A_736] : memref<8000x40xi32, #tpu.memory_space<hbm>> -> memref<5x40xi32, #tpu.memory_space<hbm>>
        %dma_start3A_738 = arith.constant 0 : i32
        %dma_start3A_739 = arith.constant 0 : i32
        %dma_start3A_740 = tpu.memref_slice %arg8[%sub3A_731, %dma_start3A_738, %dma_start3A_739] : memref<2x7x40xi32, #tpu.memory_space<vmem>> -> memref<1x5x40xi32, #tpu.memory_space<vmem>>
        %dma_start3A_741 = tpu.memref_squeeze %dma_start3A_740 : memref<1x5x40xi32, #tpu.memory_space<vmem>> -> memref<5x40xi32, #tpu.memory_space<vmem>>
        %dma_start3A_742 = arith.constant 0 : i32
        %dma_start3A_743 = tpu.memref_slice %arg4[%add3A_730, %dma_start3A_742] : memref<8000x40xi32, #tpu.memory_space<hbm>> -> memref<5x40xi32, #tpu.memory_space<hbm>>
        tpu.enqueue_dma source(%dma_start3A_743 : memref<5x40xi32, #tpu.memory_space<hbm>>) target(%dma_start3A_741 : memref<5x40xi32, #tpu.memory_space<vmem>>) target_semaphore(%arg11 : memref<!tpu.dma_semaphore, #tpu.memory_space<semaphore_mem>>)
      } else {
      }
      %dma_wait3A_373 = arith.constant 0 : i32
      %dma_wait3A_374 = arith.constant 0 : i32
      %dma_wait3A_375 = arith.constant 0 : i32
      %dma_wait3A_376 = tpu.memref_slice %arg9[%dma_wait3A_373, %dma_wait3A_374, %dma_wait3A_375] : memref<7x40x128xf32, #tpu.memory_space<vmem>> -> memref<1x40x128xf32, #tpu.memory_space<vmem>>
      %dma_wait3A_377 = tpu.memref_squeeze %dma_wait3A_376 : memref<1x40x128xf32, #tpu.memory_space<vmem>> -> memref<40x128xf32, #tpu.memory_space<vmem>>
      %dma_wait3A_378 = arith.constant 0 : i32
      %dma_wait3A_379 = arith.constant 0 : i32
      %dma_wait3A_380 = tpu.memref_slice %arg2[%dma_wait3A_378, %dma_wait3A_379] : memref<10000x128xf32, #tpu.memory_space<hbm>> -> memref<40x128xf32, #tpu.memory_space<hbm>>
      %dma_wait3A_381 = arith.constant 0 : i32
      %dma_wait3A_382 = arith.constant 0 : i32
      %dma_wait3A_383 = tpu.memref_slice %arg9[%dma_wait3A_373, %dma_wait3A_381, %dma_wait3A_382] : memref<7x40x128xf32, #tpu.memory_space<vmem>> -> memref<1x40x128xf32, #tpu.memory_space<vmem>>
      %dma_wait3A_384 = tpu.memref_squeeze %dma_wait3A_383 : memref<1x40x128xf32, #tpu.memory_space<vmem>> -> memref<40x128xf32, #tpu.memory_space<vmem>>
      %dma_wait3A_385 = arith.constant 0 : i32
      %dma_wait3A_386 = arith.constant 0 : i32
      %dma_wait3A_387 = tpu.memref_slice %arg2[%dma_wait3A_385, %dma_wait3A_386] : memref<10000x128xf32, #tpu.memory_space<hbm>> -> memref<40x128xf32, #tpu.memory_space<hbm>>
      tpu.wait_dma2 semaphore(%arg12 : memref<!tpu.dma_semaphore, #tpu.memory_space<semaphore_mem>>) src(%dma_wait3A_387 : memref<40x128xf32, #tpu.memory_space<hbm>>) dst(%dma_wait3A_384 : memref<40x128xf32, #tpu.memory_space<vmem>>)
      %dma_start3A_388 = arith.constant 0 : i32
      %dma_start3A_389 = arith.constant 0 : i32
      %dma_start3A_390 = arith.constant 0 : i32
      %dma_start3A_391 = arith.constant 0 : i32
      %dma_start3A_392 = tpu.memref_slice %arg9[%dma_start3A_388, %dma_start3A_390, %dma_start3A_391] : memref<7x40x128xf32, #tpu.memory_space<vmem>> -> memref<1x40x128xf32, #tpu.memory_space<vmem>>
      %dma_start3A_393 = tpu.memref_squeeze %dma_start3A_392 : memref<1x40x128xf32, #tpu.memory_space<vmem>> -> memref<40x128xf32, #tpu.memory_space<vmem>>
      %dma_start3A_394 = arith.constant 0 : i32
      %dma_start3A_395 = tpu.memref_slice %arg8[%rem3A_347, %dma_start3A_389, %dma_start3A_394] : memref<2x7x40xi32, #tpu.memory_space<vmem>> -> memref<1x1x40xi32, #tpu.memory_space<vmem>>
      %dma_start3A_396 = tpu.memref_squeeze %dma_start3A_395 : memref<1x1x40xi32, #tpu.memory_space<vmem>> -> memref<40xi32, #tpu.memory_space<vmem>>
      %dma_start3A_397 = arith.constant 0 : i32
      %dma_start3A_398 = arith.constant 0 : i32
      %dma_start3A_399 = tpu.memref_slice %arg6[%dma_start3A_397, %dma_start3A_398] : memref<10000x128xf32, #tpu.memory_space<vmem_shared>> -> memref<10000x128xf32, #tpu.memory_space<vmem_shared>>
      tpu.enqueue_indirect_dma source(%dma_start3A_393 : memref<40x128xf32, #tpu.memory_space<vmem>>) target(%dma_start3A_399 : memref<10000x128xf32, #tpu.memory_space<vmem_shared>>) offsets(%dma_start3A_396 : memref<40xi32, #tpu.memory_space<vmem>>) semaphore(%arg19 : memref<!tpu.dma_semaphore, #tpu.memory_space<semaphore_mem>>) {add = true}
      %dma_wait3A_400 = arith.constant 1 : i32
      %dma_wait3A_401 = arith.constant 0 : i32
      %dma_wait3A_402 = arith.constant 0 : i32
      %dma_wait3A_403 = tpu.memref_slice %arg9[%dma_wait3A_400, %dma_wait3A_401, %dma_wait3A_402] : memref<7x40x128xf32, #tpu.memory_space<vmem>> -> memref<1x40x128xf32, #tpu.memory_space<vmem>>
      %dma_wait3A_404 = tpu.memref_squeeze %dma_wait3A_403 : memref<1x40x128xf32, #tpu.memory_space<vmem>> -> memref<40x128xf32, #tpu.memory_space<vmem>>
      %dma_wait3A_405 = arith.constant 0 : i32
      %dma_wait3A_406 = arith.constant 0 : i32
      %dma_wait3A_407 = tpu.memref_slice %arg2[%dma_wait3A_405, %dma_wait3A_406] : memref<10000x128xf32, #tpu.memory_space<hbm>> -> memref<40x128xf32, #tpu.memory_space<hbm>>
      %dma_wait3A_408 = arith.constant 0 : i32
      %dma_wait3A_409 = arith.constant 0 : i32
      %dma_wait3A_410 = tpu.memref_slice %arg9[%dma_wait3A_400, %dma_wait3A_408, %dma_wait3A_409] : memref<7x40x128xf32, #tpu.memory_space<vmem>> -> memref<1x40x128xf32, #tpu.memory_space<vmem>>
      %dma_wait3A_411 = tpu.memref_squeeze %dma_wait3A_410 : memref<1x40x128xf32, #tpu.memory_space<vmem>> -> memref<40x128xf32, #tpu.memory_space<vmem>>
      %dma_wait3A_412 = arith.constant 0 : i32
      %dma_wait3A_413 = arith.constant 0 : i32
      %dma_wait3A_414 = tpu.memref_slice %arg2[%dma_wait3A_412, %dma_wait3A_413] : memref<10000x128xf32, #tpu.memory_space<hbm>> -> memref<40x128xf32, #tpu.memory_space<hbm>>
      tpu.wait_dma2 semaphore(%arg13 : memref<!tpu.dma_semaphore, #tpu.memory_space<semaphore_mem>>) src(%dma_wait3A_414 : memref<40x128xf32, #tpu.memory_space<hbm>>) dst(%dma_wait3A_411 : memref<40x128xf32, #tpu.memory_space<vmem>>)
      %dma_start3A_415 = arith.constant 1 : i32
      %dma_start3A_416 = arith.constant 1 : i32
      %dma_start3A_417 = arith.constant 0 : i32
      %dma_start3A_418 = arith.constant 0 : i32
      %dma_start3A_419 = tpu.memref_slice %arg9[%dma_start3A_415, %dma_start3A_417, %dma_start3A_418] : memref<7x40x128xf32, #tpu.memory_space<vmem>> -> memref<1x40x128xf32, #tpu.memory_space<vmem>>
      %dma_start3A_420 = tpu.memref_squeeze %dma_start3A_419 : memref<1x40x128xf32, #tpu.memory_space<vmem>> -> memref<40x128xf32, #tpu.memory_space<vmem>>
      %dma_start3A_421 = arith.constant 0 : i32
      %dma_start3A_422 = tpu.memref_slice %arg8[%rem3A_347, %dma_start3A_416, %dma_start3A_421] : memref<2x7x40xi32, #tpu.memory_space<vmem>> -> memref<1x1x40xi32, #tpu.memory_space<vmem>>
      %dma_start3A_423 = tpu.memref_squeeze %dma_start3A_422 : memref<1x1x40xi32, #tpu.memory_space<vmem>> -> memref<40xi32, #tpu.memory_space<vmem>>
      %dma_start3A_424 = arith.constant 0 : i32
      %dma_start3A_425 = arith.constant 0 : i32
      %dma_start3A_426 = tpu.memref_slice %arg6[%dma_start3A_424, %dma_start3A_425] : memref<10000x128xf32, #tpu.memory_space<vmem_shared>> -> memref<10000x128xf32, #tpu.memory_space<vmem_shared>>
      tpu.enqueue_indirect_dma source(%dma_start3A_420 : memref<40x128xf32, #tpu.memory_space<vmem>>) target(%dma_start3A_426 : memref<10000x128xf32, #tpu.memory_space<vmem_shared>>) offsets(%dma_start3A_423 : memref<40xi32, #tpu.memory_space<vmem>>) semaphore(%arg20 : memref<!tpu.dma_semaphore, #tpu.memory_space<semaphore_mem>>) {add = true}
      %dma_wait3A_427 = arith.constant 2 : i32
      %dma_wait3A_428 = arith.constant 0 : i32
      %dma_wait3A_429 = arith.constant 0 : i32
      %dma_wait3A_430 = tpu.memref_slice %arg9[%dma_wait3A_427, %dma_wait3A_428, %dma_wait3A_429] : memref<7x40x128xf32, #tpu.memory_space<vmem>> -> memref<1x40x128xf32, #tpu.memory_space<vmem>>
      %dma_wait3A_431 = tpu.memref_squeeze %dma_wait3A_430 : memref<1x40x128xf32, #tpu.memory_space<vmem>> -> memref<40x128xf32, #tpu.memory_space<vmem>>
      %dma_wait3A_432 = arith.constant 0 : i32
      %dma_wait3A_433 = arith.constant 0 : i32
      %dma_wait3A_434 = tpu.memref_slice %arg2[%dma_wait3A_432, %dma_wait3A_433] : memref<10000x128xf32, #tpu.memory_space<hbm>> -> memref<40x128xf32, #tpu.memory_space<hbm>>
      %dma_wait3A_435 = arith.constant 0 : i32
      %dma_wait3A_436 = arith.constant 0 : i32
      %dma_wait3A_437 = tpu.memref_slice %arg9[%dma_wait3A_427, %dma_wait3A_435, %dma_wait3A_436] : memref<7x40x128xf32, #tpu.memory_space<vmem>> -> memref<1x40x128xf32, #tpu.memory_space<vmem>>
      %dma_wait3A_438 = tpu.memref_squeeze %dma_wait3A_437 : memref<1x40x128xf32, #tpu.memory_space<vmem>> -> memref<40x128xf32, #tpu.memory_space<vmem>>
      %dma_wait3A_439 = arith.constant 0 : i32
      %dma_wait3A_440 = arith.constant 0 : i32
      %dma_wait3A_441 = tpu.memref_slice %arg2[%dma_wait3A_439, %dma_wait3A_440] : memref<10000x128xf32, #tpu.memory_space<hbm>> -> memref<40x128xf32, #tpu.memory_space<hbm>>
      tpu.wait_dma2 semaphore(%arg14 : memref<!tpu.dma_semaphore, #tpu.memory_space<semaphore_mem>>) src(%dma_wait3A_441 : memref<40x128xf32, #tpu.memory_space<hbm>>) dst(%dma_wait3A_438 : memref<40x128xf32, #tpu.memory_space<vmem>>)
      %dma_start3A_442 = arith.constant 2 : i32
      %dma_start3A_443 = arith.constant 2 : i32
      %dma_start3A_444 = arith.constant 0 : i32
      %dma_start3A_445 = arith.constant 0 : i32
      %dma_start3A_446 = tpu.memref_slice %arg9[%dma_start3A_442, %dma_start3A_444, %dma_start3A_445] : memref<7x40x128xf32, #tpu.memory_space<vmem>> -> memref<1x40x128xf32, #tpu.memory_space<vmem>>
      %dma_start3A_447 = tpu.memref_squeeze %dma_start3A_446 : memref<1x40x128xf32, #tpu.memory_space<vmem>> -> memref<40x128xf32, #tpu.memory_space<vmem>>
      %dma_start3A_448 = arith.constant 0 : i32
      %dma_start3A_449 = tpu.memref_slice %arg8[%rem3A_347, %dma_start3A_443, %dma_start3A_448] : memref<2x7x40xi32, #tpu.memory_space<vmem>> -> memref<1x1x40xi32, #tpu.memory_space<vmem>>
      %dma_start3A_450 = tpu.memref_squeeze %dma_start3A_449 : memref<1x1x40xi32, #tpu.memory_space<vmem>> -> memref<40xi32, #tpu.memory_space<vmem>>
      %dma_start3A_451 = arith.constant 0 : i32
      %dma_start3A_452 = arith.constant 0 : i32
      %dma_start3A_453 = tpu.memref_slice %arg6[%dma_start3A_451, %dma_start3A_452] : memref<10000x128xf32, #tpu.memory_space<vmem_shared>> -> memref<10000x128xf32, #tpu.memory_space<vmem_shared>>
      tpu.enqueue_indirect_dma source(%dma_start3A_447 : memref<40x128xf32, #tpu.memory_space<vmem>>) target(%dma_start3A_453 : memref<10000x128xf32, #tpu.memory_space<vmem_shared>>) offsets(%dma_start3A_450 : memref<40xi32, #tpu.memory_space<vmem>>) semaphore(%arg21 : memref<!tpu.dma_semaphore, #tpu.memory_space<semaphore_mem>>) {add = true}
      %dma_wait3A_454 = arith.constant 3 : i32
      %dma_wait3A_455 = arith.constant 0 : i32
      %dma_wait3A_456 = arith.constant 0 : i32
      %dma_wait3A_457 = tpu.memref_slice %arg9[%dma_wait3A_454, %dma_wait3A_455, %dma_wait3A_456] : memref<7x40x128xf32, #tpu.memory_space<vmem>> -> memref<1x40x128xf32, #tpu.memory_space<vmem>>
      %dma_wait3A_458 = tpu.memref_squeeze %dma_wait3A_457 : memref<1x40x128xf32, #tpu.memory_space<vmem>> -> memref<40x128xf32, #tpu.memory_space<vmem>>
      %dma_wait3A_459 = arith.constant 0 : i32
      %dma_wait3A_460 = arith.constant 0 : i32
      %dma_wait3A_461 = tpu.memref_slice %arg2[%dma_wait3A_459, %dma_wait3A_460] : memref<10000x128xf32, #tpu.memory_space<hbm>> -> memref<40x128xf32, #tpu.memory_space<hbm>>
      %dma_wait3A_462 = arith.constant 0 : i32
      %dma_wait3A_463 = arith.constant 0 : i32
      %dma_wait3A_464 = tpu.memref_slice %arg9[%dma_wait3A_454, %dma_wait3A_462, %dma_wait3A_463] : memref<7x40x128xf32, #tpu.memory_space<vmem>> -> memref<1x40x128xf32, #tpu.memory_space<vmem>>
      %dma_wait3A_465 = tpu.memref_squeeze %dma_wait3A_464 : memref<1x40x128xf32, #tpu.memory_space<vmem>> -> memref<40x128xf32, #tpu.memory_space<vmem>>
      %dma_wait3A_466 = arith.constant 0 : i32
      %dma_wait3A_467 = arith.constant 0 : i32
      %dma_wait3A_468 = tpu.memref_slice %arg2[%dma_wait3A_466, %dma_wait3A_467] : memref<10000x128xf32, #tpu.memory_space<hbm>> -> memref<40x128xf32, #tpu.memory_space<hbm>>
      tpu.wait_dma2 semaphore(%arg15 : memref<!tpu.dma_semaphore, #tpu.memory_space<semaphore_mem>>) src(%dma_wait3A_468 : memref<40x128xf32, #tpu.memory_space<hbm>>) dst(%dma_wait3A_465 : memref<40x128xf32, #tpu.memory_space<vmem>>)
      %dma_start3A_469 = arith.constant 3 : i32
      %dma_start3A_470 = arith.constant 3 : i32
      %dma_start3A_471 = arith.constant 0 : i32
      %dma_start3A_472 = arith.constant 0 : i32
      %dma_start3A_473 = tpu.memref_slice %arg9[%dma_start3A_469, %dma_start3A_471, %dma_start3A_472] : memref<7x40x128xf32, #tpu.memory_space<vmem>> -> memref<1x40x128xf32, #tpu.memory_space<vmem>>
      %dma_start3A_474 = tpu.memref_squeeze %dma_start3A_473 : memref<1x40x128xf32, #tpu.memory_space<vmem>> -> memref<40x128xf32, #tpu.memory_space<vmem>>
      %dma_start3A_475 = arith.constant 0 : i32
      %dma_start3A_476 = tpu.memref_slice %arg8[%rem3A_347, %dma_start3A_470, %dma_start3A_475] : memref<2x7x40xi32, #tpu.memory_space<vmem>> -> memref<1x1x40xi32, #tpu.memory_space<vmem>>
      %dma_start3A_477 = tpu.memref_squeeze %dma_start3A_476 : memref<1x1x40xi32, #tpu.memory_space<vmem>> -> memref<40xi32, #tpu.memory_space<vmem>>
      %dma_start3A_478 = arith.constant 0 : i32
      %dma_start3A_479 = arith.constant 0 : i32
      %dma_start3A_480 = tpu.memref_slice %arg6[%dma_start3A_478, %dma_start3A_479] : memref<10000x128xf32, #tpu.memory_space<vmem_shared>> -> memref<10000x128xf32, #tpu.memory_space<vmem_shared>>
      tpu.enqueue_indirect_dma source(%dma_start3A_474 : memref<40x128xf32, #tpu.memory_space<vmem>>) target(%dma_start3A_480 : memref<10000x128xf32, #tpu.memory_space<vmem_shared>>) offsets(%dma_start3A_477 : memref<40xi32, #tpu.memory_space<vmem>>) semaphore(%arg22 : memref<!tpu.dma_semaphore, #tpu.memory_space<semaphore_mem>>) {add = true}
      %dma_wait3A_481 = arith.constant 4 : i32
      %dma_wait3A_482 = arith.constant 0 : i32
      %dma_wait3A_483 = arith.constant 0 : i32
      %dma_wait3A_484 = tpu.memref_slice %arg9[%dma_wait3A_481, %dma_wait3A_482, %dma_wait3A_483] : memref<7x40x128xf32, #tpu.memory_space<vmem>> -> memref<1x40x128xf32, #tpu.memory_space<vmem>>
      %dma_wait3A_485 = tpu.memref_squeeze %dma_wait3A_484 : memref<1x40x128xf32, #tpu.memory_space<vmem>> -> memref<40x128xf32, #tpu.memory_space<vmem>>
      %dma_wait3A_486 = arith.constant 0 : i32
      %dma_wait3A_487 = arith.constant 0 : i32
      %dma_wait3A_488 = tpu.memref_slice %arg2[%dma_wait3A_486, %dma_wait3A_487] : memref<10000x128xf32, #tpu.memory_space<hbm>> -> memref<40x128xf32, #tpu.memory_space<hbm>>
      %dma_wait3A_489 = arith.constant 0 : i32
      %dma_wait3A_490 = arith.constant 0 : i32
      %dma_wait3A_491 = tpu.memref_slice %arg9[%dma_wait3A_481, %dma_wait3A_489, %dma_wait3A_490] : memref<7x40x128xf32, #tpu.memory_space<vmem>> -> memref<1x40x128xf32, #tpu.memory_space<vmem>>
      %dma_wait3A_492 = tpu.memref_squeeze %dma_wait3A_491 : memref<1x40x128xf32, #tpu.memory_space<vmem>> -> memref<40x128xf32, #tpu.memory_space<vmem>>
      %dma_wait3A_493 = arith.constant 0 : i32
      %dma_wait3A_494 = arith.constant 0 : i32
      %dma_wait3A_495 = tpu.memref_slice %arg2[%dma_wait3A_493, %dma_wait3A_494] : memref<10000x128xf32, #tpu.memory_space<hbm>> -> memref<40x128xf32, #tpu.memory_space<hbm>>
      tpu.wait_dma2 semaphore(%arg16 : memref<!tpu.dma_semaphore, #tpu.memory_space<semaphore_mem>>) src(%dma_wait3A_495 : memref<40x128xf32, #tpu.memory_space<hbm>>) dst(%dma_wait3A_492 : memref<40x128xf32, #tpu.memory_space<vmem>>)
      %dma_start3A_496 = arith.constant 4 : i32
      %dma_start3A_497 = arith.constant 4 : i32
      %dma_start3A_498 = arith.constant 0 : i32
      %dma_start3A_499 = arith.constant 0 : i32
      %dma_start3A_500 = tpu.memref_slice %arg9[%dma_start3A_496, %dma_start3A_498, %dma_start3A_499] : memref<7x40x128xf32, #tpu.memory_space<vmem>> -> memref<1x40x128xf32, #tpu.memory_space<vmem>>
      %dma_start3A_501 = tpu.memref_squeeze %dma_start3A_500 : memref<1x40x128xf32, #tpu.memory_space<vmem>> -> memref<40x128xf32, #tpu.memory_space<vmem>>
      %dma_start3A_502 = arith.constant 0 : i32
      %dma_start3A_503 = tpu.memref_slice %arg8[%rem3A_347, %dma_start3A_497, %dma_start3A_502] : memref<2x7x40xi32, #tpu.memory_space<vmem>> -> memref<1x1x40xi32, #tpu.memory_space<vmem>>
      %dma_start3A_504 = tpu.memref_squeeze %dma_start3A_503 : memref<1x1x40xi32, #tpu.memory_space<vmem>> -> memref<40xi32, #tpu.memory_space<vmem>>
      %dma_start3A_505 = arith.constant 0 : i32
      %dma_start3A_506 = arith.constant 0 : i32
      %dma_start3A_507 = tpu.memref_slice %arg6[%dma_start3A_505, %dma_start3A_506] : memref<10000x128xf32, #tpu.memory_space<vmem_shared>> -> memref<10000x128xf32, #tpu.memory_space<vmem_shared>>
      tpu.enqueue_indirect_dma source(%dma_start3A_501 : memref<40x128xf32, #tpu.memory_space<vmem>>) target(%dma_start3A_507 : memref<10000x128xf32, #tpu.memory_space<vmem_shared>>) offsets(%dma_start3A_504 : memref<40xi32, #tpu.memory_space<vmem>>) semaphore(%arg23 : memref<!tpu.dma_semaphore, #tpu.memory_space<semaphore_mem>>) {add = true}
      %dma_wait3A_508 = arith.constant 5 : i32
      %dma_wait3A_509 = arith.constant 0 : i32
      %dma_wait3A_510 = arith.constant 0 : i32
      %dma_wait3A_511 = tpu.memref_slice %arg9[%dma_wait3A_508, %dma_wait3A_509, %dma_wait3A_510] : memref<7x40x128xf32, #tpu.memory_space<vmem>> -> memref<1x40x128xf32, #tpu.memory_space<vmem>>
      %dma_wait3A_512 = tpu.memref_squeeze %dma_wait3A_511 : memref<1x40x128xf32, #tpu.memory_space<vmem>> -> memref<40x128xf32, #tpu.memory_space<vmem>>
      %dma_wait3A_513 = arith.constant 0 : i32
      %dma_wait3A_514 = arith.constant 0 : i32
      %dma_wait3A_515 = tpu.memref_slice %arg2[%dma_wait3A_513, %dma_wait3A_514] : memref<10000x128xf32, #tpu.memory_space<hbm>> -> memref<40x128xf32, #tpu.memory_space<hbm>>
      %dma_wait3A_516 = arith.constant 0 : i32
      %dma_wait3A_517 = arith.constant 0 : i32
      %dma_wait3A_518 = tpu.memref_slice %arg9[%dma_wait3A_508, %dma_wait3A_516, %dma_wait3A_517] : memref<7x40x128xf32, #tpu.memory_space<vmem>> -> memref<1x40x128xf32, #tpu.memory_space<vmem>>
      %dma_wait3A_519 = tpu.memref_squeeze %dma_wait3A_518 : memref<1x40x128xf32, #tpu.memory_space<vmem>> -> memref<40x128xf32, #tpu.memory_space<vmem>>
      %dma_wait3A_520 = arith.constant 0 : i32
      %dma_wait3A_521 = arith.constant 0 : i32
      %dma_wait3A_522 = tpu.memref_slice %arg2[%dma_wait3A_520, %dma_wait3A_521] : memref<10000x128xf32, #tpu.memory_space<hbm>> -> memref<40x128xf32, #tpu.memory_space<hbm>>
      tpu.wait_dma2 semaphore(%arg17 : memref<!tpu.dma_semaphore, #tpu.memory_space<semaphore_mem>>) src(%dma_wait3A_522 : memref<40x128xf32, #tpu.memory_space<hbm>>) dst(%dma_wait3A_519 : memref<40x128xf32, #tpu.memory_space<vmem>>)
      %dma_start3A_523 = arith.constant 5 : i32
      %dma_start3A_524 = arith.constant 5 : i32
      %dma_start3A_525 = arith.constant 0 : i32
      %dma_start3A_526 = arith.constant 0 : i32
      %dma_start3A_527 = tpu.memref_slice %arg9[%dma_start3A_523, %dma_start3A_525, %dma_start3A_526] : memref<7x40x128xf32, #tpu.memory_space<vmem>> -> memref<1x40x128xf32, #tpu.memory_space<vmem>>
      %dma_start3A_528 = tpu.memref_squeeze %dma_start3A_527 : memref<1x40x128xf32, #tpu.memory_space<vmem>> -> memref<40x128xf32, #tpu.memory_space<vmem>>
      %dma_start3A_529 = arith.constant 0 : i32
      %dma_start3A_530 = tpu.memref_slice %arg8[%rem3A_347, %dma_start3A_524, %dma_start3A_529] : memref<2x7x40xi32, #tpu.memory_space<vmem>> -> memref<1x1x40xi32, #tpu.memory_space<vmem>>
      %dma_start3A_531 = tpu.memref_squeeze %dma_start3A_530 : memref<1x1x40xi32, #tpu.memory_space<vmem>> -> memref<40xi32, #tpu.memory_space<vmem>>
      %dma_start3A_532 = arith.constant 0 : i32
      %dma_start3A_533 = arith.constant 0 : i32
      %dma_start3A_534 = tpu.memref_slice %arg6[%dma_start3A_532, %dma_start3A_533] : memref<10000x128xf32, #tpu.memory_space<vmem_shared>> -> memref<10000x128xf32, #tpu.memory_space<vmem_shared>>
      tpu.enqueue_indirect_dma source(%dma_start3A_528 : memref<40x128xf32, #tpu.memory_space<vmem>>) target(%dma_start3A_534 : memref<10000x128xf32, #tpu.memory_space<vmem_shared>>) offsets(%dma_start3A_531 : memref<40xi32, #tpu.memory_space<vmem>>) semaphore(%arg24 : memref<!tpu.dma_semaphore, #tpu.memory_space<semaphore_mem>>) {add = true}
      %dma_wait3A_535 = arith.constant 6 : i32
      %dma_wait3A_536 = arith.constant 0 : i32
      %dma_wait3A_537 = arith.constant 0 : i32
      %dma_wait3A_538 = tpu.memref_slice %arg9[%dma_wait3A_535, %dma_wait3A_536, %dma_wait3A_537] : memref<7x40x128xf32, #tpu.memory_space<vmem>> -> memref<1x40x128xf32, #tpu.memory_space<vmem>>
      %dma_wait3A_539 = tpu.memref_squeeze %dma_wait3A_538 : memref<1x40x128xf32, #tpu.memory_space<vmem>> -> memref<40x128xf32, #tpu.memory_space<vmem>>
      %dma_wait3A_540 = arith.constant 0 : i32
      %dma_wait3A_541 = arith.constant 0 : i32
      %dma_wait3A_542 = tpu.memref_slice %arg2[%dma_wait3A_540, %dma_wait3A_541] : memref<10000x128xf32, #tpu.memory_space<hbm>> -> memref<40x128xf32, #tpu.memory_space<hbm>>
      %dma_wait3A_543 = arith.constant 0 : i32
      %dma_wait3A_544 = arith.constant 0 : i32
      %dma_wait3A_545 = tpu.memref_slice %arg9[%dma_wait3A_535, %dma_wait3A_543, %dma_wait3A_544] : memref<7x40x128xf32, #tpu.memory_space<vmem>> -> memref<1x40x128xf32, #tpu.memory_space<vmem>>
      %dma_wait3A_546 = tpu.memref_squeeze %dma_wait3A_545 : memref<1x40x128xf32, #tpu.memory_space<vmem>> -> memref<40x128xf32, #tpu.memory_space<vmem>>
      %dma_wait3A_547 = arith.constant 0 : i32
      %dma_wait3A_548 = arith.constant 0 : i32
      %dma_wait3A_549 = tpu.memref_slice %arg2[%dma_wait3A_547, %dma_wait3A_548] : memref<10000x128xf32, #tpu.memory_space<hbm>> -> memref<40x128xf32, #tpu.memory_space<hbm>>
      tpu.wait_dma2 semaphore(%arg18 : memref<!tpu.dma_semaphore, #tpu.memory_space<semaphore_mem>>) src(%dma_wait3A_549 : memref<40x128xf32, #tpu.memory_space<hbm>>) dst(%dma_wait3A_546 : memref<40x128xf32, #tpu.memory_space<vmem>>)
      %dma_start3A_550 = arith.constant 6 : i32
      %dma_start3A_551 = arith.constant 6 : i32
      %dma_start3A_552 = arith.constant 0 : i32
      %dma_start3A_553 = arith.constant 0 : i32
      %dma_start3A_554 = tpu.memref_slice %arg9[%dma_start3A_550, %dma_start3A_552, %dma_start3A_553] : memref<7x40x128xf32, #tpu.memory_space<vmem>> -> memref<1x40x128xf32, #tpu.memory_space<vmem>>
      %dma_start3A_555 = tpu.memref_squeeze %dma_start3A_554 : memref<1x40x128xf32, #tpu.memory_space<vmem>> -> memref<40x128xf32, #tpu.memory_space<vmem>>
      %dma_start3A_556 = arith.constant 0 : i32
      %dma_start3A_557 = tpu.memref_slice %arg8[%rem3A_347, %dma_start3A_551, %dma_start3A_556] : memref<2x7x40xi32, #tpu.memory_space<vmem>> -> memref<1x1x40xi32, #tpu.memory_space<vmem>>
      %dma_start3A_558 = tpu.memref_squeeze %dma_start3A_557 : memref<1x1x40xi32, #tpu.memory_space<vmem>> -> memref<40xi32, #tpu.memory_space<vmem>>
      %dma_start3A_559 = arith.constant 0 : i32
      %dma_start3A_560 = arith.constant 0 : i32
      %dma_start3A_561 = tpu.memref_slice %arg6[%dma_start3A_559, %dma_start3A_560] : memref<10000x128xf32, #tpu.memory_space<vmem_shared>> -> memref<10000x128xf32, #tpu.memory_space<vmem_shared>>
      tpu.enqueue_indirect_dma source(%dma_start3A_555 : memref<40x128xf32, #tpu.memory_space<vmem>>) target(%dma_start3A_561 : memref<10000x128xf32, #tpu.memory_space<vmem_shared>>) offsets(%dma_start3A_558 : memref<40xi32, #tpu.memory_space<vmem>>) semaphore(%arg25 : memref<!tpu.dma_semaphore, #tpu.memory_space<semaphore_mem>>) {add = true}
      %dma_wait3A_562 = arith.constant 0 : i32
      %dma_wait3A_563 = arith.constant 0 : i32
      %dma_wait3A_564 = arith.constant 0 : i32
      %dma_wait3A_565 = tpu.memref_slice %arg9[%dma_wait3A_562, %dma_wait3A_563, %dma_wait3A_564] : memref<7x40x128xf32, #tpu.memory_space<vmem>> -> memref<1x40x128xf32, #tpu.memory_space<vmem>>
      %dma_wait3A_566 = tpu.memref_squeeze %dma_wait3A_565 : memref<1x40x128xf32, #tpu.memory_space<vmem>> -> memref<40x128xf32, #tpu.memory_space<vmem>>
      %dma_wait3A_567 = arith.constant 0 : i32
      %dma_wait3A_568 = arith.constant 0 : i32
      %dma_wait3A_569 = tpu.memref_slice %arg2[%dma_wait3A_567, %dma_wait3A_568] : memref<10000x128xf32, #tpu.memory_space<hbm>> -> memref<40x128xf32, #tpu.memory_space<hbm>>
      %dma_wait3A_570 = arith.constant 0 : i32
      %dma_wait3A_571 = arith.constant 0 : i32
      %dma_wait3A_572 = tpu.memref_slice %arg9[%dma_wait3A_562, %dma_wait3A_570, %dma_wait3A_571] : memref<7x40x128xf32, #tpu.memory_space<vmem>> -> memref<1x40x128xf32, #tpu.memory_space<vmem>>
      %dma_wait3A_573 = tpu.memref_squeeze %dma_wait3A_572 : memref<1x40x128xf32, #tpu.memory_space<vmem>> -> memref<40x128xf32, #tpu.memory_space<vmem>>
      %dma_wait3A_574 = arith.constant 0 : i32
      %dma_wait3A_575 = arith.constant 0 : i32
      %dma_wait3A_576 = tpu.memref_slice %arg2[%dma_wait3A_574, %dma_wait3A_575] : memref<10000x128xf32, #tpu.memory_space<hbm>> -> memref<40x128xf32, #tpu.memory_space<hbm>>
      tpu.wait_dma2 semaphore(%arg19 : memref<!tpu.dma_semaphore, #tpu.memory_space<semaphore_mem>>) src(%dma_wait3A_576 : memref<40x128xf32, #tpu.memory_space<hbm>>) dst(%dma_wait3A_573 : memref<40x128xf32, #tpu.memory_space<vmem>>)
      %add3A_577 = arith.constant 7 : i32
      %add3A_578 = arith.addi %mul3A_346, %add3A_577 : i32
      %add3A_579 = arith.constant 0 : i32
      %add3A_580 = arith.addi %add3A_578, %add3A_579 : i32
      %lt3A = arith.constant 250 : i32
      %lt3A_581 = arith.cmpi slt, %add3A_580, %lt3A : i32
      %convert_element_type3A_582 = arith.extui %lt3A_581 : i1 to i32
      %cond3A_583 = arith.constant 0 : i32
      %cond3A_584 = arith.cmpi ne, %convert_element_type3A_582, %cond3A_583 : i32
      scf.if %cond3A_584 {
        %add3A_729 = arith.constant 7 : i32
        %add3A_730 = arith.addi %mul3A_346, %add3A_729 : i32
        %add3A_731 = arith.constant 0 : i32
        %add3A_732 = arith.addi %add3A_730, %add3A_731 : i32
        %dma_start3A_733 = arith.constant 0 : i32
        %dma_start3A_734 = arith.constant 0 : i32
        %dma_start3A_735 = arith.constant 0 : i32
        %dma_start3A_736 = tpu.memref_slice %arg9[%dma_start3A_733, %dma_start3A_734, %dma_start3A_735] : memref<7x40x128xf32, #tpu.memory_space<vmem>> -> memref<1x40x128xf32, #tpu.memory_space<vmem>>
        %dma_start3A_737 = tpu.memref_squeeze %dma_start3A_736 : memref<1x40x128xf32, #tpu.memory_space<vmem>> -> memref<40x128xf32, #tpu.memory_space<vmem>>
        %dma_start3A_738 = arith.constant 0 : i32
        %dma_start3A_739 = tpu.memref_slice %arg7[%add3A_732, %dma_start3A_738] : memref<250x40xi32, #tpu.memory_space<vmem>> -> memref<1x40xi32, #tpu.memory_space<vmem>>
        %dma_start3A_740 = tpu.memref_squeeze %dma_start3A_739 : memref<1x40xi32, #tpu.memory_space<vmem>> -> memref<40xi32, #tpu.memory_space<vmem>>
        %dma_start3A_741 = arith.constant 0 : i32
        %dma_start3A_742 = arith.constant 0 : i32
        %dma_start3A_743 = tpu.memref_slice %arg2[%dma_start3A_741, %dma_start3A_742] : memref<10000x128xf32, #tpu.memory_space<hbm>> -> memref<10000x128xf32, #tpu.memory_space<hbm>>
        tpu.enqueue_indirect_dma source(%dma_start3A_743 : memref<10000x128xf32, #tpu.memory_space<hbm>>) target(%dma_start3A_737 : memref<40x128xf32, #tpu.memory_space<vmem>>) offsets(%dma_start3A_740 : memref<40xi32, #tpu.memory_space<vmem>>) semaphore(%arg12 : memref<!tpu.dma_semaphore, #tpu.memory_space<semaphore_mem>>)
      } else {
      }
      %dma_wait3A_585 = arith.constant 1 : i32
      %dma_wait3A_586 = arith.constant 0 : i32
      %dma_wait3A_587 = arith.constant 0 : i32
      %dma_wait3A_588 = tpu.memref_slice %arg9[%dma_wait3A_585, %dma_wait3A_586, %dma_wait3A_587] : memref<7x40x128xf32, #tpu.memory_space<vmem>> -> memref<1x40x128xf32, #tpu.memory_space<vmem>>
      %dma_wait3A_589 = tpu.memref_squeeze %dma_wait3A_588 : memref<1x40x128xf32, #tpu.memory_space<vmem>> -> memref<40x128xf32, #tpu.memory_space<vmem>>
      %dma_wait3A_590 = arith.constant 0 : i32
      %dma_wait3A_591 = arith.constant 0 : i32
      %dma_wait3A_592 = tpu.memref_slice %arg2[%dma_wait3A_590, %dma_wait3A_591] : memref<10000x128xf32, #tpu.memory_space<hbm>> -> memref<40x128xf32, #tpu.memory_space<hbm>>
      %dma_wait3A_593 = arith.constant 0 : i32
      %dma_wait3A_594 = arith.constant 0 : i32
      %dma_wait3A_595 = tpu.memref_slice %arg9[%dma_wait3A_585, %dma_wait3A_593, %dma_wait3A_594] : memref<7x40x128xf32, #tpu.memory_space<vmem>> -> memref<1x40x128xf32, #tpu.memory_space<vmem>>
      %dma_wait3A_596 = tpu.memref_squeeze %dma_wait3A_595 : memref<1x40x128xf32, #tpu.memory_space<vmem>> -> memref<40x128xf32, #tpu.memory_space<vmem>>
      %dma_wait3A_597 = arith.constant 0 : i32
      %dma_wait3A_598 = arith.constant 0 : i32
      %dma_wait3A_599 = tpu.memref_slice %arg2[%dma_wait3A_597, %dma_wait3A_598] : memref<10000x128xf32, #tpu.memory_space<hbm>> -> memref<40x128xf32, #tpu.memory_space<hbm>>
      tpu.wait_dma2 semaphore(%arg20 : memref<!tpu.dma_semaphore, #tpu.memory_space<semaphore_mem>>) src(%dma_wait3A_599 : memref<40x128xf32, #tpu.memory_space<hbm>>) dst(%dma_wait3A_596 : memref<40x128xf32, #tpu.memory_space<vmem>>)
      %add3A_600 = arith.constant 7 : i32
      %add3A_601 = arith.addi %mul3A_346, %add3A_600 : i32
      %add3A_602 = arith.constant 1 : i32
      %add3A_603 = arith.addi %add3A_601, %add3A_602 : i32
      %lt3A_604 = arith.constant 250 : i32
      %lt3A_605 = arith.cmpi slt, %add3A_603, %lt3A_604 : i32
      %convert_element_type3A_606 = arith.extui %lt3A_605 : i1 to i32
      %cond3A_607 = arith.constant 0 : i32
      %cond3A_608 = arith.cmpi ne, %convert_element_type3A_606, %cond3A_607 : i32
      scf.if %cond3A_608 {
        %add3A_729 = arith.constant 7 : i32
        %add3A_730 = arith.addi %mul3A_346, %add3A_729 : i32
        %add3A_731 = arith.constant 1 : i32
        %add3A_732 = arith.addi %add3A_730, %add3A_731 : i32
        %dma_start3A_733 = arith.constant 1 : i32
        %dma_start3A_734 = arith.constant 0 : i32
        %dma_start3A_735 = arith.constant 0 : i32
        %dma_start3A_736 = tpu.memref_slice %arg9[%dma_start3A_733, %dma_start3A_734, %dma_start3A_735] : memref<7x40x128xf32, #tpu.memory_space<vmem>> -> memref<1x40x128xf32, #tpu.memory_space<vmem>>
        %dma_start3A_737 = tpu.memref_squeeze %dma_start3A_736 : memref<1x40x128xf32, #tpu.memory_space<vmem>> -> memref<40x128xf32, #tpu.memory_space<vmem>>
        %dma_start3A_738 = arith.constant 0 : i32
        %dma_start3A_739 = tpu.memref_slice %arg7[%add3A_732, %dma_start3A_738] : memref<250x40xi32, #tpu.memory_space<vmem>> -> memref<1x40xi32, #tpu.memory_space<vmem>>
        %dma_start3A_740 = tpu.memref_squeeze %dma_start3A_739 : memref<1x40xi32, #tpu.memory_space<vmem>> -> memref<40xi32, #tpu.memory_space<vmem>>
        %dma_start3A_741 = arith.constant 0 : i32
        %dma_start3A_742 = arith.constant 0 : i32
        %dma_start3A_743 = tpu.memref_slice %arg2[%dma_start3A_741, %dma_start3A_742] : memref<10000x128xf32, #tpu.memory_space<hbm>> -> memref<10000x128xf32, #tpu.memory_space<hbm>>
        tpu.enqueue_indirect_dma source(%dma_start3A_743 : memref<10000x128xf32, #tpu.memory_space<hbm>>) target(%dma_start3A_737 : memref<40x128xf32, #tpu.memory_space<vmem>>) offsets(%dma_start3A_740 : memref<40xi32, #tpu.memory_space<vmem>>) semaphore(%arg13 : memref<!tpu.dma_semaphore, #tpu.memory_space<semaphore_mem>>)
      } else {
      }
      %dma_wait3A_609 = arith.constant 2 : i32
      %dma_wait3A_610 = arith.constant 0 : i32
      %dma_wait3A_611 = arith.constant 0 : i32
      %dma_wait3A_612 = tpu.memref_slice %arg9[%dma_wait3A_609, %dma_wait3A_610, %dma_wait3A_611] : memref<7x40x128xf32, #tpu.memory_space<vmem>> -> memref<1x40x128xf32, #tpu.memory_space<vmem>>
      %dma_wait3A_613 = tpu.memref_squeeze %dma_wait3A_612 : memref<1x40x128xf32, #tpu.memory_space<vmem>> -> memref<40x128xf32, #tpu.memory_space<vmem>>
      %dma_wait3A_614 = arith.constant 0 : i32
      %dma_wait3A_615 = arith.constant 0 : i32
      %dma_wait3A_616 = tpu.memref_slice %arg2[%dma_wait3A_614, %dma_wait3A_615] : memref<10000x128xf32, #tpu.memory_space<hbm>> -> memref<40x128xf32, #tpu.memory_space<hbm>>
      %dma_wait3A_617 = arith.constant 0 : i32
      %dma_wait3A_618 = arith.constant 0 : i32
      %dma_wait3A_619 = tpu.memref_slice %arg9[%dma_wait3A_609, %dma_wait3A_617, %dma_wait3A_618] : memref<7x40x128xf32, #tpu.memory_space<vmem>> -> memref<1x40x128xf32, #tpu.memory_space<vmem>>
      %dma_wait3A_620 = tpu.memref_squeeze %dma_wait3A_619 : memref<1x40x128xf32, #tpu.memory_space<vmem>> -> memref<40x128xf32, #tpu.memory_space<vmem>>
      %dma_wait3A_621 = arith.constant 0 : i32
      %dma_wait3A_622 = arith.constant 0 : i32
      %dma_wait3A_623 = tpu.memref_slice %arg2[%dma_wait3A_621, %dma_wait3A_622] : memref<10000x128xf32, #tpu.memory_space<hbm>> -> memref<40x128xf32, #tpu.memory_space<hbm>>
      tpu.wait_dma2 semaphore(%arg21 : memref<!tpu.dma_semaphore, #tpu.memory_space<semaphore_mem>>) src(%dma_wait3A_623 : memref<40x128xf32, #tpu.memory_space<hbm>>) dst(%dma_wait3A_620 : memref<40x128xf32, #tpu.memory_space<vmem>>)
      %add3A_624 = arith.constant 7 : i32
      %add3A_625 = arith.addi %mul3A_346, %add3A_624 : i32
      %add3A_626 = arith.constant 2 : i32
      %add3A_627 = arith.addi %add3A_625, %add3A_626 : i32
      %lt3A_628 = arith.constant 250 : i32
      %lt3A_629 = arith.cmpi slt, %add3A_627, %lt3A_628 : i32
      %convert_element_type3A_630 = arith.extui %lt3A_629 : i1 to i32
      %cond3A_631 = arith.constant 0 : i32
      %cond3A_632 = arith.cmpi ne, %convert_element_type3A_630, %cond3A_631 : i32
      scf.if %cond3A_632 {
        %add3A_729 = arith.constant 7 : i32
        %add3A_730 = arith.addi %mul3A_346, %add3A_729 : i32
        %add3A_731 = arith.constant 2 : i32
        %add3A_732 = arith.addi %add3A_730, %add3A_731 : i32
        %dma_start3A_733 = arith.constant 2 : i32
        %dma_start3A_734 = arith.constant 0 : i32
        %dma_start3A_735 = arith.constant 0 : i32
        %dma_start3A_736 = tpu.memref_slice %arg9[%dma_start3A_733, %dma_start3A_734, %dma_start3A_735] : memref<7x40x128xf32, #tpu.memory_space<vmem>> -> memref<1x40x128xf32, #tpu.memory_space<vmem>>
        %dma_start3A_737 = tpu.memref_squeeze %dma_start3A_736 : memref<1x40x128xf32, #tpu.memory_space<vmem>> -> memref<40x128xf32, #tpu.memory_space<vmem>>
        %dma_start3A_738 = arith.constant 0 : i32
        %dma_start3A_739 = tpu.memref_slice %arg7[%add3A_732, %dma_start3A_738] : memref<250x40xi32, #tpu.memory_space<vmem>> -> memref<1x40xi32, #tpu.memory_space<vmem>>
        %dma_start3A_740 = tpu.memref_squeeze %dma_start3A_739 : memref<1x40xi32, #tpu.memory_space<vmem>> -> memref<40xi32, #tpu.memory_space<vmem>>
        %dma_start3A_741 = arith.constant 0 : i32
        %dma_start3A_742 = arith.constant 0 : i32
        %dma_start3A_743 = tpu.memref_slice %arg2[%dma_start3A_741, %dma_start3A_742] : memref<10000x128xf32, #tpu.memory_space<hbm>> -> memref<10000x128xf32, #tpu.memory_space<hbm>>
        tpu.enqueue_indirect_dma source(%dma_start3A_743 : memref<10000x128xf32, #tpu.memory_space<hbm>>) target(%dma_start3A_737 : memref<40x128xf32, #tpu.memory_space<vmem>>) offsets(%dma_start3A_740 : memref<40xi32, #tpu.memory_space<vmem>>) semaphore(%arg14 : memref<!tpu.dma_semaphore, #tpu.memory_space<semaphore_mem>>)
      } else {
      }
      %dma_wait3A_633 = arith.constant 3 : i32
      %dma_wait3A_634 = arith.constant 0 : i32
      %dma_wait3A_635 = arith.constant 0 : i32
      %dma_wait3A_636 = tpu.memref_slice %arg9[%dma_wait3A_633, %dma_wait3A_634, %dma_wait3A_635] : memref<7x40x128xf32, #tpu.memory_space<vmem>> -> memref<1x40x128xf32, #tpu.memory_space<vmem>>
      %dma_wait3A_637 = tpu.memref_squeeze %dma_wait3A_636 : memref<1x40x128xf32, #tpu.memory_space<vmem>> -> memref<40x128xf32, #tpu.memory_space<vmem>>
      %dma_wait3A_638 = arith.constant 0 : i32
      %dma_wait3A_639 = arith.constant 0 : i32
      %dma_wait3A_640 = tpu.memref_slice %arg2[%dma_wait3A_638, %dma_wait3A_639] : memref<10000x128xf32, #tpu.memory_space<hbm>> -> memref<40x128xf32, #tpu.memory_space<hbm>>
      %dma_wait3A_641 = arith.constant 0 : i32
      %dma_wait3A_642 = arith.constant 0 : i32
      %dma_wait3A_643 = tpu.memref_slice %arg9[%dma_wait3A_633, %dma_wait3A_641, %dma_wait3A_642] : memref<7x40x128xf32, #tpu.memory_space<vmem>> -> memref<1x40x128xf32, #tpu.memory_space<vmem>>
      %dma_wait3A_644 = tpu.memref_squeeze %dma_wait3A_643 : memref<1x40x128xf32, #tpu.memory_space<vmem>> -> memref<40x128xf32, #tpu.memory_space<vmem>>
      %dma_wait3A_645 = arith.constant 0 : i32
      %dma_wait3A_646 = arith.constant 0 : i32
      %dma_wait3A_647 = tpu.memref_slice %arg2[%dma_wait3A_645, %dma_wait3A_646] : memref<10000x128xf32, #tpu.memory_space<hbm>> -> memref<40x128xf32, #tpu.memory_space<hbm>>
      tpu.wait_dma2 semaphore(%arg22 : memref<!tpu.dma_semaphore, #tpu.memory_space<semaphore_mem>>) src(%dma_wait3A_647 : memref<40x128xf32, #tpu.memory_space<hbm>>) dst(%dma_wait3A_644 : memref<40x128xf32, #tpu.memory_space<vmem>>)
      %add3A_648 = arith.constant 7 : i32
      %add3A_649 = arith.addi %mul3A_346, %add3A_648 : i32
      %add3A_650 = arith.constant 3 : i32
      %add3A_651 = arith.addi %add3A_649, %add3A_650 : i32
      %lt3A_652 = arith.constant 250 : i32
      %lt3A_653 = arith.cmpi slt, %add3A_651, %lt3A_652 : i32
      %convert_element_type3A_654 = arith.extui %lt3A_653 : i1 to i32
      %cond3A_655 = arith.constant 0 : i32
      %cond3A_656 = arith.cmpi ne, %convert_element_type3A_654, %cond3A_655 : i32
      scf.if %cond3A_656 {
        %add3A_729 = arith.constant 7 : i32
        %add3A_730 = arith.addi %mul3A_346, %add3A_729 : i32
        %add3A_731 = arith.constant 3 : i32
        %add3A_732 = arith.addi %add3A_730, %add3A_731 : i32
        %dma_start3A_733 = arith.constant 3 : i32
        %dma_start3A_734 = arith.constant 0 : i32
        %dma_start3A_735 = arith.constant 0 : i32
        %dma_start3A_736 = tpu.memref_slice %arg9[%dma_start3A_733, %dma_start3A_734, %dma_start3A_735] : memref<7x40x128xf32, #tpu.memory_space<vmem>> -> memref<1x40x128xf32, #tpu.memory_space<vmem>>
        %dma_start3A_737 = tpu.memref_squeeze %dma_start3A_736 : memref<1x40x128xf32, #tpu.memory_space<vmem>> -> memref<40x128xf32, #tpu.memory_space<vmem>>
        %dma_start3A_738 = arith.constant 0 : i32
        %dma_start3A_739 = tpu.memref_slice %arg7[%add3A_732, %dma_start3A_738] : memref<250x40xi32, #tpu.memory_space<vmem>> -> memref<1x40xi32, #tpu.memory_space<vmem>>
        %dma_start3A_740 = tpu.memref_squeeze %dma_start3A_739 : memref<1x40xi32, #tpu.memory_space<vmem>> -> memref<40xi32, #tpu.memory_space<vmem>>
        %dma_start3A_741 = arith.constant 0 : i32
        %dma_start3A_742 = arith.constant 0 : i32
        %dma_start3A_743 = tpu.memref_slice %arg2[%dma_start3A_741, %dma_start3A_742] : memref<10000x128xf32, #tpu.memory_space<hbm>> -> memref<10000x128xf32, #tpu.memory_space<hbm>>
        tpu.enqueue_indirect_dma source(%dma_start3A_743 : memref<10000x128xf32, #tpu.memory_space<hbm>>) target(%dma_start3A_737 : memref<40x128xf32, #tpu.memory_space<vmem>>) offsets(%dma_start3A_740 : memref<40xi32, #tpu.memory_space<vmem>>) semaphore(%arg15 : memref<!tpu.dma_semaphore, #tpu.memory_space<semaphore_mem>>)
      } else {
      }
      %dma_wait3A_657 = arith.constant 4 : i32
      %dma_wait3A_658 = arith.constant 0 : i32
      %dma_wait3A_659 = arith.constant 0 : i32
      %dma_wait3A_660 = tpu.memref_slice %arg9[%dma_wait3A_657, %dma_wait3A_658, %dma_wait3A_659] : memref<7x40x128xf32, #tpu.memory_space<vmem>> -> memref<1x40x128xf32, #tpu.memory_space<vmem>>
      %dma_wait3A_661 = tpu.memref_squeeze %dma_wait3A_660 : memref<1x40x128xf32, #tpu.memory_space<vmem>> -> memref<40x128xf32, #tpu.memory_space<vmem>>
      %dma_wait3A_662 = arith.constant 0 : i32
      %dma_wait3A_663 = arith.constant 0 : i32
      %dma_wait3A_664 = tpu.memref_slice %arg2[%dma_wait3A_662, %dma_wait3A_663] : memref<10000x128xf32, #tpu.memory_space<hbm>> -> memref<40x128xf32, #tpu.memory_space<hbm>>
      %dma_wait3A_665 = arith.constant 0 : i32
      %dma_wait3A_666 = arith.constant 0 : i32
      %dma_wait3A_667 = tpu.memref_slice %arg9[%dma_wait3A_657, %dma_wait3A_665, %dma_wait3A_666] : memref<7x40x128xf32, #tpu.memory_space<vmem>> -> memref<1x40x128xf32, #tpu.memory_space<vmem>>
      %dma_wait3A_668 = tpu.memref_squeeze %dma_wait3A_667 : memref<1x40x128xf32, #tpu.memory_space<vmem>> -> memref<40x128xf32, #tpu.memory_space<vmem>>
      %dma_wait3A_669 = arith.constant 0 : i32
      %dma_wait3A_670 = arith.constant 0 : i32
      %dma_wait3A_671 = tpu.memref_slice %arg2[%dma_wait3A_669, %dma_wait3A_670] : memref<10000x128xf32, #tpu.memory_space<hbm>> -> memref<40x128xf32, #tpu.memory_space<hbm>>
      tpu.wait_dma2 semaphore(%arg23 : memref<!tpu.dma_semaphore, #tpu.memory_space<semaphore_mem>>) src(%dma_wait3A_671 : memref<40x128xf32, #tpu.memory_space<hbm>>) dst(%dma_wait3A_668 : memref<40x128xf32, #tpu.memory_space<vmem>>)
      %add3A_672 = arith.constant 7 : i32
      %add3A_673 = arith.addi %mul3A_346, %add3A_672 : i32
      %add3A_674 = arith.constant 4 : i32
      %add3A_675 = arith.addi %add3A_673, %add3A_674 : i32
      %lt3A_676 = arith.constant 250 : i32
      %lt3A_677 = arith.cmpi slt, %add3A_675, %lt3A_676 : i32
      %convert_element_type3A_678 = arith.extui %lt3A_677 : i1 to i32
      %cond3A_679 = arith.constant 0 : i32
      %cond3A_680 = arith.cmpi ne, %convert_element_type3A_678, %cond3A_679 : i32
      scf.if %cond3A_680 {
        %add3A_729 = arith.constant 7 : i32
        %add3A_730 = arith.addi %mul3A_346, %add3A_729 : i32
        %add3A_731 = arith.constant 4 : i32
        %add3A_732 = arith.addi %add3A_730, %add3A_731 : i32
        %dma_start3A_733 = arith.constant 4 : i32
        %dma_start3A_734 = arith.constant 0 : i32
        %dma_start3A_735 = arith.constant 0 : i32
        %dma_start3A_736 = tpu.memref_slice %arg9[%dma_start3A_733, %dma_start3A_734, %dma_start3A_735] : memref<7x40x128xf32, #tpu.memory_space<vmem>> -> memref<1x40x128xf32, #tpu.memory_space<vmem>>
        %dma_start3A_737 = tpu.memref_squeeze %dma_start3A_736 : memref<1x40x128xf32, #tpu.memory_space<vmem>> -> memref<40x128xf32, #tpu.memory_space<vmem>>
        %dma_start3A_738 = arith.constant 0 : i32
        %dma_start3A_739 = tpu.memref_slice %arg7[%add3A_732, %dma_start3A_738] : memref<250x40xi32, #tpu.memory_space<vmem>> -> memref<1x40xi32, #tpu.memory_space<vmem>>
        %dma_start3A_740 = tpu.memref_squeeze %dma_start3A_739 : memref<1x40xi32, #tpu.memory_space<vmem>> -> memref<40xi32, #tpu.memory_space<vmem>>
        %dma_start3A_741 = arith.constant 0 : i32
        %dma_start3A_742 = arith.constant 0 : i32
        %dma_start3A_743 = tpu.memref_slice %arg2[%dma_start3A_741, %dma_start3A_742] : memref<10000x128xf32, #tpu.memory_space<hbm>> -> memref<10000x128xf32, #tpu.memory_space<hbm>>
        tpu.enqueue_indirect_dma source(%dma_start3A_743 : memref<10000x128xf32, #tpu.memory_space<hbm>>) target(%dma_start3A_737 : memref<40x128xf32, #tpu.memory_space<vmem>>) offsets(%dma_start3A_740 : memref<40xi32, #tpu.memory_space<vmem>>) semaphore(%arg16 : memref<!tpu.dma_semaphore, #tpu.memory_space<semaphore_mem>>)
      } else {
      }
      %dma_wait3A_681 = arith.constant 5 : i32
      %dma_wait3A_682 = arith.constant 0 : i32
      %dma_wait3A_683 = arith.constant 0 : i32
      %dma_wait3A_684 = tpu.memref_slice %arg9[%dma_wait3A_681, %dma_wait3A_682, %dma_wait3A_683] : memref<7x40x128xf32, #tpu.memory_space<vmem>> -> memref<1x40x128xf32, #tpu.memory_space<vmem>>
      %dma_wait3A_685 = tpu.memref_squeeze %dma_wait3A_684 : memref<1x40x128xf32, #tpu.memory_space<vmem>> -> memref<40x128xf32, #tpu.memory_space<vmem>>
      %dma_wait3A_686 = arith.constant 0 : i32
      %dma_wait3A_687 = arith.constant 0 : i32
      %dma_wait3A_688 = tpu.memref_slice %arg2[%dma_wait3A_686, %dma_wait3A_687] : memref<10000x128xf32, #tpu.memory_space<hbm>> -> memref<40x128xf32, #tpu.memory_space<hbm>>
      %dma_wait3A_689 = arith.constant 0 : i32
      %dma_wait3A_690 = arith.constant 0 : i32
      %dma_wait3A_691 = tpu.memref_slice %arg9[%dma_wait3A_681, %dma_wait3A_689, %dma_wait3A_690] : memref<7x40x128xf32, #tpu.memory_space<vmem>> -> memref<1x40x128xf32, #tpu.memory_space<vmem>>
      %dma_wait3A_692 = tpu.memref_squeeze %dma_wait3A_691 : memref<1x40x128xf32, #tpu.memory_space<vmem>> -> memref<40x128xf32, #tpu.memory_space<vmem>>
      %dma_wait3A_693 = arith.constant 0 : i32
      %dma_wait3A_694 = arith.constant 0 : i32
      %dma_wait3A_695 = tpu.memref_slice %arg2[%dma_wait3A_693, %dma_wait3A_694] : memref<10000x128xf32, #tpu.memory_space<hbm>> -> memref<40x128xf32, #tpu.memory_space<hbm>>
      tpu.wait_dma2 semaphore(%arg24 : memref<!tpu.dma_semaphore, #tpu.memory_space<semaphore_mem>>) src(%dma_wait3A_695 : memref<40x128xf32, #tpu.memory_space<hbm>>) dst(%dma_wait3A_692 : memref<40x128xf32, #tpu.memory_space<vmem>>)
      %add3A_696 = arith.constant 7 : i32
      %add3A_697 = arith.addi %mul3A_346, %add3A_696 : i32
      %add3A_698 = arith.constant 5 : i32
      %add3A_699 = arith.addi %add3A_697, %add3A_698 : i32
      %lt3A_700 = arith.constant 250 : i32
      %lt3A_701 = arith.cmpi slt, %add3A_699, %lt3A_700 : i32
      %convert_element_type3A_702 = arith.extui %lt3A_701 : i1 to i32
      %cond3A_703 = arith.constant 0 : i32
      %cond3A_704 = arith.cmpi ne, %convert_element_type3A_702, %cond3A_703 : i32
      scf.if %cond3A_704 {
        %add3A_729 = arith.constant 7 : i32
        %add3A_730 = arith.addi %mul3A_346, %add3A_729 : i32
        %add3A_731 = arith.constant 5 : i32
        %add3A_732 = arith.addi %add3A_730, %add3A_731 : i32
        %dma_start3A_733 = arith.constant 5 : i32
        %dma_start3A_734 = arith.constant 0 : i32
        %dma_start3A_735 = arith.constant 0 : i32
        %dma_start3A_736 = tpu.memref_slice %arg9[%dma_start3A_733, %dma_start3A_734, %dma_start3A_735] : memref<7x40x128xf32, #tpu.memory_space<vmem>> -> memref<1x40x128xf32, #tpu.memory_space<vmem>>
        %dma_start3A_737 = tpu.memref_squeeze %dma_start3A_736 : memref<1x40x128xf32, #tpu.memory_space<vmem>> -> memref<40x128xf32, #tpu.memory_space<vmem>>
        %dma_start3A_738 = arith.constant 0 : i32
        %dma_start3A_739 = tpu.memref_slice %arg7[%add3A_732, %dma_start3A_738] : memref<250x40xi32, #tpu.memory_space<vmem>> -> memref<1x40xi32, #tpu.memory_space<vmem>>
        %dma_start3A_740 = tpu.memref_squeeze %dma_start3A_739 : memref<1x40xi32, #tpu.memory_space<vmem>> -> memref<40xi32, #tpu.memory_space<vmem>>
        %dma_start3A_741 = arith.constant 0 : i32
        %dma_start3A_742 = arith.constant 0 : i32
        %dma_start3A_743 = tpu.memref_slice %arg2[%dma_start3A_741, %dma_start3A_742] : memref<10000x128xf32, #tpu.memory_space<hbm>> -> memref<10000x128xf32, #tpu.memory_space<hbm>>
        tpu.enqueue_indirect_dma source(%dma_start3A_743 : memref<10000x128xf32, #tpu.memory_space<hbm>>) target(%dma_start3A_737 : memref<40x128xf32, #tpu.memory_space<vmem>>) offsets(%dma_start3A_740 : memref<40xi32, #tpu.memory_space<vmem>>) semaphore(%arg17 : memref<!tpu.dma_semaphore, #tpu.memory_space<semaphore_mem>>)
      } else {
      }
      %dma_wait3A_705 = arith.constant 6 : i32
      %dma_wait3A_706 = arith.constant 0 : i32
      %dma_wait3A_707 = arith.constant 0 : i32
      %dma_wait3A_708 = tpu.memref_slice %arg9[%dma_wait3A_705, %dma_wait3A_706, %dma_wait3A_707] : memref<7x40x128xf32, #tpu.memory_space<vmem>> -> memref<1x40x128xf32, #tpu.memory_space<vmem>>
      %dma_wait3A_709 = tpu.memref_squeeze %dma_wait3A_708 : memref<1x40x128xf32, #tpu.memory_space<vmem>> -> memref<40x128xf32, #tpu.memory_space<vmem>>
      %dma_wait3A_710 = arith.constant 0 : i32
      %dma_wait3A_711 = arith.constant 0 : i32
      %dma_wait3A_712 = tpu.memref_slice %arg2[%dma_wait3A_710, %dma_wait3A_711] : memref<10000x128xf32, #tpu.memory_space<hbm>> -> memref<40x128xf32, #tpu.memory_space<hbm>>
      %dma_wait3A_713 = arith.constant 0 : i32
      %dma_wait3A_714 = arith.constant 0 : i32
      %dma_wait3A_715 = tpu.memref_slice %arg9[%dma_wait3A_705, %dma_wait3A_713, %dma_wait3A_714] : memref<7x40x128xf32, #tpu.memory_space<vmem>> -> memref<1x40x128xf32, #tpu.memory_space<vmem>>
      %dma_wait3A_716 = tpu.memref_squeeze %dma_wait3A_715 : memref<1x40x128xf32, #tpu.memory_space<vmem>> -> memref<40x128xf32, #tpu.memory_space<vmem>>
      %dma_wait3A_717 = arith.constant 0 : i32
      %dma_wait3A_718 = arith.constant 0 : i32
      %dma_wait3A_719 = tpu.memref_slice %arg2[%dma_wait3A_717, %dma_wait3A_718] : memref<10000x128xf32, #tpu.memory_space<hbm>> -> memref<40x128xf32, #tpu.memory_space<hbm>>
      tpu.wait_dma2 semaphore(%arg25 : memref<!tpu.dma_semaphore, #tpu.memory_space<semaphore_mem>>) src(%dma_wait3A_719 : memref<40x128xf32, #tpu.memory_space<hbm>>) dst(%dma_wait3A_716 : memref<40x128xf32, #tpu.memory_space<vmem>>)
      %add3A_720 = arith.constant 7 : i32
      %add3A_721 = arith.addi %mul3A_346, %add3A_720 : i32
      %add3A_722 = arith.constant 6 : i32
      %add3A_723 = arith.addi %add3A_721, %add3A_722 : i32
      %lt3A_724 = arith.constant 250 : i32
      %lt3A_725 = arith.cmpi slt, %add3A_723, %lt3A_724 : i32
      %convert_element_type3A_726 = arith.extui %lt3A_725 : i1 to i32
      %cond3A_727 = arith.constant 0 : i32
      %cond3A_728 = arith.cmpi ne, %convert_element_type3A_726, %cond3A_727 : i32
      scf.if %cond3A_728 {
        %add3A_729 = arith.constant 7 : i32
        %add3A_730 = arith.addi %mul3A_346, %add3A_729 : i32
        %add3A_731 = arith.constant 6 : i32
        %add3A_732 = arith.addi %add3A_730, %add3A_731 : i32
        %dma_start3A_733 = arith.constant 6 : i32
        %dma_start3A_734 = arith.constant 0 : i32
        %dma_start3A_735 = arith.constant 0 : i32
        %dma_start3A_736 = tpu.memref_slice %arg9[%dma_start3A_733, %dma_start3A_734, %dma_start3A_735] : memref<7x40x128xf32, #tpu.memory_space<vmem>> -> memref<1x40x128xf32, #tpu.memory_space<vmem>>
        %dma_start3A_737 = tpu.memref_squeeze %dma_start3A_736 : memref<1x40x128xf32, #tpu.memory_space<vmem>> -> memref<40x128xf32, #tpu.memory_space<vmem>>
        %dma_start3A_738 = arith.constant 0 : i32
        %dma_start3A_739 = tpu.memref_slice %arg7[%add3A_732, %dma_start3A_738] : memref<250x40xi32, #tpu.memory_space<vmem>> -> memref<1x40xi32, #tpu.memory_space<vmem>>
        %dma_start3A_740 = tpu.memref_squeeze %dma_start3A_739 : memref<1x40xi32, #tpu.memory_space<vmem>> -> memref<40xi32, #tpu.memory_space<vmem>>
        %dma_start3A_741 = arith.constant 0 : i32
        %dma_start3A_742 = arith.constant 0 : i32
        %dma_start3A_743 = tpu.memref_slice %arg2[%dma_start3A_741, %dma_start3A_742] : memref<10000x128xf32, #tpu.memory_space<hbm>> -> memref<10000x128xf32, #tpu.memory_space<hbm>>
        tpu.enqueue_indirect_dma source(%dma_start3A_743 : memref<10000x128xf32, #tpu.memory_space<hbm>>) target(%dma_start3A_737 : memref<40x128xf32, #tpu.memory_space<vmem>>) offsets(%dma_start3A_740 : memref<40xi32, #tpu.memory_space<vmem>>) semaphore(%arg18 : memref<!tpu.dma_semaphore, #tpu.memory_space<semaphore_mem>>)
      } else {
      }
    }
    %scan3A_112 = arith.constant 35 : i32
    %dma_wait3A_113 = arith.constant 0 : i32
    %dma_wait3A_114 = arith.constant 0 : i32
    %dma_wait3A_115 = arith.constant 0 : i32
    %dma_wait3A_116 = tpu.memref_slice %arg8[%dma_wait3A_113, %dma_wait3A_114, %dma_wait3A_115] : memref<2x7x40xi32, #tpu.memory_space<vmem>> -> memref<1x5x40xi32, #tpu.memory_space<vmem>>
    %dma_wait3A_117 = tpu.memref_squeeze %dma_wait3A_116 : memref<1x5x40xi32, #tpu.memory_space<vmem>> -> memref<5x40xi32, #tpu.memory_space<vmem>>
    %dma_wait3A_118 = arith.constant 0 : i32
    %dma_wait3A_119 = arith.constant 0 : i32
    %dma_wait3A_120 = tpu.memref_slice %arg4[%dma_wait3A_118, %dma_wait3A_119] : memref<8000x40xi32, #tpu.memory_space<hbm>> -> memref<5x40xi32, #tpu.memory_space<hbm>>
    %dma_wait3A_121 = arith.constant 0 : i32
    %dma_wait3A_122 = arith.constant 0 : i32
    %dma_wait3A_123 = tpu.memref_slice %arg8[%dma_wait3A_113, %dma_wait3A_121, %dma_wait3A_122] : memref<2x7x40xi32, #tpu.memory_space<vmem>> -> memref<1x5x40xi32, #tpu.memory_space<vmem>>
    %dma_wait3A_124 = tpu.memref_squeeze %dma_wait3A_123 : memref<1x5x40xi32, #tpu.memory_space<vmem>> -> memref<5x40xi32, #tpu.memory_space<vmem>>
    %dma_wait3A_125 = arith.constant 0 : i32
    %dma_wait3A_126 = arith.constant 0 : i32
    %dma_wait3A_127 = tpu.memref_slice %arg4[%dma_wait3A_125, %dma_wait3A_126] : memref<8000x40xi32, #tpu.memory_space<hbm>> -> memref<5x40xi32, #tpu.memory_space<hbm>>
    tpu.wait_dma2 semaphore(%arg11 : memref<!tpu.dma_semaphore, #tpu.memory_space<semaphore_mem>>) src(%dma_wait3A_127 : memref<5x40xi32, #tpu.memory_space<hbm>>) dst(%dma_wait3A_124 : memref<5x40xi32, #tpu.memory_space<vmem>>)
    %dma_wait3A_128 = arith.constant 0 : i32
    %dma_wait3A_129 = arith.constant 0 : i32
    %dma_wait3A_130 = arith.constant 0 : i32
    %dma_wait3A_131 = tpu.memref_slice %arg9[%dma_wait3A_128, %dma_wait3A_129, %dma_wait3A_130] : memref<7x40x128xf32, #tpu.memory_space<vmem>> -> memref<1x40x128xf32, #tpu.memory_space<vmem>>
    %dma_wait3A_132 = tpu.memref_squeeze %dma_wait3A_131 : memref<1x40x128xf32, #tpu.memory_space<vmem>> -> memref<40x128xf32, #tpu.memory_space<vmem>>
    %dma_wait3A_133 = arith.constant 0 : i32
    %dma_wait3A_134 = arith.constant 0 : i32
    %dma_wait3A_135 = tpu.memref_slice %arg2[%dma_wait3A_133, %dma_wait3A_134] : memref<10000x128xf32, #tpu.memory_space<hbm>> -> memref<40x128xf32, #tpu.memory_space<hbm>>
    %dma_wait3A_136 = arith.constant 0 : i32
    %dma_wait3A_137 = arith.constant 0 : i32
    %dma_wait3A_138 = tpu.memref_slice %arg9[%dma_wait3A_128, %dma_wait3A_136, %dma_wait3A_137] : memref<7x40x128xf32, #tpu.memory_space<vmem>> -> memref<1x40x128xf32, #tpu.memory_space<vmem>>
    %dma_wait3A_139 = tpu.memref_squeeze %dma_wait3A_138 : memref<1x40x128xf32, #tpu.memory_space<vmem>> -> memref<40x128xf32, #tpu.memory_space<vmem>>
    %dma_wait3A_140 = arith.constant 0 : i32
    %dma_wait3A_141 = arith.constant 0 : i32
    %dma_wait3A_142 = tpu.memref_slice %arg2[%dma_wait3A_140, %dma_wait3A_141] : memref<10000x128xf32, #tpu.memory_space<hbm>> -> memref<40x128xf32, #tpu.memory_space<hbm>>
    tpu.wait_dma2 semaphore(%arg12 : memref<!tpu.dma_semaphore, #tpu.memory_space<semaphore_mem>>) src(%dma_wait3A_142 : memref<40x128xf32, #tpu.memory_space<hbm>>) dst(%dma_wait3A_139 : memref<40x128xf32, #tpu.memory_space<vmem>>)
    %dma_start3A_143 = arith.constant 0 : i32
    %dma_start3A_144 = arith.constant 1 : i32
    %dma_start3A_145 = arith.constant 0 : i32
    %dma_start3A_146 = arith.constant 0 : i32
    %dma_start3A_147 = arith.constant 0 : i32
    %dma_start3A_148 = tpu.memref_slice %arg9[%dma_start3A_143, %dma_start3A_146, %dma_start3A_147] : memref<7x40x128xf32, #tpu.memory_space<vmem>> -> memref<1x40x128xf32, #tpu.memory_space<vmem>>
    %dma_start3A_149 = tpu.memref_squeeze %dma_start3A_148 : memref<1x40x128xf32, #tpu.memory_space<vmem>> -> memref<40x128xf32, #tpu.memory_space<vmem>>
    %dma_start3A_150 = arith.constant 0 : i32
    %dma_start3A_151 = tpu.memref_slice %arg8[%dma_start3A_144, %dma_start3A_145, %dma_start3A_150] : memref<2x7x40xi32, #tpu.memory_space<vmem>> -> memref<1x1x40xi32, #tpu.memory_space<vmem>>
    %dma_start3A_152 = tpu.memref_squeeze %dma_start3A_151 : memref<1x1x40xi32, #tpu.memory_space<vmem>> -> memref<40xi32, #tpu.memory_space<vmem>>
    %dma_start3A_153 = arith.constant 0 : i32
    %dma_start3A_154 = arith.constant 0 : i32
    %dma_start3A_155 = tpu.memref_slice %arg6[%dma_start3A_153, %dma_start3A_154] : memref<10000x128xf32, #tpu.memory_space<vmem_shared>> -> memref<10000x128xf32, #tpu.memory_space<vmem_shared>>
    tpu.enqueue_indirect_dma source(%dma_start3A_149 : memref<40x128xf32, #tpu.memory_space<vmem>>) target(%dma_start3A_155 : memref<10000x128xf32, #tpu.memory_space<vmem_shared>>) offsets(%dma_start3A_152 : memref<40xi32, #tpu.memory_space<vmem>>) semaphore(%arg19 : memref<!tpu.dma_semaphore, #tpu.memory_space<semaphore_mem>>) {add = true}
    %dma_wait3A_156 = arith.constant 1 : i32
    %dma_wait3A_157 = arith.constant 0 : i32
    %dma_wait3A_158 = arith.constant 0 : i32
    %dma_wait3A_159 = tpu.memref_slice %arg9[%dma_wait3A_156, %dma_wait3A_157, %dma_wait3A_158] : memref<7x40x128xf32, #tpu.memory_space<vmem>> -> memref<1x40x128xf32, #tpu.memory_space<vmem>>
    %dma_wait3A_160 = tpu.memref_squeeze %dma_wait3A_159 : memref<1x40x128xf32, #tpu.memory_space<vmem>> -> memref<40x128xf32, #tpu.memory_space<vmem>>
    %dma_wait3A_161 = arith.constant 0 : i32
    %dma_wait3A_162 = arith.constant 0 : i32
    %dma_wait3A_163 = tpu.memref_slice %arg2[%dma_wait3A_161, %dma_wait3A_162] : memref<10000x128xf32, #tpu.memory_space<hbm>> -> memref<40x128xf32, #tpu.memory_space<hbm>>
    %dma_wait3A_164 = arith.constant 0 : i32
    %dma_wait3A_165 = arith.constant 0 : i32
    %dma_wait3A_166 = tpu.memref_slice %arg9[%dma_wait3A_156, %dma_wait3A_164, %dma_wait3A_165] : memref<7x40x128xf32, #tpu.memory_space<vmem>> -> memref<1x40x128xf32, #tpu.memory_space<vmem>>
    %dma_wait3A_167 = tpu.memref_squeeze %dma_wait3A_166 : memref<1x40x128xf32, #tpu.memory_space<vmem>> -> memref<40x128xf32, #tpu.memory_space<vmem>>
    %dma_wait3A_168 = arith.constant 0 : i32
    %dma_wait3A_169 = arith.constant 0 : i32
    %dma_wait3A_170 = tpu.memref_slice %arg2[%dma_wait3A_168, %dma_wait3A_169] : memref<10000x128xf32, #tpu.memory_space<hbm>> -> memref<40x128xf32, #tpu.memory_space<hbm>>
    tpu.wait_dma2 semaphore(%arg13 : memref<!tpu.dma_semaphore, #tpu.memory_space<semaphore_mem>>) src(%dma_wait3A_170 : memref<40x128xf32, #tpu.memory_space<hbm>>) dst(%dma_wait3A_167 : memref<40x128xf32, #tpu.memory_space<vmem>>)
    %dma_start3A_171 = arith.constant 1 : i32
    %dma_start3A_172 = arith.constant 1 : i32
    %dma_start3A_173 = arith.constant 1 : i32
    %dma_start3A_174 = arith.constant 0 : i32
    %dma_start3A_175 = arith.constant 0 : i32
    %dma_start3A_176 = tpu.memref_slice %arg9[%dma_start3A_171, %dma_start3A_174, %dma_start3A_175] : memref<7x40x128xf32, #tpu.memory_space<vmem>> -> memref<1x40x128xf32, #tpu.memory_space<vmem>>
    %dma_start3A_177 = tpu.memref_squeeze %dma_start3A_176 : memref<1x40x128xf32, #tpu.memory_space<vmem>> -> memref<40x128xf32, #tpu.memory_space<vmem>>
    %dma_start3A_178 = arith.constant 0 : i32
    %dma_start3A_179 = tpu.memref_slice %arg8[%dma_start3A_172, %dma_start3A_173, %dma_start3A_178] : memref<2x7x40xi32, #tpu.memory_space<vmem>> -> memref<1x1x40xi32, #tpu.memory_space<vmem>>
    %dma_start3A_180 = tpu.memref_squeeze %dma_start3A_179 : memref<1x1x40xi32, #tpu.memory_space<vmem>> -> memref<40xi32, #tpu.memory_space<vmem>>
    %dma_start3A_181 = arith.constant 0 : i32
    %dma_start3A_182 = arith.constant 0 : i32
    %dma_start3A_183 = tpu.memref_slice %arg6[%dma_start3A_181, %dma_start3A_182] : memref<10000x128xf32, #tpu.memory_space<vmem_shared>> -> memref<10000x128xf32, #tpu.memory_space<vmem_shared>>
    tpu.enqueue_indirect_dma source(%dma_start3A_177 : memref<40x128xf32, #tpu.memory_space<vmem>>) target(%dma_start3A_183 : memref<10000x128xf32, #tpu.memory_space<vmem_shared>>) offsets(%dma_start3A_180 : memref<40xi32, #tpu.memory_space<vmem>>) semaphore(%arg20 : memref<!tpu.dma_semaphore, #tpu.memory_space<semaphore_mem>>) {add = true}
    %dma_wait3A_184 = arith.constant 2 : i32
    %dma_wait3A_185 = arith.constant 0 : i32
    %dma_wait3A_186 = arith.constant 0 : i32
    %dma_wait3A_187 = tpu.memref_slice %arg9[%dma_wait3A_184, %dma_wait3A_185, %dma_wait3A_186] : memref<7x40x128xf32, #tpu.memory_space<vmem>> -> memref<1x40x128xf32, #tpu.memory_space<vmem>>
    %dma_wait3A_188 = tpu.memref_squeeze %dma_wait3A_187 : memref<1x40x128xf32, #tpu.memory_space<vmem>> -> memref<40x128xf32, #tpu.memory_space<vmem>>
    %dma_wait3A_189 = arith.constant 0 : i32
    %dma_wait3A_190 = arith.constant 0 : i32
    %dma_wait3A_191 = tpu.memref_slice %arg2[%dma_wait3A_189, %dma_wait3A_190] : memref<10000x128xf32, #tpu.memory_space<hbm>> -> memref<40x128xf32, #tpu.memory_space<hbm>>
    %dma_wait3A_192 = arith.constant 0 : i32
    %dma_wait3A_193 = arith.constant 0 : i32
    %dma_wait3A_194 = tpu.memref_slice %arg9[%dma_wait3A_184, %dma_wait3A_192, %dma_wait3A_193] : memref<7x40x128xf32, #tpu.memory_space<vmem>> -> memref<1x40x128xf32, #tpu.memory_space<vmem>>
    %dma_wait3A_195 = tpu.memref_squeeze %dma_wait3A_194 : memref<1x40x128xf32, #tpu.memory_space<vmem>> -> memref<40x128xf32, #tpu.memory_space<vmem>>
    %dma_wait3A_196 = arith.constant 0 : i32
    %dma_wait3A_197 = arith.constant 0 : i32
    %dma_wait3A_198 = tpu.memref_slice %arg2[%dma_wait3A_196, %dma_wait3A_197] : memref<10000x128xf32, #tpu.memory_space<hbm>> -> memref<40x128xf32, #tpu.memory_space<hbm>>
    tpu.wait_dma2 semaphore(%arg14 : memref<!tpu.dma_semaphore, #tpu.memory_space<semaphore_mem>>) src(%dma_wait3A_198 : memref<40x128xf32, #tpu.memory_space<hbm>>) dst(%dma_wait3A_195 : memref<40x128xf32, #tpu.memory_space<vmem>>)
    %dma_start3A_199 = arith.constant 2 : i32
    %dma_start3A_200 = arith.constant 1 : i32
    %dma_start3A_201 = arith.constant 2 : i32
    %dma_start3A_202 = arith.constant 0 : i32
    %dma_start3A_203 = arith.constant 0 : i32
    %dma_start3A_204 = tpu.memref_slice %arg9[%dma_start3A_199, %dma_start3A_202, %dma_start3A_203] : memref<7x40x128xf32, #tpu.memory_space<vmem>> -> memref<1x40x128xf32, #tpu.memory_space<vmem>>
    %dma_start3A_205 = tpu.memref_squeeze %dma_start3A_204 : memref<1x40x128xf32, #tpu.memory_space<vmem>> -> memref<40x128xf32, #tpu.memory_space<vmem>>
    %dma_start3A_206 = arith.constant 0 : i32
    %dma_start3A_207 = tpu.memref_slice %arg8[%dma_start3A_200, %dma_start3A_201, %dma_start3A_206] : memref<2x7x40xi32, #tpu.memory_space<vmem>> -> memref<1x1x40xi32, #tpu.memory_space<vmem>>
    %dma_start3A_208 = tpu.memref_squeeze %dma_start3A_207 : memref<1x1x40xi32, #tpu.memory_space<vmem>> -> memref<40xi32, #tpu.memory_space<vmem>>
    %dma_start3A_209 = arith.constant 0 : i32
    %dma_start3A_210 = arith.constant 0 : i32
    %dma_start3A_211 = tpu.memref_slice %arg6[%dma_start3A_209, %dma_start3A_210] : memref<10000x128xf32, #tpu.memory_space<vmem_shared>> -> memref<10000x128xf32, #tpu.memory_space<vmem_shared>>
    tpu.enqueue_indirect_dma source(%dma_start3A_205 : memref<40x128xf32, #tpu.memory_space<vmem>>) target(%dma_start3A_211 : memref<10000x128xf32, #tpu.memory_space<vmem_shared>>) offsets(%dma_start3A_208 : memref<40xi32, #tpu.memory_space<vmem>>) semaphore(%arg21 : memref<!tpu.dma_semaphore, #tpu.memory_space<semaphore_mem>>) {add = true}
    %dma_wait3A_212 = arith.constant 3 : i32
    %dma_wait3A_213 = arith.constant 0 : i32
    %dma_wait3A_214 = arith.constant 0 : i32
    %dma_wait3A_215 = tpu.memref_slice %arg9[%dma_wait3A_212, %dma_wait3A_213, %dma_wait3A_214] : memref<7x40x128xf32, #tpu.memory_space<vmem>> -> memref<1x40x128xf32, #tpu.memory_space<vmem>>
    %dma_wait3A_216 = tpu.memref_squeeze %dma_wait3A_215 : memref<1x40x128xf32, #tpu.memory_space<vmem>> -> memref<40x128xf32, #tpu.memory_space<vmem>>
    %dma_wait3A_217 = arith.constant 0 : i32
    %dma_wait3A_218 = arith.constant 0 : i32
    %dma_wait3A_219 = tpu.memref_slice %arg2[%dma_wait3A_217, %dma_wait3A_218] : memref<10000x128xf32, #tpu.memory_space<hbm>> -> memref<40x128xf32, #tpu.memory_space<hbm>>
    %dma_wait3A_220 = arith.constant 0 : i32
    %dma_wait3A_221 = arith.constant 0 : i32
    %dma_wait3A_222 = tpu.memref_slice %arg9[%dma_wait3A_212, %dma_wait3A_220, %dma_wait3A_221] : memref<7x40x128xf32, #tpu.memory_space<vmem>> -> memref<1x40x128xf32, #tpu.memory_space<vmem>>
    %dma_wait3A_223 = tpu.memref_squeeze %dma_wait3A_222 : memref<1x40x128xf32, #tpu.memory_space<vmem>> -> memref<40x128xf32, #tpu.memory_space<vmem>>
    %dma_wait3A_224 = arith.constant 0 : i32
    %dma_wait3A_225 = arith.constant 0 : i32
    %dma_wait3A_226 = tpu.memref_slice %arg2[%dma_wait3A_224, %dma_wait3A_225] : memref<10000x128xf32, #tpu.memory_space<hbm>> -> memref<40x128xf32, #tpu.memory_space<hbm>>
    tpu.wait_dma2 semaphore(%arg15 : memref<!tpu.dma_semaphore, #tpu.memory_space<semaphore_mem>>) src(%dma_wait3A_226 : memref<40x128xf32, #tpu.memory_space<hbm>>) dst(%dma_wait3A_223 : memref<40x128xf32, #tpu.memory_space<vmem>>)
    %dma_start3A_227 = arith.constant 3 : i32
    %dma_start3A_228 = arith.constant 1 : i32
    %dma_start3A_229 = arith.constant 3 : i32
    %dma_start3A_230 = arith.constant 0 : i32
    %dma_start3A_231 = arith.constant 0 : i32
    %dma_start3A_232 = tpu.memref_slice %arg9[%dma_start3A_227, %dma_start3A_230, %dma_start3A_231] : memref<7x40x128xf32, #tpu.memory_space<vmem>> -> memref<1x40x128xf32, #tpu.memory_space<vmem>>
    %dma_start3A_233 = tpu.memref_squeeze %dma_start3A_232 : memref<1x40x128xf32, #tpu.memory_space<vmem>> -> memref<40x128xf32, #tpu.memory_space<vmem>>
    %dma_start3A_234 = arith.constant 0 : i32
    %dma_start3A_235 = tpu.memref_slice %arg8[%dma_start3A_228, %dma_start3A_229, %dma_start3A_234] : memref<2x7x40xi32, #tpu.memory_space<vmem>> -> memref<1x1x40xi32, #tpu.memory_space<vmem>>
    %dma_start3A_236 = tpu.memref_squeeze %dma_start3A_235 : memref<1x1x40xi32, #tpu.memory_space<vmem>> -> memref<40xi32, #tpu.memory_space<vmem>>
    %dma_start3A_237 = arith.constant 0 : i32
    %dma_start3A_238 = arith.constant 0 : i32
    %dma_start3A_239 = tpu.memref_slice %arg6[%dma_start3A_237, %dma_start3A_238] : memref<10000x128xf32, #tpu.memory_space<vmem_shared>> -> memref<10000x128xf32, #tpu.memory_space<vmem_shared>>
    tpu.enqueue_indirect_dma source(%dma_start3A_233 : memref<40x128xf32, #tpu.memory_space<vmem>>) target(%dma_start3A_239 : memref<10000x128xf32, #tpu.memory_space<vmem_shared>>) offsets(%dma_start3A_236 : memref<40xi32, #tpu.memory_space<vmem>>) semaphore(%arg22 : memref<!tpu.dma_semaphore, #tpu.memory_space<semaphore_mem>>) {add = true}
    %dma_wait3A_240 = arith.constant 4 : i32
    %dma_wait3A_241 = arith.constant 0 : i32
    %dma_wait3A_242 = arith.constant 0 : i32
    %dma_wait3A_243 = tpu.memref_slice %arg9[%dma_wait3A_240, %dma_wait3A_241, %dma_wait3A_242] : memref<7x40x128xf32, #tpu.memory_space<vmem>> -> memref<1x40x128xf32, #tpu.memory_space<vmem>>
    %dma_wait3A_244 = tpu.memref_squeeze %dma_wait3A_243 : memref<1x40x128xf32, #tpu.memory_space<vmem>> -> memref<40x128xf32, #tpu.memory_space<vmem>>
    %dma_wait3A_245 = arith.constant 0 : i32
    %dma_wait3A_246 = arith.constant 0 : i32
    %dma_wait3A_247 = tpu.memref_slice %arg2[%dma_wait3A_245, %dma_wait3A_246] : memref<10000x128xf32, #tpu.memory_space<hbm>> -> memref<40x128xf32, #tpu.memory_space<hbm>>
    %dma_wait3A_248 = arith.constant 0 : i32
    %dma_wait3A_249 = arith.constant 0 : i32
    %dma_wait3A_250 = tpu.memref_slice %arg9[%dma_wait3A_240, %dma_wait3A_248, %dma_wait3A_249] : memref<7x40x128xf32, #tpu.memory_space<vmem>> -> memref<1x40x128xf32, #tpu.memory_space<vmem>>
    %dma_wait3A_251 = tpu.memref_squeeze %dma_wait3A_250 : memref<1x40x128xf32, #tpu.memory_space<vmem>> -> memref<40x128xf32, #tpu.memory_space<vmem>>
    %dma_wait3A_252 = arith.constant 0 : i32
    %dma_wait3A_253 = arith.constant 0 : i32
    %dma_wait3A_254 = tpu.memref_slice %arg2[%dma_wait3A_252, %dma_wait3A_253] : memref<10000x128xf32, #tpu.memory_space<hbm>> -> memref<40x128xf32, #tpu.memory_space<hbm>>
    tpu.wait_dma2 semaphore(%arg16 : memref<!tpu.dma_semaphore, #tpu.memory_space<semaphore_mem>>) src(%dma_wait3A_254 : memref<40x128xf32, #tpu.memory_space<hbm>>) dst(%dma_wait3A_251 : memref<40x128xf32, #tpu.memory_space<vmem>>)
    %dma_start3A_255 = arith.constant 4 : i32
    %dma_start3A_256 = arith.constant 1 : i32
    %dma_start3A_257 = arith.constant 4 : i32
    %dma_start3A_258 = arith.constant 0 : i32
    %dma_start3A_259 = arith.constant 0 : i32
    %dma_start3A_260 = tpu.memref_slice %arg9[%dma_start3A_255, %dma_start3A_258, %dma_start3A_259] : memref<7x40x128xf32, #tpu.memory_space<vmem>> -> memref<1x40x128xf32, #tpu.memory_space<vmem>>
    %dma_start3A_261 = tpu.memref_squeeze %dma_start3A_260 : memref<1x40x128xf32, #tpu.memory_space<vmem>> -> memref<40x128xf32, #tpu.memory_space<vmem>>
    %dma_start3A_262 = arith.constant 0 : i32
    %dma_start3A_263 = tpu.memref_slice %arg8[%dma_start3A_256, %dma_start3A_257, %dma_start3A_262] : memref<2x7x40xi32, #tpu.memory_space<vmem>> -> memref<1x1x40xi32, #tpu.memory_space<vmem>>
    %dma_start3A_264 = tpu.memref_squeeze %dma_start3A_263 : memref<1x1x40xi32, #tpu.memory_space<vmem>> -> memref<40xi32, #tpu.memory_space<vmem>>
    %dma_start3A_265 = arith.constant 0 : i32
    %dma_start3A_266 = arith.constant 0 : i32
    %dma_start3A_267 = tpu.memref_slice %arg6[%dma_start3A_265, %dma_start3A_266] : memref<10000x128xf32, #tpu.memory_space<vmem_shared>> -> memref<10000x128xf32, #tpu.memory_space<vmem_shared>>
    tpu.enqueue_indirect_dma source(%dma_start3A_261 : memref<40x128xf32, #tpu.memory_space<vmem>>) target(%dma_start3A_267 : memref<10000x128xf32, #tpu.memory_space<vmem_shared>>) offsets(%dma_start3A_264 : memref<40xi32, #tpu.memory_space<vmem>>) semaphore(%arg23 : memref<!tpu.dma_semaphore, #tpu.memory_space<semaphore_mem>>) {add = true}
    %dma_wait3A_268 = arith.constant 0 : i32
    %dma_wait3A_269 = arith.constant 0 : i32
    %dma_wait3A_270 = arith.constant 0 : i32
    %dma_wait3A_271 = tpu.memref_slice %arg9[%dma_wait3A_268, %dma_wait3A_269, %dma_wait3A_270] : memref<7x40x128xf32, #tpu.memory_space<vmem>> -> memref<1x40x128xf32, #tpu.memory_space<vmem>>
    %dma_wait3A_272 = tpu.memref_squeeze %dma_wait3A_271 : memref<1x40x128xf32, #tpu.memory_space<vmem>> -> memref<40x128xf32, #tpu.memory_space<vmem>>
    %dma_wait3A_273 = arith.constant 0 : i32
    %dma_wait3A_274 = arith.constant 0 : i32
    %dma_wait3A_275 = tpu.memref_slice %arg2[%dma_wait3A_273, %dma_wait3A_274] : memref<10000x128xf32, #tpu.memory_space<hbm>> -> memref<40x128xf32, #tpu.memory_space<hbm>>
    %dma_wait3A_276 = arith.constant 0 : i32
    %dma_wait3A_277 = arith.constant 0 : i32
    %dma_wait3A_278 = tpu.memref_slice %arg9[%dma_wait3A_268, %dma_wait3A_276, %dma_wait3A_277] : memref<7x40x128xf32, #tpu.memory_space<vmem>> -> memref<1x40x128xf32, #tpu.memory_space<vmem>>
    %dma_wait3A_279 = tpu.memref_squeeze %dma_wait3A_278 : memref<1x40x128xf32, #tpu.memory_space<vmem>> -> memref<40x128xf32, #tpu.memory_space<vmem>>
    %dma_wait3A_280 = arith.constant 0 : i32
    %dma_wait3A_281 = arith.constant 0 : i32
    %dma_wait3A_282 = tpu.memref_slice %arg2[%dma_wait3A_280, %dma_wait3A_281] : memref<10000x128xf32, #tpu.memory_space<hbm>> -> memref<40x128xf32, #tpu.memory_space<hbm>>
    tpu.wait_dma2 semaphore(%arg19 : memref<!tpu.dma_semaphore, #tpu.memory_space<semaphore_mem>>) src(%dma_wait3A_282 : memref<40x128xf32, #tpu.memory_space<hbm>>) dst(%dma_wait3A_279 : memref<40x128xf32, #tpu.memory_space<vmem>>)
    %dma_wait3A_283 = arith.constant 1 : i32
    %dma_wait3A_284 = arith.constant 0 : i32
    %dma_wait3A_285 = arith.constant 0 : i32
    %dma_wait3A_286 = tpu.memref_slice %arg9[%dma_wait3A_283, %dma_wait3A_284, %dma_wait3A_285] : memref<7x40x128xf32, #tpu.memory_space<vmem>> -> memref<1x40x128xf32, #tpu.memory_space<vmem>>
    %dma_wait3A_287 = tpu.memref_squeeze %dma_wait3A_286 : memref<1x40x128xf32, #tpu.memory_space<vmem>> -> memref<40x128xf32, #tpu.memory_space<vmem>>
    %dma_wait3A_288 = arith.constant 0 : i32
    %dma_wait3A_289 = arith.constant 0 : i32
    %dma_wait3A_290 = tpu.memref_slice %arg2[%dma_wait3A_288, %dma_wait3A_289] : memref<10000x128xf32, #tpu.memory_space<hbm>> -> memref<40x128xf32, #tpu.memory_space<hbm>>
    %dma_wait3A_291 = arith.constant 0 : i32
    %dma_wait3A_292 = arith.constant 0 : i32
    %dma_wait3A_293 = tpu.memref_slice %arg9[%dma_wait3A_283, %dma_wait3A_291, %dma_wait3A_292] : memref<7x40x128xf32, #tpu.memory_space<vmem>> -> memref<1x40x128xf32, #tpu.memory_space<vmem>>
    %dma_wait3A_294 = tpu.memref_squeeze %dma_wait3A_293 : memref<1x40x128xf32, #tpu.memory_space<vmem>> -> memref<40x128xf32, #tpu.memory_space<vmem>>
    %dma_wait3A_295 = arith.constant 0 : i32
    %dma_wait3A_296 = arith.constant 0 : i32
    %dma_wait3A_297 = tpu.memref_slice %arg2[%dma_wait3A_295, %dma_wait3A_296] : memref<10000x128xf32, #tpu.memory_space<hbm>> -> memref<40x128xf32, #tpu.memory_space<hbm>>
    tpu.wait_dma2 semaphore(%arg20 : memref<!tpu.dma_semaphore, #tpu.memory_space<semaphore_mem>>) src(%dma_wait3A_297 : memref<40x128xf32, #tpu.memory_space<hbm>>) dst(%dma_wait3A_294 : memref<40x128xf32, #tpu.memory_space<vmem>>)
    %dma_wait3A_298 = arith.constant 2 : i32
    %dma_wait3A_299 = arith.constant 0 : i32
    %dma_wait3A_300 = arith.constant 0 : i32
    %dma_wait3A_301 = tpu.memref_slice %arg9[%dma_wait3A_298, %dma_wait3A_299, %dma_wait3A_300] : memref<7x40x128xf32, #tpu.memory_space<vmem>> -> memref<1x40x128xf32, #tpu.memory_space<vmem>>
    %dma_wait3A_302 = tpu.memref_squeeze %dma_wait3A_301 : memref<1x40x128xf32, #tpu.memory_space<vmem>> -> memref<40x128xf32, #tpu.memory_space<vmem>>
    %dma_wait3A_303 = arith.constant 0 : i32
    %dma_wait3A_304 = arith.constant 0 : i32
    %dma_wait3A_305 = tpu.memref_slice %arg2[%dma_wait3A_303, %dma_wait3A_304] : memref<10000x128xf32, #tpu.memory_space<hbm>> -> memref<40x128xf32, #tpu.memory_space<hbm>>
    %dma_wait3A_306 = arith.constant 0 : i32
    %dma_wait3A_307 = arith.constant 0 : i32
    %dma_wait3A_308 = tpu.memref_slice %arg9[%dma_wait3A_298, %dma_wait3A_306, %dma_wait3A_307] : memref<7x40x128xf32, #tpu.memory_space<vmem>> -> memref<1x40x128xf32, #tpu.memory_space<vmem>>
    %dma_wait3A_309 = tpu.memref_squeeze %dma_wait3A_308 : memref<1x40x128xf32, #tpu.memory_space<vmem>> -> memref<40x128xf32, #tpu.memory_space<vmem>>
    %dma_wait3A_310 = arith.constant 0 : i32
    %dma_wait3A_311 = arith.constant 0 : i32
    %dma_wait3A_312 = tpu.memref_slice %arg2[%dma_wait3A_310, %dma_wait3A_311] : memref<10000x128xf32, #tpu.memory_space<hbm>> -> memref<40x128xf32, #tpu.memory_space<hbm>>
    tpu.wait_dma2 semaphore(%arg21 : memref<!tpu.dma_semaphore, #tpu.memory_space<semaphore_mem>>) src(%dma_wait3A_312 : memref<40x128xf32, #tpu.memory_space<hbm>>) dst(%dma_wait3A_309 : memref<40x128xf32, #tpu.memory_space<vmem>>)
    %dma_wait3A_313 = arith.constant 3 : i32
    %dma_wait3A_314 = arith.constant 0 : i32
    %dma_wait3A_315 = arith.constant 0 : i32
    %dma_wait3A_316 = tpu.memref_slice %arg9[%dma_wait3A_313, %dma_wait3A_314, %dma_wait3A_315] : memref<7x40x128xf32, #tpu.memory_space<vmem>> -> memref<1x40x128xf32, #tpu.memory_space<vmem>>
    %dma_wait3A_317 = tpu.memref_squeeze %dma_wait3A_316 : memref<1x40x128xf32, #tpu.memory_space<vmem>> -> memref<40x128xf32, #tpu.memory_space<vmem>>
    %dma_wait3A_318 = arith.constant 0 : i32
    %dma_wait3A_319 = arith.constant 0 : i32
    %dma_wait3A_320 = tpu.memref_slice %arg2[%dma_wait3A_318, %dma_wait3A_319] : memref<10000x128xf32, #tpu.memory_space<hbm>> -> memref<40x128xf32, #tpu.memory_space<hbm>>
    %dma_wait3A_321 = arith.constant 0 : i32
    %dma_wait3A_322 = arith.constant 0 : i32
    %dma_wait3A_323 = tpu.memref_slice %arg9[%dma_wait3A_313, %dma_wait3A_321, %dma_wait3A_322] : memref<7x40x128xf32, #tpu.memory_space<vmem>> -> memref<1x40x128xf32, #tpu.memory_space<vmem>>
    %dma_wait3A_324 = tpu.memref_squeeze %dma_wait3A_323 : memref<1x40x128xf32, #tpu.memory_space<vmem>> -> memref<40x128xf32, #tpu.memory_space<vmem>>
    %dma_wait3A_325 = arith.constant 0 : i32
    %dma_wait3A_326 = arith.constant 0 : i32
    %dma_wait3A_327 = tpu.memref_slice %arg2[%dma_wait3A_325, %dma_wait3A_326] : memref<10000x128xf32, #tpu.memory_space<hbm>> -> memref<40x128xf32, #tpu.memory_space<hbm>>
    tpu.wait_dma2 semaphore(%arg22 : memref<!tpu.dma_semaphore, #tpu.memory_space<semaphore_mem>>) src(%dma_wait3A_327 : memref<40x128xf32, #tpu.memory_space<hbm>>) dst(%dma_wait3A_324 : memref<40x128xf32, #tpu.memory_space<vmem>>)
    %dma_wait3A_328 = arith.constant 4 : i32
    %dma_wait3A_329 = arith.constant 0 : i32
    %dma_wait3A_330 = arith.constant 0 : i32
    %dma_wait3A_331 = tpu.memref_slice %arg9[%dma_wait3A_328, %dma_wait3A_329, %dma_wait3A_330] : memref<7x40x128xf32, #tpu.memory_space<vmem>> -> memref<1x40x128xf32, #tpu.memory_space<vmem>>
    %dma_wait3A_332 = tpu.memref_squeeze %dma_wait3A_331 : memref<1x40x128xf32, #tpu.memory_space<vmem>> -> memref<40x128xf32, #tpu.memory_space<vmem>>
    %dma_wait3A_333 = arith.constant 0 : i32
    %dma_wait3A_334 = arith.constant 0 : i32
    %dma_wait3A_335 = tpu.memref_slice %arg2[%dma_wait3A_333, %dma_wait3A_334] : memref<10000x128xf32, #tpu.memory_space<hbm>> -> memref<40x128xf32, #tpu.memory_space<hbm>>
    %dma_wait3A_336 = arith.constant 0 : i32
    %dma_wait3A_337 = arith.constant 0 : i32
    %dma_wait3A_338 = tpu.memref_slice %arg9[%dma_wait3A_328, %dma_wait3A_336, %dma_wait3A_337] : memref<7x40x128xf32, #tpu.memory_space<vmem>> -> memref<1x40x128xf32, #tpu.memory_space<vmem>>
    %dma_wait3A_339 = tpu.memref_squeeze %dma_wait3A_338 : memref<1x40x128xf32, #tpu.memory_space<vmem>> -> memref<40x128xf32, #tpu.memory_space<vmem>>
    %dma_wait3A_340 = arith.constant 0 : i32
    %dma_wait3A_341 = arith.constant 0 : i32
    %dma_wait3A_342 = tpu.memref_slice %arg2[%dma_wait3A_340, %dma_wait3A_341] : memref<10000x128xf32, #tpu.memory_space<hbm>> -> memref<40x128xf32, #tpu.memory_space<hbm>>
    tpu.wait_dma2 semaphore(%arg23 : memref<!tpu.dma_semaphore, #tpu.memory_space<semaphore_mem>>) src(%dma_wait3A_342 : memref<40x128xf32, #tpu.memory_space<hbm>>) dst(%dma_wait3A_339 : memref<40x128xf32, #tpu.memory_space<vmem>>)
    %barrier3A_343 = arith.constant 0 : index
    tpu.barrier barrier_id(%barrier3A_343)
    "tpu.region"() ({
      %run_scoped3A = tpu.sem_alloc : memref<!tpu.dma_semaphore, #tpu.memory_space<semaphore_mem>>
      %dma_start3A_344 = arith.constant 0 : i32
      %dma_start3A_345 = tpu.memref_slice %arg5[%arg0, %mul3A_0, %dma_start3A_344] : memref<2x10000x128xf32, #tpu.memory_space<hbm>> -> memref<1x625x128xf32, #tpu.memory_space<hbm>>
      %dma_start3A_346 = tpu.memref_squeeze %dma_start3A_345 : memref<1x625x128xf32, #tpu.memory_space<hbm>> -> memref<625x128xf32, #tpu.memory_space<hbm>>
      %dma_start3A_347 = arith.constant 0 : i32
      %dma_start3A_348 = tpu.memref_slice %arg6[%mul3A_0, %dma_start3A_347] : memref<10000x128xf32, #tpu.memory_space<vmem_shared>> -> memref<625x128xf32, #tpu.memory_space<vmem_shared>>
      tpu.enqueue_dma source(%dma_start3A_348 : memref<625x128xf32, #tpu.memory_space<vmem_shared>>) target(%dma_start3A_346 : memref<625x128xf32, #tpu.memory_space<hbm>>) target_semaphore(%run_scoped3A : memref<!tpu.dma_semaphore, #tpu.memory_space<semaphore_mem>>)
      %dma_wait3A_349 = arith.constant 0 : i32
      %dma_wait3A_350 = tpu.memref_slice %arg5[%arg0, %mul3A_0, %dma_wait3A_349] : memref<2x10000x128xf32, #tpu.memory_space<hbm>> -> memref<1x625x128xf32, #tpu.memory_space<hbm>>
      %dma_wait3A_351 = tpu.memref_squeeze %dma_wait3A_350 : memref<1x625x128xf32, #tpu.memory_space<hbm>> -> memref<625x128xf32, #tpu.memory_space<hbm>>
      %dma_wait3A_352 = arith.constant 0 : i32
      %dma_wait3A_353 = tpu.memref_slice %arg6[%mul3A_0, %dma_wait3A_352] : memref<10000x128xf32, #tpu.memory_space<vmem_shared>> -> memref<625x128xf32, #tpu.memory_space<vmem_shared>>
      tpu.wait_dma2 semaphore(%run_scoped3A : memref<!tpu.dma_semaphore, #tpu.memory_space<semaphore_mem>>) src(%dma_wait3A_353 : memref<625x128xf32, #tpu.memory_space<vmem_shared>>) dst(%dma_wait3A_351 : memref<625x128xf32, #tpu.memory_space<hbm>>)
      tpu.yield
    }) : () -> ()
    return
  }
}

#map = affine_map<(d0, d1) -> (0, 0)>
#map1 = affine_map<(d0, d1) -> (0, 0, 0)>
module attributes {stable_mosaic.version = 14 : i64} {
  func.func @_conv_body(%arg0: i32, %arg1: i32, %arg2: memref<10000x128xf32, #tpu.memory_space<hbm>>, %arg3: memref<8000x40xi32, #tpu.memory_space<hbm>>, %arg4: memref<8000x40xi32, #tpu.memory_space<hbm>>, %arg5: memref<2x10000x128xf32, #tpu.memory_space<hbm>>, %arg6: memref<10000x128xf32, #tpu.memory_space<vmem_shared>>, %arg7: memref<250x40xi32, #tpu.memory_space<vmem>>, %arg8: memref<2x7x40xi32, #tpu.memory_space<vmem>>, %arg9: memref<7x40x128xf32, #tpu.memory_space<vmem>>, %arg10: memref<!tpu.dma_semaphore, #tpu.memory_space<semaphore_mem>>, %arg11: memref<!tpu.dma_semaphore, #tpu.memory_space<semaphore_mem>>, %arg12: memref<!tpu.dma_semaphore, #tpu.memory_space<semaphore_mem>>, %arg13: memref<!tpu.dma_semaphore, #tpu.memory_space<semaphore_mem>>, %arg14: memref<!tpu.dma_semaphore, #tpu.memory_space<semaphore_mem>>, %arg15: memref<!tpu.dma_semaphore, #tpu.memory_space<semaphore_mem>>, %arg16: memref<!tpu.dma_semaphore, #tpu.memory_space<semaphore_mem>>, %arg17: memref<!tpu.dma_semaphore, #tpu.memory_space<semaphore_mem>>, %arg18: memref<!tpu.dma_semaphore, #tpu.memory_space<semaphore_mem>>, %arg19: memref<!tpu.dma_semaphore, #tpu.memory_space<semaphore_mem>>, %arg20: memref<!tpu.dma_semaphore, #tpu.memory_space<semaphore_mem>>, %arg21: memref<!tpu.dma_semaphore, #tpu.memory_space<semaphore_mem>>, %arg22: memref<!tpu.dma_semaphore, #tpu.memory_space<semaphore_mem>>, %arg23: memref<!tpu.dma_semaphore, #tpu.memory_space<semaphore_mem>>, %arg24: memref<!tpu.dma_semaphore, #tpu.memory_space<semaphore_mem>>, %arg25: memref<!tpu.dma_semaphore, #tpu.memory_space<semaphore_mem>>) attributes {dimension_semantics = [#tpu.dimension_semantics<core_parallel>, #tpu.dimension_semantics<subcore_parallel>], iteration_bounds = array<i64: 2, 16>, scalar_prefetch = 0 : i64, scratch_operands = 20 : i64, tpu.core_type = #tpu.core_type<sc_vector_subcore>, window_params = [{transform_indices = #map}, {transform_indices = #map}, {transform_indices = #map}, {transform_indices = #map1}]} {
    %mul3A = arith.constant 625 : i32
    %mul3A_0 = arith.muli %arg1, %mul3A : i32
    %dma_start3A = arith.constant 0 : i32
    %dma_start3A_1 = tpu.memref_slice %arg6[%mul3A_0, %dma_start3A] : memref<10000x128xf32, #tpu.memory_space<vmem_shared>> -> memref<625x128xf32, #tpu.memory_space<vmem_shared>>
    %dma_start3A_2 = arith.constant 0 : i32
    %dma_start3A_3 = tpu.memref_slice %arg2[%mul3A_0, %dma_start3A_2] : memref<10000x128xf32, #tpu.memory_space<hbm>> -> memref<625x128xf32, #tpu.memory_space<hbm>>
    tpu.enqueue_dma source(%dma_start3A_3 : memref<625x128xf32, #tpu.memory_space<hbm>>) target(%dma_start3A_1 : memref<625x128xf32, #tpu.memory_space<vmem_shared>>) target_semaphore(%arg10 : memref<!tpu.dma_semaphore, #tpu.memory_space<semaphore_mem>>)
    %mul3A_4 = arith.constant 16 : i32
    %mul3A_5 = arith.muli %arg0, %mul3A_4 : i32
    %add3A = arith.addi %mul3A_5, %arg1 : i32
    %mul3A_6 = arith.constant 250 : i32
    %mul3A_7 = arith.muli %add3A, %mul3A_6 : i32
    "tpu.region"() ({
      %run_scoped3A = tpu.sem_alloc : memref<!tpu.dma_semaphore, #tpu.memory_space<semaphore_mem>>
      %dma_start3A_344 = arith.constant 0 : i32
      %dma_start3A_345 = tpu.memref_slice %arg3[%mul3A_7, %dma_start3A_344] : memref<8000x40xi32, #tpu.memory_space<hbm>> -> memref<250x40xi32, #tpu.memory_space<hbm>>
      %dma_start3A_346 = arith.constant 0 : i32
      %dma_start3A_347 = tpu.memref_slice %arg3[%mul3A_7, %dma_start3A_346] : memref<8000x40xi32, #tpu.memory_space<hbm>> -> memref<250x40xi32, #tpu.memory_space<hbm>>
      tpu.enqueue_dma source(%dma_start3A_347 : memref<250x40xi32, #tpu.memory_space<hbm>>) target(%arg7 : memref<250x40xi32, #tpu.memory_space<vmem>>) target_semaphore(%run_scoped3A : memref<!tpu.dma_semaphore, #tpu.memory_space<semaphore_mem>>)
      %dma_wait3A_348 = arith.constant 0 : i32
      %dma_wait3A_349 = tpu.memref_slice %arg3[%mul3A_7, %dma_wait3A_348] : memref<8000x40xi32, #tpu.memory_space<hbm>> -> memref<250x40xi32, #tpu.memory_space<hbm>>
      %dma_wait3A_350 = arith.constant 0 : i32
      %dma_wait3A_351 = tpu.memref_slice %arg3[%mul3A_7, %dma_wait3A_350] : memref<8000x40xi32, #tpu.memory_space<hbm>> -> memref<250x40xi32, #tpu.memory_space<hbm>>
      tpu.wait_dma2 semaphore(%run_scoped3A : memref<!tpu.dma_semaphore, #tpu.memory_space<semaphore_mem>>) src(%dma_wait3A_351 : memref<250x40xi32, #tpu.memory_space<hbm>>) dst(%arg7 : memref<250x40xi32, #tpu.memory_space<vmem>>)
      tpu.yield
    }) : () -> ()
    %dma_start3A_8 = arith.constant 0 : i32
    %dma_start3A_9 = arith.constant 0 : i32
    %dma_start3A_10 = arith.constant 0 : i32
    %dma_start3A_11 = tpu.memref_slice %arg8[%dma_start3A_8, %dma_start3A_9, %dma_start3A_10] : memref<2x7x40xi32, #tpu.memory_space<vmem>> -> memref<1x7x40xi32, #tpu.memory_space<vmem>>
    %dma_start3A_12 = tpu.memref_squeeze %dma_start3A_11 : memref<1x7x40xi32, #tpu.memory_space<vmem>> -> memref<7x40xi32, #tpu.memory_space<vmem>>
    %dma_start3A_13 = arith.constant 0 : i32
    %dma_start3A_14 = tpu.memref_slice %arg4[%mul3A_7, %dma_start3A_13] : memref<8000x40xi32, #tpu.memory_space<hbm>> -> memref<7x40xi32, #tpu.memory_space<hbm>>
    %dma_start3A_15 = arith.constant 0 : i32
    %dma_start3A_16 = arith.constant 0 : i32
    %dma_start3A_17 = tpu.memref_slice %arg8[%dma_start3A_8, %dma_start3A_15, %dma_start3A_16] : memref<2x7x40xi32, #tpu.memory_space<vmem>> -> memref<1x7x40xi32, #tpu.memory_space<vmem>>
    %dma_start3A_18 = tpu.memref_squeeze %dma_start3A_17 : memref<1x7x40xi32, #tpu.memory_space<vmem>> -> memref<7x40xi32, #tpu.memory_space<vmem>>
    %dma_start3A_19 = arith.constant 0 : i32
    %dma_start3A_20 = tpu.memref_slice %arg4[%mul3A_7, %dma_start3A_19] : memref<8000x40xi32, #tpu.memory_space<hbm>> -> memref<7x40xi32, #tpu.memory_space<hbm>>
    tpu.enqueue_dma source(%dma_start3A_20 : memref<7x40xi32, #tpu.memory_space<hbm>>) target(%dma_start3A_18 : memref<7x40xi32, #tpu.memory_space<vmem>>) target_semaphore(%arg11 : memref<!tpu.dma_semaphore, #tpu.memory_space<semaphore_mem>>)
    %dma_start3A_21 = arith.constant 0 : i32
    %dma_start3A_22 = arith.constant 0 : i32
    %dma_start3A_23 = arith.constant 0 : i32
    %dma_start3A_24 = arith.constant 0 : i32
    %dma_start3A_25 = tpu.memref_slice %arg9[%dma_start3A_22, %dma_start3A_23, %dma_start3A_24] : memref<7x40x128xf32, #tpu.memory_space<vmem>> -> memref<1x40x128xf32, #tpu.memory_space<vmem>>
    %dma_start3A_26 = tpu.memref_squeeze %dma_start3A_25 : memref<1x40x128xf32, #tpu.memory_space<vmem>> -> memref<40x128xf32, #tpu.memory_space<vmem>>
    %dma_start3A_27 = arith.constant 0 : i32
    %dma_start3A_28 = tpu.memref_slice %arg7[%dma_start3A_21, %dma_start3A_27] : memref<250x40xi32, #tpu.memory_space<vmem>> -> memref<1x40xi32, #tpu.memory_space<vmem>>
    %dma_start3A_29 = tpu.memref_squeeze %dma_start3A_28 : memref<1x40xi32, #tpu.memory_space<vmem>> -> memref<40xi32, #tpu.memory_space<vmem>>
    %dma_start3A_30 = arith.constant 0 : i32
    %dma_start3A_31 = arith.constant 0 : i32
    %dma_start3A_32 = tpu.memref_slice %arg2[%dma_start3A_30, %dma_start3A_31] : memref<10000x128xf32, #tpu.memory_space<hbm>> -> memref<10000x128xf32, #tpu.memory_space<hbm>>
    tpu.enqueue_indirect_dma source(%dma_start3A_32 : memref<10000x128xf32, #tpu.memory_space<hbm>>) target(%dma_start3A_26 : memref<40x128xf32, #tpu.memory_space<vmem>>) offsets(%dma_start3A_29 : memref<40xi32, #tpu.memory_space<vmem>>) semaphore(%arg12 : memref<!tpu.dma_semaphore, #tpu.memory_space<semaphore_mem>>)
    %dma_start3A_33 = arith.constant 1 : i32
    %dma_start3A_34 = arith.constant 1 : i32
    %dma_start3A_35 = arith.constant 0 : i32
    %dma_start3A_36 = arith.constant 0 : i32
    %dma_start3A_37 = tpu.memref_slice %arg9[%dma_start3A_34, %dma_start3A_35, %dma_start3A_36] : memref<7x40x128xf32, #tpu.memory_space<vmem>> -> memref<1x40x128xf32, #tpu.memory_space<vmem>>
    %dma_start3A_38 = tpu.memref_squeeze %dma_start3A_37 : memref<1x40x128xf32, #tpu.memory_space<vmem>> -> memref<40x128xf32, #tpu.memory_space<vmem>>
    %dma_start3A_39 = arith.constant 0 : i32
    %dma_start3A_40 = tpu.memref_slice %arg7[%dma_start3A_33, %dma_start3A_39] : memref<250x40xi32, #tpu.memory_space<vmem>> -> memref<1x40xi32, #tpu.memory_space<vmem>>
    %dma_start3A_41 = tpu.memref_squeeze %dma_start3A_40 : memref<1x40xi32, #tpu.memory_space<vmem>> -> memref<40xi32, #tpu.memory_space<vmem>>
    %dma_start3A_42 = arith.constant 0 : i32
    %dma_start3A_43 = arith.constant 0 : i32
    %dma_start3A_44 = tpu.memref_slice %arg2[%dma_start3A_42, %dma_start3A_43] : memref<10000x128xf32, #tpu.memory_space<hbm>> -> memref<10000x128xf32, #tpu.memory_space<hbm>>
    tpu.enqueue_indirect_dma source(%dma_start3A_44 : memref<10000x128xf32, #tpu.memory_space<hbm>>) target(%dma_start3A_38 : memref<40x128xf32, #tpu.memory_space<vmem>>) offsets(%dma_start3A_41 : memref<40xi32, #tpu.memory_space<vmem>>) semaphore(%arg13 : memref<!tpu.dma_semaphore, #tpu.memory_space<semaphore_mem>>)
    %dma_start3A_45 = arith.constant 2 : i32
    %dma_start3A_46 = arith.constant 2 : i32
    %dma_start3A_47 = arith.constant 0 : i32
    %dma_start3A_48 = arith.constant 0 : i32
    %dma_start3A_49 = tpu.memref_slice %arg9[%dma_start3A_46, %dma_start3A_47, %dma_start3A_48] : memref<7x40x128xf32, #tpu.memory_space<vmem>> -> memref<1x40x128xf32, #tpu.memory_space<vmem>>
    %dma_start3A_50 = tpu.memref_squeeze %dma_start3A_49 : memref<1x40x128xf32, #tpu.memory_space<vmem>> -> memref<40x128xf32, #tpu.memory_space<vmem>>
    %dma_start3A_51 = arith.constant 0 : i32
    %dma_start3A_52 = tpu.memref_slice %arg7[%dma_start3A_45, %dma_start3A_51] : memref<250x40xi32, #tpu.memory_space<vmem>> -> memref<1x40xi32, #tpu.memory_space<vmem>>
    %dma_start3A_53 = tpu.memref_squeeze %dma_start3A_52 : memref<1x40xi32, #tpu.memory_space<vmem>> -> memref<40xi32, #tpu.memory_space<vmem>>
    %dma_start3A_54 = arith.constant 0 : i32
    %dma_start3A_55 = arith.constant 0 : i32
    %dma_start3A_56 = tpu.memref_slice %arg2[%dma_start3A_54, %dma_start3A_55] : memref<10000x128xf32, #tpu.memory_space<hbm>> -> memref<10000x128xf32, #tpu.memory_space<hbm>>
    tpu.enqueue_indirect_dma source(%dma_start3A_56 : memref<10000x128xf32, #tpu.memory_space<hbm>>) target(%dma_start3A_50 : memref<40x128xf32, #tpu.memory_space<vmem>>) offsets(%dma_start3A_53 : memref<40xi32, #tpu.memory_space<vmem>>) semaphore(%arg14 : memref<!tpu.dma_semaphore, #tpu.memory_space<semaphore_mem>>)
    %dma_start3A_57 = arith.constant 3 : i32
    %dma_start3A_58 = arith.constant 3 : i32
    %dma_start3A_59 = arith.constant 0 : i32
    %dma_start3A_60 = arith.constant 0 : i32
    %dma_start3A_61 = tpu.memref_slice %arg9[%dma_start3A_58, %dma_start3A_59, %dma_start3A_60] : memref<7x40x128xf32, #tpu.memory_space<vmem>> -> memref<1x40x128xf32, #tpu.memory_space<vmem>>
    %dma_start3A_62 = tpu.memref_squeeze %dma_start3A_61 : memref<1x40x128xf32, #tpu.memory_space<vmem>> -> memref<40x128xf32, #tpu.memory_space<vmem>>
    %dma_start3A_63 = arith.constant 0 : i32
    %dma_start3A_64 = tpu.memref_slice %arg7[%dma_start3A_57, %dma_start3A_63] : memref<250x40xi32, #tpu.memory_space<vmem>> -> memref<1x40xi32, #tpu.memory_space<vmem>>
    %dma_start3A_65 = tpu.memref_squeeze %dma_start3A_64 : memref<1x40xi32, #tpu.memory_space<vmem>> -> memref<40xi32, #tpu.memory_space<vmem>>
    %dma_start3A_66 = arith.constant 0 : i32
    %dma_start3A_67 = arith.constant 0 : i32
    %dma_start3A_68 = tpu.memref_slice %arg2[%dma_start3A_66, %dma_start3A_67] : memref<10000x128xf32, #tpu.memory_space<hbm>> -> memref<10000x128xf32, #tpu.memory_space<hbm>>
    tpu.enqueue_indirect_dma source(%dma_start3A_68 : memref<10000x128xf32, #tpu.memory_space<hbm>>) target(%dma_start3A_62 : memref<40x128xf32, #tpu.memory_space<vmem>>) offsets(%dma_start3A_65 : memref<40xi32, #tpu.memory_space<vmem>>) semaphore(%arg15 : memref<!tpu.dma_semaphore, #tpu.memory_space<semaphore_mem>>)
    %dma_start3A_69 = arith.constant 4 : i32
    %dma_start3A_70 = arith.constant 4 : i32
    %dma_start3A_71 = arith.constant 0 : i32
    %dma_start3A_72 = arith.constant 0 : i32
    %dma_start3A_73 = tpu.memref_slice %arg9[%dma_start3A_70, %dma_start3A_71, %dma_start3A_72] : memref<7x40x128xf32, #tpu.memory_space<vmem>> -> memref<1x40x128xf32, #tpu.memory_space<vmem>>
    %dma_start3A_74 = tpu.memref_squeeze %dma_start3A_73 : memref<1x40x128xf32, #tpu.memory_space<vmem>> -> memref<40x128xf32, #tpu.memory_space<vmem>>
    %dma_start3A_75 = arith.constant 0 : i32
    %dma_start3A_76 = tpu.memref_slice %arg7[%dma_start3A_69, %dma_start3A_75] : memref<250x40xi32, #tpu.memory_space<vmem>> -> memref<1x40xi32, #tpu.memory_space<vmem>>
    %dma_start3A_77 = tpu.memref_squeeze %dma_start3A_76 : memref<1x40xi32, #tpu.memory_space<vmem>> -> memref<40xi32, #tpu.memory_space<vmem>>
    %dma_start3A_78 = arith.constant 0 : i32
    %dma_start3A_79 = arith.constant 0 : i32
    %dma_start3A_80 = tpu.memref_slice %arg2[%dma_start3A_78, %dma_start3A_79] : memref<10000x128xf32, #tpu.memory_space<hbm>> -> memref<10000x128xf32, #tpu.memory_space<hbm>>
    tpu.enqueue_indirect_dma source(%dma_start3A_80 : memref<10000x128xf32, #tpu.memory_space<hbm>>) target(%dma_start3A_74 : memref<40x128xf32, #tpu.memory_space<vmem>>) offsets(%dma_start3A_77 : memref<40xi32, #tpu.memory_space<vmem>>) semaphore(%arg16 : memref<!tpu.dma_semaphore, #tpu.memory_space<semaphore_mem>>)
    %dma_start3A_81 = arith.constant 5 : i32
    %dma_start3A_82 = arith.constant 5 : i32
    %dma_start3A_83 = arith.constant 0 : i32
    %dma_start3A_84 = arith.constant 0 : i32
    %dma_start3A_85 = tpu.memref_slice %arg9[%dma_start3A_82, %dma_start3A_83, %dma_start3A_84] : memref<7x40x128xf32, #tpu.memory_space<vmem>> -> memref<1x40x128xf32, #tpu.memory_space<vmem>>
    %dma_start3A_86 = tpu.memref_squeeze %dma_start3A_85 : memref<1x40x128xf32, #tpu.memory_space<vmem>> -> memref<40x128xf32, #tpu.memory_space<vmem>>
    %dma_start3A_87 = arith.constant 0 : i32
    %dma_start3A_88 = tpu.memref_slice %arg7[%dma_start3A_81, %dma_start3A_87] : memref<250x40xi32, #tpu.memory_space<vmem>> -> memref<1x40xi32, #tpu.memory_space<vmem>>
    %dma_start3A_89 = tpu.memref_squeeze %dma_start3A_88 : memref<1x40xi32, #tpu.memory_space<vmem>> -> memref<40xi32, #tpu.memory_space<vmem>>
    %dma_start3A_90 = arith.constant 0 : i32
    %dma_start3A_91 = arith.constant 0 : i32
    %dma_start3A_92 = tpu.memref_slice %arg2[%dma_start3A_90, %dma_start3A_91] : memref<10000x128xf32, #tpu.memory_space<hbm>> -> memref<10000x128xf32, #tpu.memory_space<hbm>>
    tpu.enqueue_indirect_dma source(%dma_start3A_92 : memref<10000x128xf32, #tpu.memory_space<hbm>>) target(%dma_start3A_86 : memref<40x128xf32, #tpu.memory_space<vmem>>) offsets(%dma_start3A_89 : memref<40xi32, #tpu.memory_space<vmem>>) semaphore(%arg17 : memref<!tpu.dma_semaphore, #tpu.memory_space<semaphore_mem>>)
    %dma_start3A_93 = arith.constant 6 : i32
    %dma_start3A_94 = arith.constant 6 : i32
    %dma_start3A_95 = arith.constant 0 : i32
    %dma_start3A_96 = arith.constant 0 : i32
    %dma_start3A_97 = tpu.memref_slice %arg9[%dma_start3A_94, %dma_start3A_95, %dma_start3A_96] : memref<7x40x128xf32, #tpu.memory_space<vmem>> -> memref<1x40x128xf32, #tpu.memory_space<vmem>>
    %dma_start3A_98 = tpu.memref_squeeze %dma_start3A_97 : memref<1x40x128xf32, #tpu.memory_space<vmem>> -> memref<40x128xf32, #tpu.memory_space<vmem>>
    %dma_start3A_99 = arith.constant 0 : i32
    %dma_start3A_100 = tpu.memref_slice %arg7[%dma_start3A_93, %dma_start3A_99] : memref<250x40xi32, #tpu.memory_space<vmem>> -> memref<1x40xi32, #tpu.memory_space<vmem>>
    %dma_start3A_101 = tpu.memref_squeeze %dma_start3A_100 : memref<1x40xi32, #tpu.memory_space<vmem>> -> memref<40xi32, #tpu.memory_space<vmem>>
    %dma_start3A_102 = arith.constant 0 : i32
    %dma_start3A_103 = arith.constant 0 : i32
    %dma_start3A_104 = tpu.memref_slice %arg2[%dma_start3A_102, %dma_start3A_103] : memref<10000x128xf32, #tpu.memory_space<hbm>> -> memref<10000x128xf32, #tpu.memory_space<hbm>>
    tpu.enqueue_indirect_dma source(%dma_start3A_104 : memref<10000x128xf32, #tpu.memory_space<hbm>>) target(%dma_start3A_98 : memref<40x128xf32, #tpu.memory_space<vmem>>) offsets(%dma_start3A_101 : memref<40xi32, #tpu.memory_space<vmem>>) semaphore(%arg18 : memref<!tpu.dma_semaphore, #tpu.memory_space<semaphore_mem>>)
    %dma_wait3A = arith.constant 0 : i32
    %dma_wait3A_105 = tpu.memref_slice %arg6[%mul3A_0, %dma_wait3A] : memref<10000x128xf32, #tpu.memory_space<vmem_shared>> -> memref<625x128xf32, #tpu.memory_space<vmem_shared>>
    %dma_wait3A_106 = arith.constant 0 : i32
    %dma_wait3A_107 = tpu.memref_slice %arg2[%mul3A_0, %dma_wait3A_106] : memref<10000x128xf32, #tpu.memory_space<hbm>> -> memref<625x128xf32, #tpu.memory_space<hbm>>
    tpu.wait_dma2 semaphore(%arg10 : memref<!tpu.dma_semaphore, #tpu.memory_space<semaphore_mem>>) src(%dma_wait3A_107 : memref<625x128xf32, #tpu.memory_space<hbm>>) dst(%dma_wait3A_105 : memref<625x128xf32, #tpu.memory_space<vmem_shared>>)
    %barrier3A = arith.constant 0 : index
    tpu.barrier barrier_id(%barrier3A)
    %scan3A = arith.constant 0 : i32
    %scan3A_108 = arith.constant 0 : i32
    %scan3A_109 = arith.constant 35 : i32
    %scan3A_110 = arith.addi %scan3A_108, %scan3A_109 : i32
    %scan3A_111 = arith.constant 1 : i32
    scf.for %scan3A_344 = %scan3A_108 to %scan3A_110 step %scan3A_111  : i32 {
      %mul3A_345 = arith.constant 7 : i32
      %mul3A_346 = arith.muli %scan3A_344, %mul3A_345 : i32
      %rem3A = arith.constant 2 : i32
      %rem3A_347 = arith.remsi %scan3A_344, %rem3A : i32
      %dma_wait3A_348 = arith.constant 0 : i32
      %dma_wait3A_349 = arith.constant 0 : i32
      %dma_wait3A_350 = arith.constant 0 : i32
      %dma_wait3A_351 = tpu.memref_slice %arg8[%dma_wait3A_348, %dma_wait3A_349, %dma_wait3A_350] : memref<2x7x40xi32, #tpu.memory_space<vmem>> -> memref<1x7x40xi32, #tpu.memory_space<vmem>>
      %dma_wait3A_352 = tpu.memref_squeeze %dma_wait3A_351 : memref<1x7x40xi32, #tpu.memory_space<vmem>> -> memref<7x40xi32, #tpu.memory_space<vmem>>
      %dma_wait3A_353 = arith.constant 0 : i32
      %dma_wait3A_354 = arith.constant 0 : i32
      %dma_wait3A_355 = tpu.memref_slice %arg4[%dma_wait3A_353, %dma_wait3A_354] : memref<8000x40xi32, #tpu.memory_space<hbm>> -> memref<7x40xi32, #tpu.memory_space<hbm>>
      %dma_wait3A_356 = arith.constant 0 : i32
      %dma_wait3A_357 = arith.constant 0 : i32
      %dma_wait3A_358 = tpu.memref_slice %arg8[%dma_wait3A_348, %dma_wait3A_356, %dma_wait3A_357] : memref<2x7x40xi32, #tpu.memory_space<vmem>> -> memref<1x7x40xi32, #tpu.memory_space<vmem>>
      %dma_wait3A_359 = tpu.memref_squeeze %dma_wait3A_358 : memref<1x7x40xi32, #tpu.memory_space<vmem>> -> memref<7x40xi32, #tpu.memory_space<vmem>>
      %dma_wait3A_360 = arith.constant 0 : i32
      %dma_wait3A_361 = arith.constant 0 : i32
      %dma_wait3A_362 = tpu.memref_slice %arg4[%dma_wait3A_360, %dma_wait3A_361] : memref<8000x40xi32, #tpu.memory_space<hbm>> -> memref<7x40xi32, #tpu.memory_space<hbm>>
      tpu.wait_dma2 semaphore(%arg11 : memref<!tpu.dma_semaphore, #tpu.memory_space<semaphore_mem>>) src(%dma_wait3A_362 : memref<7x40xi32, #tpu.memory_space<hbm>>) dst(%dma_wait3A_359 : memref<7x40xi32, #tpu.memory_space<vmem>>)
      %add3A_363 = arith.constant 2 : i32
      %add3A_364 = arith.addi %scan3A_344, %add3A_363 : i32
      %le3A = arith.constant 35 : i32
      %le3A_365 = arith.cmpi sle, %add3A_364, %le3A : i32
      %convert_element_type3A = arith.extui %le3A_365 : i1 to i32
      %cond3A = arith.constant 0 : i32
      %cond3A_366 = arith.cmpi ne, %convert_element_type3A, %cond3A : i32
      scf.if %cond3A_366 {
        %add3A_729 = arith.constant 1 : i32
        %add3A_730 = arith.addi %scan3A_344, %add3A_729 : i32
        %mul3A_731 = arith.constant 7 : i32
        %mul3A_732 = arith.muli %add3A_730, %mul3A_731 : i32
        %add3A_733 = arith.addi %mul3A_7, %mul3A_732 : i32
        %sub3A = arith.constant 1 : i32
        %sub3A_734 = arith.subi %sub3A, %rem3A_347 : i32
        %dma_start3A_735 = arith.constant 0 : i32
        %dma_start3A_736 = arith.constant 0 : i32
        %dma_start3A_737 = tpu.memref_slice %arg8[%sub3A_734, %dma_start3A_735, %dma_start3A_736] : memref<2x7x40xi32, #tpu.memory_space<vmem>> -> memref<1x7x40xi32, #tpu.memory_space<vmem>>
        %dma_start3A_738 = tpu.memref_squeeze %dma_start3A_737 : memref<1x7x40xi32, #tpu.memory_space<vmem>> -> memref<7x40xi32, #tpu.memory_space<vmem>>
        %dma_start3A_739 = arith.constant 0 : i32
        %dma_start3A_740 = tpu.memref_slice %arg4[%add3A_733, %dma_start3A_739] : memref<8000x40xi32, #tpu.memory_space<hbm>> -> memref<7x40xi32, #tpu.memory_space<hbm>>
        %dma_start3A_741 = arith.constant 0 : i32
        %dma_start3A_742 = arith.constant 0 : i32
        %dma_start3A_743 = tpu.memref_slice %arg8[%sub3A_734, %dma_start3A_741, %dma_start3A_742] : memref<2x7x40xi32, #tpu.memory_space<vmem>> -> memref<1x7x40xi32, #tpu.memory_space<vmem>>
        %dma_start3A_744 = tpu.memref_squeeze %dma_start3A_743 : memref<1x7x40xi32, #tpu.memory_space<vmem>> -> memref<7x40xi32, #tpu.memory_space<vmem>>
        %dma_start3A_745 = arith.constant 0 : i32
        %dma_start3A_746 = tpu.memref_slice %arg4[%add3A_733, %dma_start3A_745] : memref<8000x40xi32, #tpu.memory_space<hbm>> -> memref<7x40xi32, #tpu.memory_space<hbm>>
        tpu.enqueue_dma source(%dma_start3A_746 : memref<7x40xi32, #tpu.memory_space<hbm>>) target(%dma_start3A_744 : memref<7x40xi32, #tpu.memory_space<vmem>>) target_semaphore(%arg11 : memref<!tpu.dma_semaphore, #tpu.memory_space<semaphore_mem>>)
      } else {
      }
      %add3A_367 = arith.constant 1 : i32
      %add3A_368 = arith.addi %scan3A_344, %add3A_367 : i32
      %eq3A = arith.constant 35 : i32
      %eq3A_369 = arith.cmpi eq, %add3A_368, %eq3A : i32
      %convert_element_type3A_370 = arith.extui %eq3A_369 : i1 to i32
      %cond3A_371 = arith.constant 0 : i32
      %cond3A_372 = arith.cmpi ne, %convert_element_type3A_370, %cond3A_371 : i32
      scf.if %cond3A_372 {
        %add3A_729 = arith.constant 245 : i32
        %add3A_730 = arith.addi %mul3A_7, %add3A_729 : i32
        %sub3A = arith.constant 1 : i32
        %sub3A_731 = arith.subi %sub3A, %rem3A_347 : i32
        %dma_start3A_732 = arith.constant 0 : i32
        %dma_start3A_733 = arith.constant 0 : i32
        %dma_start3A_734 = tpu.memref_slice %arg8[%sub3A_731, %dma_start3A_732, %dma_start3A_733] : memref<2x7x40xi32, #tpu.memory_space<vmem>> -> memref<1x5x40xi32, #tpu.memory_space<vmem>>
        %dma_start3A_735 = tpu.memref_squeeze %dma_start3A_734 : memref<1x5x40xi32, #tpu.memory_space<vmem>> -> memref<5x40xi32, #tpu.memory_space<vmem>>
        %dma_start3A_736 = arith.constant 0 : i32
        %dma_start3A_737 = tpu.memref_slice %arg4[%add3A_730, %dma_start3A_736] : memref<8000x40xi32, #tpu.memory_space<hbm>> -> memref<5x40xi32, #tpu.memory_space<hbm>>
        %dma_start3A_738 = arith.constant 0 : i32
        %dma_start3A_739 = arith.constant 0 : i32
        %dma_start3A_740 = tpu.memref_slice %arg8[%sub3A_731, %dma_start3A_738, %dma_start3A_739] : memref<2x7x40xi32, #tpu.memory_space<vmem>> -> memref<1x5x40xi32, #tpu.memory_space<vmem>>
        %dma_start3A_741 = tpu.memref_squeeze %dma_start3A_740 : memref<1x5x40xi32, #tpu.memory_space<vmem>> -> memref<5x40xi32, #tpu.memory_space<vmem>>
        %dma_start3A_742 = arith.constant 0 : i32
        %dma_start3A_743 = tpu.memref_slice %arg4[%add3A_730, %dma_start3A_742] : memref<8000x40xi32, #tpu.memory_space<hbm>> -> memref<5x40xi32, #tpu.memory_space<hbm>>
        tpu.enqueue_dma source(%dma_start3A_743 : memref<5x40xi32, #tpu.memory_space<hbm>>) target(%dma_start3A_741 : memref<5x40xi32, #tpu.memory_space<vmem>>) target_semaphore(%arg11 : memref<!tpu.dma_semaphore, #tpu.memory_space<semaphore_mem>>)
      } else {
      }
      %dma_wait3A_373 = arith.constant 0 : i32
      %dma_wait3A_374 = arith.constant 0 : i32
      %dma_wait3A_375 = arith.constant 0 : i32
      %dma_wait3A_376 = tpu.memref_slice %arg9[%dma_wait3A_373, %dma_wait3A_374, %dma_wait3A_375] : memref<7x40x128xf32, #tpu.memory_space<vmem>> -> memref<1x40x128xf32, #tpu.memory_space<vmem>>
      %dma_wait3A_377 = tpu.memref_squeeze %dma_wait3A_376 : memref<1x40x128xf32, #tpu.memory_space<vmem>> -> memref<40x128xf32, #tpu.memory_space<vmem>>
      %dma_wait3A_378 = arith.constant 0 : i32
      %dma_wait3A_379 = arith.constant 0 : i32
      %dma_wait3A_380 = tpu.memref_slice %arg2[%dma_wait3A_378, %dma_wait3A_379] : memref<10000x128xf32, #tpu.memory_space<hbm>> -> memref<40x128xf32, #tpu.memory_space<hbm>>
      %dma_wait3A_381 = arith.constant 0 : i32
      %dma_wait3A_382 = arith.constant 0 : i32
      %dma_wait3A_383 = tpu.memref_slice %arg9[%dma_wait3A_373, %dma_wait3A_381, %dma_wait3A_382] : memref<7x40x128xf32, #tpu.memory_space<vmem>> -> memref<1x40x128xf32, #tpu.memory_space<vmem>>
      %dma_wait3A_384 = tpu.memref_squeeze %dma_wait3A_383 : memref<1x40x128xf32, #tpu.memory_space<vmem>> -> memref<40x128xf32, #tpu.memory_space<vmem>>
      %dma_wait3A_385 = arith.constant 0 : i32
      %dma_wait3A_386 = arith.constant 0 : i32
      %dma_wait3A_387 = tpu.memref_slice %arg2[%dma_wait3A_385, %dma_wait3A_386] : memref<10000x128xf32, #tpu.memory_space<hbm>> -> memref<40x128xf32, #tpu.memory_space<hbm>>
      tpu.wait_dma2 semaphore(%arg12 : memref<!tpu.dma_semaphore, #tpu.memory_space<semaphore_mem>>) src(%dma_wait3A_387 : memref<40x128xf32, #tpu.memory_space<hbm>>) dst(%dma_wait3A_384 : memref<40x128xf32, #tpu.memory_space<vmem>>)
      %dma_start3A_388 = arith.constant 0 : i32
      %dma_start3A_389 = arith.constant 0 : i32
      %dma_start3A_390 = arith.constant 0 : i32
      %dma_start3A_391 = arith.constant 0 : i32
      %dma_start3A_392 = tpu.memref_slice %arg9[%dma_start3A_388, %dma_start3A_390, %dma_start3A_391] : memref<7x40x128xf32, #tpu.memory_space<vmem>> -> memref<1x40x128xf32, #tpu.memory_space<vmem>>
      %dma_start3A_393 = tpu.memref_squeeze %dma_start3A_392 : memref<1x40x128xf32, #tpu.memory_space<vmem>> -> memref<40x128xf32, #tpu.memory_space<vmem>>
      %dma_start3A_394 = arith.constant 0 : i32
      %dma_start3A_395 = tpu.memref_slice %arg8[%rem3A_347, %dma_start3A_389, %dma_start3A_394] : memref<2x7x40xi32, #tpu.memory_space<vmem>> -> memref<1x1x40xi32, #tpu.memory_space<vmem>>
      %dma_start3A_396 = tpu.memref_squeeze %dma_start3A_395 : memref<1x1x40xi32, #tpu.memory_space<vmem>> -> memref<40xi32, #tpu.memory_space<vmem>>
      %dma_start3A_397 = arith.constant 0 : i32
      %dma_start3A_398 = arith.constant 0 : i32
      %dma_start3A_399 = tpu.memref_slice %arg6[%dma_start3A_397, %dma_start3A_398] : memref<10000x128xf32, #tpu.memory_space<vmem_shared>> -> memref<10000x128xf32, #tpu.memory_space<vmem_shared>>
      tpu.enqueue_indirect_dma source(%dma_start3A_393 : memref<40x128xf32, #tpu.memory_space<vmem>>) target(%dma_start3A_399 : memref<10000x128xf32, #tpu.memory_space<vmem_shared>>) offsets(%dma_start3A_396 : memref<40xi32, #tpu.memory_space<vmem>>) semaphore(%arg19 : memref<!tpu.dma_semaphore, #tpu.memory_space<semaphore_mem>>) {add = true}
      %dma_wait3A_400 = arith.constant 1 : i32
      %dma_wait3A_401 = arith.constant 0 : i32
      %dma_wait3A_402 = arith.constant 0 : i32
      %dma_wait3A_403 = tpu.memref_slice %arg9[%dma_wait3A_400, %dma_wait3A_401, %dma_wait3A_402] : memref<7x40x128xf32, #tpu.memory_space<vmem>> -> memref<1x40x128xf32, #tpu.memory_space<vmem>>
      %dma_wait3A_404 = tpu.memref_squeeze %dma_wait3A_403 : memref<1x40x128xf32, #tpu.memory_space<vmem>> -> memref<40x128xf32, #tpu.memory_space<vmem>>
      %dma_wait3A_405 = arith.constant 0 : i32
      %dma_wait3A_406 = arith.constant 0 : i32
      %dma_wait3A_407 = tpu.memref_slice %arg2[%dma_wait3A_405, %dma_wait3A_406] : memref<10000x128xf32, #tpu.memory_space<hbm>> -> memref<40x128xf32, #tpu.memory_space<hbm>>
      %dma_wait3A_408 = arith.constant 0 : i32
      %dma_wait3A_409 = arith.constant 0 : i32
      %dma_wait3A_410 = tpu.memref_slice %arg9[%dma_wait3A_400, %dma_wait3A_408, %dma_wait3A_409] : memref<7x40x128xf32, #tpu.memory_space<vmem>> -> memref<1x40x128xf32, #tpu.memory_space<vmem>>
      %dma_wait3A_411 = tpu.memref_squeeze %dma_wait3A_410 : memref<1x40x128xf32, #tpu.memory_space<vmem>> -> memref<40x128xf32, #tpu.memory_space<vmem>>
      %dma_wait3A_412 = arith.constant 0 : i32
      %dma_wait3A_413 = arith.constant 0 : i32
      %dma_wait3A_414 = tpu.memref_slice %arg2[%dma_wait3A_412, %dma_wait3A_413] : memref<10000x128xf32, #tpu.memory_space<hbm>> -> memref<40x128xf32, #tpu.memory_space<hbm>>
      tpu.wait_dma2 semaphore(%arg13 : memref<!tpu.dma_semaphore, #tpu.memory_space<semaphore_mem>>) src(%dma_wait3A_414 : memref<40x128xf32, #tpu.memory_space<hbm>>) dst(%dma_wait3A_411 : memref<40x128xf32, #tpu.memory_space<vmem>>)
      %dma_start3A_415 = arith.constant 1 : i32
      %dma_start3A_416 = arith.constant 1 : i32
      %dma_start3A_417 = arith.constant 0 : i32
      %dma_start3A_418 = arith.constant 0 : i32
      %dma_start3A_419 = tpu.memref_slice %arg9[%dma_start3A_415, %dma_start3A_417, %dma_start3A_418] : memref<7x40x128xf32, #tpu.memory_space<vmem>> -> memref<1x40x128xf32, #tpu.memory_space<vmem>>
      %dma_start3A_420 = tpu.memref_squeeze %dma_start3A_419 : memref<1x40x128xf32, #tpu.memory_space<vmem>> -> memref<40x128xf32, #tpu.memory_space<vmem>>
      %dma_start3A_421 = arith.constant 0 : i32
      %dma_start3A_422 = tpu.memref_slice %arg8[%rem3A_347, %dma_start3A_416, %dma_start3A_421] : memref<2x7x40xi32, #tpu.memory_space<vmem>> -> memref<1x1x40xi32, #tpu.memory_space<vmem>>
      %dma_start3A_423 = tpu.memref_squeeze %dma_start3A_422 : memref<1x1x40xi32, #tpu.memory_space<vmem>> -> memref<40xi32, #tpu.memory_space<vmem>>
      %dma_start3A_424 = arith.constant 0 : i32
      %dma_start3A_425 = arith.constant 0 : i32
      %dma_start3A_426 = tpu.memref_slice %arg6[%dma_start3A_424, %dma_start3A_425] : memref<10000x128xf32, #tpu.memory_space<vmem_shared>> -> memref<10000x128xf32, #tpu.memory_space<vmem_shared>>
      tpu.enqueue_indirect_dma source(%dma_start3A_420 : memref<40x128xf32, #tpu.memory_space<vmem>>) target(%dma_start3A_426 : memref<10000x128xf32, #tpu.memory_space<vmem_shared>>) offsets(%dma_start3A_423 : memref<40xi32, #tpu.memory_space<vmem>>) semaphore(%arg20 : memref<!tpu.dma_semaphore, #tpu.memory_space<semaphore_mem>>) {add = true}
      %dma_wait3A_427 = arith.constant 2 : i32
      %dma_wait3A_428 = arith.constant 0 : i32
      %dma_wait3A_429 = arith.constant 0 : i32
      %dma_wait3A_430 = tpu.memref_slice %arg9[%dma_wait3A_427, %dma_wait3A_428, %dma_wait3A_429] : memref<7x40x128xf32, #tpu.memory_space<vmem>> -> memref<1x40x128xf32, #tpu.memory_space<vmem>>
      %dma_wait3A_431 = tpu.memref_squeeze %dma_wait3A_430 : memref<1x40x128xf32, #tpu.memory_space<vmem>> -> memref<40x128xf32, #tpu.memory_space<vmem>>
      %dma_wait3A_432 = arith.constant 0 : i32
      %dma_wait3A_433 = arith.constant 0 : i32
      %dma_wait3A_434 = tpu.memref_slice %arg2[%dma_wait3A_432, %dma_wait3A_433] : memref<10000x128xf32, #tpu.memory_space<hbm>> -> memref<40x128xf32, #tpu.memory_space<hbm>>
      %dma_wait3A_435 = arith.constant 0 : i32
      %dma_wait3A_436 = arith.constant 0 : i32
      %dma_wait3A_437 = tpu.memref_slice %arg9[%dma_wait3A_427, %dma_wait3A_435, %dma_wait3A_436] : memref<7x40x128xf32, #tpu.memory_space<vmem>> -> memref<1x40x128xf32, #tpu.memory_space<vmem>>
      %dma_wait3A_438 = tpu.memref_squeeze %dma_wait3A_437 : memref<1x40x128xf32, #tpu.memory_space<vmem>> -> memref<40x128xf32, #tpu.memory_space<vmem>>
      %dma_wait3A_439 = arith.constant 0 : i32
      %dma_wait3A_440 = arith.constant 0 : i32
      %dma_wait3A_441 = tpu.memref_slice %arg2[%dma_wait3A_439, %dma_wait3A_440] : memref<10000x128xf32, #tpu.memory_space<hbm>> -> memref<40x128xf32, #tpu.memory_space<hbm>>
      tpu.wait_dma2 semaphore(%arg14 : memref<!tpu.dma_semaphore, #tpu.memory_space<semaphore_mem>>) src(%dma_wait3A_441 : memref<40x128xf32, #tpu.memory_space<hbm>>) dst(%dma_wait3A_438 : memref<40x128xf32, #tpu.memory_space<vmem>>)
      %dma_start3A_442 = arith.constant 2 : i32
      %dma_start3A_443 = arith.constant 2 : i32
      %dma_start3A_444 = arith.constant 0 : i32
      %dma_start3A_445 = arith.constant 0 : i32
      %dma_start3A_446 = tpu.memref_slice %arg9[%dma_start3A_442, %dma_start3A_444, %dma_start3A_445] : memref<7x40x128xf32, #tpu.memory_space<vmem>> -> memref<1x40x128xf32, #tpu.memory_space<vmem>>
      %dma_start3A_447 = tpu.memref_squeeze %dma_start3A_446 : memref<1x40x128xf32, #tpu.memory_space<vmem>> -> memref<40x128xf32, #tpu.memory_space<vmem>>
      %dma_start3A_448 = arith.constant 0 : i32
      %dma_start3A_449 = tpu.memref_slice %arg8[%rem3A_347, %dma_start3A_443, %dma_start3A_448] : memref<2x7x40xi32, #tpu.memory_space<vmem>> -> memref<1x1x40xi32, #tpu.memory_space<vmem>>
      %dma_start3A_450 = tpu.memref_squeeze %dma_start3A_449 : memref<1x1x40xi32, #tpu.memory_space<vmem>> -> memref<40xi32, #tpu.memory_space<vmem>>
      %dma_start3A_451 = arith.constant 0 : i32
      %dma_start3A_452 = arith.constant 0 : i32
      %dma_start3A_453 = tpu.memref_slice %arg6[%dma_start3A_451, %dma_start3A_452] : memref<10000x128xf32, #tpu.memory_space<vmem_shared>> -> memref<10000x128xf32, #tpu.memory_space<vmem_shared>>
      tpu.enqueue_indirect_dma source(%dma_start3A_447 : memref<40x128xf32, #tpu.memory_space<vmem>>) target(%dma_start3A_453 : memref<10000x128xf32, #tpu.memory_space<vmem_shared>>) offsets(%dma_start3A_450 : memref<40xi32, #tpu.memory_space<vmem>>) semaphore(%arg21 : memref<!tpu.dma_semaphore, #tpu.memory_space<semaphore_mem>>) {add = true}
      %dma_wait3A_454 = arith.constant 3 : i32
      %dma_wait3A_455 = arith.constant 0 : i32
      %dma_wait3A_456 = arith.constant 0 : i32
      %dma_wait3A_457 = tpu.memref_slice %arg9[%dma_wait3A_454, %dma_wait3A_455, %dma_wait3A_456] : memref<7x40x128xf32, #tpu.memory_space<vmem>> -> memref<1x40x128xf32, #tpu.memory_space<vmem>>
      %dma_wait3A_458 = tpu.memref_squeeze %dma_wait3A_457 : memref<1x40x128xf32, #tpu.memory_space<vmem>> -> memref<40x128xf32, #tpu.memory_space<vmem>>
      %dma_wait3A_459 = arith.constant 0 : i32
      %dma_wait3A_460 = arith.constant 0 : i32
      %dma_wait3A_461 = tpu.memref_slice %arg2[%dma_wait3A_459, %dma_wait3A_460] : memref<10000x128xf32, #tpu.memory_space<hbm>> -> memref<40x128xf32, #tpu.memory_space<hbm>>
      %dma_wait3A_462 = arith.constant 0 : i32
      %dma_wait3A_463 = arith.constant 0 : i32
      %dma_wait3A_464 = tpu.memref_slice %arg9[%dma_wait3A_454, %dma_wait3A_462, %dma_wait3A_463] : memref<7x40x128xf32, #tpu.memory_space<vmem>> -> memref<1x40x128xf32, #tpu.memory_space<vmem>>
      %dma_wait3A_465 = tpu.memref_squeeze %dma_wait3A_464 : memref<1x40x128xf32, #tpu.memory_space<vmem>> -> memref<40x128xf32, #tpu.memory_space<vmem>>
      %dma_wait3A_466 = arith.constant 0 : i32
      %dma_wait3A_467 = arith.constant 0 : i32
      %dma_wait3A_468 = tpu.memref_slice %arg2[%dma_wait3A_466, %dma_wait3A_467] : memref<10000x128xf32, #tpu.memory_space<hbm>> -> memref<40x128xf32, #tpu.memory_space<hbm>>
      tpu.wait_dma2 semaphore(%arg15 : memref<!tpu.dma_semaphore, #tpu.memory_space<semaphore_mem>>) src(%dma_wait3A_468 : memref<40x128xf32, #tpu.memory_space<hbm>>) dst(%dma_wait3A_465 : memref<40x128xf32, #tpu.memory_space<vmem>>)
      %dma_start3A_469 = arith.constant 3 : i32
      %dma_start3A_470 = arith.constant 3 : i32
      %dma_start3A_471 = arith.constant 0 : i32
      %dma_start3A_472 = arith.constant 0 : i32
      %dma_start3A_473 = tpu.memref_slice %arg9[%dma_start3A_469, %dma_start3A_471, %dma_start3A_472] : memref<7x40x128xf32, #tpu.memory_space<vmem>> -> memref<1x40x128xf32, #tpu.memory_space<vmem>>
      %dma_start3A_474 = tpu.memref_squeeze %dma_start3A_473 : memref<1x40x128xf32, #tpu.memory_space<vmem>> -> memref<40x128xf32, #tpu.memory_space<vmem>>
      %dma_start3A_475 = arith.constant 0 : i32
      %dma_start3A_476 = tpu.memref_slice %arg8[%rem3A_347, %dma_start3A_470, %dma_start3A_475] : memref<2x7x40xi32, #tpu.memory_space<vmem>> -> memref<1x1x40xi32, #tpu.memory_space<vmem>>
      %dma_start3A_477 = tpu.memref_squeeze %dma_start3A_476 : memref<1x1x40xi32, #tpu.memory_space<vmem>> -> memref<40xi32, #tpu.memory_space<vmem>>
      %dma_start3A_478 = arith.constant 0 : i32
      %dma_start3A_479 = arith.constant 0 : i32
      %dma_start3A_480 = tpu.memref_slice %arg6[%dma_start3A_478, %dma_start3A_479] : memref<10000x128xf32, #tpu.memory_space<vmem_shared>> -> memref<10000x128xf32, #tpu.memory_space<vmem_shared>>
      tpu.enqueue_indirect_dma source(%dma_start3A_474 : memref<40x128xf32, #tpu.memory_space<vmem>>) target(%dma_start3A_480 : memref<10000x128xf32, #tpu.memory_space<vmem_shared>>) offsets(%dma_start3A_477 : memref<40xi32, #tpu.memory_space<vmem>>) semaphore(%arg22 : memref<!tpu.dma_semaphore, #tpu.memory_space<semaphore_mem>>) {add = true}
      %dma_wait3A_481 = arith.constant 4 : i32
      %dma_wait3A_482 = arith.constant 0 : i32
      %dma_wait3A_483 = arith.constant 0 : i32
      %dma_wait3A_484 = tpu.memref_slice %arg9[%dma_wait3A_481, %dma_wait3A_482, %dma_wait3A_483] : memref<7x40x128xf32, #tpu.memory_space<vmem>> -> memref<1x40x128xf32, #tpu.memory_space<vmem>>
      %dma_wait3A_485 = tpu.memref_squeeze %dma_wait3A_484 : memref<1x40x128xf32, #tpu.memory_space<vmem>> -> memref<40x128xf32, #tpu.memory_space<vmem>>
      %dma_wait3A_486 = arith.constant 0 : i32
      %dma_wait3A_487 = arith.constant 0 : i32
      %dma_wait3A_488 = tpu.memref_slice %arg2[%dma_wait3A_486, %dma_wait3A_487] : memref<10000x128xf32, #tpu.memory_space<hbm>> -> memref<40x128xf32, #tpu.memory_space<hbm>>
      %dma_wait3A_489 = arith.constant 0 : i32
      %dma_wait3A_490 = arith.constant 0 : i32
      %dma_wait3A_491 = tpu.memref_slice %arg9[%dma_wait3A_481, %dma_wait3A_489, %dma_wait3A_490] : memref<7x40x128xf32, #tpu.memory_space<vmem>> -> memref<1x40x128xf32, #tpu.memory_space<vmem>>
      %dma_wait3A_492 = tpu.memref_squeeze %dma_wait3A_491 : memref<1x40x128xf32, #tpu.memory_space<vmem>> -> memref<40x128xf32, #tpu.memory_space<vmem>>
      %dma_wait3A_493 = arith.constant 0 : i32
      %dma_wait3A_494 = arith.constant 0 : i32
      %dma_wait3A_495 = tpu.memref_slice %arg2[%dma_wait3A_493, %dma_wait3A_494] : memref<10000x128xf32, #tpu.memory_space<hbm>> -> memref<40x128xf32, #tpu.memory_space<hbm>>
      tpu.wait_dma2 semaphore(%arg16 : memref<!tpu.dma_semaphore, #tpu.memory_space<semaphore_mem>>) src(%dma_wait3A_495 : memref<40x128xf32, #tpu.memory_space<hbm>>) dst(%dma_wait3A_492 : memref<40x128xf32, #tpu.memory_space<vmem>>)
      %dma_start3A_496 = arith.constant 4 : i32
      %dma_start3A_497 = arith.constant 4 : i32
      %dma_start3A_498 = arith.constant 0 : i32
      %dma_start3A_499 = arith.constant 0 : i32
      %dma_start3A_500 = tpu.memref_slice %arg9[%dma_start3A_496, %dma_start3A_498, %dma_start3A_499] : memref<7x40x128xf32, #tpu.memory_space<vmem>> -> memref<1x40x128xf32, #tpu.memory_space<vmem>>
      %dma_start3A_501 = tpu.memref_squeeze %dma_start3A_500 : memref<1x40x128xf32, #tpu.memory_space<vmem>> -> memref<40x128xf32, #tpu.memory_space<vmem>>
      %dma_start3A_502 = arith.constant 0 : i32
      %dma_start3A_503 = tpu.memref_slice %arg8[%rem3A_347, %dma_start3A_497, %dma_start3A_502] : memref<2x7x40xi32, #tpu.memory_space<vmem>> -> memref<1x1x40xi32, #tpu.memory_space<vmem>>
      %dma_start3A_504 = tpu.memref_squeeze %dma_start3A_503 : memref<1x1x40xi32, #tpu.memory_space<vmem>> -> memref<40xi32, #tpu.memory_space<vmem>>
      %dma_start3A_505 = arith.constant 0 : i32
      %dma_start3A_506 = arith.constant 0 : i32
      %dma_start3A_507 = tpu.memref_slice %arg6[%dma_start3A_505, %dma_start3A_506] : memref<10000x128xf32, #tpu.memory_space<vmem_shared>> -> memref<10000x128xf32, #tpu.memory_space<vmem_shared>>
      tpu.enqueue_indirect_dma source(%dma_start3A_501 : memref<40x128xf32, #tpu.memory_space<vmem>>) target(%dma_start3A_507 : memref<10000x128xf32, #tpu.memory_space<vmem_shared>>) offsets(%dma_start3A_504 : memref<40xi32, #tpu.memory_space<vmem>>) semaphore(%arg23 : memref<!tpu.dma_semaphore, #tpu.memory_space<semaphore_mem>>) {add = true}
      %dma_wait3A_508 = arith.constant 5 : i32
      %dma_wait3A_509 = arith.constant 0 : i32
      %dma_wait3A_510 = arith.constant 0 : i32
      %dma_wait3A_511 = tpu.memref_slice %arg9[%dma_wait3A_508, %dma_wait3A_509, %dma_wait3A_510] : memref<7x40x128xf32, #tpu.memory_space<vmem>> -> memref<1x40x128xf32, #tpu.memory_space<vmem>>
      %dma_wait3A_512 = tpu.memref_squeeze %dma_wait3A_511 : memref<1x40x128xf32, #tpu.memory_space<vmem>> -> memref<40x128xf32, #tpu.memory_space<vmem>>
      %dma_wait3A_513 = arith.constant 0 : i32
      %dma_wait3A_514 = arith.constant 0 : i32
      %dma_wait3A_515 = tpu.memref_slice %arg2[%dma_wait3A_513, %dma_wait3A_514] : memref<10000x128xf32, #tpu.memory_space<hbm>> -> memref<40x128xf32, #tpu.memory_space<hbm>>
      %dma_wait3A_516 = arith.constant 0 : i32
      %dma_wait3A_517 = arith.constant 0 : i32
      %dma_wait3A_518 = tpu.memref_slice %arg9[%dma_wait3A_508, %dma_wait3A_516, %dma_wait3A_517] : memref<7x40x128xf32, #tpu.memory_space<vmem>> -> memref<1x40x128xf32, #tpu.memory_space<vmem>>
      %dma_wait3A_519 = tpu.memref_squeeze %dma_wait3A_518 : memref<1x40x128xf32, #tpu.memory_space<vmem>> -> memref<40x128xf32, #tpu.memory_space<vmem>>
      %dma_wait3A_520 = arith.constant 0 : i32
      %dma_wait3A_521 = arith.constant 0 : i32
      %dma_wait3A_522 = tpu.memref_slice %arg2[%dma_wait3A_520, %dma_wait3A_521] : memref<10000x128xf32, #tpu.memory_space<hbm>> -> memref<40x128xf32, #tpu.memory_space<hbm>>
      tpu.wait_dma2 semaphore(%arg17 : memref<!tpu.dma_semaphore, #tpu.memory_space<semaphore_mem>>) src(%dma_wait3A_522 : memref<40x128xf32, #tpu.memory_space<hbm>>) dst(%dma_wait3A_519 : memref<40x128xf32, #tpu.memory_space<vmem>>)
      %dma_start3A_523 = arith.constant 5 : i32
      %dma_start3A_524 = arith.constant 5 : i32
      %dma_start3A_525 = arith.constant 0 : i32
      %dma_start3A_526 = arith.constant 0 : i32
      %dma_start3A_527 = tpu.memref_slice %arg9[%dma_start3A_523, %dma_start3A_525, %dma_start3A_526] : memref<7x40x128xf32, #tpu.memory_space<vmem>> -> memref<1x40x128xf32, #tpu.memory_space<vmem>>
      %dma_start3A_528 = tpu.memref_squeeze %dma_start3A_527 : memref<1x40x128xf32, #tpu.memory_space<vmem>> -> memref<40x128xf32, #tpu.memory_space<vmem>>
      %dma_start3A_529 = arith.constant 0 : i32
      %dma_start3A_530 = tpu.memref_slice %arg8[%rem3A_347, %dma_start3A_524, %dma_start3A_529] : memref<2x7x40xi32, #tpu.memory_space<vmem>> -> memref<1x1x40xi32, #tpu.memory_space<vmem>>
      %dma_start3A_531 = tpu.memref_squeeze %dma_start3A_530 : memref<1x1x40xi32, #tpu.memory_space<vmem>> -> memref<40xi32, #tpu.memory_space<vmem>>
      %dma_start3A_532 = arith.constant 0 : i32
      %dma_start3A_533 = arith.constant 0 : i32
      %dma_start3A_534 = tpu.memref_slice %arg6[%dma_start3A_532, %dma_start3A_533] : memref<10000x128xf32, #tpu.memory_space<vmem_shared>> -> memref<10000x128xf32, #tpu.memory_space<vmem_shared>>
      tpu.enqueue_indirect_dma source(%dma_start3A_528 : memref<40x128xf32, #tpu.memory_space<vmem>>) target(%dma_start3A_534 : memref<10000x128xf32, #tpu.memory_space<vmem_shared>>) offsets(%dma_start3A_531 : memref<40xi32, #tpu.memory_space<vmem>>) semaphore(%arg24 : memref<!tpu.dma_semaphore, #tpu.memory_space<semaphore_mem>>) {add = true}
      %dma_wait3A_535 = arith.constant 6 : i32
      %dma_wait3A_536 = arith.constant 0 : i32
      %dma_wait3A_537 = arith.constant 0 : i32
      %dma_wait3A_538 = tpu.memref_slice %arg9[%dma_wait3A_535, %dma_wait3A_536, %dma_wait3A_537] : memref<7x40x128xf32, #tpu.memory_space<vmem>> -> memref<1x40x128xf32, #tpu.memory_space<vmem>>
      %dma_wait3A_539 = tpu.memref_squeeze %dma_wait3A_538 : memref<1x40x128xf32, #tpu.memory_space<vmem>> -> memref<40x128xf32, #tpu.memory_space<vmem>>
      %dma_wait3A_540 = arith.constant 0 : i32
      %dma_wait3A_541 = arith.constant 0 : i32
      %dma_wait3A_542 = tpu.memref_slice %arg2[%dma_wait3A_540, %dma_wait3A_541] : memref<10000x128xf32, #tpu.memory_space<hbm>> -> memref<40x128xf32, #tpu.memory_space<hbm>>
      %dma_wait3A_543 = arith.constant 0 : i32
      %dma_wait3A_544 = arith.constant 0 : i32
      %dma_wait3A_545 = tpu.memref_slice %arg9[%dma_wait3A_535, %dma_wait3A_543, %dma_wait3A_544] : memref<7x40x128xf32, #tpu.memory_space<vmem>> -> memref<1x40x128xf32, #tpu.memory_space<vmem>>
      %dma_wait3A_546 = tpu.memref_squeeze %dma_wait3A_545 : memref<1x40x128xf32, #tpu.memory_space<vmem>> -> memref<40x128xf32, #tpu.memory_space<vmem>>
      %dma_wait3A_547 = arith.constant 0 : i32
      %dma_wait3A_548 = arith.constant 0 : i32
      %dma_wait3A_549 = tpu.memref_slice %arg2[%dma_wait3A_547, %dma_wait3A_548] : memref<10000x128xf32, #tpu.memory_space<hbm>> -> memref<40x128xf32, #tpu.memory_space<hbm>>
      tpu.wait_dma2 semaphore(%arg18 : memref<!tpu.dma_semaphore, #tpu.memory_space<semaphore_mem>>) src(%dma_wait3A_549 : memref<40x128xf32, #tpu.memory_space<hbm>>) dst(%dma_wait3A_546 : memref<40x128xf32, #tpu.memory_space<vmem>>)
      %dma_start3A_550 = arith.constant 6 : i32
      %dma_start3A_551 = arith.constant 6 : i32
      %dma_start3A_552 = arith.constant 0 : i32
      %dma_start3A_553 = arith.constant 0 : i32
      %dma_start3A_554 = tpu.memref_slice %arg9[%dma_start3A_550, %dma_start3A_552, %dma_start3A_553] : memref<7x40x128xf32, #tpu.memory_space<vmem>> -> memref<1x40x128xf32, #tpu.memory_space<vmem>>
      %dma_start3A_555 = tpu.memref_squeeze %dma_start3A_554 : memref<1x40x128xf32, #tpu.memory_space<vmem>> -> memref<40x128xf32, #tpu.memory_space<vmem>>
      %dma_start3A_556 = arith.constant 0 : i32
      %dma_start3A_557 = tpu.memref_slice %arg8[%rem3A_347, %dma_start3A_551, %dma_start3A_556] : memref<2x7x40xi32, #tpu.memory_space<vmem>> -> memref<1x1x40xi32, #tpu.memory_space<vmem>>
      %dma_start3A_558 = tpu.memref_squeeze %dma_start3A_557 : memref<1x1x40xi32, #tpu.memory_space<vmem>> -> memref<40xi32, #tpu.memory_space<vmem>>
      %dma_start3A_559 = arith.constant 0 : i32
      %dma_start3A_560 = arith.constant 0 : i32
      %dma_start3A_561 = tpu.memref_slice %arg6[%dma_start3A_559, %dma_start3A_560] : memref<10000x128xf32, #tpu.memory_space<vmem_shared>> -> memref<10000x128xf32, #tpu.memory_space<vmem_shared>>
      tpu.enqueue_indirect_dma source(%dma_start3A_555 : memref<40x128xf32, #tpu.memory_space<vmem>>) target(%dma_start3A_561 : memref<10000x128xf32, #tpu.memory_space<vmem_shared>>) offsets(%dma_start3A_558 : memref<40xi32, #tpu.memory_space<vmem>>) semaphore(%arg25 : memref<!tpu.dma_semaphore, #tpu.memory_space<semaphore_mem>>) {add = true}
      %dma_wait3A_562 = arith.constant 0 : i32
      %dma_wait3A_563 = arith.constant 0 : i32
      %dma_wait3A_564 = arith.constant 0 : i32
      %dma_wait3A_565 = tpu.memref_slice %arg9[%dma_wait3A_562, %dma_wait3A_563, %dma_wait3A_564] : memref<7x40x128xf32, #tpu.memory_space<vmem>> -> memref<1x40x128xf32, #tpu.memory_space<vmem>>
      %dma_wait3A_566 = tpu.memref_squeeze %dma_wait3A_565 : memref<1x40x128xf32, #tpu.memory_space<vmem>> -> memref<40x128xf32, #tpu.memory_space<vmem>>
      %dma_wait3A_567 = arith.constant 0 : i32
      %dma_wait3A_568 = arith.constant 0 : i32
      %dma_wait3A_569 = tpu.memref_slice %arg2[%dma_wait3A_567, %dma_wait3A_568] : memref<10000x128xf32, #tpu.memory_space<hbm>> -> memref<40x128xf32, #tpu.memory_space<hbm>>
      %dma_wait3A_570 = arith.constant 0 : i32
      %dma_wait3A_571 = arith.constant 0 : i32
      %dma_wait3A_572 = tpu.memref_slice %arg9[%dma_wait3A_562, %dma_wait3A_570, %dma_wait3A_571] : memref<7x40x128xf32, #tpu.memory_space<vmem>> -> memref<1x40x128xf32, #tpu.memory_space<vmem>>
      %dma_wait3A_573 = tpu.memref_squeeze %dma_wait3A_572 : memref<1x40x128xf32, #tpu.memory_space<vmem>> -> memref<40x128xf32, #tpu.memory_space<vmem>>
      %dma_wait3A_574 = arith.constant 0 : i32
      %dma_wait3A_575 = arith.constant 0 : i32
      %dma_wait3A_576 = tpu.memref_slice %arg2[%dma_wait3A_574, %dma_wait3A_575] : memref<10000x128xf32, #tpu.memory_space<hbm>> -> memref<40x128xf32, #tpu.memory_space<hbm>>
      tpu.wait_dma2 semaphore(%arg19 : memref<!tpu.dma_semaphore, #tpu.memory_space<semaphore_mem>>) src(%dma_wait3A_576 : memref<40x128xf32, #tpu.memory_space<hbm>>) dst(%dma_wait3A_573 : memref<40x128xf32, #tpu.memory_space<vmem>>)
      %add3A_577 = arith.constant 7 : i32
      %add3A_578 = arith.addi %mul3A_346, %add3A_577 : i32
      %add3A_579 = arith.constant 0 : i32
      %add3A_580 = arith.addi %add3A_578, %add3A_579 : i32
      %lt3A = arith.constant 250 : i32
      %lt3A_581 = arith.cmpi slt, %add3A_580, %lt3A : i32
      %convert_element_type3A_582 = arith.extui %lt3A_581 : i1 to i32
      %cond3A_583 = arith.constant 0 : i32
      %cond3A_584 = arith.cmpi ne, %convert_element_type3A_582, %cond3A_583 : i32
      scf.if %cond3A_584 {
        %add3A_729 = arith.constant 7 : i32
        %add3A_730 = arith.addi %mul3A_346, %add3A_729 : i32
        %add3A_731 = arith.constant 0 : i32
        %add3A_732 = arith.addi %add3A_730, %add3A_731 : i32
        %dma_start3A_733 = arith.constant 0 : i32
        %dma_start3A_734 = arith.constant 0 : i32
        %dma_start3A_735 = arith.constant 0 : i32
        %dma_start3A_736 = tpu.memref_slice %arg9[%dma_start3A_733, %dma_start3A_734, %dma_start3A_735] : memref<7x40x128xf32, #tpu.memory_space<vmem>> -> memref<1x40x128xf32, #tpu.memory_space<vmem>>
        %dma_start3A_737 = tpu.memref_squeeze %dma_start3A_736 : memref<1x40x128xf32, #tpu.memory_space<vmem>> -> memref<40x128xf32, #tpu.memory_space<vmem>>
        %dma_start3A_738 = arith.constant 0 : i32
        %dma_start3A_739 = tpu.memref_slice %arg7[%add3A_732, %dma_start3A_738] : memref<250x40xi32, #tpu.memory_space<vmem>> -> memref<1x40xi32, #tpu.memory_space<vmem>>
        %dma_start3A_740 = tpu.memref_squeeze %dma_start3A_739 : memref<1x40xi32, #tpu.memory_space<vmem>> -> memref<40xi32, #tpu.memory_space<vmem>>
        %dma_start3A_741 = arith.constant 0 : i32
        %dma_start3A_742 = arith.constant 0 : i32
        %dma_start3A_743 = tpu.memref_slice %arg2[%dma_start3A_741, %dma_start3A_742] : memref<10000x128xf32, #tpu.memory_space<hbm>> -> memref<10000x128xf32, #tpu.memory_space<hbm>>
        tpu.enqueue_indirect_dma source(%dma_start3A_743 : memref<10000x128xf32, #tpu.memory_space<hbm>>) target(%dma_start3A_737 : memref<40x128xf32, #tpu.memory_space<vmem>>) offsets(%dma_start3A_740 : memref<40xi32, #tpu.memory_space<vmem>>) semaphore(%arg12 : memref<!tpu.dma_semaphore, #tpu.memory_space<semaphore_mem>>)
      } else {
      }
      %dma_wait3A_585 = arith.constant 1 : i32
      %dma_wait3A_586 = arith.constant 0 : i32
      %dma_wait3A_587 = arith.constant 0 : i32
      %dma_wait3A_588 = tpu.memref_slice %arg9[%dma_wait3A_585, %dma_wait3A_586, %dma_wait3A_587] : memref<7x40x128xf32, #tpu.memory_space<vmem>> -> memref<1x40x128xf32, #tpu.memory_space<vmem>>
      %dma_wait3A_589 = tpu.memref_squeeze %dma_wait3A_588 : memref<1x40x128xf32, #tpu.memory_space<vmem>> -> memref<40x128xf32, #tpu.memory_space<vmem>>
      %dma_wait3A_590 = arith.constant 0 : i32
      %dma_wait3A_591 = arith.constant 0 : i32
      %dma_wait3A_592 = tpu.memref_slice %arg2[%dma_wait3A_590, %dma_wait3A_591] : memref<10000x128xf32, #tpu.memory_space<hbm>> -> memref<40x128xf32, #tpu.memory_space<hbm>>
      %dma_wait3A_593 = arith.constant 0 : i32
      %dma_wait3A_594 = arith.constant 0 : i32
      %dma_wait3A_595 = tpu.memref_slice %arg9[%dma_wait3A_585, %dma_wait3A_593, %dma_wait3A_594] : memref<7x40x128xf32, #tpu.memory_space<vmem>> -> memref<1x40x128xf32, #tpu.memory_space<vmem>>
      %dma_wait3A_596 = tpu.memref_squeeze %dma_wait3A_595 : memref<1x40x128xf32, #tpu.memory_space<vmem>> -> memref<40x128xf32, #tpu.memory_space<vmem>>
      %dma_wait3A_597 = arith.constant 0 : i32
      %dma_wait3A_598 = arith.constant 0 : i32
      %dma_wait3A_599 = tpu.memref_slice %arg2[%dma_wait3A_597, %dma_wait3A_598] : memref<10000x128xf32, #tpu.memory_space<hbm>> -> memref<40x128xf32, #tpu.memory_space<hbm>>
      tpu.wait_dma2 semaphore(%arg20 : memref<!tpu.dma_semaphore, #tpu.memory_space<semaphore_mem>>) src(%dma_wait3A_599 : memref<40x128xf32, #tpu.memory_space<hbm>>) dst(%dma_wait3A_596 : memref<40x128xf32, #tpu.memory_space<vmem>>)
      %add3A_600 = arith.constant 7 : i32
      %add3A_601 = arith.addi %mul3A_346, %add3A_600 : i32
      %add3A_602 = arith.constant 1 : i32
      %add3A_603 = arith.addi %add3A_601, %add3A_602 : i32
      %lt3A_604 = arith.constant 250 : i32
      %lt3A_605 = arith.cmpi slt, %add3A_603, %lt3A_604 : i32
      %convert_element_type3A_606 = arith.extui %lt3A_605 : i1 to i32
      %cond3A_607 = arith.constant 0 : i32
      %cond3A_608 = arith.cmpi ne, %convert_element_type3A_606, %cond3A_607 : i32
      scf.if %cond3A_608 {
        %add3A_729 = arith.constant 7 : i32
        %add3A_730 = arith.addi %mul3A_346, %add3A_729 : i32
        %add3A_731 = arith.constant 1 : i32
        %add3A_732 = arith.addi %add3A_730, %add3A_731 : i32
        %dma_start3A_733 = arith.constant 1 : i32
        %dma_start3A_734 = arith.constant 0 : i32
        %dma_start3A_735 = arith.constant 0 : i32
        %dma_start3A_736 = tpu.memref_slice %arg9[%dma_start3A_733, %dma_start3A_734, %dma_start3A_735] : memref<7x40x128xf32, #tpu.memory_space<vmem>> -> memref<1x40x128xf32, #tpu.memory_space<vmem>>
        %dma_start3A_737 = tpu.memref_squeeze %dma_start3A_736 : memref<1x40x128xf32, #tpu.memory_space<vmem>> -> memref<40x128xf32, #tpu.memory_space<vmem>>
        %dma_start3A_738 = arith.constant 0 : i32
        %dma_start3A_739 = tpu.memref_slice %arg7[%add3A_732, %dma_start3A_738] : memref<250x40xi32, #tpu.memory_space<vmem>> -> memref<1x40xi32, #tpu.memory_space<vmem>>
        %dma_start3A_740 = tpu.memref_squeeze %dma_start3A_739 : memref<1x40xi32, #tpu.memory_space<vmem>> -> memref<40xi32, #tpu.memory_space<vmem>>
        %dma_start3A_741 = arith.constant 0 : i32
        %dma_start3A_742 = arith.constant 0 : i32
        %dma_start3A_743 = tpu.memref_slice %arg2[%dma_start3A_741, %dma_start3A_742] : memref<10000x128xf32, #tpu.memory_space<hbm>> -> memref<10000x128xf32, #tpu.memory_space<hbm>>
        tpu.enqueue_indirect_dma source(%dma_start3A_743 : memref<10000x128xf32, #tpu.memory_space<hbm>>) target(%dma_start3A_737 : memref<40x128xf32, #tpu.memory_space<vmem>>) offsets(%dma_start3A_740 : memref<40xi32, #tpu.memory_space<vmem>>) semaphore(%arg13 : memref<!tpu.dma_semaphore, #tpu.memory_space<semaphore_mem>>)
      } else {
      }
      %dma_wait3A_609 = arith.constant 2 : i32
      %dma_wait3A_610 = arith.constant 0 : i32
      %dma_wait3A_611 = arith.constant 0 : i32
      %dma_wait3A_612 = tpu.memref_slice %arg9[%dma_wait3A_609, %dma_wait3A_610, %dma_wait3A_611] : memref<7x40x128xf32, #tpu.memory_space<vmem>> -> memref<1x40x128xf32, #tpu.memory_space<vmem>>
      %dma_wait3A_613 = tpu.memref_squeeze %dma_wait3A_612 : memref<1x40x128xf32, #tpu.memory_space<vmem>> -> memref<40x128xf32, #tpu.memory_space<vmem>>
      %dma_wait3A_614 = arith.constant 0 : i32
      %dma_wait3A_615 = arith.constant 0 : i32
      %dma_wait3A_616 = tpu.memref_slice %arg2[%dma_wait3A_614, %dma_wait3A_615] : memref<10000x128xf32, #tpu.memory_space<hbm>> -> memref<40x128xf32, #tpu.memory_space<hbm>>
      %dma_wait3A_617 = arith.constant 0 : i32
      %dma_wait3A_618 = arith.constant 0 : i32
      %dma_wait3A_619 = tpu.memref_slice %arg9[%dma_wait3A_609, %dma_wait3A_617, %dma_wait3A_618] : memref<7x40x128xf32, #tpu.memory_space<vmem>> -> memref<1x40x128xf32, #tpu.memory_space<vmem>>
      %dma_wait3A_620 = tpu.memref_squeeze %dma_wait3A_619 : memref<1x40x128xf32, #tpu.memory_space<vmem>> -> memref<40x128xf32, #tpu.memory_space<vmem>>
      %dma_wait3A_621 = arith.constant 0 : i32
      %dma_wait3A_622 = arith.constant 0 : i32
      %dma_wait3A_623 = tpu.memref_slice %arg2[%dma_wait3A_621, %dma_wait3A_622] : memref<10000x128xf32, #tpu.memory_space<hbm>> -> memref<40x128xf32, #tpu.memory_space<hbm>>
      tpu.wait_dma2 semaphore(%arg21 : memref<!tpu.dma_semaphore, #tpu.memory_space<semaphore_mem>>) src(%dma_wait3A_623 : memref<40x128xf32, #tpu.memory_space<hbm>>) dst(%dma_wait3A_620 : memref<40x128xf32, #tpu.memory_space<vmem>>)
      %add3A_624 = arith.constant 7 : i32
      %add3A_625 = arith.addi %mul3A_346, %add3A_624 : i32
      %add3A_626 = arith.constant 2 : i32
      %add3A_627 = arith.addi %add3A_625, %add3A_626 : i32
      %lt3A_628 = arith.constant 250 : i32
      %lt3A_629 = arith.cmpi slt, %add3A_627, %lt3A_628 : i32
      %convert_element_type3A_630 = arith.extui %lt3A_629 : i1 to i32
      %cond3A_631 = arith.constant 0 : i32
      %cond3A_632 = arith.cmpi ne, %convert_element_type3A_630, %cond3A_631 : i32
      scf.if %cond3A_632 {
        %add3A_729 = arith.constant 7 : i32
        %add3A_730 = arith.addi %mul3A_346, %add3A_729 : i32
        %add3A_731 = arith.constant 2 : i32
        %add3A_732 = arith.addi %add3A_730, %add3A_731 : i32
        %dma_start3A_733 = arith.constant 2 : i32
        %dma_start3A_734 = arith.constant 0 : i32
        %dma_start3A_735 = arith.constant 0 : i32
        %dma_start3A_736 = tpu.memref_slice %arg9[%dma_start3A_733, %dma_start3A_734, %dma_start3A_735] : memref<7x40x128xf32, #tpu.memory_space<vmem>> -> memref<1x40x128xf32, #tpu.memory_space<vmem>>
        %dma_start3A_737 = tpu.memref_squeeze %dma_start3A_736 : memref<1x40x128xf32, #tpu.memory_space<vmem>> -> memref<40x128xf32, #tpu.memory_space<vmem>>
        %dma_start3A_738 = arith.constant 0 : i32
        %dma_start3A_739 = tpu.memref_slice %arg7[%add3A_732, %dma_start3A_738] : memref<250x40xi32, #tpu.memory_space<vmem>> -> memref<1x40xi32, #tpu.memory_space<vmem>>
        %dma_start3A_740 = tpu.memref_squeeze %dma_start3A_739 : memref<1x40xi32, #tpu.memory_space<vmem>> -> memref<40xi32, #tpu.memory_space<vmem>>
        %dma_start3A_741 = arith.constant 0 : i32
        %dma_start3A_742 = arith.constant 0 : i32
        %dma_start3A_743 = tpu.memref_slice %arg2[%dma_start3A_741, %dma_start3A_742] : memref<10000x128xf32, #tpu.memory_space<hbm>> -> memref<10000x128xf32, #tpu.memory_space<hbm>>
        tpu.enqueue_indirect_dma source(%dma_start3A_743 : memref<10000x128xf32, #tpu.memory_space<hbm>>) target(%dma_start3A_737 : memref<40x128xf32, #tpu.memory_space<vmem>>) offsets(%dma_start3A_740 : memref<40xi32, #tpu.memory_space<vmem>>) semaphore(%arg14 : memref<!tpu.dma_semaphore, #tpu.memory_space<semaphore_mem>>)
      } else {
      }
      %dma_wait3A_633 = arith.constant 3 : i32
      %dma_wait3A_634 = arith.constant 0 : i32
      %dma_wait3A_635 = arith.constant 0 : i32
      %dma_wait3A_636 = tpu.memref_slice %arg9[%dma_wait3A_633, %dma_wait3A_634, %dma_wait3A_635] : memref<7x40x128xf32, #tpu.memory_space<vmem>> -> memref<1x40x128xf32, #tpu.memory_space<vmem>>
      %dma_wait3A_637 = tpu.memref_squeeze %dma_wait3A_636 : memref<1x40x128xf32, #tpu.memory_space<vmem>> -> memref<40x128xf32, #tpu.memory_space<vmem>>
      %dma_wait3A_638 = arith.constant 0 : i32
      %dma_wait3A_639 = arith.constant 0 : i32
      %dma_wait3A_640 = tpu.memref_slice %arg2[%dma_wait3A_638, %dma_wait3A_639] : memref<10000x128xf32, #tpu.memory_space<hbm>> -> memref<40x128xf32, #tpu.memory_space<hbm>>
      %dma_wait3A_641 = arith.constant 0 : i32
      %dma_wait3A_642 = arith.constant 0 : i32
      %dma_wait3A_643 = tpu.memref_slice %arg9[%dma_wait3A_633, %dma_wait3A_641, %dma_wait3A_642] : memref<7x40x128xf32, #tpu.memory_space<vmem>> -> memref<1x40x128xf32, #tpu.memory_space<vmem>>
      %dma_wait3A_644 = tpu.memref_squeeze %dma_wait3A_643 : memref<1x40x128xf32, #tpu.memory_space<vmem>> -> memref<40x128xf32, #tpu.memory_space<vmem>>
      %dma_wait3A_645 = arith.constant 0 : i32
      %dma_wait3A_646 = arith.constant 0 : i32
      %dma_wait3A_647 = tpu.memref_slice %arg2[%dma_wait3A_645, %dma_wait3A_646] : memref<10000x128xf32, #tpu.memory_space<hbm>> -> memref<40x128xf32, #tpu.memory_space<hbm>>
      tpu.wait_dma2 semaphore(%arg22 : memref<!tpu.dma_semaphore, #tpu.memory_space<semaphore_mem>>) src(%dma_wait3A_647 : memref<40x128xf32, #tpu.memory_space<hbm>>) dst(%dma_wait3A_644 : memref<40x128xf32, #tpu.memory_space<vmem>>)
      %add3A_648 = arith.constant 7 : i32
      %add3A_649 = arith.addi %mul3A_346, %add3A_648 : i32
      %add3A_650 = arith.constant 3 : i32
      %add3A_651 = arith.addi %add3A_649, %add3A_650 : i32
      %lt3A_652 = arith.constant 250 : i32
      %lt3A_653 = arith.cmpi slt, %add3A_651, %lt3A_652 : i32
      %convert_element_type3A_654 = arith.extui %lt3A_653 : i1 to i32
      %cond3A_655 = arith.constant 0 : i32
      %cond3A_656 = arith.cmpi ne, %convert_element_type3A_654, %cond3A_655 : i32
      scf.if %cond3A_656 {
        %add3A_729 = arith.constant 7 : i32
        %add3A_730 = arith.addi %mul3A_346, %add3A_729 : i32
        %add3A_731 = arith.constant 3 : i32
        %add3A_732 = arith.addi %add3A_730, %add3A_731 : i32
        %dma_start3A_733 = arith.constant 3 : i32
        %dma_start3A_734 = arith.constant 0 : i32
        %dma_start3A_735 = arith.constant 0 : i32
        %dma_start3A_736 = tpu.memref_slice %arg9[%dma_start3A_733, %dma_start3A_734, %dma_start3A_735] : memref<7x40x128xf32, #tpu.memory_space<vmem>> -> memref<1x40x128xf32, #tpu.memory_space<vmem>>
        %dma_start3A_737 = tpu.memref_squeeze %dma_start3A_736 : memref<1x40x128xf32, #tpu.memory_space<vmem>> -> memref<40x128xf32, #tpu.memory_space<vmem>>
        %dma_start3A_738 = arith.constant 0 : i32
        %dma_start3A_739 = tpu.memref_slice %arg7[%add3A_732, %dma_start3A_738] : memref<250x40xi32, #tpu.memory_space<vmem>> -> memref<1x40xi32, #tpu.memory_space<vmem>>
        %dma_start3A_740 = tpu.memref_squeeze %dma_start3A_739 : memref<1x40xi32, #tpu.memory_space<vmem>> -> memref<40xi32, #tpu.memory_space<vmem>>
        %dma_start3A_741 = arith.constant 0 : i32
        %dma_start3A_742 = arith.constant 0 : i32
        %dma_start3A_743 = tpu.memref_slice %arg2[%dma_start3A_741, %dma_start3A_742] : memref<10000x128xf32, #tpu.memory_space<hbm>> -> memref<10000x128xf32, #tpu.memory_space<hbm>>
        tpu.enqueue_indirect_dma source(%dma_start3A_743 : memref<10000x128xf32, #tpu.memory_space<hbm>>) target(%dma_start3A_737 : memref<40x128xf32, #tpu.memory_space<vmem>>) offsets(%dma_start3A_740 : memref<40xi32, #tpu.memory_space<vmem>>) semaphore(%arg15 : memref<!tpu.dma_semaphore, #tpu.memory_space<semaphore_mem>>)
      } else {
      }
      %dma_wait3A_657 = arith.constant 4 : i32
      %dma_wait3A_658 = arith.constant 0 : i32
      %dma_wait3A_659 = arith.constant 0 : i32
      %dma_wait3A_660 = tpu.memref_slice %arg9[%dma_wait3A_657, %dma_wait3A_658, %dma_wait3A_659] : memref<7x40x128xf32, #tpu.memory_space<vmem>> -> memref<1x40x128xf32, #tpu.memory_space<vmem>>
      %dma_wait3A_661 = tpu.memref_squeeze %dma_wait3A_660 : memref<1x40x128xf32, #tpu.memory_space<vmem>> -> memref<40x128xf32, #tpu.memory_space<vmem>>
      %dma_wait3A_662 = arith.constant 0 : i32
      %dma_wait3A_663 = arith.constant 0 : i32
      %dma_wait3A_664 = tpu.memref_slice %arg2[%dma_wait3A_662, %dma_wait3A_663] : memref<10000x128xf32, #tpu.memory_space<hbm>> -> memref<40x128xf32, #tpu.memory_space<hbm>>
      %dma_wait3A_665 = arith.constant 0 : i32
      %dma_wait3A_666 = arith.constant 0 : i32
      %dma_wait3A_667 = tpu.memref_slice %arg9[%dma_wait3A_657, %dma_wait3A_665, %dma_wait3A_666] : memref<7x40x128xf32, #tpu.memory_space<vmem>> -> memref<1x40x128xf32, #tpu.memory_space<vmem>>
      %dma_wait3A_668 = tpu.memref_squeeze %dma_wait3A_667 : memref<1x40x128xf32, #tpu.memory_space<vmem>> -> memref<40x128xf32, #tpu.memory_space<vmem>>
      %dma_wait3A_669 = arith.constant 0 : i32
      %dma_wait3A_670 = arith.constant 0 : i32
      %dma_wait3A_671 = tpu.memref_slice %arg2[%dma_wait3A_669, %dma_wait3A_670] : memref<10000x128xf32, #tpu.memory_space<hbm>> -> memref<40x128xf32, #tpu.memory_space<hbm>>
      tpu.wait_dma2 semaphore(%arg23 : memref<!tpu.dma_semaphore, #tpu.memory_space<semaphore_mem>>) src(%dma_wait3A_671 : memref<40x128xf32, #tpu.memory_space<hbm>>) dst(%dma_wait3A_668 : memref<40x128xf32, #tpu.memory_space<vmem>>)
      %add3A_672 = arith.constant 7 : i32
      %add3A_673 = arith.addi %mul3A_346, %add3A_672 : i32
      %add3A_674 = arith.constant 4 : i32
      %add3A_675 = arith.addi %add3A_673, %add3A_674 : i32
      %lt3A_676 = arith.constant 250 : i32
      %lt3A_677 = arith.cmpi slt, %add3A_675, %lt3A_676 : i32
      %convert_element_type3A_678 = arith.extui %lt3A_677 : i1 to i32
      %cond3A_679 = arith.constant 0 : i32
      %cond3A_680 = arith.cmpi ne, %convert_element_type3A_678, %cond3A_679 : i32
      scf.if %cond3A_680 {
        %add3A_729 = arith.constant 7 : i32
        %add3A_730 = arith.addi %mul3A_346, %add3A_729 : i32
        %add3A_731 = arith.constant 4 : i32
        %add3A_732 = arith.addi %add3A_730, %add3A_731 : i32
        %dma_start3A_733 = arith.constant 4 : i32
        %dma_start3A_734 = arith.constant 0 : i32
        %dma_start3A_735 = arith.constant 0 : i32
        %dma_start3A_736 = tpu.memref_slice %arg9[%dma_start3A_733, %dma_start3A_734, %dma_start3A_735] : memref<7x40x128xf32, #tpu.memory_space<vmem>> -> memref<1x40x128xf32, #tpu.memory_space<vmem>>
        %dma_start3A_737 = tpu.memref_squeeze %dma_start3A_736 : memref<1x40x128xf32, #tpu.memory_space<vmem>> -> memref<40x128xf32, #tpu.memory_space<vmem>>
        %dma_start3A_738 = arith.constant 0 : i32
        %dma_start3A_739 = tpu.memref_slice %arg7[%add3A_732, %dma_start3A_738] : memref<250x40xi32, #tpu.memory_space<vmem>> -> memref<1x40xi32, #tpu.memory_space<vmem>>
        %dma_start3A_740 = tpu.memref_squeeze %dma_start3A_739 : memref<1x40xi32, #tpu.memory_space<vmem>> -> memref<40xi32, #tpu.memory_space<vmem>>
        %dma_start3A_741 = arith.constant 0 : i32
        %dma_start3A_742 = arith.constant 0 : i32
        %dma_start3A_743 = tpu.memref_slice %arg2[%dma_start3A_741, %dma_start3A_742] : memref<10000x128xf32, #tpu.memory_space<hbm>> -> memref<10000x128xf32, #tpu.memory_space<hbm>>
        tpu.enqueue_indirect_dma source(%dma_start3A_743 : memref<10000x128xf32, #tpu.memory_space<hbm>>) target(%dma_start3A_737 : memref<40x128xf32, #tpu.memory_space<vmem>>) offsets(%dma_start3A_740 : memref<40xi32, #tpu.memory_space<vmem>>) semaphore(%arg16 : memref<!tpu.dma_semaphore, #tpu.memory_space<semaphore_mem>>)
      } else {
      }
      %dma_wait3A_681 = arith.constant 5 : i32
      %dma_wait3A_682 = arith.constant 0 : i32
      %dma_wait3A_683 = arith.constant 0 : i32
      %dma_wait3A_684 = tpu.memref_slice %arg9[%dma_wait3A_681, %dma_wait3A_682, %dma_wait3A_683] : memref<7x40x128xf32, #tpu.memory_space<vmem>> -> memref<1x40x128xf32, #tpu.memory_space<vmem>>
      %dma_wait3A_685 = tpu.memref_squeeze %dma_wait3A_684 : memref<1x40x128xf32, #tpu.memory_space<vmem>> -> memref<40x128xf32, #tpu.memory_space<vmem>>
      %dma_wait3A_686 = arith.constant 0 : i32
      %dma_wait3A_687 = arith.constant 0 : i32
      %dma_wait3A_688 = tpu.memref_slice %arg2[%dma_wait3A_686, %dma_wait3A_687] : memref<10000x128xf32, #tpu.memory_space<hbm>> -> memref<40x128xf32, #tpu.memory_space<hbm>>
      %dma_wait3A_689 = arith.constant 0 : i32
      %dma_wait3A_690 = arith.constant 0 : i32
      %dma_wait3A_691 = tpu.memref_slice %arg9[%dma_wait3A_681, %dma_wait3A_689, %dma_wait3A_690] : memref<7x40x128xf32, #tpu.memory_space<vmem>> -> memref<1x40x128xf32, #tpu.memory_space<vmem>>
      %dma_wait3A_692 = tpu.memref_squeeze %dma_wait3A_691 : memref<1x40x128xf32, #tpu.memory_space<vmem>> -> memref<40x128xf32, #tpu.memory_space<vmem>>
      %dma_wait3A_693 = arith.constant 0 : i32
      %dma_wait3A_694 = arith.constant 0 : i32
      %dma_wait3A_695 = tpu.memref_slice %arg2[%dma_wait3A_693, %dma_wait3A_694] : memref<10000x128xf32, #tpu.memory_space<hbm>> -> memref<40x128xf32, #tpu.memory_space<hbm>>
      tpu.wait_dma2 semaphore(%arg24 : memref<!tpu.dma_semaphore, #tpu.memory_space<semaphore_mem>>) src(%dma_wait3A_695 : memref<40x128xf32, #tpu.memory_space<hbm>>) dst(%dma_wait3A_692 : memref<40x128xf32, #tpu.memory_space<vmem>>)
      %add3A_696 = arith.constant 7 : i32
      %add3A_697 = arith.addi %mul3A_346, %add3A_696 : i32
      %add3A_698 = arith.constant 5 : i32
      %add3A_699 = arith.addi %add3A_697, %add3A_698 : i32
      %lt3A_700 = arith.constant 250 : i32
      %lt3A_701 = arith.cmpi slt, %add3A_699, %lt3A_700 : i32
      %convert_element_type3A_702 = arith.extui %lt3A_701 : i1 to i32
      %cond3A_703 = arith.constant 0 : i32
      %cond3A_704 = arith.cmpi ne, %convert_element_type3A_702, %cond3A_703 : i32
      scf.if %cond3A_704 {
        %add3A_729 = arith.constant 7 : i32
        %add3A_730 = arith.addi %mul3A_346, %add3A_729 : i32
        %add3A_731 = arith.constant 5 : i32
        %add3A_732 = arith.addi %add3A_730, %add3A_731 : i32
        %dma_start3A_733 = arith.constant 5 : i32
        %dma_start3A_734 = arith.constant 0 : i32
        %dma_start3A_735 = arith.constant 0 : i32
        %dma_start3A_736 = tpu.memref_slice %arg9[%dma_start3A_733, %dma_start3A_734, %dma_start3A_735] : memref<7x40x128xf32, #tpu.memory_space<vmem>> -> memref<1x40x128xf32, #tpu.memory_space<vmem>>
        %dma_start3A_737 = tpu.memref_squeeze %dma_start3A_736 : memref<1x40x128xf32, #tpu.memory_space<vmem>> -> memref<40x128xf32, #tpu.memory_space<vmem>>
        %dma_start3A_738 = arith.constant 0 : i32
        %dma_start3A_739 = tpu.memref_slice %arg7[%add3A_732, %dma_start3A_738] : memref<250x40xi32, #tpu.memory_space<vmem>> -> memref<1x40xi32, #tpu.memory_space<vmem>>
        %dma_start3A_740 = tpu.memref_squeeze %dma_start3A_739 : memref<1x40xi32, #tpu.memory_space<vmem>> -> memref<40xi32, #tpu.memory_space<vmem>>
        %dma_start3A_741 = arith.constant 0 : i32
        %dma_start3A_742 = arith.constant 0 : i32
        %dma_start3A_743 = tpu.memref_slice %arg2[%dma_start3A_741, %dma_start3A_742] : memref<10000x128xf32, #tpu.memory_space<hbm>> -> memref<10000x128xf32, #tpu.memory_space<hbm>>
        tpu.enqueue_indirect_dma source(%dma_start3A_743 : memref<10000x128xf32, #tpu.memory_space<hbm>>) target(%dma_start3A_737 : memref<40x128xf32, #tpu.memory_space<vmem>>) offsets(%dma_start3A_740 : memref<40xi32, #tpu.memory_space<vmem>>) semaphore(%arg17 : memref<!tpu.dma_semaphore, #tpu.memory_space<semaphore_mem>>)
      } else {
      }
      %dma_wait3A_705 = arith.constant 6 : i32
      %dma_wait3A_706 = arith.constant 0 : i32
      %dma_wait3A_707 = arith.constant 0 : i32
      %dma_wait3A_708 = tpu.memref_slice %arg9[%dma_wait3A_705, %dma_wait3A_706, %dma_wait3A_707] : memref<7x40x128xf32, #tpu.memory_space<vmem>> -> memref<1x40x128xf32, #tpu.memory_space<vmem>>
      %dma_wait3A_709 = tpu.memref_squeeze %dma_wait3A_708 : memref<1x40x128xf32, #tpu.memory_space<vmem>> -> memref<40x128xf32, #tpu.memory_space<vmem>>
      %dma_wait3A_710 = arith.constant 0 : i32
      %dma_wait3A_711 = arith.constant 0 : i32
      %dma_wait3A_712 = tpu.memref_slice %arg2[%dma_wait3A_710, %dma_wait3A_711] : memref<10000x128xf32, #tpu.memory_space<hbm>> -> memref<40x128xf32, #tpu.memory_space<hbm>>
      %dma_wait3A_713 = arith.constant 0 : i32
      %dma_wait3A_714 = arith.constant 0 : i32
      %dma_wait3A_715 = tpu.memref_slice %arg9[%dma_wait3A_705, %dma_wait3A_713, %dma_wait3A_714] : memref<7x40x128xf32, #tpu.memory_space<vmem>> -> memref<1x40x128xf32, #tpu.memory_space<vmem>>
      %dma_wait3A_716 = tpu.memref_squeeze %dma_wait3A_715 : memref<1x40x128xf32, #tpu.memory_space<vmem>> -> memref<40x128xf32, #tpu.memory_space<vmem>>
      %dma_wait3A_717 = arith.constant 0 : i32
      %dma_wait3A_718 = arith.constant 0 : i32
      %dma_wait3A_719 = tpu.memref_slice %arg2[%dma_wait3A_717, %dma_wait3A_718] : memref<10000x128xf32, #tpu.memory_space<hbm>> -> memref<40x128xf32, #tpu.memory_space<hbm>>
      tpu.wait_dma2 semaphore(%arg25 : memref<!tpu.dma_semaphore, #tpu.memory_space<semaphore_mem>>) src(%dma_wait3A_719 : memref<40x128xf32, #tpu.memory_space<hbm>>) dst(%dma_wait3A_716 : memref<40x128xf32, #tpu.memory_space<vmem>>)
      %add3A_720 = arith.constant 7 : i32
      %add3A_721 = arith.addi %mul3A_346, %add3A_720 : i32
      %add3A_722 = arith.constant 6 : i32
      %add3A_723 = arith.addi %add3A_721, %add3A_722 : i32
      %lt3A_724 = arith.constant 250 : i32
      %lt3A_725 = arith.cmpi slt, %add3A_723, %lt3A_724 : i32
      %convert_element_type3A_726 = arith.extui %lt3A_725 : i1 to i32
      %cond3A_727 = arith.constant 0 : i32
      %cond3A_728 = arith.cmpi ne, %convert_element_type3A_726, %cond3A_727 : i32
      scf.if %cond3A_728 {
        %add3A_729 = arith.constant 7 : i32
        %add3A_730 = arith.addi %mul3A_346, %add3A_729 : i32
        %add3A_731 = arith.constant 6 : i32
        %add3A_732 = arith.addi %add3A_730, %add3A_731 : i32
        %dma_start3A_733 = arith.constant 6 : i32
        %dma_start3A_734 = arith.constant 0 : i32
        %dma_start3A_735 = arith.constant 0 : i32
        %dma_start3A_736 = tpu.memref_slice %arg9[%dma_start3A_733, %dma_start3A_734, %dma_start3A_735] : memref<7x40x128xf32, #tpu.memory_space<vmem>> -> memref<1x40x128xf32, #tpu.memory_space<vmem>>
        %dma_start3A_737 = tpu.memref_squeeze %dma_start3A_736 : memref<1x40x128xf32, #tpu.memory_space<vmem>> -> memref<40x128xf32, #tpu.memory_space<vmem>>
        %dma_start3A_738 = arith.constant 0 : i32
        %dma_start3A_739 = tpu.memref_slice %arg7[%add3A_732, %dma_start3A_738] : memref<250x40xi32, #tpu.memory_space<vmem>> -> memref<1x40xi32, #tpu.memory_space<vmem>>
        %dma_start3A_740 = tpu.memref_squeeze %dma_start3A_739 : memref<1x40xi32, #tpu.memory_space<vmem>> -> memref<40xi32, #tpu.memory_space<vmem>>
        %dma_start3A_741 = arith.constant 0 : i32
        %dma_start3A_742 = arith.constant 0 : i32
        %dma_start3A_743 = tpu.memref_slice %arg2[%dma_start3A_741, %dma_start3A_742] : memref<10000x128xf32, #tpu.memory_space<hbm>> -> memref<10000x128xf32, #tpu.memory_space<hbm>>
        tpu.enqueue_indirect_dma source(%dma_start3A_743 : memref<10000x128xf32, #tpu.memory_space<hbm>>) target(%dma_start3A_737 : memref<40x128xf32, #tpu.memory_space<vmem>>) offsets(%dma_start3A_740 : memref<40xi32, #tpu.memory_space<vmem>>) semaphore(%arg18 : memref<!tpu.dma_semaphore, #tpu.memory_space<semaphore_mem>>)
      } else {
      }
    }
    %scan3A_112 = arith.constant 35 : i32
    %dma_wait3A_113 = arith.constant 0 : i32
    %dma_wait3A_114 = arith.constant 0 : i32
    %dma_wait3A_115 = arith.constant 0 : i32
    %dma_wait3A_116 = tpu.memref_slice %arg8[%dma_wait3A_113, %dma_wait3A_114, %dma_wait3A_115] : memref<2x7x40xi32, #tpu.memory_space<vmem>> -> memref<1x5x40xi32, #tpu.memory_space<vmem>>
    %dma_wait3A_117 = tpu.memref_squeeze %dma_wait3A_116 : memref<1x5x40xi32, #tpu.memory_space<vmem>> -> memref<5x40xi32, #tpu.memory_space<vmem>>
    %dma_wait3A_118 = arith.constant 0 : i32
    %dma_wait3A_119 = arith.constant 0 : i32
    %dma_wait3A_120 = tpu.memref_slice %arg4[%dma_wait3A_118, %dma_wait3A_119] : memref<8000x40xi32, #tpu.memory_space<hbm>> -> memref<5x40xi32, #tpu.memory_space<hbm>>
    %dma_wait3A_121 = arith.constant 0 : i32
    %dma_wait3A_122 = arith.constant 0 : i32
    %dma_wait3A_123 = tpu.memref_slice %arg8[%dma_wait3A_113, %dma_wait3A_121, %dma_wait3A_122] : memref<2x7x40xi32, #tpu.memory_space<vmem>> -> memref<1x5x40xi32, #tpu.memory_space<vmem>>
    %dma_wait3A_124 = tpu.memref_squeeze %dma_wait3A_123 : memref<1x5x40xi32, #tpu.memory_space<vmem>> -> memref<5x40xi32, #tpu.memory_space<vmem>>
    %dma_wait3A_125 = arith.constant 0 : i32
    %dma_wait3A_126 = arith.constant 0 : i32
    %dma_wait3A_127 = tpu.memref_slice %arg4[%dma_wait3A_125, %dma_wait3A_126] : memref<8000x40xi32, #tpu.memory_space<hbm>> -> memref<5x40xi32, #tpu.memory_space<hbm>>
    tpu.wait_dma2 semaphore(%arg11 : memref<!tpu.dma_semaphore, #tpu.memory_space<semaphore_mem>>) src(%dma_wait3A_127 : memref<5x40xi32, #tpu.memory_space<hbm>>) dst(%dma_wait3A_124 : memref<5x40xi32, #tpu.memory_space<vmem>>)
    %dma_wait3A_128 = arith.constant 0 : i32
    %dma_wait3A_129 = arith.constant 0 : i32
    %dma_wait3A_130 = arith.constant 0 : i32
    %dma_wait3A_131 = tpu.memref_slice %arg9[%dma_wait3A_128, %dma_wait3A_129, %dma_wait3A_130] : memref<7x40x128xf32, #tpu.memory_space<vmem>> -> memref<1x40x128xf32, #tpu.memory_space<vmem>>
    %dma_wait3A_132 = tpu.memref_squeeze %dma_wait3A_131 : memref<1x40x128xf32, #tpu.memory_space<vmem>> -> memref<40x128xf32, #tpu.memory_space<vmem>>
    %dma_wait3A_133 = arith.constant 0 : i32
    %dma_wait3A_134 = arith.constant 0 : i32
    %dma_wait3A_135 = tpu.memref_slice %arg2[%dma_wait3A_133, %dma_wait3A_134] : memref<10000x128xf32, #tpu.memory_space<hbm>> -> memref<40x128xf32, #tpu.memory_space<hbm>>
    %dma_wait3A_136 = arith.constant 0 : i32
    %dma_wait3A_137 = arith.constant 0 : i32
    %dma_wait3A_138 = tpu.memref_slice %arg9[%dma_wait3A_128, %dma_wait3A_136, %dma_wait3A_137] : memref<7x40x128xf32, #tpu.memory_space<vmem>> -> memref<1x40x128xf32, #tpu.memory_space<vmem>>
    %dma_wait3A_139 = tpu.memref_squeeze %dma_wait3A_138 : memref<1x40x128xf32, #tpu.memory_space<vmem>> -> memref<40x128xf32, #tpu.memory_space<vmem>>
    %dma_wait3A_140 = arith.constant 0 : i32
    %dma_wait3A_141 = arith.constant 0 : i32
    %dma_wait3A_142 = tpu.memref_slice %arg2[%dma_wait3A_140, %dma_wait3A_141] : memref<10000x128xf32, #tpu.memory_space<hbm>> -> memref<40x128xf32, #tpu.memory_space<hbm>>
    tpu.wait_dma2 semaphore(%arg12 : memref<!tpu.dma_semaphore, #tpu.memory_space<semaphore_mem>>) src(%dma_wait3A_142 : memref<40x128xf32, #tpu.memory_space<hbm>>) dst(%dma_wait3A_139 : memref<40x128xf32, #tpu.memory_space<vmem>>)
    %dma_start3A_143 = arith.constant 0 : i32
    %dma_start3A_144 = arith.constant 1 : i32
    %dma_start3A_145 = arith.constant 0 : i32
    %dma_start3A_146 = arith.constant 0 : i32
    %dma_start3A_147 = arith.constant 0 : i32
    %dma_start3A_148 = tpu.memref_slice %arg9[%dma_start3A_143, %dma_start3A_146, %dma_start3A_147] : memref<7x40x128xf32, #tpu.memory_space<vmem>> -> memref<1x40x128xf32, #tpu.memory_space<vmem>>
    %dma_start3A_149 = tpu.memref_squeeze %dma_start3A_148 : memref<1x40x128xf32, #tpu.memory_space<vmem>> -> memref<40x128xf32, #tpu.memory_space<vmem>>
    %dma_start3A_150 = arith.constant 0 : i32
    %dma_start3A_151 = tpu.memref_slice %arg8[%dma_start3A_144, %dma_start3A_145, %dma_start3A_150] : memref<2x7x40xi32, #tpu.memory_space<vmem>> -> memref<1x1x40xi32, #tpu.memory_space<vmem>>
    %dma_start3A_152 = tpu.memref_squeeze %dma_start3A_151 : memref<1x1x40xi32, #tpu.memory_space<vmem>> -> memref<40xi32, #tpu.memory_space<vmem>>
    %dma_start3A_153 = arith.constant 0 : i32
    %dma_start3A_154 = arith.constant 0 : i32
    %dma_start3A_155 = tpu.memref_slice %arg6[%dma_start3A_153, %dma_start3A_154] : memref<10000x128xf32, #tpu.memory_space<vmem_shared>> -> memref<10000x128xf32, #tpu.memory_space<vmem_shared>>
    tpu.enqueue_indirect_dma source(%dma_start3A_149 : memref<40x128xf32, #tpu.memory_space<vmem>>) target(%dma_start3A_155 : memref<10000x128xf32, #tpu.memory_space<vmem_shared>>) offsets(%dma_start3A_152 : memref<40xi32, #tpu.memory_space<vmem>>) semaphore(%arg19 : memref<!tpu.dma_semaphore, #tpu.memory_space<semaphore_mem>>) {add = true}
    %dma_wait3A_156 = arith.constant 1 : i32
    %dma_wait3A_157 = arith.constant 0 : i32
    %dma_wait3A_158 = arith.constant 0 : i32
    %dma_wait3A_159 = tpu.memref_slice %arg9[%dma_wait3A_156, %dma_wait3A_157, %dma_wait3A_158] : memref<7x40x128xf32, #tpu.memory_space<vmem>> -> memref<1x40x128xf32, #tpu.memory_space<vmem>>
    %dma_wait3A_160 = tpu.memref_squeeze %dma_wait3A_159 : memref<1x40x128xf32, #tpu.memory_space<vmem>> -> memref<40x128xf32, #tpu.memory_space<vmem>>
    %dma_wait3A_161 = arith.constant 0 : i32
    %dma_wait3A_162 = arith.constant 0 : i32
    %dma_wait3A_163 = tpu.memref_slice %arg2[%dma_wait3A_161, %dma_wait3A_162] : memref<10000x128xf32, #tpu.memory_space<hbm>> -> memref<40x128xf32, #tpu.memory_space<hbm>>
    %dma_wait3A_164 = arith.constant 0 : i32
    %dma_wait3A_165 = arith.constant 0 : i32
    %dma_wait3A_166 = tpu.memref_slice %arg9[%dma_wait3A_156, %dma_wait3A_164, %dma_wait3A_165] : memref<7x40x128xf32, #tpu.memory_space<vmem>> -> memref<1x40x128xf32, #tpu.memory_space<vmem>>
    %dma_wait3A_167 = tpu.memref_squeeze %dma_wait3A_166 : memref<1x40x128xf32, #tpu.memory_space<vmem>> -> memref<40x128xf32, #tpu.memory_space<vmem>>
    %dma_wait3A_168 = arith.constant 0 : i32
    %dma_wait3A_169 = arith.constant 0 : i32
    %dma_wait3A_170 = tpu.memref_slice %arg2[%dma_wait3A_168, %dma_wait3A_169] : memref<10000x128xf32, #tpu.memory_space<hbm>> -> memref<40x128xf32, #tpu.memory_space<hbm>>
    tpu.wait_dma2 semaphore(%arg13 : memref<!tpu.dma_semaphore, #tpu.memory_space<semaphore_mem>>) src(%dma_wait3A_170 : memref<40x128xf32, #tpu.memory_space<hbm>>) dst(%dma_wait3A_167 : memref<40x128xf32, #tpu.memory_space<vmem>>)
    %dma_start3A_171 = arith.constant 1 : i32
    %dma_start3A_172 = arith.constant 1 : i32
    %dma_start3A_173 = arith.constant 1 : i32
    %dma_start3A_174 = arith.constant 0 : i32
    %dma_start3A_175 = arith.constant 0 : i32
    %dma_start3A_176 = tpu.memref_slice %arg9[%dma_start3A_171, %dma_start3A_174, %dma_start3A_175] : memref<7x40x128xf32, #tpu.memory_space<vmem>> -> memref<1x40x128xf32, #tpu.memory_space<vmem>>
    %dma_start3A_177 = tpu.memref_squeeze %dma_start3A_176 : memref<1x40x128xf32, #tpu.memory_space<vmem>> -> memref<40x128xf32, #tpu.memory_space<vmem>>
    %dma_start3A_178 = arith.constant 0 : i32
    %dma_start3A_179 = tpu.memref_slice %arg8[%dma_start3A_172, %dma_start3A_173, %dma_start3A_178] : memref<2x7x40xi32, #tpu.memory_space<vmem>> -> memref<1x1x40xi32, #tpu.memory_space<vmem>>
    %dma_start3A_180 = tpu.memref_squeeze %dma_start3A_179 : memref<1x1x40xi32, #tpu.memory_space<vmem>> -> memref<40xi32, #tpu.memory_space<vmem>>
    %dma_start3A_181 = arith.constant 0 : i32
    %dma_start3A_182 = arith.constant 0 : i32
    %dma_start3A_183 = tpu.memref_slice %arg6[%dma_start3A_181, %dma_start3A_182] : memref<10000x128xf32, #tpu.memory_space<vmem_shared>> -> memref<10000x128xf32, #tpu.memory_space<vmem_shared>>
    tpu.enqueue_indirect_dma source(%dma_start3A_177 : memref<40x128xf32, #tpu.memory_space<vmem>>) target(%dma_start3A_183 : memref<10000x128xf32, #tpu.memory_space<vmem_shared>>) offsets(%dma_start3A_180 : memref<40xi32, #tpu.memory_space<vmem>>) semaphore(%arg20 : memref<!tpu.dma_semaphore, #tpu.memory_space<semaphore_mem>>) {add = true}
    %dma_wait3A_184 = arith.constant 2 : i32
    %dma_wait3A_185 = arith.constant 0 : i32
    %dma_wait3A_186 = arith.constant 0 : i32
    %dma_wait3A_187 = tpu.memref_slice %arg9[%dma_wait3A_184, %dma_wait3A_185, %dma_wait3A_186] : memref<7x40x128xf32, #tpu.memory_space<vmem>> -> memref<1x40x128xf32, #tpu.memory_space<vmem>>
    %dma_wait3A_188 = tpu.memref_squeeze %dma_wait3A_187 : memref<1x40x128xf32, #tpu.memory_space<vmem>> -> memref<40x128xf32, #tpu.memory_space<vmem>>
    %dma_wait3A_189 = arith.constant 0 : i32
    %dma_wait3A_190 = arith.constant 0 : i32
    %dma_wait3A_191 = tpu.memref_slice %arg2[%dma_wait3A_189, %dma_wait3A_190] : memref<10000x128xf32, #tpu.memory_space<hbm>> -> memref<40x128xf32, #tpu.memory_space<hbm>>
    %dma_wait3A_192 = arith.constant 0 : i32
    %dma_wait3A_193 = arith.constant 0 : i32
    %dma_wait3A_194 = tpu.memref_slice %arg9[%dma_wait3A_184, %dma_wait3A_192, %dma_wait3A_193] : memref<7x40x128xf32, #tpu.memory_space<vmem>> -> memref<1x40x128xf32, #tpu.memory_space<vmem>>
    %dma_wait3A_195 = tpu.memref_squeeze %dma_wait3A_194 : memref<1x40x128xf32, #tpu.memory_space<vmem>> -> memref<40x128xf32, #tpu.memory_space<vmem>>
    %dma_wait3A_196 = arith.constant 0 : i32
    %dma_wait3A_197 = arith.constant 0 : i32
    %dma_wait3A_198 = tpu.memref_slice %arg2[%dma_wait3A_196, %dma_wait3A_197] : memref<10000x128xf32, #tpu.memory_space<hbm>> -> memref<40x128xf32, #tpu.memory_space<hbm>>
    tpu.wait_dma2 semaphore(%arg14 : memref<!tpu.dma_semaphore, #tpu.memory_space<semaphore_mem>>) src(%dma_wait3A_198 : memref<40x128xf32, #tpu.memory_space<hbm>>) dst(%dma_wait3A_195 : memref<40x128xf32, #tpu.memory_space<vmem>>)
    %dma_start3A_199 = arith.constant 2 : i32
    %dma_start3A_200 = arith.constant 1 : i32
    %dma_start3A_201 = arith.constant 2 : i32
    %dma_start3A_202 = arith.constant 0 : i32
    %dma_start3A_203 = arith.constant 0 : i32
    %dma_start3A_204 = tpu.memref_slice %arg9[%dma_start3A_199, %dma_start3A_202, %dma_start3A_203] : memref<7x40x128xf32, #tpu.memory_space<vmem>> -> memref<1x40x128xf32, #tpu.memory_space<vmem>>
    %dma_start3A_205 = tpu.memref_squeeze %dma_start3A_204 : memref<1x40x128xf32, #tpu.memory_space<vmem>> -> memref<40x128xf32, #tpu.memory_space<vmem>>
    %dma_start3A_206 = arith.constant 0 : i32
    %dma_start3A_207 = tpu.memref_slice %arg8[%dma_start3A_200, %dma_start3A_201, %dma_start3A_206] : memref<2x7x40xi32, #tpu.memory_space<vmem>> -> memref<1x1x40xi32, #tpu.memory_space<vmem>>
    %dma_start3A_208 = tpu.memref_squeeze %dma_start3A_207 : memref<1x1x40xi32, #tpu.memory_space<vmem>> -> memref<40xi32, #tpu.memory_space<vmem>>
    %dma_start3A_209 = arith.constant 0 : i32
    %dma_start3A_210 = arith.constant 0 : i32
    %dma_start3A_211 = tpu.memref_slice %arg6[%dma_start3A_209, %dma_start3A_210] : memref<10000x128xf32, #tpu.memory_space<vmem_shared>> -> memref<10000x128xf32, #tpu.memory_space<vmem_shared>>
    tpu.enqueue_indirect_dma source(%dma_start3A_205 : memref<40x128xf32, #tpu.memory_space<vmem>>) target(%dma_start3A_211 : memref<10000x128xf32, #tpu.memory_space<vmem_shared>>) offsets(%dma_start3A_208 : memref<40xi32, #tpu.memory_space<vmem>>) semaphore(%arg21 : memref<!tpu.dma_semaphore, #tpu.memory_space<semaphore_mem>>) {add = true}
    %dma_wait3A_212 = arith.constant 3 : i32
    %dma_wait3A_213 = arith.constant 0 : i32
    %dma_wait3A_214 = arith.constant 0 : i32
    %dma_wait3A_215 = tpu.memref_slice %arg9[%dma_wait3A_212, %dma_wait3A_213, %dma_wait3A_214] : memref<7x40x128xf32, #tpu.memory_space<vmem>> -> memref<1x40x128xf32, #tpu.memory_space<vmem>>
    %dma_wait3A_216 = tpu.memref_squeeze %dma_wait3A_215 : memref<1x40x128xf32, #tpu.memory_space<vmem>> -> memref<40x128xf32, #tpu.memory_space<vmem>>
    %dma_wait3A_217 = arith.constant 0 : i32
    %dma_wait3A_218 = arith.constant 0 : i32
    %dma_wait3A_219 = tpu.memref_slice %arg2[%dma_wait3A_217, %dma_wait3A_218] : memref<10000x128xf32, #tpu.memory_space<hbm>> -> memref<40x128xf32, #tpu.memory_space<hbm>>
    %dma_wait3A_220 = arith.constant 0 : i32
    %dma_wait3A_221 = arith.constant 0 : i32
    %dma_wait3A_222 = tpu.memref_slice %arg9[%dma_wait3A_212, %dma_wait3A_220, %dma_wait3A_221] : memref<7x40x128xf32, #tpu.memory_space<vmem>> -> memref<1x40x128xf32, #tpu.memory_space<vmem>>
    %dma_wait3A_223 = tpu.memref_squeeze %dma_wait3A_222 : memref<1x40x128xf32, #tpu.memory_space<vmem>> -> memref<40x128xf32, #tpu.memory_space<vmem>>
    %dma_wait3A_224 = arith.constant 0 : i32
    %dma_wait3A_225 = arith.constant 0 : i32
    %dma_wait3A_226 = tpu.memref_slice %arg2[%dma_wait3A_224, %dma_wait3A_225] : memref<10000x128xf32, #tpu.memory_space<hbm>> -> memref<40x128xf32, #tpu.memory_space<hbm>>
    tpu.wait_dma2 semaphore(%arg15 : memref<!tpu.dma_semaphore, #tpu.memory_space<semaphore_mem>>) src(%dma_wait3A_226 : memref<40x128xf32, #tpu.memory_space<hbm>>) dst(%dma_wait3A_223 : memref<40x128xf32, #tpu.memory_space<vmem>>)
    %dma_start3A_227 = arith.constant 3 : i32
    %dma_start3A_228 = arith.constant 1 : i32
    %dma_start3A_229 = arith.constant 3 : i32
    %dma_start3A_230 = arith.constant 0 : i32
    %dma_start3A_231 = arith.constant 0 : i32
    %dma_start3A_232 = tpu.memref_slice %arg9[%dma_start3A_227, %dma_start3A_230, %dma_start3A_231] : memref<7x40x128xf32, #tpu.memory_space<vmem>> -> memref<1x40x128xf32, #tpu.memory_space<vmem>>
    %dma_start3A_233 = tpu.memref_squeeze %dma_start3A_232 : memref<1x40x128xf32, #tpu.memory_space<vmem>> -> memref<40x128xf32, #tpu.memory_space<vmem>>
    %dma_start3A_234 = arith.constant 0 : i32
    %dma_start3A_235 = tpu.memref_slice %arg8[%dma_start3A_228, %dma_start3A_229, %dma_start3A_234] : memref<2x7x40xi32, #tpu.memory_space<vmem>> -> memref<1x1x40xi32, #tpu.memory_space<vmem>>
    %dma_start3A_236 = tpu.memref_squeeze %dma_start3A_235 : memref<1x1x40xi32, #tpu.memory_space<vmem>> -> memref<40xi32, #tpu.memory_space<vmem>>
    %dma_start3A_237 = arith.constant 0 : i32
    %dma_start3A_238 = arith.constant 0 : i32
    %dma_start3A_239 = tpu.memref_slice %arg6[%dma_start3A_237, %dma_start3A_238] : memref<10000x128xf32, #tpu.memory_space<vmem_shared>> -> memref<10000x128xf32, #tpu.memory_space<vmem_shared>>
    tpu.enqueue_indirect_dma source(%dma_start3A_233 : memref<40x128xf32, #tpu.memory_space<vmem>>) target(%dma_start3A_239 : memref<10000x128xf32, #tpu.memory_space<vmem_shared>>) offsets(%dma_start3A_236 : memref<40xi32, #tpu.memory_space<vmem>>) semaphore(%arg22 : memref<!tpu.dma_semaphore, #tpu.memory_space<semaphore_mem>>) {add = true}
    %dma_wait3A_240 = arith.constant 4 : i32
    %dma_wait3A_241 = arith.constant 0 : i32
    %dma_wait3A_242 = arith.constant 0 : i32
    %dma_wait3A_243 = tpu.memref_slice %arg9[%dma_wait3A_240, %dma_wait3A_241, %dma_wait3A_242] : memref<7x40x128xf32, #tpu.memory_space<vmem>> -> memref<1x40x128xf32, #tpu.memory_space<vmem>>
    %dma_wait3A_244 = tpu.memref_squeeze %dma_wait3A_243 : memref<1x40x128xf32, #tpu.memory_space<vmem>> -> memref<40x128xf32, #tpu.memory_space<vmem>>
    %dma_wait3A_245 = arith.constant 0 : i32
    %dma_wait3A_246 = arith.constant 0 : i32
    %dma_wait3A_247 = tpu.memref_slice %arg2[%dma_wait3A_245, %dma_wait3A_246] : memref<10000x128xf32, #tpu.memory_space<hbm>> -> memref<40x128xf32, #tpu.memory_space<hbm>>
    %dma_wait3A_248 = arith.constant 0 : i32
    %dma_wait3A_249 = arith.constant 0 : i32
    %dma_wait3A_250 = tpu.memref_slice %arg9[%dma_wait3A_240, %dma_wait3A_248, %dma_wait3A_249] : memref<7x40x128xf32, #tpu.memory_space<vmem>> -> memref<1x40x128xf32, #tpu.memory_space<vmem>>
    %dma_wait3A_251 = tpu.memref_squeeze %dma_wait3A_250 : memref<1x40x128xf32, #tpu.memory_space<vmem>> -> memref<40x128xf32, #tpu.memory_space<vmem>>
    %dma_wait3A_252 = arith.constant 0 : i32
    %dma_wait3A_253 = arith.constant 0 : i32
    %dma_wait3A_254 = tpu.memref_slice %arg2[%dma_wait3A_252, %dma_wait3A_253] : memref<10000x128xf32, #tpu.memory_space<hbm>> -> memref<40x128xf32, #tpu.memory_space<hbm>>
    tpu.wait_dma2 semaphore(%arg16 : memref<!tpu.dma_semaphore, #tpu.memory_space<semaphore_mem>>) src(%dma_wait3A_254 : memref<40x128xf32, #tpu.memory_space<hbm>>) dst(%dma_wait3A_251 : memref<40x128xf32, #tpu.memory_space<vmem>>)
    %dma_start3A_255 = arith.constant 4 : i32
    %dma_start3A_256 = arith.constant 1 : i32
    %dma_start3A_257 = arith.constant 4 : i32
    %dma_start3A_258 = arith.constant 0 : i32
    %dma_start3A_259 = arith.constant 0 : i32
    %dma_start3A_260 = tpu.memref_slice %arg9[%dma_start3A_255, %dma_start3A_258, %dma_start3A_259] : memref<7x40x128xf32, #tpu.memory_space<vmem>> -> memref<1x40x128xf32, #tpu.memory_space<vmem>>
    %dma_start3A_261 = tpu.memref_squeeze %dma_start3A_260 : memref<1x40x128xf32, #tpu.memory_space<vmem>> -> memref<40x128xf32, #tpu.memory_space<vmem>>
    %dma_start3A_262 = arith.constant 0 : i32
    %dma_start3A_263 = tpu.memref_slice %arg8[%dma_start3A_256, %dma_start3A_257, %dma_start3A_262] : memref<2x7x40xi32, #tpu.memory_space<vmem>> -> memref<1x1x40xi32, #tpu.memory_space<vmem>>
    %dma_start3A_264 = tpu.memref_squeeze %dma_start3A_263 : memref<1x1x40xi32, #tpu.memory_space<vmem>> -> memref<40xi32, #tpu.memory_space<vmem>>
    %dma_start3A_265 = arith.constant 0 : i32
    %dma_start3A_266 = arith.constant 0 : i32
    %dma_start3A_267 = tpu.memref_slice %arg6[%dma_start3A_265, %dma_start3A_266] : memref<10000x128xf32, #tpu.memory_space<vmem_shared>> -> memref<10000x128xf32, #tpu.memory_space<vmem_shared>>
    tpu.enqueue_indirect_dma source(%dma_start3A_261 : memref<40x128xf32, #tpu.memory_space<vmem>>) target(%dma_start3A_267 : memref<10000x128xf32, #tpu.memory_space<vmem_shared>>) offsets(%dma_start3A_264 : memref<40xi32, #tpu.memory_space<vmem>>) semaphore(%arg23 : memref<!tpu.dma_semaphore, #tpu.memory_space<semaphore_mem>>) {add = true}
    %dma_wait3A_268 = arith.constant 0 : i32
    %dma_wait3A_269 = arith.constant 0 : i32
    %dma_wait3A_270 = arith.constant 0 : i32
    %dma_wait3A_271 = tpu.memref_slice %arg9[%dma_wait3A_268, %dma_wait3A_269, %dma_wait3A_270] : memref<7x40x128xf32, #tpu.memory_space<vmem>> -> memref<1x40x128xf32, #tpu.memory_space<vmem>>
    %dma_wait3A_272 = tpu.memref_squeeze %dma_wait3A_271 : memref<1x40x128xf32, #tpu.memory_space<vmem>> -> memref<40x128xf32, #tpu.memory_space<vmem>>
    %dma_wait3A_273 = arith.constant 0 : i32
    %dma_wait3A_274 = arith.constant 0 : i32
    %dma_wait3A_275 = tpu.memref_slice %arg2[%dma_wait3A_273, %dma_wait3A_274] : memref<10000x128xf32, #tpu.memory_space<hbm>> -> memref<40x128xf32, #tpu.memory_space<hbm>>
    %dma_wait3A_276 = arith.constant 0 : i32
    %dma_wait3A_277 = arith.constant 0 : i32
    %dma_wait3A_278 = tpu.memref_slice %arg9[%dma_wait3A_268, %dma_wait3A_276, %dma_wait3A_277] : memref<7x40x128xf32, #tpu.memory_space<vmem>> -> memref<1x40x128xf32, #tpu.memory_space<vmem>>
    %dma_wait3A_279 = tpu.memref_squeeze %dma_wait3A_278 : memref<1x40x128xf32, #tpu.memory_space<vmem>> -> memref<40x128xf32, #tpu.memory_space<vmem>>
    %dma_wait3A_280 = arith.constant 0 : i32
    %dma_wait3A_281 = arith.constant 0 : i32
    %dma_wait3A_282 = tpu.memref_slice %arg2[%dma_wait3A_280, %dma_wait3A_281] : memref<10000x128xf32, #tpu.memory_space<hbm>> -> memref<40x128xf32, #tpu.memory_space<hbm>>
    tpu.wait_dma2 semaphore(%arg19 : memref<!tpu.dma_semaphore, #tpu.memory_space<semaphore_mem>>) src(%dma_wait3A_282 : memref<40x128xf32, #tpu.memory_space<hbm>>) dst(%dma_wait3A_279 : memref<40x128xf32, #tpu.memory_space<vmem>>)
    %dma_wait3A_283 = arith.constant 1 : i32
    %dma_wait3A_284 = arith.constant 0 : i32
    %dma_wait3A_285 = arith.constant 0 : i32
    %dma_wait3A_286 = tpu.memref_slice %arg9[%dma_wait3A_283, %dma_wait3A_284, %dma_wait3A_285] : memref<7x40x128xf32, #tpu.memory_space<vmem>> -> memref<1x40x128xf32, #tpu.memory_space<vmem>>
    %dma_wait3A_287 = tpu.memref_squeeze %dma_wait3A_286 : memref<1x40x128xf32, #tpu.memory_space<vmem>> -> memref<40x128xf32, #tpu.memory_space<vmem>>
    %dma_wait3A_288 = arith.constant 0 : i32
    %dma_wait3A_289 = arith.constant 0 : i32
    %dma_wait3A_290 = tpu.memref_slice %arg2[%dma_wait3A_288, %dma_wait3A_289] : memref<10000x128xf32, #tpu.memory_space<hbm>> -> memref<40x128xf32, #tpu.memory_space<hbm>>
    %dma_wait3A_291 = arith.constant 0 : i32
    %dma_wait3A_292 = arith.constant 0 : i32
    %dma_wait3A_293 = tpu.memref_slice %arg9[%dma_wait3A_283, %dma_wait3A_291, %dma_wait3A_292] : memref<7x40x128xf32, #tpu.memory_space<vmem>> -> memref<1x40x128xf32, #tpu.memory_space<vmem>>
    %dma_wait3A_294 = tpu.memref_squeeze %dma_wait3A_293 : memref<1x40x128xf32, #tpu.memory_space<vmem>> -> memref<40x128xf32, #tpu.memory_space<vmem>>
    %dma_wait3A_295 = arith.constant 0 : i32
    %dma_wait3A_296 = arith.constant 0 : i32
    %dma_wait3A_297 = tpu.memref_slice %arg2[%dma_wait3A_295, %dma_wait3A_296] : memref<10000x128xf32, #tpu.memory_space<hbm>> -> memref<40x128xf32, #tpu.memory_space<hbm>>
    tpu.wait_dma2 semaphore(%arg20 : memref<!tpu.dma_semaphore, #tpu.memory_space<semaphore_mem>>) src(%dma_wait3A_297 : memref<40x128xf32, #tpu.memory_space<hbm>>) dst(%dma_wait3A_294 : memref<40x128xf32, #tpu.memory_space<vmem>>)
    %dma_wait3A_298 = arith.constant 2 : i32
    %dma_wait3A_299 = arith.constant 0 : i32
    %dma_wait3A_300 = arith.constant 0 : i32
    %dma_wait3A_301 = tpu.memref_slice %arg9[%dma_wait3A_298, %dma_wait3A_299, %dma_wait3A_300] : memref<7x40x128xf32, #tpu.memory_space<vmem>> -> memref<1x40x128xf32, #tpu.memory_space<vmem>>
    %dma_wait3A_302 = tpu.memref_squeeze %dma_wait3A_301 : memref<1x40x128xf32, #tpu.memory_space<vmem>> -> memref<40x128xf32, #tpu.memory_space<vmem>>
    %dma_wait3A_303 = arith.constant 0 : i32
    %dma_wait3A_304 = arith.constant 0 : i32
    %dma_wait3A_305 = tpu.memref_slice %arg2[%dma_wait3A_303, %dma_wait3A_304] : memref<10000x128xf32, #tpu.memory_space<hbm>> -> memref<40x128xf32, #tpu.memory_space<hbm>>
    %dma_wait3A_306 = arith.constant 0 : i32
    %dma_wait3A_307 = arith.constant 0 : i32
    %dma_wait3A_308 = tpu.memref_slice %arg9[%dma_wait3A_298, %dma_wait3A_306, %dma_wait3A_307] : memref<7x40x128xf32, #tpu.memory_space<vmem>> -> memref<1x40x128xf32, #tpu.memory_space<vmem>>
    %dma_wait3A_309 = tpu.memref_squeeze %dma_wait3A_308 : memref<1x40x128xf32, #tpu.memory_space<vmem>> -> memref<40x128xf32, #tpu.memory_space<vmem>>
    %dma_wait3A_310 = arith.constant 0 : i32
    %dma_wait3A_311 = arith.constant 0 : i32
    %dma_wait3A_312 = tpu.memref_slice %arg2[%dma_wait3A_310, %dma_wait3A_311] : memref<10000x128xf32, #tpu.memory_space<hbm>> -> memref<40x128xf32, #tpu.memory_space<hbm>>
    tpu.wait_dma2 semaphore(%arg21 : memref<!tpu.dma_semaphore, #tpu.memory_space<semaphore_mem>>) src(%dma_wait3A_312 : memref<40x128xf32, #tpu.memory_space<hbm>>) dst(%dma_wait3A_309 : memref<40x128xf32, #tpu.memory_space<vmem>>)
    %dma_wait3A_313 = arith.constant 3 : i32
    %dma_wait3A_314 = arith.constant 0 : i32
    %dma_wait3A_315 = arith.constant 0 : i32
    %dma_wait3A_316 = tpu.memref_slice %arg9[%dma_wait3A_313, %dma_wait3A_314, %dma_wait3A_315] : memref<7x40x128xf32, #tpu.memory_space<vmem>> -> memref<1x40x128xf32, #tpu.memory_space<vmem>>
    %dma_wait3A_317 = tpu.memref_squeeze %dma_wait3A_316 : memref<1x40x128xf32, #tpu.memory_space<vmem>> -> memref<40x128xf32, #tpu.memory_space<vmem>>
    %dma_wait3A_318 = arith.constant 0 : i32
    %dma_wait3A_319 = arith.constant 0 : i32
    %dma_wait3A_320 = tpu.memref_slice %arg2[%dma_wait3A_318, %dma_wait3A_319] : memref<10000x128xf32, #tpu.memory_space<hbm>> -> memref<40x128xf32, #tpu.memory_space<hbm>>
    %dma_wait3A_321 = arith.constant 0 : i32
    %dma_wait3A_322 = arith.constant 0 : i32
    %dma_wait3A_323 = tpu.memref_slice %arg9[%dma_wait3A_313, %dma_wait3A_321, %dma_wait3A_322] : memref<7x40x128xf32, #tpu.memory_space<vmem>> -> memref<1x40x128xf32, #tpu.memory_space<vmem>>
    %dma_wait3A_324 = tpu.memref_squeeze %dma_wait3A_323 : memref<1x40x128xf32, #tpu.memory_space<vmem>> -> memref<40x128xf32, #tpu.memory_space<vmem>>
    %dma_wait3A_325 = arith.constant 0 : i32
    %dma_wait3A_326 = arith.constant 0 : i32
    %dma_wait3A_327 = tpu.memref_slice %arg2[%dma_wait3A_325, %dma_wait3A_326] : memref<10000x128xf32, #tpu.memory_space<hbm>> -> memref<40x128xf32, #tpu.memory_space<hbm>>
    tpu.wait_dma2 semaphore(%arg22 : memref<!tpu.dma_semaphore, #tpu.memory_space<semaphore_mem>>) src(%dma_wait3A_327 : memref<40x128xf32, #tpu.memory_space<hbm>>) dst(%dma_wait3A_324 : memref<40x128xf32, #tpu.memory_space<vmem>>)
    %dma_wait3A_328 = arith.constant 4 : i32
    %dma_wait3A_329 = arith.constant 0 : i32
    %dma_wait3A_330 = arith.constant 0 : i32
    %dma_wait3A_331 = tpu.memref_slice %arg9[%dma_wait3A_328, %dma_wait3A_329, %dma_wait3A_330] : memref<7x40x128xf32, #tpu.memory_space<vmem>> -> memref<1x40x128xf32, #tpu.memory_space<vmem>>
    %dma_wait3A_332 = tpu.memref_squeeze %dma_wait3A_331 : memref<1x40x128xf32, #tpu.memory_space<vmem>> -> memref<40x128xf32, #tpu.memory_space<vmem>>
    %dma_wait3A_333 = arith.constant 0 : i32
    %dma_wait3A_334 = arith.constant 0 : i32
    %dma_wait3A_335 = tpu.memref_slice %arg2[%dma_wait3A_333, %dma_wait3A_334] : memref<10000x128xf32, #tpu.memory_space<hbm>> -> memref<40x128xf32, #tpu.memory_space<hbm>>
    %dma_wait3A_336 = arith.constant 0 : i32
    %dma_wait3A_337 = arith.constant 0 : i32
    %dma_wait3A_338 = tpu.memref_slice %arg9[%dma_wait3A_328, %dma_wait3A_336, %dma_wait3A_337] : memref<7x40x128xf32, #tpu.memory_space<vmem>> -> memref<1x40x128xf32, #tpu.memory_space<vmem>>
    %dma_wait3A_339 = tpu.memref_squeeze %dma_wait3A_338 : memref<1x40x128xf32, #tpu.memory_space<vmem>> -> memref<40x128xf32, #tpu.memory_space<vmem>>
    %dma_wait3A_340 = arith.constant 0 : i32
    %dma_wait3A_341 = arith.constant 0 : i32
    %dma_wait3A_342 = tpu.memref_slice %arg2[%dma_wait3A_340, %dma_wait3A_341] : memref<10000x128xf32, #tpu.memory_space<hbm>> -> memref<40x128xf32, #tpu.memory_space<hbm>>
    tpu.wait_dma2 semaphore(%arg23 : memref<!tpu.dma_semaphore, #tpu.memory_space<semaphore_mem>>) src(%dma_wait3A_342 : memref<40x128xf32, #tpu.memory_space<hbm>>) dst(%dma_wait3A_339 : memref<40x128xf32, #tpu.memory_space<vmem>>)
    %barrier3A_343 = arith.constant 0 : index
    tpu.barrier barrier_id(%barrier3A_343)
    "tpu.region"() ({
      %run_scoped3A = tpu.sem_alloc : memref<!tpu.dma_semaphore, #tpu.memory_space<semaphore_mem>>
      %dma_start3A_344 = arith.constant 0 : i32
      %dma_start3A_345 = tpu.memref_slice %arg5[%arg0, %mul3A_0, %dma_start3A_344] : memref<2x10000x128xf32, #tpu.memory_space<hbm>> -> memref<1x625x128xf32, #tpu.memory_space<hbm>>
      %dma_start3A_346 = tpu.memref_squeeze %dma_start3A_345 : memref<1x625x128xf32, #tpu.memory_space<hbm>> -> memref<625x128xf32, #tpu.memory_space<hbm>>
      %dma_start3A_347 = arith.constant 0 : i32
      %dma_start3A_348 = tpu.memref_slice %arg6[%mul3A_0, %dma_start3A_347] : memref<10000x128xf32, #tpu.memory_space<vmem_shared>> -> memref<625x128xf32, #tpu.memory_space<vmem_shared>>
      tpu.enqueue_dma source(%dma_start3A_348 : memref<625x128xf32, #tpu.memory_space<vmem_shared>>) target(%dma_start3A_346 : memref<625x128xf32, #tpu.memory_space<hbm>>) target_semaphore(%run_scoped3A : memref<!tpu.dma_semaphore, #tpu.memory_space<semaphore_mem>>)
      %dma_wait3A_349 = arith.constant 0 : i32
      %dma_wait3A_350 = tpu.memref_slice %arg5[%arg0, %mul3A_0, %dma_wait3A_349] : memref<2x10000x128xf32, #tpu.memory_space<hbm>> -> memref<1x625x128xf32, #tpu.memory_space<hbm>>
      %dma_wait3A_351 = tpu.memref_squeeze %dma_wait3A_350 : memref<1x625x128xf32, #tpu.memory_space<hbm>> -> memref<625x128xf32, #tpu.memory_space<hbm>>
      %dma_wait3A_352 = arith.constant 0 : i32
      %dma_wait3A_353 = tpu.memref_slice %arg6[%mul3A_0, %dma_wait3A_352] : memref<10000x128xf32, #tpu.memory_space<vmem_shared>> -> memref<625x128xf32, #tpu.memory_space<vmem_shared>>
      tpu.wait_dma2 semaphore(%run_scoped3A : memref<!tpu.dma_semaphore, #tpu.memory_space<semaphore_mem>>) src(%dma_wait3A_353 : memref<625x128xf32, #tpu.memory_space<vmem_shared>>) dst(%dma_wait3A_351 : memref<625x128xf32, #tpu.memory_space<hbm>>)
      tpu.yield
    }) : () -> ()
    return
  }
}

#map = affine_map<(d0, d1) -> (0)>
#map1 = affine_map<(d0, d1) -> (0, 0)>
module attributes {stable_mosaic.version = 14 : i64} {
  func.func @_dinv_body(%arg0: i32, %arg1: i32, %arg2: memref<320000xi32, #tpu.memory_space<hbm>>, %arg3: memref<2x10000xf32, #tpu.memory_space<hbm>>, %arg4: memref<10000xf32, #tpu.memory_space<vmem>>, %arg5: memref<2000xi32, #tpu.memory_space<vmem>>, %arg6: memref<16x10000xf32, #tpu.memory_space<vmem_shared>>, %arg7: memref<16x640xf32, #tpu.memory_space<vmem>>, %arg8: memref<640xf32, #tpu.memory_space<vmem>>) attributes {dimension_semantics = [#tpu.dimension_semantics<core_parallel>, #tpu.dimension_semantics<subcore_parallel>], iteration_bounds = array<i64: 2, 16>, scalar_prefetch = 0 : i64, scratch_operands = 5 : i64, tpu.core_type = #tpu.core_type<sc_vector_subcore>, window_params = [{transform_indices = #map}, {transform_indices = #map1}]} {
    %broadcast_in_dim3A = arith.constant 0.000000e+00 : f32
    %broadcast_in_dim3A_0 = vector.broadcast %broadcast_in_dim3A : f32 to vector<16xf32>
    %broadcast_in_dim3A_1 = arith.constant 1.000000e+00 : f32
    %broadcast_in_dim3A_2 = vector.broadcast %broadcast_in_dim3A_1 : f32 to vector<16xf32>
    %scan3A = arith.constant 0 : i32
    %scan3A_3 = arith.constant 0 : i32
    %scan3A_4 = arith.constant 625 : i32
    %scan3A_5 = arith.addi %scan3A_3, %scan3A_4 : i32
    %scan3A_6 = arith.constant 1 : i32
    scf.for %scan3A_56 = %scan3A_3 to %scan3A_5 step %scan3A_6  : i32 {
      %mul3A_57 = arith.constant 16 : i32
      %mul3A_58 = arith.muli %scan3A_56, %mul3A_57 : i32
      %swap3A = arith.index_cast %mul3A_58 : i32 to index
      %swap3A_59 = tpu.vector_load %arg4[%swap3A] {strides = array<i32>} : memref<10000xf32, #tpu.memory_space<vmem>>, vector<16xf32>,
      tpu.vector_store %arg4[%swap3A], %broadcast_in_dim3A_0 {strides = array<i32>} : memref<10000xf32, #tpu.memory_space<vmem>>, vector<16xf32>,
    }
    %scan3A_7 = arith.constant 625 : i32
    %mul3A = arith.constant 16 : i32
    %mul3A_8 = arith.muli %arg0, %mul3A : i32
    %add3A = arith.addi %mul3A_8, %arg1 : i32
    %mul3A_9 = arith.constant 10000 : i32
    %mul3A_10 = arith.muli %add3A, %mul3A_9 : i32
    %scan3A_11 = arith.constant 0 : i32
    %scan3A_12 = arith.constant 0 : i32
    %scan3A_13 = arith.constant 5 : i32
    %scan3A_14 = arith.addi %scan3A_12, %scan3A_13 : i32
    %scan3A_15 = arith.constant 1 : i32
    scf.for %scan3A_56 = %scan3A_12 to %scan3A_14 step %scan3A_15  : i32 {
      %mul3A_57 = arith.constant 2000 : i32
      %mul3A_58 = arith.muli %scan3A_56, %mul3A_57 : i32
      %add3A_59 = arith.addi %mul3A_10, %mul3A_58 : i32
      %multiple_of3A_60 = tpu.assume_multiple %add3A_59, 8 : i32
      "tpu.region"() ({
        %run_scoped3A_67 = tpu.sem_alloc : memref<!tpu.dma_semaphore, #tpu.memory_space<semaphore_mem>>
        %dma_start3A = tpu.memref_slice %arg2[%multiple_of3A_60] : memref<320000xi32, #tpu.memory_space<hbm>> -> memref<2000xi32, #tpu.memory_space<hbm>>
        %dma_start3A_68 = tpu.memref_slice %arg2[%multiple_of3A_60] : memref<320000xi32, #tpu.memory_space<hbm>> -> memref<2000xi32, #tpu.memory_space<hbm>>
        tpu.enqueue_dma source(%dma_start3A_68 : memref<2000xi32, #tpu.memory_space<hbm>>) target(%arg5 : memref<2000xi32, #tpu.memory_space<vmem>>) target_semaphore(%run_scoped3A_67 : memref<!tpu.dma_semaphore, #tpu.memory_space<semaphore_mem>>)
        %dma_wait3A = tpu.memref_slice %arg2[%multiple_of3A_60] : memref<320000xi32, #tpu.memory_space<hbm>> -> memref<2000xi32, #tpu.memory_space<hbm>>
        %dma_wait3A_69 = tpu.memref_slice %arg2[%multiple_of3A_60] : memref<320000xi32, #tpu.memory_space<hbm>> -> memref<2000xi32, #tpu.memory_space<hbm>>
        tpu.wait_dma2 semaphore(%run_scoped3A_67 : memref<!tpu.dma_semaphore, #tpu.memory_space<semaphore_mem>>) src(%dma_wait3A_69 : memref<2000xi32, #tpu.memory_space<hbm>>) dst(%arg5 : memref<2000xi32, #tpu.memory_space<vmem>>)
        tpu.yield
      }) : () -> ()
      %scan3A_61 = arith.constant 0 : i32
      %scan3A_62 = arith.constant 0 : i32
      %scan3A_63 = arith.constant 125 : i32
      %scan3A_64 = arith.addi %scan3A_62, %scan3A_63 : i32
      %scan3A_65 = arith.constant 1 : i32
      scf.for %scan3A_67 = %scan3A_62 to %scan3A_64 step %scan3A_65  : i32 {
        %mul3A_68 = arith.constant 16 : i32
        %mul3A_69 = arith.muli %scan3A_67, %mul3A_68 : i32
        %get3A = arith.index_cast %mul3A_69 : i32 to index
        %get3A_70 = tpu.vector_load %arg5[%get3A] {strides = array<i32>} : memref<2000xi32, #tpu.memory_space<vmem>>, vector<16xi32>,
        tpu.vector_store_idx %arg4[%get3A_70], %broadcast_in_dim3A_2 {add = true} : memref<10000xf32, #tpu.memory_space<vmem>>[vector<16xi32>], vector<16xf32>,
      }
      %scan3A_66 = arith.constant 125 : i32
    }
    %scan3A_16 = arith.constant 5 : i32
    "tpu.region"() ({
      %run_scoped3A_56 = tpu.sem_alloc : memref<!tpu.dma_semaphore, #tpu.memory_space<semaphore_mem>>
      %dma_start3A = arith.constant 0 : i32
      %dma_start3A_57 = tpu.memref_slice %arg6[%arg1, %dma_start3A] : memref<16x10000xf32, #tpu.memory_space<vmem_shared>> -> memref<1x10000xf32, #tpu.memory_space<vmem_shared>>
      %dma_start3A_58 = tpu.memref_squeeze %dma_start3A_57 : memref<1x10000xf32, #tpu.memory_space<vmem_shared>> -> memref<10000xf32, #tpu.memory_space<vmem_shared>>
      %dma_start3A_59 = arith.constant 0 : i32
      %dma_start3A_60 = tpu.memref_slice %arg6[%arg1, %dma_start3A_59] : memref<16x10000xf32, #tpu.memory_space<vmem_shared>> -> memref<1x10000xf32, #tpu.memory_space<vmem_shared>>
      %dma_start3A_61 = tpu.memref_squeeze %dma_start3A_60 : memref<1x10000xf32, #tpu.memory_space<vmem_shared>> -> memref<10000xf32, #tpu.memory_space<vmem_shared>>
      tpu.enqueue_dma source(%arg4 : memref<10000xf32, #tpu.memory_space<vmem>>) target(%dma_start3A_61 : memref<10000xf32, #tpu.memory_space<vmem_shared>>) target_semaphore(%run_scoped3A_56 : memref<!tpu.dma_semaphore, #tpu.memory_space<semaphore_mem>>)
      %dma_wait3A = arith.constant 0 : i32
      %dma_wait3A_62 = tpu.memref_slice %arg6[%arg1, %dma_wait3A] : memref<16x10000xf32, #tpu.memory_space<vmem_shared>> -> memref<1x10000xf32, #tpu.memory_space<vmem_shared>>
      %dma_wait3A_63 = tpu.memref_squeeze %dma_wait3A_62 : memref<1x10000xf32, #tpu.memory_space<vmem_shared>> -> memref<10000xf32, #tpu.memory_space<vmem_shared>>
      %dma_wait3A_64 = arith.constant 0 : i32
      %dma_wait3A_65 = tpu.memref_slice %arg6[%arg1, %dma_wait3A_64] : memref<16x10000xf32, #tpu.memory_space<vmem_shared>> -> memref<1x10000xf32, #tpu.memory_space<vmem_shared>>
      %dma_wait3A_66 = tpu.memref_squeeze %dma_wait3A_65 : memref<1x10000xf32, #tpu.memory_space<vmem_shared>> -> memref<10000xf32, #tpu.memory_space<vmem_shared>>
      tpu.wait_dma2 semaphore(%run_scoped3A_56 : memref<!tpu.dma_semaphore, #tpu.memory_space<semaphore_mem>>) src(%arg4 : memref<10000xf32, #tpu.memory_space<vmem>>) dst(%dma_wait3A_66 : memref<10000xf32, #tpu.memory_space<vmem_shared>>)
      tpu.yield
    }) : () -> ()
    %barrier3A = arith.constant 0 : index
    tpu.barrier barrier_id(%barrier3A)
    %mul3A_17 = arith.constant 624 : i32
    %mul3A_18 = arith.muli %arg1, %mul3A_17 : i32
    %multiple_of3A = tpu.assume_multiple %mul3A_18, 8 : i32
    %run_scoped3A = arith.constant 0 : i32
    %run_scoped3A_19 = arith.constant 0 : i32
    "tpu.region"() ({
      %run_scoped3A_56 = tpu.sem_alloc : memref<!tpu.dma_semaphore, #tpu.memory_space<semaphore_mem>>
      %dma_start3A = arith.constant 0 : i32
      %dma_start3A_57 = tpu.memref_slice %arg7[%run_scoped3A_19, %dma_start3A] : memref<16x640xf32, #tpu.memory_space<vmem>> -> memref<1x640xf32, #tpu.memory_space<vmem>>
      %dma_start3A_58 = tpu.memref_squeeze %dma_start3A_57 : memref<1x640xf32, #tpu.memory_space<vmem>> -> memref<640xf32, #tpu.memory_space<vmem>>
      %dma_start3A_59 = tpu.memref_slice %arg6[%run_scoped3A, %multiple_of3A] : memref<16x10000xf32, #tpu.memory_space<vmem_shared>> -> memref<1x640xf32, #tpu.memory_space<vmem_shared>>
      %dma_start3A_60 = tpu.memref_squeeze %dma_start3A_59 : memref<1x640xf32, #tpu.memory_space<vmem_shared>> -> memref<640xf32, #tpu.memory_space<vmem_shared>>
      %dma_start3A_61 = arith.constant 0 : i32
      %dma_start3A_62 = tpu.memref_slice %arg7[%run_scoped3A_19, %dma_start3A_61] : memref<16x640xf32, #tpu.memory_space<vmem>> -> memref<1x640xf32, #tpu.memory_space<vmem>>
      %dma_start3A_63 = tpu.memref_squeeze %dma_start3A_62 : memref<1x640xf32, #tpu.memory_space<vmem>> -> memref<640xf32, #tpu.memory_space<vmem>>
      %dma_start3A_64 = tpu.memref_slice %arg6[%run_scoped3A, %multiple_of3A] : memref<16x10000xf32, #tpu.memory_space<vmem_shared>> -> memref<1x640xf32, #tpu.memory_space<vmem_shared>>
      %dma_start3A_65 = tpu.memref_squeeze %dma_start3A_64 : memref<1x640xf32, #tpu.memory_space<vmem_shared>> -> memref<640xf32, #tpu.memory_space<vmem_shared>>
      tpu.enqueue_dma source(%dma_start3A_65 : memref<640xf32, #tpu.memory_space<vmem_shared>>) target(%dma_start3A_63 : memref<640xf32, #tpu.memory_space<vmem>>) target_semaphore(%run_scoped3A_56 : memref<!tpu.dma_semaphore, #tpu.memory_space<semaphore_mem>>)
      %dma_wait3A = arith.constant 0 : i32
      %dma_wait3A_66 = tpu.memref_slice %arg7[%run_scoped3A_19, %dma_wait3A] : memref<16x640xf32, #tpu.memory_space<vmem>> -> memref<1x640xf32, #tpu.memory_space<vmem>>
      %dma_wait3A_67 = tpu.memref_squeeze %dma_wait3A_66 : memref<1x640xf32, #tpu.memory_space<vmem>> -> memref<640xf32, #tpu.memory_space<vmem>>
      %dma_wait3A_68 = tpu.memref_slice %arg6[%run_scoped3A, %multiple_of3A] : memref<16x10000xf32, #tpu.memory_space<vmem_shared>> -> memref<1x640xf32, #tpu.memory_space<vmem_shared>>
      %dma_wait3A_69 = tpu.memref_squeeze %dma_wait3A_68 : memref<1x640xf32, #tpu.memory_space<vmem_shared>> -> memref<640xf32, #tpu.memory_space<vmem_shared>>
      %dma_wait3A_70 = arith.constant 0 : i32
      %dma_wait3A_71 = tpu.memref_slice %arg7[%run_scoped3A_19, %dma_wait3A_70] : memref<16x640xf32, #tpu.memory_space<vmem>> -> memref<1x640xf32, #tpu.memory_space<vmem>>
      %dma_wait3A_72 = tpu.memref_squeeze %dma_wait3A_71 : memref<1x640xf32, #tpu.memory_space<vmem>> -> memref<640xf32, #tpu.memory_space<vmem>>
      %dma_wait3A_73 = tpu.memref_slice %arg6[%run_scoped3A, %multiple_of3A] : memref<16x10000xf32, #tpu.memory_space<vmem_shared>> -> memref<1x640xf32, #tpu.memory_space<vmem_shared>>
      %dma_wait3A_74 = tpu.memref_squeeze %dma_wait3A_73 : memref<1x640xf32, #tpu.memory_space<vmem_shared>> -> memref<640xf32, #tpu.memory_space<vmem_shared>>
      tpu.wait_dma2 semaphore(%run_scoped3A_56 : memref<!tpu.dma_semaphore, #tpu.memory_space<semaphore_mem>>) src(%dma_wait3A_74 : memref<640xf32, #tpu.memory_space<vmem_shared>>) dst(%dma_wait3A_72 : memref<640xf32, #tpu.memory_space<vmem>>)
      tpu.yield
    }) : () -> ()
    %run_scoped3A_20 = arith.constant 1 : i32
    %run_scoped3A_21 = arith.constant 1 : i32
    "tpu.region"() ({
      %run_scoped3A_56 = tpu.sem_alloc : memref<!tpu.dma_semaphore, #tpu.memory_space<semaphore_mem>>
      %dma_start3A = arith.constant 0 : i32
      %dma_start3A_57 = tpu.memref_slice %arg7[%run_scoped3A_21, %dma_start3A] : memref<16x640xf32, #tpu.memory_space<vmem>> -> memref<1x640xf32, #tpu.memory_space<vmem>>
      %dma_start3A_58 = tpu.memref_squeeze %dma_start3A_57 : memref<1x640xf32, #tpu.memory_space<vmem>> -> memref<640xf32, #tpu.memory_space<vmem>>
      %dma_start3A_59 = tpu.memref_slice %arg6[%run_scoped3A_20, %multiple_of3A] : memref<16x10000xf32, #tpu.memory_space<vmem_shared>> -> memref<1x640xf32, #tpu.memory_space<vmem_shared>>
      %dma_start3A_60 = tpu.memref_squeeze %dma_start3A_59 : memref<1x640xf32, #tpu.memory_space<vmem_shared>> -> memref<640xf32, #tpu.memory_space<vmem_shared>>
      %dma_start3A_61 = arith.constant 0 : i32
      %dma_start3A_62 = tpu.memref_slice %arg7[%run_scoped3A_21, %dma_start3A_61] : memref<16x640xf32, #tpu.memory_space<vmem>> -> memref<1x640xf32, #tpu.memory_space<vmem>>
      %dma_start3A_63 = tpu.memref_squeeze %dma_start3A_62 : memref<1x640xf32, #tpu.memory_space<vmem>> -> memref<640xf32, #tpu.memory_space<vmem>>
      %dma_start3A_64 = tpu.memref_slice %arg6[%run_scoped3A_20, %multiple_of3A] : memref<16x10000xf32, #tpu.memory_space<vmem_shared>> -> memref<1x640xf32, #tpu.memory_space<vmem_shared>>
      %dma_start3A_65 = tpu.memref_squeeze %dma_start3A_64 : memref<1x640xf32, #tpu.memory_space<vmem_shared>> -> memref<640xf32, #tpu.memory_space<vmem_shared>>
      tpu.enqueue_dma source(%dma_start3A_65 : memref<640xf32, #tpu.memory_space<vmem_shared>>) target(%dma_start3A_63 : memref<640xf32, #tpu.memory_space<vmem>>) target_semaphore(%run_scoped3A_56 : memref<!tpu.dma_semaphore, #tpu.memory_space<semaphore_mem>>)
      %dma_wait3A = arith.constant 0 : i32
      %dma_wait3A_66 = tpu.memref_slice %arg7[%run_scoped3A_21, %dma_wait3A] : memref<16x640xf32, #tpu.memory_space<vmem>> -> memref<1x640xf32, #tpu.memory_space<vmem>>
      %dma_wait3A_67 = tpu.memref_squeeze %dma_wait3A_66 : memref<1x640xf32, #tpu.memory_space<vmem>> -> memref<640xf32, #tpu.memory_space<vmem>>
      %dma_wait3A_68 = tpu.memref_slice %arg6[%run_scoped3A_20, %multiple_of3A] : memref<16x10000xf32, #tpu.memory_space<vmem_shared>> -> memref<1x640xf32, #tpu.memory_space<vmem_shared>>
      %dma_wait3A_69 = tpu.memref_squeeze %dma_wait3A_68 : memref<1x640xf32, #tpu.memory_space<vmem_shared>> -> memref<640xf32, #tpu.memory_space<vmem_shared>>
      %dma_wait3A_70 = arith.constant 0 : i32
      %dma_wait3A_71 = tpu.memref_slice %arg7[%run_scoped3A_21, %dma_wait3A_70] : memref<16x640xf32, #tpu.memory_space<vmem>> -> memref<1x640xf32, #tpu.memory_space<vmem>>
      %dma_wait3A_72 = tpu.memref_squeeze %dma_wait3A_71 : memref<1x640xf32, #tpu.memory_space<vmem>> -> memref<640xf32, #tpu.memory_space<vmem>>
      %dma_wait3A_73 = tpu.memref_slice %arg6[%run_scoped3A_20, %multiple_of3A] : memref<16x10000xf32, #tpu.memory_space<vmem_shared>> -> memref<1x640xf32, #tpu.memory_space<vmem_shared>>
      %dma_wait3A_74 = tpu.memref_squeeze %dma_wait3A_73 : memref<1x640xf32, #tpu.memory_space<vmem_shared>> -> memref<640xf32, #tpu.memory_space<vmem_shared>>
      tpu.wait_dma2 semaphore(%run_scoped3A_56 : memref<!tpu.dma_semaphore, #tpu.memory_space<semaphore_mem>>) src(%dma_wait3A_74 : memref<640xf32, #tpu.memory_space<vmem_shared>>) dst(%dma_wait3A_72 : memref<640xf32, #tpu.memory_space<vmem>>)
      tpu.yield
    }) : () -> ()
    %run_scoped3A_22 = arith.constant 2 : i32
    %run_scoped3A_23 = arith.constant 2 : i32
    "tpu.region"() ({
      %run_scoped3A_56 = tpu.sem_alloc : memref<!tpu.dma_semaphore, #tpu.memory_space<semaphore_mem>>
      %dma_start3A = arith.constant 0 : i32
      %dma_start3A_57 = tpu.memref_slice %arg7[%run_scoped3A_23, %dma_start3A] : memref<16x640xf32, #tpu.memory_space<vmem>> -> memref<1x640xf32, #tpu.memory_space<vmem>>
      %dma_start3A_58 = tpu.memref_squeeze %dma_start3A_57 : memref<1x640xf32, #tpu.memory_space<vmem>> -> memref<640xf32, #tpu.memory_space<vmem>>
      %dma_start3A_59 = tpu.memref_slice %arg6[%run_scoped3A_22, %multiple_of3A] : memref<16x10000xf32, #tpu.memory_space<vmem_shared>> -> memref<1x640xf32, #tpu.memory_space<vmem_shared>>
      %dma_start3A_60 = tpu.memref_squeeze %dma_start3A_59 : memref<1x640xf32, #tpu.memory_space<vmem_shared>> -> memref<640xf32, #tpu.memory_space<vmem_shared>>
      %dma_start3A_61 = arith.constant 0 : i32
      %dma_start3A_62 = tpu.memref_slice %arg7[%run_scoped3A_23, %dma_start3A_61] : memref<16x640xf32, #tpu.memory_space<vmem>> -> memref<1x640xf32, #tpu.memory_space<vmem>>
      %dma_start3A_63 = tpu.memref_squeeze %dma_start3A_62 : memref<1x640xf32, #tpu.memory_space<vmem>> -> memref<640xf32, #tpu.memory_space<vmem>>
      %dma_start3A_64 = tpu.memref_slice %arg6[%run_scoped3A_22, %multiple_of3A] : memref<16x10000xf32, #tpu.memory_space<vmem_shared>> -> memref<1x640xf32, #tpu.memory_space<vmem_shared>>
      %dma_start3A_65 = tpu.memref_squeeze %dma_start3A_64 : memref<1x640xf32, #tpu.memory_space<vmem_shared>> -> memref<640xf32, #tpu.memory_space<vmem_shared>>
      tpu.enqueue_dma source(%dma_start3A_65 : memref<640xf32, #tpu.memory_space<vmem_shared>>) target(%dma_start3A_63 : memref<640xf32, #tpu.memory_space<vmem>>) target_semaphore(%run_scoped3A_56 : memref<!tpu.dma_semaphore, #tpu.memory_space<semaphore_mem>>)
      %dma_wait3A = arith.constant 0 : i32
      %dma_wait3A_66 = tpu.memref_slice %arg7[%run_scoped3A_23, %dma_wait3A] : memref<16x640xf32, #tpu.memory_space<vmem>> -> memref<1x640xf32, #tpu.memory_space<vmem>>
      %dma_wait3A_67 = tpu.memref_squeeze %dma_wait3A_66 : memref<1x640xf32, #tpu.memory_space<vmem>> -> memref<640xf32, #tpu.memory_space<vmem>>
      %dma_wait3A_68 = tpu.memref_slice %arg6[%run_scoped3A_22, %multiple_of3A] : memref<16x10000xf32, #tpu.memory_space<vmem_shared>> -> memref<1x640xf32, #tpu.memory_space<vmem_shared>>
      %dma_wait3A_69 = tpu.memref_squeeze %dma_wait3A_68 : memref<1x640xf32, #tpu.memory_space<vmem_shared>> -> memref<640xf32, #tpu.memory_space<vmem_shared>>
      %dma_wait3A_70 = arith.constant 0 : i32
      %dma_wait3A_71 = tpu.memref_slice %arg7[%run_scoped3A_23, %dma_wait3A_70] : memref<16x640xf32, #tpu.memory_space<vmem>> -> memref<1x640xf32, #tpu.memory_space<vmem>>
      %dma_wait3A_72 = tpu.memref_squeeze %dma_wait3A_71 : memref<1x640xf32, #tpu.memory_space<vmem>> -> memref<640xf32, #tpu.memory_space<vmem>>
      %dma_wait3A_73 = tpu.memref_slice %arg6[%run_scoped3A_22, %multiple_of3A] : memref<16x10000xf32, #tpu.memory_space<vmem_shared>> -> memref<1x640xf32, #tpu.memory_space<vmem_shared>>
      %dma_wait3A_74 = tpu.memref_squeeze %dma_wait3A_73 : memref<1x640xf32, #tpu.memory_space<vmem_shared>> -> memref<640xf32, #tpu.memory_space<vmem_shared>>
      tpu.wait_dma2 semaphore(%run_scoped3A_56 : memref<!tpu.dma_semaphore, #tpu.memory_space<semaphore_mem>>) src(%dma_wait3A_74 : memref<640xf32, #tpu.memory_space<vmem_shared>>) dst(%dma_wait3A_72 : memref<640xf32, #tpu.memory_space<vmem>>)
      tpu.yield
    }) : () -> ()
    %run_scoped3A_24 = arith.constant 3 : i32
    %run_scoped3A_25 = arith.constant 3 : i32
    "tpu.region"() ({
      %run_scoped3A_56 = tpu.sem_alloc : memref<!tpu.dma_semaphore, #tpu.memory_space<semaphore_mem>>
      %dma_start3A = arith.constant 0 : i32
      %dma_start3A_57 = tpu.memref_slice %arg7[%run_scoped3A_25, %dma_start3A] : memref<16x640xf32, #tpu.memory_space<vmem>> -> memref<1x640xf32, #tpu.memory_space<vmem>>
      %dma_start3A_58 = tpu.memref_squeeze %dma_start3A_57 : memref<1x640xf32, #tpu.memory_space<vmem>> -> memref<640xf32, #tpu.memory_space<vmem>>
      %dma_start3A_59 = tpu.memref_slice %arg6[%run_scoped3A_24, %multiple_of3A] : memref<16x10000xf32, #tpu.memory_space<vmem_shared>> -> memref<1x640xf32, #tpu.memory_space<vmem_shared>>
      %dma_start3A_60 = tpu.memref_squeeze %dma_start3A_59 : memref<1x640xf32, #tpu.memory_space<vmem_shared>> -> memref<640xf32, #tpu.memory_space<vmem_shared>>
      %dma_start3A_61 = arith.constant 0 : i32
      %dma_start3A_62 = tpu.memref_slice %arg7[%run_scoped3A_25, %dma_start3A_61] : memref<16x640xf32, #tpu.memory_space<vmem>> -> memref<1x640xf32, #tpu.memory_space<vmem>>
      %dma_start3A_63 = tpu.memref_squeeze %dma_start3A_62 : memref<1x640xf32, #tpu.memory_space<vmem>> -> memref<640xf32, #tpu.memory_space<vmem>>
      %dma_start3A_64 = tpu.memref_slice %arg6[%run_scoped3A_24, %multiple_of3A] : memref<16x10000xf32, #tpu.memory_space<vmem_shared>> -> memref<1x640xf32, #tpu.memory_space<vmem_shared>>
      %dma_start3A_65 = tpu.memref_squeeze %dma_start3A_64 : memref<1x640xf32, #tpu.memory_space<vmem_shared>> -> memref<640xf32, #tpu.memory_space<vmem_shared>>
      tpu.enqueue_dma source(%dma_start3A_65 : memref<640xf32, #tpu.memory_space<vmem_shared>>) target(%dma_start3A_63 : memref<640xf32, #tpu.memory_space<vmem>>) target_semaphore(%run_scoped3A_56 : memref<!tpu.dma_semaphore, #tpu.memory_space<semaphore_mem>>)
      %dma_wait3A = arith.constant 0 : i32
      %dma_wait3A_66 = tpu.memref_slice %arg7[%run_scoped3A_25, %dma_wait3A] : memref<16x640xf32, #tpu.memory_space<vmem>> -> memref<1x640xf32, #tpu.memory_space<vmem>>
      %dma_wait3A_67 = tpu.memref_squeeze %dma_wait3A_66 : memref<1x640xf32, #tpu.memory_space<vmem>> -> memref<640xf32, #tpu.memory_space<vmem>>
      %dma_wait3A_68 = tpu.memref_slice %arg6[%run_scoped3A_24, %multiple_of3A] : memref<16x10000xf32, #tpu.memory_space<vmem_shared>> -> memref<1x640xf32, #tpu.memory_space<vmem_shared>>
      %dma_wait3A_69 = tpu.memref_squeeze %dma_wait3A_68 : memref<1x640xf32, #tpu.memory_space<vmem_shared>> -> memref<640xf32, #tpu.memory_space<vmem_shared>>
      %dma_wait3A_70 = arith.constant 0 : i32
      %dma_wait3A_71 = tpu.memref_slice %arg7[%run_scoped3A_25, %dma_wait3A_70] : memref<16x640xf32, #tpu.memory_space<vmem>> -> memref<1x640xf32, #tpu.memory_space<vmem>>
      %dma_wait3A_72 = tpu.memref_squeeze %dma_wait3A_71 : memref<1x640xf32, #tpu.memory_space<vmem>> -> memref<640xf32, #tpu.memory_space<vmem>>
      %dma_wait3A_73 = tpu.memref_slice %arg6[%run_scoped3A_24, %multiple_of3A] : memref<16x10000xf32, #tpu.memory_space<vmem_shared>> -> memref<1x640xf32, #tpu.memory_space<vmem_shared>>
      %dma_wait3A_74 = tpu.memref_squeeze %dma_wait3A_73 : memref<1x640xf32, #tpu.memory_space<vmem_shared>> -> memref<640xf32, #tpu.memory_space<vmem_shared>>
      tpu.wait_dma2 semaphore(%run_scoped3A_56 : memref<!tpu.dma_semaphore, #tpu.memory_space<semaphore_mem>>) src(%dma_wait3A_74 : memref<640xf32, #tpu.memory_space<vmem_shared>>) dst(%dma_wait3A_72 : memref<640xf32, #tpu.memory_space<vmem>>)
      tpu.yield
    }) : () -> ()
    %run_scoped3A_26 = arith.constant 4 : i32
    %run_scoped3A_27 = arith.constant 4 : i32
    "tpu.region"() ({
      %run_scoped3A_56 = tpu.sem_alloc : memref<!tpu.dma_semaphore, #tpu.memory_space<semaphore_mem>>
      %dma_start3A = arith.constant 0 : i32
      %dma_start3A_57 = tpu.memref_slice %arg7[%run_scoped3A_27, %dma_start3A] : memref<16x640xf32, #tpu.memory_space<vmem>> -> memref<1x640xf32, #tpu.memory_space<vmem>>
      %dma_start3A_58 = tpu.memref_squeeze %dma_start3A_57 : memref<1x640xf32, #tpu.memory_space<vmem>> -> memref<640xf32, #tpu.memory_space<vmem>>
      %dma_start3A_59 = tpu.memref_slice %arg6[%run_scoped3A_26, %multiple_of3A] : memref<16x10000xf32, #tpu.memory_space<vmem_shared>> -> memref<1x640xf32, #tpu.memory_space<vmem_shared>>
      %dma_start3A_60 = tpu.memref_squeeze %dma_start3A_59 : memref<1x640xf32, #tpu.memory_space<vmem_shared>> -> memref<640xf32, #tpu.memory_space<vmem_shared>>
      %dma_start3A_61 = arith.constant 0 : i32
      %dma_start3A_62 = tpu.memref_slice %arg7[%run_scoped3A_27, %dma_start3A_61] : memref<16x640xf32, #tpu.memory_space<vmem>> -> memref<1x640xf32, #tpu.memory_space<vmem>>
      %dma_start3A_63 = tpu.memref_squeeze %dma_start3A_62 : memref<1x640xf32, #tpu.memory_space<vmem>> -> memref<640xf32, #tpu.memory_space<vmem>>
      %dma_start3A_64 = tpu.memref_slice %arg6[%run_scoped3A_26, %multiple_of3A] : memref<16x10000xf32, #tpu.memory_space<vmem_shared>> -> memref<1x640xf32, #tpu.memory_space<vmem_shared>>
      %dma_start3A_65 = tpu.memref_squeeze %dma_start3A_64 : memref<1x640xf32, #tpu.memory_space<vmem_shared>> -> memref<640xf32, #tpu.memory_space<vmem_shared>>
      tpu.enqueue_dma source(%dma_start3A_65 : memref<640xf32, #tpu.memory_space<vmem_shared>>) target(%dma_start3A_63 : memref<640xf32, #tpu.memory_space<vmem>>) target_semaphore(%run_scoped3A_56 : memref<!tpu.dma_semaphore, #tpu.memory_space<semaphore_mem>>)
      %dma_wait3A = arith.constant 0 : i32
      %dma_wait3A_66 = tpu.memref_slice %arg7[%run_scoped3A_27, %dma_wait3A] : memref<16x640xf32, #tpu.memory_space<vmem>> -> memref<1x640xf32, #tpu.memory_space<vmem>>
      %dma_wait3A_67 = tpu.memref_squeeze %dma_wait3A_66 : memref<1x640xf32, #tpu.memory_space<vmem>> -> memref<640xf32, #tpu.memory_space<vmem>>
      %dma_wait3A_68 = tpu.memref_slice %arg6[%run_scoped3A_26, %multiple_of3A] : memref<16x10000xf32, #tpu.memory_space<vmem_shared>> -> memref<1x640xf32, #tpu.memory_space<vmem_shared>>
      %dma_wait3A_69 = tpu.memref_squeeze %dma_wait3A_68 : memref<1x640xf32, #tpu.memory_space<vmem_shared>> -> memref<640xf32, #tpu.memory_space<vmem_shared>>
      %dma_wait3A_70 = arith.constant 0 : i32
      %dma_wait3A_71 = tpu.memref_slice %arg7[%run_scoped3A_27, %dma_wait3A_70] : memref<16x640xf32, #tpu.memory_space<vmem>> -> memref<1x640xf32, #tpu.memory_space<vmem>>
      %dma_wait3A_72 = tpu.memref_squeeze %dma_wait3A_71 : memref<1x640xf32, #tpu.memory_space<vmem>> -> memref<640xf32, #tpu.memory_space<vmem>>
      %dma_wait3A_73 = tpu.memref_slice %arg6[%run_scoped3A_26, %multiple_of3A] : memref<16x10000xf32, #tpu.memory_space<vmem_shared>> -> memref<1x640xf32, #tpu.memory_space<vmem_shared>>
      %dma_wait3A_74 = tpu.memref_squeeze %dma_wait3A_73 : memref<1x640xf32, #tpu.memory_space<vmem_shared>> -> memref<640xf32, #tpu.memory_space<vmem_shared>>
      tpu.wait_dma2 semaphore(%run_scoped3A_56 : memref<!tpu.dma_semaphore, #tpu.memory_space<semaphore_mem>>) src(%dma_wait3A_74 : memref<640xf32, #tpu.memory_space<vmem_shared>>) dst(%dma_wait3A_72 : memref<640xf32, #tpu.memory_space<vmem>>)
      tpu.yield
    }) : () -> ()
    %run_scoped3A_28 = arith.constant 5 : i32
    %run_scoped3A_29 = arith.constant 5 : i32
    "tpu.region"() ({
      %run_scoped3A_56 = tpu.sem_alloc : memref<!tpu.dma_semaphore, #tpu.memory_space<semaphore_mem>>
      %dma_start3A = arith.constant 0 : i32
      %dma_start3A_57 = tpu.memref_slice %arg7[%run_scoped3A_29, %dma_start3A] : memref<16x640xf32, #tpu.memory_space<vmem>> -> memref<1x640xf32, #tpu.memory_space<vmem>>
      %dma_start3A_58 = tpu.memref_squeeze %dma_start3A_57 : memref<1x640xf32, #tpu.memory_space<vmem>> -> memref<640xf32, #tpu.memory_space<vmem>>
      %dma_start3A_59 = tpu.memref_slice %arg6[%run_scoped3A_28, %multiple_of3A] : memref<16x10000xf32, #tpu.memory_space<vmem_shared>> -> memref<1x640xf32, #tpu.memory_space<vmem_shared>>
      %dma_start3A_60 = tpu.memref_squeeze %dma_start3A_59 : memref<1x640xf32, #tpu.memory_space<vmem_shared>> -> memref<640xf32, #tpu.memory_space<vmem_shared>>
      %dma_start3A_61 = arith.constant 0 : i32
      %dma_start3A_62 = tpu.memref_slice %arg7[%run_scoped3A_29, %dma_start3A_61] : memref<16x640xf32, #tpu.memory_space<vmem>> -> memref<1x640xf32, #tpu.memory_space<vmem>>
      %dma_start3A_63 = tpu.memref_squeeze %dma_start3A_62 : memref<1x640xf32, #tpu.memory_space<vmem>> -> memref<640xf32, #tpu.memory_space<vmem>>
      %dma_start3A_64 = tpu.memref_slice %arg6[%run_scoped3A_28, %multiple_of3A] : memref<16x10000xf32, #tpu.memory_space<vmem_shared>> -> memref<1x640xf32, #tpu.memory_space<vmem_shared>>
      %dma_start3A_65 = tpu.memref_squeeze %dma_start3A_64 : memref<1x640xf32, #tpu.memory_space<vmem_shared>> -> memref<640xf32, #tpu.memory_space<vmem_shared>>
      tpu.enqueue_dma source(%dma_start3A_65 : memref<640xf32, #tpu.memory_space<vmem_shared>>) target(%dma_start3A_63 : memref<640xf32, #tpu.memory_space<vmem>>) target_semaphore(%run_scoped3A_56 : memref<!tpu.dma_semaphore, #tpu.memory_space<semaphore_mem>>)
      %dma_wait3A = arith.constant 0 : i32
      %dma_wait3A_66 = tpu.memref_slice %arg7[%run_scoped3A_29, %dma_wait3A] : memref<16x640xf32, #tpu.memory_space<vmem>> -> memref<1x640xf32, #tpu.memory_space<vmem>>
      %dma_wait3A_67 = tpu.memref_squeeze %dma_wait3A_66 : memref<1x640xf32, #tpu.memory_space<vmem>> -> memref<640xf32, #tpu.memory_space<vmem>>
      %dma_wait3A_68 = tpu.memref_slice %arg6[%run_scoped3A_28, %multiple_of3A] : memref<16x10000xf32, #tpu.memory_space<vmem_shared>> -> memref<1x640xf32, #tpu.memory_space<vmem_shared>>
      %dma_wait3A_69 = tpu.memref_squeeze %dma_wait3A_68 : memref<1x640xf32, #tpu.memory_space<vmem_shared>> -> memref<640xf32, #tpu.memory_space<vmem_shared>>
      %dma_wait3A_70 = arith.constant 0 : i32
      %dma_wait3A_71 = tpu.memref_slice %arg7[%run_scoped3A_29, %dma_wait3A_70] : memref<16x640xf32, #tpu.memory_space<vmem>> -> memref<1x640xf32, #tpu.memory_space<vmem>>
      %dma_wait3A_72 = tpu.memref_squeeze %dma_wait3A_71 : memref<1x640xf32, #tpu.memory_space<vmem>> -> memref<640xf32, #tpu.memory_space<vmem>>
      %dma_wait3A_73 = tpu.memref_slice %arg6[%run_scoped3A_28, %multiple_of3A] : memref<16x10000xf32, #tpu.memory_space<vmem_shared>> -> memref<1x640xf32, #tpu.memory_space<vmem_shared>>
      %dma_wait3A_74 = tpu.memref_squeeze %dma_wait3A_73 : memref<1x640xf32, #tpu.memory_space<vmem_shared>> -> memref<640xf32, #tpu.memory_space<vmem_shared>>
      tpu.wait_dma2 semaphore(%run_scoped3A_56 : memref<!tpu.dma_semaphore, #tpu.memory_space<semaphore_mem>>) src(%dma_wait3A_74 : memref<640xf32, #tpu.memory_space<vmem_shared>>) dst(%dma_wait3A_72 : memref<640xf32, #tpu.memory_space<vmem>>)
      tpu.yield
    }) : () -> ()
    %run_scoped3A_30 = arith.constant 6 : i32
    %run_scoped3A_31 = arith.constant 6 : i32
    "tpu.region"() ({
      %run_scoped3A_56 = tpu.sem_alloc : memref<!tpu.dma_semaphore, #tpu.memory_space<semaphore_mem>>
      %dma_start3A = arith.constant 0 : i32
      %dma_start3A_57 = tpu.memref_slice %arg7[%run_scoped3A_31, %dma_start3A] : memref<16x640xf32, #tpu.memory_space<vmem>> -> memref<1x640xf32, #tpu.memory_space<vmem>>
      %dma_start3A_58 = tpu.memref_squeeze %dma_start3A_57 : memref<1x640xf32, #tpu.memory_space<vmem>> -> memref<640xf32, #tpu.memory_space<vmem>>
      %dma_start3A_59 = tpu.memref_slice %arg6[%run_scoped3A_30, %multiple_of3A] : memref<16x10000xf32, #tpu.memory_space<vmem_shared>> -> memref<1x640xf32, #tpu.memory_space<vmem_shared>>
      %dma_start3A_60 = tpu.memref_squeeze %dma_start3A_59 : memref<1x640xf32, #tpu.memory_space<vmem_shared>> -> memref<640xf32, #tpu.memory_space<vmem_shared>>
      %dma_start3A_61 = arith.constant 0 : i32
      %dma_start3A_62 = tpu.memref_slice %arg7[%run_scoped3A_31, %dma_start3A_61] : memref<16x640xf32, #tpu.memory_space<vmem>> -> memref<1x640xf32, #tpu.memory_space<vmem>>
      %dma_start3A_63 = tpu.memref_squeeze %dma_start3A_62 : memref<1x640xf32, #tpu.memory_space<vmem>> -> memref<640xf32, #tpu.memory_space<vmem>>
      %dma_start3A_64 = tpu.memref_slice %arg6[%run_scoped3A_30, %multiple_of3A] : memref<16x10000xf32, #tpu.memory_space<vmem_shared>> -> memref<1x640xf32, #tpu.memory_space<vmem_shared>>
      %dma_start3A_65 = tpu.memref_squeeze %dma_start3A_64 : memref<1x640xf32, #tpu.memory_space<vmem_shared>> -> memref<640xf32, #tpu.memory_space<vmem_shared>>
      tpu.enqueue_dma source(%dma_start3A_65 : memref<640xf32, #tpu.memory_space<vmem_shared>>) target(%dma_start3A_63 : memref<640xf32, #tpu.memory_space<vmem>>) target_semaphore(%run_scoped3A_56 : memref<!tpu.dma_semaphore, #tpu.memory_space<semaphore_mem>>)
      %dma_wait3A = arith.constant 0 : i32
      %dma_wait3A_66 = tpu.memref_slice %arg7[%run_scoped3A_31, %dma_wait3A] : memref<16x640xf32, #tpu.memory_space<vmem>> -> memref<1x640xf32, #tpu.memory_space<vmem>>
      %dma_wait3A_67 = tpu.memref_squeeze %dma_wait3A_66 : memref<1x640xf32, #tpu.memory_space<vmem>> -> memref<640xf32, #tpu.memory_space<vmem>>
      %dma_wait3A_68 = tpu.memref_slice %arg6[%run_scoped3A_30, %multiple_of3A] : memref<16x10000xf32, #tpu.memory_space<vmem_shared>> -> memref<1x640xf32, #tpu.memory_space<vmem_shared>>
      %dma_wait3A_69 = tpu.memref_squeeze %dma_wait3A_68 : memref<1x640xf32, #tpu.memory_space<vmem_shared>> -> memref<640xf32, #tpu.memory_space<vmem_shared>>
      %dma_wait3A_70 = arith.constant 0 : i32
      %dma_wait3A_71 = tpu.memref_slice %arg7[%run_scoped3A_31, %dma_wait3A_70] : memref<16x640xf32, #tpu.memory_space<vmem>> -> memref<1x640xf32, #tpu.memory_space<vmem>>
      %dma_wait3A_72 = tpu.memref_squeeze %dma_wait3A_71 : memref<1x640xf32, #tpu.memory_space<vmem>> -> memref<640xf32, #tpu.memory_space<vmem>>
      %dma_wait3A_73 = tpu.memref_slice %arg6[%run_scoped3A_30, %multiple_of3A] : memref<16x10000xf32, #tpu.memory_space<vmem_shared>> -> memref<1x640xf32, #tpu.memory_space<vmem_shared>>
      %dma_wait3A_74 = tpu.memref_squeeze %dma_wait3A_73 : memref<1x640xf32, #tpu.memory_space<vmem_shared>> -> memref<640xf32, #tpu.memory_space<vmem_shared>>
      tpu.wait_dma2 semaphore(%run_scoped3A_56 : memref<!tpu.dma_semaphore, #tpu.memory_space<semaphore_mem>>) src(%dma_wait3A_74 : memref<640xf32, #tpu.memory_space<vmem_shared>>) dst(%dma_wait3A_72 : memref<640xf32, #tpu.memory_space<vmem>>)
      tpu.yield
    }) : () -> ()
    %run_scoped3A_32 = arith.constant 7 : i32
    %run_scoped3A_33 = arith.constant 7 : i32
    "tpu.region"() ({
      %run_scoped3A_56 = tpu.sem_alloc : memref<!tpu.dma_semaphore, #tpu.memory_space<semaphore_mem>>
      %dma_start3A = arith.constant 0 : i32
      %dma_start3A_57 = tpu.memref_slice %arg7[%run_scoped3A_33, %dma_start3A] : memref<16x640xf32, #tpu.memory_space<vmem>> -> memref<1x640xf32, #tpu.memory_space<vmem>>
      %dma_start3A_58 = tpu.memref_squeeze %dma_start3A_57 : memref<1x640xf32, #tpu.memory_space<vmem>> -> memref<640xf32, #tpu.memory_space<vmem>>
      %dma_start3A_59 = tpu.memref_slice %arg6[%run_scoped3A_32, %multiple_of3A] : memref<16x10000xf32, #tpu.memory_space<vmem_shared>> -> memref<1x640xf32, #tpu.memory_space<vmem_shared>>
      %dma_start3A_60 = tpu.memref_squeeze %dma_start3A_59 : memref<1x640xf32, #tpu.memory_space<vmem_shared>> -> memref<640xf32, #tpu.memory_space<vmem_shared>>
      %dma_start3A_61 = arith.constant 0 : i32
      %dma_start3A_62 = tpu.memref_slice %arg7[%run_scoped3A_33, %dma_start3A_61] : memref<16x640xf32, #tpu.memory_space<vmem>> -> memref<1x640xf32, #tpu.memory_space<vmem>>
      %dma_start3A_63 = tpu.memref_squeeze %dma_start3A_62 : memref<1x640xf32, #tpu.memory_space<vmem>> -> memref<640xf32, #tpu.memory_space<vmem>>
      %dma_start3A_64 = tpu.memref_slice %arg6[%run_scoped3A_32, %multiple_of3A] : memref<16x10000xf32, #tpu.memory_space<vmem_shared>> -> memref<1x640xf32, #tpu.memory_space<vmem_shared>>
      %dma_start3A_65 = tpu.memref_squeeze %dma_start3A_64 : memref<1x640xf32, #tpu.memory_space<vmem_shared>> -> memref<640xf32, #tpu.memory_space<vmem_shared>>
      tpu.enqueue_dma source(%dma_start3A_65 : memref<640xf32, #tpu.memory_space<vmem_shared>>) target(%dma_start3A_63 : memref<640xf32, #tpu.memory_space<vmem>>) target_semaphore(%run_scoped3A_56 : memref<!tpu.dma_semaphore, #tpu.memory_space<semaphore_mem>>)
      %dma_wait3A = arith.constant 0 : i32
      %dma_wait3A_66 = tpu.memref_slice %arg7[%run_scoped3A_33, %dma_wait3A] : memref<16x640xf32, #tpu.memory_space<vmem>> -> memref<1x640xf32, #tpu.memory_space<vmem>>
      %dma_wait3A_67 = tpu.memref_squeeze %dma_wait3A_66 : memref<1x640xf32, #tpu.memory_space<vmem>> -> memref<640xf32, #tpu.memory_space<vmem>>
      %dma_wait3A_68 = tpu.memref_slice %arg6[%run_scoped3A_32, %multiple_of3A] : memref<16x10000xf32, #tpu.memory_space<vmem_shared>> -> memref<1x640xf32, #tpu.memory_space<vmem_shared>>
      %dma_wait3A_69 = tpu.memref_squeeze %dma_wait3A_68 : memref<1x640xf32, #tpu.memory_space<vmem_shared>> -> memref<640xf32, #tpu.memory_space<vmem_shared>>
      %dma_wait3A_70 = arith.constant 0 : i32
      %dma_wait3A_71 = tpu.memref_slice %arg7[%run_scoped3A_33, %dma_wait3A_70] : memref<16x640xf32, #tpu.memory_space<vmem>> -> memref<1x640xf32, #tpu.memory_space<vmem>>
      %dma_wait3A_72 = tpu.memref_squeeze %dma_wait3A_71 : memref<1x640xf32, #tpu.memory_space<vmem>> -> memref<640xf32, #tpu.memory_space<vmem>>
      %dma_wait3A_73 = tpu.memref_slice %arg6[%run_scoped3A_32, %multiple_of3A] : memref<16x10000xf32, #tpu.memory_space<vmem_shared>> -> memref<1x640xf32, #tpu.memory_space<vmem_shared>>
      %dma_wait3A_74 = tpu.memref_squeeze %dma_wait3A_73 : memref<1x640xf32, #tpu.memory_space<vmem_shared>> -> memref<640xf32, #tpu.memory_space<vmem_shared>>
      tpu.wait_dma2 semaphore(%run_scoped3A_56 : memref<!tpu.dma_semaphore, #tpu.memory_space<semaphore_mem>>) src(%dma_wait3A_74 : memref<640xf32, #tpu.memory_space<vmem_shared>>) dst(%dma_wait3A_72 : memref<640xf32, #tpu.memory_space<vmem>>)
      tpu.yield
    }) : () -> ()
    %run_scoped3A_34 = arith.constant 8 : i32
    %run_scoped3A_35 = arith.constant 8 : i32
    "tpu.region"() ({
      %run_scoped3A_56 = tpu.sem_alloc : memref<!tpu.dma_semaphore, #tpu.memory_space<semaphore_mem>>
      %dma_start3A = arith.constant 0 : i32
      %dma_start3A_57 = tpu.memref_slice %arg7[%run_scoped3A_35, %dma_start3A] : memref<16x640xf32, #tpu.memory_space<vmem>> -> memref<1x640xf32, #tpu.memory_space<vmem>>
      %dma_start3A_58 = tpu.memref_squeeze %dma_start3A_57 : memref<1x640xf32, #tpu.memory_space<vmem>> -> memref<640xf32, #tpu.memory_space<vmem>>
      %dma_start3A_59 = tpu.memref_slice %arg6[%run_scoped3A_34, %multiple_of3A] : memref<16x10000xf32, #tpu.memory_space<vmem_shared>> -> memref<1x640xf32, #tpu.memory_space<vmem_shared>>
      %dma_start3A_60 = tpu.memref_squeeze %dma_start3A_59 : memref<1x640xf32, #tpu.memory_space<vmem_shared>> -> memref<640xf32, #tpu.memory_space<vmem_shared>>
      %dma_start3A_61 = arith.constant 0 : i32
      %dma_start3A_62 = tpu.memref_slice %arg7[%run_scoped3A_35, %dma_start3A_61] : memref<16x640xf32, #tpu.memory_space<vmem>> -> memref<1x640xf32, #tpu.memory_space<vmem>>
      %dma_start3A_63 = tpu.memref_squeeze %dma_start3A_62 : memref<1x640xf32, #tpu.memory_space<vmem>> -> memref<640xf32, #tpu.memory_space<vmem>>
      %dma_start3A_64 = tpu.memref_slice %arg6[%run_scoped3A_34, %multiple_of3A] : memref<16x10000xf32, #tpu.memory_space<vmem_shared>> -> memref<1x640xf32, #tpu.memory_space<vmem_shared>>
      %dma_start3A_65 = tpu.memref_squeeze %dma_start3A_64 : memref<1x640xf32, #tpu.memory_space<vmem_shared>> -> memref<640xf32, #tpu.memory_space<vmem_shared>>
      tpu.enqueue_dma source(%dma_start3A_65 : memref<640xf32, #tpu.memory_space<vmem_shared>>) target(%dma_start3A_63 : memref<640xf32, #tpu.memory_space<vmem>>) target_semaphore(%run_scoped3A_56 : memref<!tpu.dma_semaphore, #tpu.memory_space<semaphore_mem>>)
      %dma_wait3A = arith.constant 0 : i32
      %dma_wait3A_66 = tpu.memref_slice %arg7[%run_scoped3A_35, %dma_wait3A] : memref<16x640xf32, #tpu.memory_space<vmem>> -> memref<1x640xf32, #tpu.memory_space<vmem>>
      %dma_wait3A_67 = tpu.memref_squeeze %dma_wait3A_66 : memref<1x640xf32, #tpu.memory_space<vmem>> -> memref<640xf32, #tpu.memory_space<vmem>>
      %dma_wait3A_68 = tpu.memref_slice %arg6[%run_scoped3A_34, %multiple_of3A] : memref<16x10000xf32, #tpu.memory_space<vmem_shared>> -> memref<1x640xf32, #tpu.memory_space<vmem_shared>>
      %dma_wait3A_69 = tpu.memref_squeeze %dma_wait3A_68 : memref<1x640xf32, #tpu.memory_space<vmem_shared>> -> memref<640xf32, #tpu.memory_space<vmem_shared>>
      %dma_wait3A_70 = arith.constant 0 : i32
      %dma_wait3A_71 = tpu.memref_slice %arg7[%run_scoped3A_35, %dma_wait3A_70] : memref<16x640xf32, #tpu.memory_space<vmem>> -> memref<1x640xf32, #tpu.memory_space<vmem>>
      %dma_wait3A_72 = tpu.memref_squeeze %dma_wait3A_71 : memref<1x640xf32, #tpu.memory_space<vmem>> -> memref<640xf32, #tpu.memory_space<vmem>>
      %dma_wait3A_73 = tpu.memref_slice %arg6[%run_scoped3A_34, %multiple_of3A] : memref<16x10000xf32, #tpu.memory_space<vmem_shared>> -> memref<1x640xf32, #tpu.memory_space<vmem_shared>>
      %dma_wait3A_74 = tpu.memref_squeeze %dma_wait3A_73 : memref<1x640xf32, #tpu.memory_space<vmem_shared>> -> memref<640xf32, #tpu.memory_space<vmem_shared>>
      tpu.wait_dma2 semaphore(%run_scoped3A_56 : memref<!tpu.dma_semaphore, #tpu.memory_space<semaphore_mem>>) src(%dma_wait3A_74 : memref<640xf32, #tpu.memory_space<vmem_shared>>) dst(%dma_wait3A_72 : memref<640xf32, #tpu.memory_space<vmem>>)
      tpu.yield
    }) : () -> ()
    %run_scoped3A_36 = arith.constant 9 : i32
    %run_scoped3A_37 = arith.constant 9 : i32
    "tpu.region"() ({
      %run_scoped3A_56 = tpu.sem_alloc : memref<!tpu.dma_semaphore, #tpu.memory_space<semaphore_mem>>
      %dma_start3A = arith.constant 0 : i32
      %dma_start3A_57 = tpu.memref_slice %arg7[%run_scoped3A_37, %dma_start3A] : memref<16x640xf32, #tpu.memory_space<vmem>> -> memref<1x640xf32, #tpu.memory_space<vmem>>
      %dma_start3A_58 = tpu.memref_squeeze %dma_start3A_57 : memref<1x640xf32, #tpu.memory_space<vmem>> -> memref<640xf32, #tpu.memory_space<vmem>>
      %dma_start3A_59 = tpu.memref_slice %arg6[%run_scoped3A_36, %multiple_of3A] : memref<16x10000xf32, #tpu.memory_space<vmem_shared>> -> memref<1x640xf32, #tpu.memory_space<vmem_shared>>
      %dma_start3A_60 = tpu.memref_squeeze %dma_start3A_59 : memref<1x640xf32, #tpu.memory_space<vmem_shared>> -> memref<640xf32, #tpu.memory_space<vmem_shared>>
      %dma_start3A_61 = arith.constant 0 : i32
      %dma_start3A_62 = tpu.memref_slice %arg7[%run_scoped3A_37, %dma_start3A_61] : memref<16x640xf32, #tpu.memory_space<vmem>> -> memref<1x640xf32, #tpu.memory_space<vmem>>
      %dma_start3A_63 = tpu.memref_squeeze %dma_start3A_62 : memref<1x640xf32, #tpu.memory_space<vmem>> -> memref<640xf32, #tpu.memory_space<vmem>>
      %dma_start3A_64 = tpu.memref_slice %arg6[%run_scoped3A_36, %multiple_of3A] : memref<16x10000xf32, #tpu.memory_space<vmem_shared>> -> memref<1x640xf32, #tpu.memory_space<vmem_shared>>
      %dma_start3A_65 = tpu.memref_squeeze %dma_start3A_64 : memref<1x640xf32, #tpu.memory_space<vmem_shared>> -> memref<640xf32, #tpu.memory_space<vmem_shared>>
      tpu.enqueue_dma source(%dma_start3A_65 : memref<640xf32, #tpu.memory_space<vmem_shared>>) target(%dma_start3A_63 : memref<640xf32, #tpu.memory_space<vmem>>) target_semaphore(%run_scoped3A_56 : memref<!tpu.dma_semaphore, #tpu.memory_space<semaphore_mem>>)
      %dma_wait3A = arith.constant 0 : i32
      %dma_wait3A_66 = tpu.memref_slice %arg7[%run_scoped3A_37, %dma_wait3A] : memref<16x640xf32, #tpu.memory_space<vmem>> -> memref<1x640xf32, #tpu.memory_space<vmem>>
      %dma_wait3A_67 = tpu.memref_squeeze %dma_wait3A_66 : memref<1x640xf32, #tpu.memory_space<vmem>> -> memref<640xf32, #tpu.memory_space<vmem>>
      %dma_wait3A_68 = tpu.memref_slice %arg6[%run_scoped3A_36, %multiple_of3A] : memref<16x10000xf32, #tpu.memory_space<vmem_shared>> -> memref<1x640xf32, #tpu.memory_space<vmem_shared>>
      %dma_wait3A_69 = tpu.memref_squeeze %dma_wait3A_68 : memref<1x640xf32, #tpu.memory_space<vmem_shared>> -> memref<640xf32, #tpu.memory_space<vmem_shared>>
      %dma_wait3A_70 = arith.constant 0 : i32
      %dma_wait3A_71 = tpu.memref_slice %arg7[%run_scoped3A_37, %dma_wait3A_70] : memref<16x640xf32, #tpu.memory_space<vmem>> -> memref<1x640xf32, #tpu.memory_space<vmem>>
      %dma_wait3A_72 = tpu.memref_squeeze %dma_wait3A_71 : memref<1x640xf32, #tpu.memory_space<vmem>> -> memref<640xf32, #tpu.memory_space<vmem>>
      %dma_wait3A_73 = tpu.memref_slice %arg6[%run_scoped3A_36, %multiple_of3A] : memref<16x10000xf32, #tpu.memory_space<vmem_shared>> -> memref<1x640xf32, #tpu.memory_space<vmem_shared>>
      %dma_wait3A_74 = tpu.memref_squeeze %dma_wait3A_73 : memref<1x640xf32, #tpu.memory_space<vmem_shared>> -> memref<640xf32, #tpu.memory_space<vmem_shared>>
      tpu.wait_dma2 semaphore(%run_scoped3A_56 : memref<!tpu.dma_semaphore, #tpu.memory_space<semaphore_mem>>) src(%dma_wait3A_74 : memref<640xf32, #tpu.memory_space<vmem_shared>>) dst(%dma_wait3A_72 : memref<640xf32, #tpu.memory_space<vmem>>)
      tpu.yield
    }) : () -> ()
    %run_scoped3A_38 = arith.constant 10 : i32
    %run_scoped3A_39 = arith.constant 10 : i32
    "tpu.region"() ({
      %run_scoped3A_56 = tpu.sem_alloc : memref<!tpu.dma_semaphore, #tpu.memory_space<semaphore_mem>>
      %dma_start3A = arith.constant 0 : i32
      %dma_start3A_57 = tpu.memref_slice %arg7[%run_scoped3A_39, %dma_start3A] : memref<16x640xf32, #tpu.memory_space<vmem>> -> memref<1x640xf32, #tpu.memory_space<vmem>>
      %dma_start3A_58 = tpu.memref_squeeze %dma_start3A_57 : memref<1x640xf32, #tpu.memory_space<vmem>> -> memref<640xf32, #tpu.memory_space<vmem>>
      %dma_start3A_59 = tpu.memref_slice %arg6[%run_scoped3A_38, %multiple_of3A] : memref<16x10000xf32, #tpu.memory_space<vmem_shared>> -> memref<1x640xf32, #tpu.memory_space<vmem_shared>>
      %dma_start3A_60 = tpu.memref_squeeze %dma_start3A_59 : memref<1x640xf32, #tpu.memory_space<vmem_shared>> -> memref<640xf32, #tpu.memory_space<vmem_shared>>
      %dma_start3A_61 = arith.constant 0 : i32
      %dma_start3A_62 = tpu.memref_slice %arg7[%run_scoped3A_39, %dma_start3A_61] : memref<16x640xf32, #tpu.memory_space<vmem>> -> memref<1x640xf32, #tpu.memory_space<vmem>>
      %dma_start3A_63 = tpu.memref_squeeze %dma_start3A_62 : memref<1x640xf32, #tpu.memory_space<vmem>> -> memref<640xf32, #tpu.memory_space<vmem>>
      %dma_start3A_64 = tpu.memref_slice %arg6[%run_scoped3A_38, %multiple_of3A] : memref<16x10000xf32, #tpu.memory_space<vmem_shared>> -> memref<1x640xf32, #tpu.memory_space<vmem_shared>>
      %dma_start3A_65 = tpu.memref_squeeze %dma_start3A_64 : memref<1x640xf32, #tpu.memory_space<vmem_shared>> -> memref<640xf32, #tpu.memory_space<vmem_shared>>
      tpu.enqueue_dma source(%dma_start3A_65 : memref<640xf32, #tpu.memory_space<vmem_shared>>) target(%dma_start3A_63 : memref<640xf32, #tpu.memory_space<vmem>>) target_semaphore(%run_scoped3A_56 : memref<!tpu.dma_semaphore, #tpu.memory_space<semaphore_mem>>)
      %dma_wait3A = arith.constant 0 : i32
      %dma_wait3A_66 = tpu.memref_slice %arg7[%run_scoped3A_39, %dma_wait3A] : memref<16x640xf32, #tpu.memory_space<vmem>> -> memref<1x640xf32, #tpu.memory_space<vmem>>
      %dma_wait3A_67 = tpu.memref_squeeze %dma_wait3A_66 : memref<1x640xf32, #tpu.memory_space<vmem>> -> memref<640xf32, #tpu.memory_space<vmem>>
      %dma_wait3A_68 = tpu.memref_slice %arg6[%run_scoped3A_38, %multiple_of3A] : memref<16x10000xf32, #tpu.memory_space<vmem_shared>> -> memref<1x640xf32, #tpu.memory_space<vmem_shared>>
      %dma_wait3A_69 = tpu.memref_squeeze %dma_wait3A_68 : memref<1x640xf32, #tpu.memory_space<vmem_shared>> -> memref<640xf32, #tpu.memory_space<vmem_shared>>
      %dma_wait3A_70 = arith.constant 0 : i32
      %dma_wait3A_71 = tpu.memref_slice %arg7[%run_scoped3A_39, %dma_wait3A_70] : memref<16x640xf32, #tpu.memory_space<vmem>> -> memref<1x640xf32, #tpu.memory_space<vmem>>
      %dma_wait3A_72 = tpu.memref_squeeze %dma_wait3A_71 : memref<1x640xf32, #tpu.memory_space<vmem>> -> memref<640xf32, #tpu.memory_space<vmem>>
      %dma_wait3A_73 = tpu.memref_slice %arg6[%run_scoped3A_38, %multiple_of3A] : memref<16x10000xf32, #tpu.memory_space<vmem_shared>> -> memref<1x640xf32, #tpu.memory_space<vmem_shared>>
      %dma_wait3A_74 = tpu.memref_squeeze %dma_wait3A_73 : memref<1x640xf32, #tpu.memory_space<vmem_shared>> -> memref<640xf32, #tpu.memory_space<vmem_shared>>
      tpu.wait_dma2 semaphore(%run_scoped3A_56 : memref<!tpu.dma_semaphore, #tpu.memory_space<semaphore_mem>>) src(%dma_wait3A_74 : memref<640xf32, #tpu.memory_space<vmem_shared>>) dst(%dma_wait3A_72 : memref<640xf32, #tpu.memory_space<vmem>>)
      tpu.yield
    }) : () -> ()
    %run_scoped3A_40 = arith.constant 11 : i32
    %run_scoped3A_41 = arith.constant 11 : i32
    "tpu.region"() ({
      %run_scoped3A_56 = tpu.sem_alloc : memref<!tpu.dma_semaphore, #tpu.memory_space<semaphore_mem>>
      %dma_start3A = arith.constant 0 : i32
      %dma_start3A_57 = tpu.memref_slice %arg7[%run_scoped3A_41, %dma_start3A] : memref<16x640xf32, #tpu.memory_space<vmem>> -> memref<1x640xf32, #tpu.memory_space<vmem>>
      %dma_start3A_58 = tpu.memref_squeeze %dma_start3A_57 : memref<1x640xf32, #tpu.memory_space<vmem>> -> memref<640xf32, #tpu.memory_space<vmem>>
      %dma_start3A_59 = tpu.memref_slice %arg6[%run_scoped3A_40, %multiple_of3A] : memref<16x10000xf32, #tpu.memory_space<vmem_shared>> -> memref<1x640xf32, #tpu.memory_space<vmem_shared>>
      %dma_start3A_60 = tpu.memref_squeeze %dma_start3A_59 : memref<1x640xf32, #tpu.memory_space<vmem_shared>> -> memref<640xf32, #tpu.memory_space<vmem_shared>>
      %dma_start3A_61 = arith.constant 0 : i32
      %dma_start3A_62 = tpu.memref_slice %arg7[%run_scoped3A_41, %dma_start3A_61] : memref<16x640xf32, #tpu.memory_space<vmem>> -> memref<1x640xf32, #tpu.memory_space<vmem>>
      %dma_start3A_63 = tpu.memref_squeeze %dma_start3A_62 : memref<1x640xf32, #tpu.memory_space<vmem>> -> memref<640xf32, #tpu.memory_space<vmem>>
      %dma_start3A_64 = tpu.memref_slice %arg6[%run_scoped3A_40, %multiple_of3A] : memref<16x10000xf32, #tpu.memory_space<vmem_shared>> -> memref<1x640xf32, #tpu.memory_space<vmem_shared>>
      %dma_start3A_65 = tpu.memref_squeeze %dma_start3A_64 : memref<1x640xf32, #tpu.memory_space<vmem_shared>> -> memref<640xf32, #tpu.memory_space<vmem_shared>>
      tpu.enqueue_dma source(%dma_start3A_65 : memref<640xf32, #tpu.memory_space<vmem_shared>>) target(%dma_start3A_63 : memref<640xf32, #tpu.memory_space<vmem>>) target_semaphore(%run_scoped3A_56 : memref<!tpu.dma_semaphore, #tpu.memory_space<semaphore_mem>>)
      %dma_wait3A = arith.constant 0 : i32
      %dma_wait3A_66 = tpu.memref_slice %arg7[%run_scoped3A_41, %dma_wait3A] : memref<16x640xf32, #tpu.memory_space<vmem>> -> memref<1x640xf32, #tpu.memory_space<vmem>>
      %dma_wait3A_67 = tpu.memref_squeeze %dma_wait3A_66 : memref<1x640xf32, #tpu.memory_space<vmem>> -> memref<640xf32, #tpu.memory_space<vmem>>
      %dma_wait3A_68 = tpu.memref_slice %arg6[%run_scoped3A_40, %multiple_of3A] : memref<16x10000xf32, #tpu.memory_space<vmem_shared>> -> memref<1x640xf32, #tpu.memory_space<vmem_shared>>
      %dma_wait3A_69 = tpu.memref_squeeze %dma_wait3A_68 : memref<1x640xf32, #tpu.memory_space<vmem_shared>> -> memref<640xf32, #tpu.memory_space<vmem_shared>>
      %dma_wait3A_70 = arith.constant 0 : i32
      %dma_wait3A_71 = tpu.memref_slice %arg7[%run_scoped3A_41, %dma_wait3A_70] : memref<16x640xf32, #tpu.memory_space<vmem>> -> memref<1x640xf32, #tpu.memory_space<vmem>>
      %dma_wait3A_72 = tpu.memref_squeeze %dma_wait3A_71 : memref<1x640xf32, #tpu.memory_space<vmem>> -> memref<640xf32, #tpu.memory_space<vmem>>
      %dma_wait3A_73 = tpu.memref_slice %arg6[%run_scoped3A_40, %multiple_of3A] : memref<16x10000xf32, #tpu.memory_space<vmem_shared>> -> memref<1x640xf32, #tpu.memory_space<vmem_shared>>
      %dma_wait3A_74 = tpu.memref_squeeze %dma_wait3A_73 : memref<1x640xf32, #tpu.memory_space<vmem_shared>> -> memref<640xf32, #tpu.memory_space<vmem_shared>>
      tpu.wait_dma2 semaphore(%run_scoped3A_56 : memref<!tpu.dma_semaphore, #tpu.memory_space<semaphore_mem>>) src(%dma_wait3A_74 : memref<640xf32, #tpu.memory_space<vmem_shared>>) dst(%dma_wait3A_72 : memref<640xf32, #tpu.memory_space<vmem>>)
      tpu.yield
    }) : () -> ()
    %run_scoped3A_42 = arith.constant 12 : i32
    %run_scoped3A_43 = arith.constant 12 : i32
    "tpu.region"() ({
      %run_scoped3A_56 = tpu.sem_alloc : memref<!tpu.dma_semaphore, #tpu.memory_space<semaphore_mem>>
      %dma_start3A = arith.constant 0 : i32
      %dma_start3A_57 = tpu.memref_slice %arg7[%run_scoped3A_43, %dma_start3A] : memref<16x640xf32, #tpu.memory_space<vmem>> -> memref<1x640xf32, #tpu.memory_space<vmem>>
      %dma_start3A_58 = tpu.memref_squeeze %dma_start3A_57 : memref<1x640xf32, #tpu.memory_space<vmem>> -> memref<640xf32, #tpu.memory_space<vmem>>
      %dma_start3A_59 = tpu.memref_slice %arg6[%run_scoped3A_42, %multiple_of3A] : memref<16x10000xf32, #tpu.memory_space<vmem_shared>> -> memref<1x640xf32, #tpu.memory_space<vmem_shared>>
      %dma_start3A_60 = tpu.memref_squeeze %dma_start3A_59 : memref<1x640xf32, #tpu.memory_space<vmem_shared>> -> memref<640xf32, #tpu.memory_space<vmem_shared>>
      %dma_start3A_61 = arith.constant 0 : i32
      %dma_start3A_62 = tpu.memref_slice %arg7[%run_scoped3A_43, %dma_start3A_61] : memref<16x640xf32, #tpu.memory_space<vmem>> -> memref<1x640xf32, #tpu.memory_space<vmem>>
      %dma_start3A_63 = tpu.memref_squeeze %dma_start3A_62 : memref<1x640xf32, #tpu.memory_space<vmem>> -> memref<640xf32, #tpu.memory_space<vmem>>
      %dma_start3A_64 = tpu.memref_slice %arg6[%run_scoped3A_42, %multiple_of3A] : memref<16x10000xf32, #tpu.memory_space<vmem_shared>> -> memref<1x640xf32, #tpu.memory_space<vmem_shared>>
      %dma_start3A_65 = tpu.memref_squeeze %dma_start3A_64 : memref<1x640xf32, #tpu.memory_space<vmem_shared>> -> memref<640xf32, #tpu.memory_space<vmem_shared>>
      tpu.enqueue_dma source(%dma_start3A_65 : memref<640xf32, #tpu.memory_space<vmem_shared>>) target(%dma_start3A_63 : memref<640xf32, #tpu.memory_space<vmem>>) target_semaphore(%run_scoped3A_56 : memref<!tpu.dma_semaphore, #tpu.memory_space<semaphore_mem>>)
      %dma_wait3A = arith.constant 0 : i32
      %dma_wait3A_66 = tpu.memref_slice %arg7[%run_scoped3A_43, %dma_wait3A] : memref<16x640xf32, #tpu.memory_space<vmem>> -> memref<1x640xf32, #tpu.memory_space<vmem>>
      %dma_wait3A_67 = tpu.memref_squeeze %dma_wait3A_66 : memref<1x640xf32, #tpu.memory_space<vmem>> -> memref<640xf32, #tpu.memory_space<vmem>>
      %dma_wait3A_68 = tpu.memref_slice %arg6[%run_scoped3A_42, %multiple_of3A] : memref<16x10000xf32, #tpu.memory_space<vmem_shared>> -> memref<1x640xf32, #tpu.memory_space<vmem_shared>>
      %dma_wait3A_69 = tpu.memref_squeeze %dma_wait3A_68 : memref<1x640xf32, #tpu.memory_space<vmem_shared>> -> memref<640xf32, #tpu.memory_space<vmem_shared>>
      %dma_wait3A_70 = arith.constant 0 : i32
      %dma_wait3A_71 = tpu.memref_slice %arg7[%run_scoped3A_43, %dma_wait3A_70] : memref<16x640xf32, #tpu.memory_space<vmem>> -> memref<1x640xf32, #tpu.memory_space<vmem>>
      %dma_wait3A_72 = tpu.memref_squeeze %dma_wait3A_71 : memref<1x640xf32, #tpu.memory_space<vmem>> -> memref<640xf32, #tpu.memory_space<vmem>>
      %dma_wait3A_73 = tpu.memref_slice %arg6[%run_scoped3A_42, %multiple_of3A] : memref<16x10000xf32, #tpu.memory_space<vmem_shared>> -> memref<1x640xf32, #tpu.memory_space<vmem_shared>>
      %dma_wait3A_74 = tpu.memref_squeeze %dma_wait3A_73 : memref<1x640xf32, #tpu.memory_space<vmem_shared>> -> memref<640xf32, #tpu.memory_space<vmem_shared>>
      tpu.wait_dma2 semaphore(%run_scoped3A_56 : memref<!tpu.dma_semaphore, #tpu.memory_space<semaphore_mem>>) src(%dma_wait3A_74 : memref<640xf32, #tpu.memory_space<vmem_shared>>) dst(%dma_wait3A_72 : memref<640xf32, #tpu.memory_space<vmem>>)
      tpu.yield
    }) : () -> ()
    %run_scoped3A_44 = arith.constant 13 : i32
    %run_scoped3A_45 = arith.constant 13 : i32
    "tpu.region"() ({
      %run_scoped3A_56 = tpu.sem_alloc : memref<!tpu.dma_semaphore, #tpu.memory_space<semaphore_mem>>
      %dma_start3A = arith.constant 0 : i32
      %dma_start3A_57 = tpu.memref_slice %arg7[%run_scoped3A_45, %dma_start3A] : memref<16x640xf32, #tpu.memory_space<vmem>> -> memref<1x640xf32, #tpu.memory_space<vmem>>
      %dma_start3A_58 = tpu.memref_squeeze %dma_start3A_57 : memref<1x640xf32, #tpu.memory_space<vmem>> -> memref<640xf32, #tpu.memory_space<vmem>>
      %dma_start3A_59 = tpu.memref_slice %arg6[%run_scoped3A_44, %multiple_of3A] : memref<16x10000xf32, #tpu.memory_space<vmem_shared>> -> memref<1x640xf32, #tpu.memory_space<vmem_shared>>
      %dma_start3A_60 = tpu.memref_squeeze %dma_start3A_59 : memref<1x640xf32, #tpu.memory_space<vmem_shared>> -> memref<640xf32, #tpu.memory_space<vmem_shared>>
      %dma_start3A_61 = arith.constant 0 : i32
      %dma_start3A_62 = tpu.memref_slice %arg7[%run_scoped3A_45, %dma_start3A_61] : memref<16x640xf32, #tpu.memory_space<vmem>> -> memref<1x640xf32, #tpu.memory_space<vmem>>
      %dma_start3A_63 = tpu.memref_squeeze %dma_start3A_62 : memref<1x640xf32, #tpu.memory_space<vmem>> -> memref<640xf32, #tpu.memory_space<vmem>>
      %dma_start3A_64 = tpu.memref_slice %arg6[%run_scoped3A_44, %multiple_of3A] : memref<16x10000xf32, #tpu.memory_space<vmem_shared>> -> memref<1x640xf32, #tpu.memory_space<vmem_shared>>
      %dma_start3A_65 = tpu.memref_squeeze %dma_start3A_64 : memref<1x640xf32, #tpu.memory_space<vmem_shared>> -> memref<640xf32, #tpu.memory_space<vmem_shared>>
      tpu.enqueue_dma source(%dma_start3A_65 : memref<640xf32, #tpu.memory_space<vmem_shared>>) target(%dma_start3A_63 : memref<640xf32, #tpu.memory_space<vmem>>) target_semaphore(%run_scoped3A_56 : memref<!tpu.dma_semaphore, #tpu.memory_space<semaphore_mem>>)
      %dma_wait3A = arith.constant 0 : i32
      %dma_wait3A_66 = tpu.memref_slice %arg7[%run_scoped3A_45, %dma_wait3A] : memref<16x640xf32, #tpu.memory_space<vmem>> -> memref<1x640xf32, #tpu.memory_space<vmem>>
      %dma_wait3A_67 = tpu.memref_squeeze %dma_wait3A_66 : memref<1x640xf32, #tpu.memory_space<vmem>> -> memref<640xf32, #tpu.memory_space<vmem>>
      %dma_wait3A_68 = tpu.memref_slice %arg6[%run_scoped3A_44, %multiple_of3A] : memref<16x10000xf32, #tpu.memory_space<vmem_shared>> -> memref<1x640xf32, #tpu.memory_space<vmem_shared>>
      %dma_wait3A_69 = tpu.memref_squeeze %dma_wait3A_68 : memref<1x640xf32, #tpu.memory_space<vmem_shared>> -> memref<640xf32, #tpu.memory_space<vmem_shared>>
      %dma_wait3A_70 = arith.constant 0 : i32
      %dma_wait3A_71 = tpu.memref_slice %arg7[%run_scoped3A_45, %dma_wait3A_70] : memref<16x640xf32, #tpu.memory_space<vmem>> -> memref<1x640xf32, #tpu.memory_space<vmem>>
      %dma_wait3A_72 = tpu.memref_squeeze %dma_wait3A_71 : memref<1x640xf32, #tpu.memory_space<vmem>> -> memref<640xf32, #tpu.memory_space<vmem>>
      %dma_wait3A_73 = tpu.memref_slice %arg6[%run_scoped3A_44, %multiple_of3A] : memref<16x10000xf32, #tpu.memory_space<vmem_shared>> -> memref<1x640xf32, #tpu.memory_space<vmem_shared>>
      %dma_wait3A_74 = tpu.memref_squeeze %dma_wait3A_73 : memref<1x640xf32, #tpu.memory_space<vmem_shared>> -> memref<640xf32, #tpu.memory_space<vmem_shared>>
      tpu.wait_dma2 semaphore(%run_scoped3A_56 : memref<!tpu.dma_semaphore, #tpu.memory_space<semaphore_mem>>) src(%dma_wait3A_74 : memref<640xf32, #tpu.memory_space<vmem_shared>>) dst(%dma_wait3A_72 : memref<640xf32, #tpu.memory_space<vmem>>)
      tpu.yield
    }) : () -> ()
    %run_scoped3A_46 = arith.constant 14 : i32
    %run_scoped3A_47 = arith.constant 14 : i32
    "tpu.region"() ({
      %run_scoped3A_56 = tpu.sem_alloc : memref<!tpu.dma_semaphore, #tpu.memory_space<semaphore_mem>>
      %dma_start3A = arith.constant 0 : i32
      %dma_start3A_57 = tpu.memref_slice %arg7[%run_scoped3A_47, %dma_start3A] : memref<16x640xf32, #tpu.memory_space<vmem>> -> memref<1x640xf32, #tpu.memory_space<vmem>>
      %dma_start3A_58 = tpu.memref_squeeze %dma_start3A_57 : memref<1x640xf32, #tpu.memory_space<vmem>> -> memref<640xf32, #tpu.memory_space<vmem>>
      %dma_start3A_59 = tpu.memref_slice %arg6[%run_scoped3A_46, %multiple_of3A] : memref<16x10000xf32, #tpu.memory_space<vmem_shared>> -> memref<1x640xf32, #tpu.memory_space<vmem_shared>>
      %dma_start3A_60 = tpu.memref_squeeze %dma_start3A_59 : memref<1x640xf32, #tpu.memory_space<vmem_shared>> -> memref<640xf32, #tpu.memory_space<vmem_shared>>
      %dma_start3A_61 = arith.constant 0 : i32
      %dma_start3A_62 = tpu.memref_slice %arg7[%run_scoped3A_47, %dma_start3A_61] : memref<16x640xf32, #tpu.memory_space<vmem>> -> memref<1x640xf32, #tpu.memory_space<vmem>>
      %dma_start3A_63 = tpu.memref_squeeze %dma_start3A_62 : memref<1x640xf32, #tpu.memory_space<vmem>> -> memref<640xf32, #tpu.memory_space<vmem>>
      %dma_start3A_64 = tpu.memref_slice %arg6[%run_scoped3A_46, %multiple_of3A] : memref<16x10000xf32, #tpu.memory_space<vmem_shared>> -> memref<1x640xf32, #tpu.memory_space<vmem_shared>>
      %dma_start3A_65 = tpu.memref_squeeze %dma_start3A_64 : memref<1x640xf32, #tpu.memory_space<vmem_shared>> -> memref<640xf32, #tpu.memory_space<vmem_shared>>
      tpu.enqueue_dma source(%dma_start3A_65 : memref<640xf32, #tpu.memory_space<vmem_shared>>) target(%dma_start3A_63 : memref<640xf32, #tpu.memory_space<vmem>>) target_semaphore(%run_scoped3A_56 : memref<!tpu.dma_semaphore, #tpu.memory_space<semaphore_mem>>)
      %dma_wait3A = arith.constant 0 : i32
      %dma_wait3A_66 = tpu.memref_slice %arg7[%run_scoped3A_47, %dma_wait3A] : memref<16x640xf32, #tpu.memory_space<vmem>> -> memref<1x640xf32, #tpu.memory_space<vmem>>
      %dma_wait3A_67 = tpu.memref_squeeze %dma_wait3A_66 : memref<1x640xf32, #tpu.memory_space<vmem>> -> memref<640xf32, #tpu.memory_space<vmem>>
      %dma_wait3A_68 = tpu.memref_slice %arg6[%run_scoped3A_46, %multiple_of3A] : memref<16x10000xf32, #tpu.memory_space<vmem_shared>> -> memref<1x640xf32, #tpu.memory_space<vmem_shared>>
      %dma_wait3A_69 = tpu.memref_squeeze %dma_wait3A_68 : memref<1x640xf32, #tpu.memory_space<vmem_shared>> -> memref<640xf32, #tpu.memory_space<vmem_shared>>
      %dma_wait3A_70 = arith.constant 0 : i32
      %dma_wait3A_71 = tpu.memref_slice %arg7[%run_scoped3A_47, %dma_wait3A_70] : memref<16x640xf32, #tpu.memory_space<vmem>> -> memref<1x640xf32, #tpu.memory_space<vmem>>
      %dma_wait3A_72 = tpu.memref_squeeze %dma_wait3A_71 : memref<1x640xf32, #tpu.memory_space<vmem>> -> memref<640xf32, #tpu.memory_space<vmem>>
      %dma_wait3A_73 = tpu.memref_slice %arg6[%run_scoped3A_46, %multiple_of3A] : memref<16x10000xf32, #tpu.memory_space<vmem_shared>> -> memref<1x640xf32, #tpu.memory_space<vmem_shared>>
      %dma_wait3A_74 = tpu.memref_squeeze %dma_wait3A_73 : memref<1x640xf32, #tpu.memory_space<vmem_shared>> -> memref<640xf32, #tpu.memory_space<vmem_shared>>
      tpu.wait_dma2 semaphore(%run_scoped3A_56 : memref<!tpu.dma_semaphore, #tpu.memory_space<semaphore_mem>>) src(%dma_wait3A_74 : memref<640xf32, #tpu.memory_space<vmem_shared>>) dst(%dma_wait3A_72 : memref<640xf32, #tpu.memory_space<vmem>>)
      tpu.yield
    }) : () -> ()
    %run_scoped3A_48 = arith.constant 15 : i32
    %run_scoped3A_49 = arith.constant 15 : i32
    "tpu.region"() ({
      %run_scoped3A_56 = tpu.sem_alloc : memref<!tpu.dma_semaphore, #tpu.memory_space<semaphore_mem>>
      %dma_start3A = arith.constant 0 : i32
      %dma_start3A_57 = tpu.memref_slice %arg7[%run_scoped3A_49, %dma_start3A] : memref<16x640xf32, #tpu.memory_space<vmem>> -> memref<1x640xf32, #tpu.memory_space<vmem>>
      %dma_start3A_58 = tpu.memref_squeeze %dma_start3A_57 : memref<1x640xf32, #tpu.memory_space<vmem>> -> memref<640xf32, #tpu.memory_space<vmem>>
      %dma_start3A_59 = tpu.memref_slice %arg6[%run_scoped3A_48, %multiple_of3A] : memref<16x10000xf32, #tpu.memory_space<vmem_shared>> -> memref<1x640xf32, #tpu.memory_space<vmem_shared>>
      %dma_start3A_60 = tpu.memref_squeeze %dma_start3A_59 : memref<1x640xf32, #tpu.memory_space<vmem_shared>> -> memref<640xf32, #tpu.memory_space<vmem_shared>>
      %dma_start3A_61 = arith.constant 0 : i32
      %dma_start3A_62 = tpu.memref_slice %arg7[%run_scoped3A_49, %dma_start3A_61] : memref<16x640xf32, #tpu.memory_space<vmem>> -> memref<1x640xf32, #tpu.memory_space<vmem>>
      %dma_start3A_63 = tpu.memref_squeeze %dma_start3A_62 : memref<1x640xf32, #tpu.memory_space<vmem>> -> memref<640xf32, #tpu.memory_space<vmem>>
      %dma_start3A_64 = tpu.memref_slice %arg6[%run_scoped3A_48, %multiple_of3A] : memref<16x10000xf32, #tpu.memory_space<vmem_shared>> -> memref<1x640xf32, #tpu.memory_space<vmem_shared>>
      %dma_start3A_65 = tpu.memref_squeeze %dma_start3A_64 : memref<1x640xf32, #tpu.memory_space<vmem_shared>> -> memref<640xf32, #tpu.memory_space<vmem_shared>>
      tpu.enqueue_dma source(%dma_start3A_65 : memref<640xf32, #tpu.memory_space<vmem_shared>>) target(%dma_start3A_63 : memref<640xf32, #tpu.memory_space<vmem>>) target_semaphore(%run_scoped3A_56 : memref<!tpu.dma_semaphore, #tpu.memory_space<semaphore_mem>>)
      %dma_wait3A = arith.constant 0 : i32
      %dma_wait3A_66 = tpu.memref_slice %arg7[%run_scoped3A_49, %dma_wait3A] : memref<16x640xf32, #tpu.memory_space<vmem>> -> memref<1x640xf32, #tpu.memory_space<vmem>>
      %dma_wait3A_67 = tpu.memref_squeeze %dma_wait3A_66 : memref<1x640xf32, #tpu.memory_space<vmem>> -> memref<640xf32, #tpu.memory_space<vmem>>
      %dma_wait3A_68 = tpu.memref_slice %arg6[%run_scoped3A_48, %multiple_of3A] : memref<16x10000xf32, #tpu.memory_space<vmem_shared>> -> memref<1x640xf32, #tpu.memory_space<vmem_shared>>
      %dma_wait3A_69 = tpu.memref_squeeze %dma_wait3A_68 : memref<1x640xf32, #tpu.memory_space<vmem_shared>> -> memref<640xf32, #tpu.memory_space<vmem_shared>>
      %dma_wait3A_70 = arith.constant 0 : i32
      %dma_wait3A_71 = tpu.memref_slice %arg7[%run_scoped3A_49, %dma_wait3A_70] : memref<16x640xf32, #tpu.memory_space<vmem>> -> memref<1x640xf32, #tpu.memory_space<vmem>>
      %dma_wait3A_72 = tpu.memref_squeeze %dma_wait3A_71 : memref<1x640xf32, #tpu.memory_space<vmem>> -> memref<640xf32, #tpu.memory_space<vmem>>
      %dma_wait3A_73 = tpu.memref_slice %arg6[%run_scoped3A_48, %multiple_of3A] : memref<16x10000xf32, #tpu.memory_space<vmem_shared>> -> memref<1x640xf32, #tpu.memory_space<vmem_shared>>
      %dma_wait3A_74 = tpu.memref_squeeze %dma_wait3A_73 : memref<1x640xf32, #tpu.memory_space<vmem_shared>> -> memref<640xf32, #tpu.memory_space<vmem_shared>>
      tpu.wait_dma2 semaphore(%run_scoped3A_56 : memref<!tpu.dma_semaphore, #tpu.memory_space<semaphore_mem>>) src(%dma_wait3A_74 : memref<640xf32, #tpu.memory_space<vmem_shared>>) dst(%dma_wait3A_72 : memref<640xf32, #tpu.memory_space<vmem>>)
      tpu.yield
    }) : () -> ()
    %scan3A_50 = arith.constant 0 : i32
    %scan3A_51 = arith.constant 0 : i32
    %scan3A_52 = arith.constant 40 : i32
    %scan3A_53 = arith.addi %scan3A_51, %scan3A_52 : i32
    %scan3A_54 = arith.constant 1 : i32
    scf.for %scan3A_56 = %scan3A_51 to %scan3A_53 step %scan3A_54  : i32 {
      %mul3A_57 = arith.constant 16 : i32
      %mul3A_58 = arith.muli %scan3A_56, %mul3A_57 : i32
      %get3A = arith.constant 0 : i32
      %get3A_59 = arith.index_cast %get3A : i32 to index
      %get3A_60 = arith.index_cast %mul3A_58 : i32 to index
      %get3A_61 = tpu.vector_load %arg7[%get3A_59, %get3A_60] {strides = array<i32>} : memref<16x640xf32, #tpu.memory_space<vmem>>, vector<16xf32>,
      %get3A_62 = arith.constant 1 : i32
      %get3A_63 = arith.index_cast %get3A_62 : i32 to index
      %get3A_64 = arith.index_cast %mul3A_58 : i32 to index
      %get3A_65 = tpu.vector_load %arg7[%get3A_63, %get3A_64] {strides = array<i32>} : memref<16x640xf32, #tpu.memory_space<vmem>>, vector<16xf32>,
      %add3A_66 = arith.addf %get3A_61, %get3A_65 : vector<16xf32>
      %get3A_67 = arith.constant 2 : i32
      %get3A_68 = arith.index_cast %get3A_67 : i32 to index
      %get3A_69 = arith.index_cast %mul3A_58 : i32 to index
      %get3A_70 = tpu.vector_load %arg7[%get3A_68, %get3A_69] {strides = array<i32>} : memref<16x640xf32, #tpu.memory_space<vmem>>, vector<16xf32>,
      %add3A_71 = arith.addf %add3A_66, %get3A_70 : vector<16xf32>
      %get3A_72 = arith.constant 3 : i32
      %get3A_73 = arith.index_cast %get3A_72 : i32 to index
      %get3A_74 = arith.index_cast %mul3A_58 : i32 to index
      %get3A_75 = tpu.vector_load %arg7[%get3A_73, %get3A_74] {strides = array<i32>} : memref<16x640xf32, #tpu.memory_space<vmem>>, vector<16xf32>,
      %add3A_76 = arith.addf %add3A_71, %get3A_75 : vector<16xf32>
      %get3A_77 = arith.constant 4 : i32
      %get3A_78 = arith.index_cast %get3A_77 : i32 to index
      %get3A_79 = arith.index_cast %mul3A_58 : i32 to index
      %get3A_80 = tpu.vector_load %arg7[%get3A_78, %get3A_79] {strides = array<i32>} : memref<16x640xf32, #tpu.memory_space<vmem>>, vector<16xf32>,
      %add3A_81 = arith.addf %add3A_76, %get3A_80 : vector<16xf32>
      %get3A_82 = arith.constant 5 : i32
      %get3A_83 = arith.index_cast %get3A_82 : i32 to index
      %get3A_84 = arith.index_cast %mul3A_58 : i32 to index
      %get3A_85 = tpu.vector_load %arg7[%get3A_83, %get3A_84] {strides = array<i32>} : memref<16x640xf32, #tpu.memory_space<vmem>>, vector<16xf32>,
      %add3A_86 = arith.addf %add3A_81, %get3A_85 : vector<16xf32>
      %get3A_87 = arith.constant 6 : i32
      %get3A_88 = arith.index_cast %get3A_87 : i32 to index
      %get3A_89 = arith.index_cast %mul3A_58 : i32 to index
      %get3A_90 = tpu.vector_load %arg7[%get3A_88, %get3A_89] {strides = array<i32>} : memref<16x640xf32, #tpu.memory_space<vmem>>, vector<16xf32>,
      %add3A_91 = arith.addf %add3A_86, %get3A_90 : vector<16xf32>
      %get3A_92 = arith.constant 7 : i32
      %get3A_93 = arith.index_cast %get3A_92 : i32 to index
      %get3A_94 = arith.index_cast %mul3A_58 : i32 to index
      %get3A_95 = tpu.vector_load %arg7[%get3A_93, %get3A_94] {strides = array<i32>} : memref<16x640xf32, #tpu.memory_space<vmem>>, vector<16xf32>,
      %add3A_96 = arith.addf %add3A_91, %get3A_95 : vector<16xf32>
      %get3A_97 = arith.constant 8 : i32
      %get3A_98 = arith.index_cast %get3A_97 : i32 to index
      %get3A_99 = arith.index_cast %mul3A_58 : i32 to index
      %get3A_100 = tpu.vector_load %arg7[%get3A_98, %get3A_99] {strides = array<i32>} : memref<16x640xf32, #tpu.memory_space<vmem>>, vector<16xf32>,
      %add3A_101 = arith.addf %add3A_96, %get3A_100 : vector<16xf32>
      %get3A_102 = arith.constant 9 : i32
      %get3A_103 = arith.index_cast %get3A_102 : i32 to index
      %get3A_104 = arith.index_cast %mul3A_58 : i32 to index
      %get3A_105 = tpu.vector_load %arg7[%get3A_103, %get3A_104] {strides = array<i32>} : memref<16x640xf32, #tpu.memory_space<vmem>>, vector<16xf32>,
      %add3A_106 = arith.addf %add3A_101, %get3A_105 : vector<16xf32>
      %get3A_107 = arith.constant 10 : i32
      %get3A_108 = arith.index_cast %get3A_107 : i32 to index
      %get3A_109 = arith.index_cast %mul3A_58 : i32 to index
      %get3A_110 = tpu.vector_load %arg7[%get3A_108, %get3A_109] {strides = array<i32>} : memref<16x640xf32, #tpu.memory_space<vmem>>, vector<16xf32>,
      %add3A_111 = arith.addf %add3A_106, %get3A_110 : vector<16xf32>
      %get3A_112 = arith.constant 11 : i32
      %get3A_113 = arith.index_cast %get3A_112 : i32 to index
      %get3A_114 = arith.index_cast %mul3A_58 : i32 to index
      %get3A_115 = tpu.vector_load %arg7[%get3A_113, %get3A_114] {strides = array<i32>} : memref<16x640xf32, #tpu.memory_space<vmem>>, vector<16xf32>,
      %add3A_116 = arith.addf %add3A_111, %get3A_115 : vector<16xf32>
      %get3A_117 = arith.constant 12 : i32
      %get3A_118 = arith.index_cast %get3A_117 : i32 to index
      %get3A_119 = arith.index_cast %mul3A_58 : i32 to index
      %get3A_120 = tpu.vector_load %arg7[%get3A_118, %get3A_119] {strides = array<i32>} : memref<16x640xf32, #tpu.memory_space<vmem>>, vector<16xf32>,
      %add3A_121 = arith.addf %add3A_116, %get3A_120 : vector<16xf32>
      %get3A_122 = arith.constant 13 : i32
      %get3A_123 = arith.index_cast %get3A_122 : i32 to index
      %get3A_124 = arith.index_cast %mul3A_58 : i32 to index
      %get3A_125 = tpu.vector_load %arg7[%get3A_123, %get3A_124] {strides = array<i32>} : memref<16x640xf32, #tpu.memory_space<vmem>>, vector<16xf32>,
      %add3A_126 = arith.addf %add3A_121, %get3A_125 : vector<16xf32>
      %get3A_127 = arith.constant 14 : i32
      %get3A_128 = arith.index_cast %get3A_127 : i32 to index
      %get3A_129 = arith.index_cast %mul3A_58 : i32 to index
      %get3A_130 = tpu.vector_load %arg7[%get3A_128, %get3A_129] {strides = array<i32>} : memref<16x640xf32, #tpu.memory_space<vmem>>, vector<16xf32>,
      %add3A_131 = arith.addf %add3A_126, %get3A_130 : vector<16xf32>
      %get3A_132 = arith.constant 15 : i32
      %get3A_133 = arith.index_cast %get3A_132 : i32 to index
      %get3A_134 = arith.index_cast %mul3A_58 : i32 to index
      %get3A_135 = tpu.vector_load %arg7[%get3A_133, %get3A_134] {strides = array<i32>} : memref<16x640xf32, #tpu.memory_space<vmem>>, vector<16xf32>,
      %add3A_136 = arith.addf %add3A_131, %get3A_135 : vector<16xf32>
      %swap3A = arith.index_cast %mul3A_58 : i32 to index
      %swap3A_137 = tpu.vector_load %arg8[%swap3A] {strides = array<i32>} : memref<640xf32, #tpu.memory_space<vmem>>, vector<16xf32>,
      tpu.vector_store %arg8[%swap3A], %add3A_136 {strides = array<i32>} : memref<640xf32, #tpu.memory_space<vmem>>, vector<16xf32>,
    }
    %scan3A_55 = arith.constant 40 : i32
    "tpu.region"() ({
      %run_scoped3A_56 = tpu.sem_alloc : memref<!tpu.dma_semaphore, #tpu.memory_space<semaphore_mem>>
      %dma_start3A = tpu.memref_slice %arg3[%arg0, %multiple_of3A] : memref<2x10000xf32, #tpu.memory_space<hbm>> -> memref<1x640xf32, #tpu.memory_space<hbm>>
      %dma_start3A_57 = tpu.memref_squeeze %dma_start3A : memref<1x640xf32, #tpu.memory_space<hbm>> -> memref<640xf32, #tpu.memory_space<hbm>>
      %dma_start3A_58 = tpu.memref_slice %arg3[%arg0, %multiple_of3A] : memref<2x10000xf32, #tpu.memory_space<hbm>> -> memref<1x640xf32, #tpu.memory_space<hbm>>
      %dma_start3A_59 = tpu.memref_squeeze %dma_start3A_58 : memref<1x640xf32, #tpu.memory_space<hbm>> -> memref<640xf32, #tpu.memory_space<hbm>>
      tpu.enqueue_dma source(%arg8 : memref<640xf32, #tpu.memory_space<vmem>>) target(%dma_start3A_59 : memref<640xf32, #tpu.memory_space<hbm>>) target_semaphore(%run_scoped3A_56 : memref<!tpu.dma_semaphore, #tpu.memory_space<semaphore_mem>>)
      %dma_wait3A = tpu.memref_slice %arg3[%arg0, %multiple_of3A] : memref<2x10000xf32, #tpu.memory_space<hbm>> -> memref<1x640xf32, #tpu.memory_space<hbm>>
      %dma_wait3A_60 = tpu.memref_squeeze %dma_wait3A : memref<1x640xf32, #tpu.memory_space<hbm>> -> memref<640xf32, #tpu.memory_space<hbm>>
      %dma_wait3A_61 = tpu.memref_slice %arg3[%arg0, %multiple_of3A] : memref<2x10000xf32, #tpu.memory_space<hbm>> -> memref<1x640xf32, #tpu.memory_space<hbm>>
      %dma_wait3A_62 = tpu.memref_squeeze %dma_wait3A_61 : memref<1x640xf32, #tpu.memory_space<hbm>> -> memref<640xf32, #tpu.memory_space<hbm>>
      tpu.wait_dma2 semaphore(%run_scoped3A_56 : memref<!tpu.dma_semaphore, #tpu.memory_space<semaphore_mem>>) src(%arg8 : memref<640xf32, #tpu.memory_space<vmem>>) dst(%dma_wait3A_62 : memref<640xf32, #tpu.memory_space<hbm>>)
      tpu.yield
    }) : () -> ()
    return
  }
}

module attributes {stable_mosaic.version = 14 : i64} {
  func.func @_enc_kernel(%arg0: i32, %arg1: memref<2000x128xf32, #tpu.memory_space<vmem>>, %arg2: memref<128x128xf32, #tpu.memory_space<vmem>>, %arg3: memref<1x128xf32, #tpu.memory_space<vmem>>, %arg4: memref<128x128xf32, #tpu.memory_space<vmem>>, %arg5: memref<1x128xf32, #tpu.memory_space<vmem>>, %arg6: memref<128x128xf32, #tpu.memory_space<vmem>>, %arg7: memref<2000x128xf32, #tpu.memory_space<vmem>>) attributes {dimension_semantics = [#tpu.dimension_semantics<arbitrary>], iteration_bounds = array<i64: 5>, scalar_prefetch = 0 : i64, scratch_operands = 0 : i64, tpu.core_type = #tpu.core_type<tc>, window_params = [{transform_indices = @transform_0, window_bounds = array<i64: 2000, 128>}, {pipeline_mode = #tpu.pipeline_mode<synchronous>, transform_indices = @transform_1, window_bounds = array<i64: 128, 128>}, {pipeline_mode = #tpu.pipeline_mode<synchronous>, transform_indices = @transform_2, window_bounds = array<i64: 1, 128>}, {pipeline_mode = #tpu.pipeline_mode<synchronous>, transform_indices = @transform_3, window_bounds = array<i64: 128, 128>}, {pipeline_mode = #tpu.pipeline_mode<synchronous>, transform_indices = @transform_4, window_bounds = array<i64: 1, 128>}, {pipeline_mode = #tpu.pipeline_mode<synchronous>, transform_indices = @transform_5, window_bounds = array<i64: 128, 128>}, {transform_indices = @transform_6, window_bounds = array<i64: 2000, 128>}]} {
    %get3A = arith.constant 0 : index
    %get3A_0 = arith.constant 0 : index
    %get3A_1 = vector.load %arg1[%get3A, %get3A_0] : memref<2000x128xf32, #tpu.memory_space<vmem>>, vector<2000x128xf32>
    %get3A_2 = arith.constant 0 : index
    %get3A_3 = arith.constant 0 : index
    %get3A_4 = vector.load %arg2[%get3A_2, %get3A_3] : memref<128x128xf32, #tpu.memory_space<vmem>>, vector<128x128xf32>
    %dot_general3A = arith.constant dense<0.000000e+00> : vector<2000x128xf32>
    %dot_general3A_5 = tpu.matmul %get3A_1, %get3A_4, %dot_general3A {dimension_numbers = #tpu.dot_dimension_numbers<[1], [0], [0], [1], [0, 0, 1, 1], [], []>, transpose_lhs_hint = false} : vector<2000x128xf32>, vector<128x128xf32>, vector<2000x128xf32> -> vector<2000x128xf32>
    %get3A_6 = arith.constant 0 : index
    %get3A_7 = arith.constant 0 : index
    %get3A_8 = vector.load %arg3[%get3A_6, %get3A_7] : memref<1x128xf32, #tpu.memory_space<vmem>>, vector<1x128xf32>
    %add3A = vector.broadcast %get3A_8 : vector<1x128xf32> to vector<2000x128xf32>
    %add3A_9 = arith.addf %dot_general3A_5, %add3A : vector<2000x128xf32>
    %max3A = arith.constant 0.000000e+00 : f32
    %max3A_10 = vector.broadcast %max3A : f32 to vector<2000x128xf32>
    %max3A_11 = arith.maximumf %add3A_9, %max3A_10 : vector<2000x128xf32>
    %get3A_12 = arith.constant 0 : index
    %get3A_13 = arith.constant 0 : index
    %get3A_14 = vector.load %arg4[%get3A_12, %get3A_13] : memref<128x128xf32, #tpu.memory_space<vmem>>, vector<128x128xf32>
    %dot_general3A_15 = arith.constant dense<0.000000e+00> : vector<2000x128xf32>
    %dot_general3A_16 = tpu.matmul %max3A_11, %get3A_14, %dot_general3A_15 {dimension_numbers = #tpu.dot_dimension_numbers<[1], [0], [0], [1], [0, 0, 1, 1], [], []>, transpose_lhs_hint = false} : vector<2000x128xf32>, vector<128x128xf32>, vector<2000x128xf32> -> vector<2000x128xf32>
    %get3A_17 = arith.constant 0 : index
    %get3A_18 = arith.constant 0 : index
    %get3A_19 = vector.load %arg5[%get3A_17, %get3A_18] : memref<1x128xf32, #tpu.memory_space<vmem>>, vector<1x128xf32>
    %add3A_20 = vector.broadcast %get3A_19 : vector<1x128xf32> to vector<2000x128xf32>
    %add3A_21 = arith.addf %dot_general3A_16, %add3A_20 : vector<2000x128xf32>
    %get3A_22 = arith.constant 0 : index
    %get3A_23 = arith.constant 0 : index
    %get3A_24 = vector.load %arg6[%get3A_22, %get3A_23] : memref<128x128xf32, #tpu.memory_space<vmem>>, vector<128x128xf32>
    %dot_general3A_25 = arith.constant dense<0.000000e+00> : vector<2000x128xf32>
    %dot_general3A_26 = tpu.matmul %add3A_21, %get3A_24, %dot_general3A_25 {dimension_numbers = #tpu.dot_dimension_numbers<[1], [0], [0], [1], [0, 0, 1, 1], [], []>, transpose_lhs_hint = false} : vector<2000x128xf32>, vector<128x128xf32>, vector<2000x128xf32> -> vector<2000x128xf32>
    %swap3A = arith.constant 0 : index
    %swap3A_27 = arith.constant 0 : index
    %swap3A_28 = vector.load %arg7[%swap3A, %swap3A_27] : memref<2000x128xf32, #tpu.memory_space<vmem>>, vector<2000x128xf32>
    tpu.vector_store %arg7[%swap3A, %swap3A_27], %dot_general3A_26 {strides = array<i32>} : memref<2000x128xf32, #tpu.memory_space<vmem>>, vector<2000x128xf32>,
    return
  }
  func.func @transform_0(%arg0: i32) -> (i32, i32) {
    %c0_i32 = arith.constant 0 : i32
    %c0_i32_0 = arith.constant 0 : i32
    return %arg0, %c0_i32 : i32, i32
  }
  func.func @transform_1(%arg0: i32) -> (i32, i32) {
    %c0_i32 = arith.constant 0 : i32
    %c0_i32_0 = arith.constant 0 : i32
    %c0_i32_1 = arith.constant 0 : i32
    return %c0_i32, %c0_i32_0 : i32, i32
  }
  func.func @transform_2(%arg0: i32) -> (i32, i32) {
    %c0_i32 = arith.constant 0 : i32
    %c0_i32_0 = arith.constant 0 : i32
    %c0_i32_1 = arith.constant 0 : i32
    return %c0_i32, %c0_i32_0 : i32, i32
  }
  func.func @transform_3(%arg0: i32) -> (i32, i32) {
    %c0_i32 = arith.constant 0 : i32
    %c0_i32_0 = arith.constant 0 : i32
    %c0_i32_1 = arith.constant 0 : i32
    return %c0_i32, %c0_i32_0 : i32, i32
  }
  func.func @transform_4(%arg0: i32) -> (i32, i32) {
    %c0_i32 = arith.constant 0 : i32
    %c0_i32_0 = arith.constant 0 : i32
    %c0_i32_1 = arith.constant 0 : i32
    return %c0_i32, %c0_i32_0 : i32, i32
  }
  func.func @transform_5(%arg0: i32) -> (i32, i32) {
    %c0_i32 = arith.constant 0 : i32
    %c0_i32_0 = arith.constant 0 : i32
    %c0_i32_1 = arith.constant 0 : i32
    return %c0_i32, %c0_i32_0 : i32, i32
  }
  func.func @transform_6(%arg0: i32) -> (i32, i32) {
    %c0_i32 = arith.constant 0 : i32
    %c0_i32_0 = arith.constant 0 : i32
    return %arg0, %c0_i32 : i32, i32
  }
}

module attributes {stable_mosaic.version = 14 : i64} {
  func.func @_scale_kernel(%arg0: i32, %arg1: memref<2000x128xf32, #tpu.memory_space<vmem>>, %arg2: memref<2000x1xf32, #tpu.memory_space<vmem>>, %arg3: memref<2000x1xf32, #tpu.memory_space<vmem>>, %arg4: memref<2000x128xf32, #tpu.memory_space<vmem>>, %arg5: memref<2000x1xf32, #tpu.memory_space<vmem>>) attributes {dimension_semantics = [#tpu.dimension_semantics<arbitrary>], iteration_bounds = array<i64: 5>, scalar_prefetch = 0 : i64, scratch_operands = 0 : i64, tpu.core_type = #tpu.core_type<tc>, window_params = [{transform_indices = @transform_0, window_bounds = array<i64: 2000, 128>}, {transform_indices = @transform_1, window_bounds = array<i64: 2000, 1>}, {transform_indices = @transform_2, window_bounds = array<i64: 2000, 1>}, {transform_indices = @transform_3, window_bounds = array<i64: 2000, 128>}, {transform_indices = @transform_4, window_bounds = array<i64: 2000, 1>}]} {
    %get3A = arith.constant 0 : index
    %get3A_0 = arith.constant 0 : index
    %get3A_1 = vector.load %arg2[%get3A, %get3A_0] : memref<2000x1xf32, #tpu.memory_space<vmem>>, vector<2000x1xf32>
    %get3A_2 = arith.constant 0 : index
    %get3A_3 = arith.constant 0 : index
    %get3A_4 = vector.load %arg3[%get3A_2, %get3A_3] : memref<2000x1xf32, #tpu.memory_space<vmem>>, vector<2000x1xf32>
    %add3A = arith.addf %get3A_1, %get3A_4 : vector<2000x1xf32>
    %add3A_5 = arith.constant 1.000000e+00 : f32
    %add3A_6 = vector.broadcast %add3A_5 : f32 to vector<2000x1xf32>
    %add3A_7 = arith.addf %add3A, %add3A_6 : vector<2000x1xf32>
    %rsqrt3A = math.rsqrt %add3A_7 : vector<2000x1xf32>
    %swap3A = arith.constant 0 : index
    %swap3A_8 = arith.constant 0 : index
    %swap3A_9 = vector.load %arg5[%swap3A, %swap3A_8] : memref<2000x1xf32, #tpu.memory_space<vmem>>, vector<2000x1xf32>
    tpu.vector_store %arg5[%swap3A, %swap3A_8], %rsqrt3A {strides = array<i32>} : memref<2000x1xf32, #tpu.memory_space<vmem>>, vector<2000x1xf32>,
    %get3A_10 = arith.constant 0 : index
    %get3A_11 = arith.constant 0 : index
    %get3A_12 = vector.load %arg1[%get3A_10, %get3A_11] : memref<2000x128xf32, #tpu.memory_space<vmem>>, vector<2000x128xf32>
    %mul3A = vector.broadcast %rsqrt3A : vector<2000x1xf32> to vector<2000x128xf32>
    %mul3A_13 = arith.mulf %mul3A, %get3A_12 : vector<2000x128xf32>
    %swap3A_14 = arith.constant 0 : index
    %swap3A_15 = arith.constant 0 : index
    %swap3A_16 = vector.load %arg4[%swap3A_14, %swap3A_15] : memref<2000x128xf32, #tpu.memory_space<vmem>>, vector<2000x128xf32>
    tpu.vector_store %arg4[%swap3A_14, %swap3A_15], %mul3A_13 {strides = array<i32>} : memref<2000x128xf32, #tpu.memory_space<vmem>>, vector<2000x128xf32>,
    return
  }
  func.func @transform_0(%arg0: i32) -> (i32, i32) {
    %c0_i32 = arith.constant 0 : i32
    %c0_i32_0 = arith.constant 0 : i32
    return %arg0, %c0_i32 : i32, i32
  }
  func.func @transform_1(%arg0: i32) -> (i32, i32) {
    %c0_i32 = arith.constant 0 : i32
    %c0_i32_0 = arith.constant 0 : i32
    return %arg0, %c0_i32 : i32, i32
  }
  func.func @transform_2(%arg0: i32) -> (i32, i32) {
    %c0_i32 = arith.constant 0 : i32
    %c0_i32_0 = arith.constant 0 : i32
    return %arg0, %c0_i32 : i32, i32
  }
  func.func @transform_3(%arg0: i32) -> (i32, i32) {
    %c0_i32 = arith.constant 0 : i32
    %c0_i32_0 = arith.constant 0 : i32
    return %arg0, %c0_i32 : i32, i32
  }
  func.func @transform_4(%arg0: i32) -> (i32, i32) {
    %c0_i32 = arith.constant 0 : i32
    %c0_i32_0 = arith.constant 0 : i32
    return %arg0, %c0_i32 : i32, i32
  }
}

module attributes {stable_mosaic.version = 14 : i64} {
  func.func @_mid_kernel(%arg0: i32, %arg1: memref<2000x128xf32, #tpu.memory_space<vmem>>, %arg2: memref<2000x128xf32, #tpu.memory_space<vmem>>, %arg3: memref<2000x128xf32, #tpu.memory_space<vmem>>, %arg4: memref<2000x1xf32, #tpu.memory_space<vmem>>, %arg5: memref<1x128xf32, #tpu.memory_space<vmem>>, %arg6: memref<128x128xf32, #tpu.memory_space<vmem>>, %arg7: memref<2000x128xf32, #tpu.memory_space<vmem>>) attributes {dimension_semantics = [#tpu.dimension_semantics<arbitrary>], iteration_bounds = array<i64: 5>, scalar_prefetch = 0 : i64, scratch_operands = 0 : i64, tpu.core_type = #tpu.core_type<tc>, window_params = [{transform_indices = @transform_0, window_bounds = array<i64: 2000, 128>}, {transform_indices = @transform_1, window_bounds = array<i64: 2000, 128>}, {transform_indices = @transform_2, window_bounds = array<i64: 2000, 128>}, {transform_indices = @transform_3, window_bounds = array<i64: 2000, 1>}, {pipeline_mode = #tpu.pipeline_mode<synchronous>, transform_indices = @transform_4, window_bounds = array<i64: 1, 128>}, {pipeline_mode = #tpu.pipeline_mode<synchronous>, transform_indices = @transform_5, window_bounds = array<i64: 128, 128>}, {transform_indices = @transform_6, window_bounds = array<i64: 2000, 128>}]} {
    %get3A = arith.constant 0 : index
    %get3A_0 = arith.constant 0 : index
    %get3A_1 = vector.load %arg4[%get3A, %get3A_0] : memref<2000x1xf32, #tpu.memory_space<vmem>>, vector<2000x1xf32>
    %get3A_2 = arith.constant 0 : index
    %get3A_3 = arith.constant 0 : index
    %get3A_4 = vector.load %arg1[%get3A_2, %get3A_3] : memref<2000x128xf32, #tpu.memory_space<vmem>>, vector<2000x128xf32>
    %get3A_5 = arith.constant 0 : index
    %get3A_6 = arith.constant 0 : index
    %get3A_7 = vector.load %arg2[%get3A_5, %get3A_6] : memref<2000x128xf32, #tpu.memory_space<vmem>>, vector<2000x128xf32>
    %add3A = arith.addf %get3A_4, %get3A_7 : vector<2000x128xf32>
    %get3A_8 = arith.constant 0 : index
    %get3A_9 = arith.constant 0 : index
    %get3A_10 = vector.load %arg3[%get3A_8, %get3A_9] : memref<2000x128xf32, #tpu.memory_space<vmem>>, vector<2000x128xf32>
    %sub3A = arith.subf %add3A, %get3A_10 : vector<2000x128xf32>
    %mul3A = vector.broadcast %get3A_1 : vector<2000x1xf32> to vector<2000x128xf32>
    %mul3A_11 = arith.mulf %mul3A, %sub3A : vector<2000x128xf32>
    %get3A_12 = arith.constant 0 : index
    %get3A_13 = arith.constant 0 : index
    %get3A_14 = vector.load %arg5[%get3A_12, %get3A_13] : memref<1x128xf32, #tpu.memory_space<vmem>>, vector<1x128xf32>
    %add3A_15 = vector.broadcast %get3A_14 : vector<1x128xf32> to vector<2000x128xf32>
    %add3A_16 = arith.addf %mul3A_11, %add3A_15 : vector<2000x128xf32>
    %max3A = arith.constant 0.000000e+00 : f32
    %max3A_17 = vector.broadcast %max3A : f32 to vector<2000x128xf32>
    %max3A_18 = arith.maximumf %add3A_16, %max3A_17 : vector<2000x128xf32>
    %get3A_19 = arith.constant 0 : index
    %get3A_20 = arith.constant 0 : index
    %get3A_21 = vector.load %arg6[%get3A_19, %get3A_20] : memref<128x128xf32, #tpu.memory_space<vmem>>, vector<128x128xf32>
    %dot_general3A = arith.constant dense<0.000000e+00> : vector<2000x128xf32>
    %dot_general3A_22 = tpu.matmul %max3A_18, %get3A_21, %dot_general3A {dimension_numbers = #tpu.dot_dimension_numbers<[1], [0], [0], [1], [0, 0, 1, 1], [], []>, transpose_lhs_hint = false} : vector<2000x128xf32>, vector<128x128xf32>, vector<2000x128xf32> -> vector<2000x128xf32>
    %mul3A_23 = vector.broadcast %get3A_1 : vector<2000x1xf32> to vector<2000x128xf32>
    %mul3A_24 = arith.mulf %mul3A_23, %dot_general3A_22 : vector<2000x128xf32>
    %swap3A = arith.constant 0 : index
    %swap3A_25 = arith.constant 0 : index
    %swap3A_26 = vector.load %arg7[%swap3A, %swap3A_25] : memref<2000x128xf32, #tpu.memory_space<vmem>>, vector<2000x128xf32>
    tpu.vector_store %arg7[%swap3A, %swap3A_25], %mul3A_24 {strides = array<i32>} : memref<2000x128xf32, #tpu.memory_space<vmem>>, vector<2000x128xf32>,
    return
  }
  func.func @transform_0(%arg0: i32) -> (i32, i32) {
    %c0_i32 = arith.constant 0 : i32
    %c0_i32_0 = arith.constant 0 : i32
    return %arg0, %c0_i32 : i32, i32
  }
  func.func @transform_1(%arg0: i32) -> (i32, i32) {
    %c0_i32 = arith.constant 0 : i32
    %c0_i32_0 = arith.constant 0 : i32
    return %arg0, %c0_i32 : i32, i32
  }
  func.func @transform_2(%arg0: i32) -> (i32, i32) {
    %c0_i32 = arith.constant 0 : i32
    %c0_i32_0 = arith.constant 0 : i32
    return %arg0, %c0_i32 : i32, i32
  }
  func.func @transform_3(%arg0: i32) -> (i32, i32) {
    %c0_i32 = arith.constant 0 : i32
    %c0_i32_0 = arith.constant 0 : i32
    return %arg0, %c0_i32 : i32, i32
  }
  func.func @transform_4(%arg0: i32) -> (i32, i32) {
    %c0_i32 = arith.constant 0 : i32
    %c0_i32_0 = arith.constant 0 : i32
    %c0_i32_1 = arith.constant 0 : i32
    return %c0_i32, %c0_i32_0 : i32, i32
  }
  func.func @transform_5(%arg0: i32) -> (i32, i32) {
    %c0_i32 = arith.constant 0 : i32
    %c0_i32_0 = arith.constant 0 : i32
    %c0_i32_1 = arith.constant 0 : i32
    return %c0_i32, %c0_i32_0 : i32, i32
  }
  func.func @transform_6(%arg0: i32) -> (i32, i32) {
    %c0_i32 = arith.constant 0 : i32
    %c0_i32_0 = arith.constant 0 : i32
    return %arg0, %c0_i32 : i32, i32
  }
}

module attributes {stable_mosaic.version = 14 : i64} {
  func.func @_fin_kernel(%arg0: i32, %arg1: memref<2000x128xf32, #tpu.memory_space<vmem>>, %arg2: memref<2000x128xf32, #tpu.memory_space<vmem>>, %arg3: memref<2000x128xf32, #tpu.memory_space<vmem>>, %arg4: memref<2000x1xf32, #tpu.memory_space<vmem>>, %arg5: memref<1x128xf32, #tpu.memory_space<vmem>>, %arg6: memref<2000x1xi32, #tpu.memory_space<vmem>>, %arg7: memref<128x128xf32, #tpu.memory_space<vmem>>, %arg8: memref<1x128xf32, #tpu.memory_space<vmem>>, %arg9: memref<128x128xf32, #tpu.memory_space<vmem>>, %arg10: memref<1x128xf32, #tpu.memory_space<vmem>>, %arg11: memref<64x128xf32, #tpu.memory_space<vmem>>, %arg12: memref<64x128xf32, #tpu.memory_space<vmem>>) attributes {dimension_semantics = [#tpu.dimension_semantics<arbitrary>], iteration_bounds = array<i64: 5>, scalar_prefetch = 0 : i64, scratch_operands = 1 : i64, tpu.core_type = #tpu.core_type<tc>, window_params = [{transform_indices = @transform_0, window_bounds = array<i64: 2000, 128>}, {transform_indices = @transform_1, window_bounds = array<i64: 2000, 128>}, {transform_indices = @transform_2, window_bounds = array<i64: 2000, 128>}, {transform_indices = @transform_3, window_bounds = array<i64: 2000, 1>}, {pipeline_mode = #tpu.pipeline_mode<synchronous>, transform_indices = @transform_4, window_bounds = array<i64: 1, 128>}, {transform_indices = @transform_5, window_bounds = array<i64: 2000, 1>}, {pipeline_mode = #tpu.pipeline_mode<synchronous>, transform_indices = @transform_6, window_bounds = array<i64: 128, 128>}, {pipeline_mode = #tpu.pipeline_mode<synchronous>, transform_indices = @transform_7, window_bounds = array<i64: 1, 128>}, {pipeline_mode = #tpu.pipeline_mode<synchronous>, transform_indices = @transform_8, window_bounds = array<i64: 128, 128>}, {pipeline_mode = #tpu.pipeline_mode<synchronous>, transform_indices = @transform_9, window_bounds = array<i64: 1, 128>}, {pipeline_mode = #tpu.pipeline_mode<synchronous>, transform_indices = @transform_10, window_bounds = array<i64: 64, 128>}]} {
    %get3A = arith.constant 0 : index
    %get3A_0 = arith.constant 0 : index
    %get3A_1 = vector.load %arg4[%get3A, %get3A_0] : memref<2000x1xf32, #tpu.memory_space<vmem>>, vector<2000x1xf32>
    %get3A_2 = arith.constant 0 : index
    %get3A_3 = arith.constant 0 : index
    %get3A_4 = vector.load %arg1[%get3A_2, %get3A_3] : memref<2000x128xf32, #tpu.memory_space<vmem>>, vector<2000x128xf32>
    %get3A_5 = arith.constant 0 : index
    %get3A_6 = arith.constant 0 : index
    %get3A_7 = vector.load %arg2[%get3A_5, %get3A_6] : memref<2000x128xf32, #tpu.memory_space<vmem>>, vector<2000x128xf32>
    %add3A = arith.addf %get3A_4, %get3A_7 : vector<2000x128xf32>
    %get3A_8 = arith.constant 0 : index
    %get3A_9 = arith.constant 0 : index
    %get3A_10 = vector.load %arg3[%get3A_8, %get3A_9] : memref<2000x128xf32, #tpu.memory_space<vmem>>, vector<2000x128xf32>
    %sub3A = arith.subf %add3A, %get3A_10 : vector<2000x128xf32>
    %mul3A = vector.broadcast %get3A_1 : vector<2000x1xf32> to vector<2000x128xf32>
    %mul3A_11 = arith.mulf %mul3A, %sub3A : vector<2000x128xf32>
    %get3A_12 = arith.constant 0 : index
    %get3A_13 = arith.constant 0 : index
    %get3A_14 = vector.load %arg5[%get3A_12, %get3A_13] : memref<1x128xf32, #tpu.memory_space<vmem>>, vector<1x128xf32>
    %add3A_15 = vector.broadcast %get3A_14 : vector<1x128xf32> to vector<2000x128xf32>
    %add3A_16 = arith.addf %mul3A_11, %add3A_15 : vector<2000x128xf32>
    %max3A = arith.constant 0.000000e+00 : f32
    %max3A_17 = vector.broadcast %max3A : f32 to vector<2000x128xf32>
    %max3A_18 = arith.maximumf %add3A_16, %max3A_17 : vector<2000x128xf32>
    %get3A_19 = arith.constant 0 : index
    %get3A_20 = arith.constant 0 : index
    %get3A_21 = vector.load %arg6[%get3A_19, %get3A_20] : memref<2000x1xi32, #tpu.memory_space<vmem>>, vector<2000x1xi32>
    %iota3A = tpu.iota {dimensions = array<i32: 1>} : vector<1x64xi32>
    %eq3A = vector.broadcast %get3A_21 : vector<2000x1xi32> to vector<2000x64xi32>
    %eq3A_22 = vector.broadcast %iota3A : vector<1x64xi32> to vector<2000x64xi32>
    %eq3A_23 = arith.cmpi eq, %eq3A, %eq3A_22 : vector<2000x64xi32>
    %convert_element_type3A = arith.extui %eq3A_23 : vector<2000x64xi1> to vector<2000x64xi32>
    %convert_element_type3A_24 = arith.sitofp %convert_element_type3A : vector<2000x64xi32> to vector<2000x64xf32>
    %dot_general3A = arith.constant dense<0.000000e+00> : vector<64x128xf32>
    %dot_general3A_25 = tpu.matmul %convert_element_type3A_24, %max3A_18, %dot_general3A {dimension_numbers = #tpu.dot_dimension_numbers<[0], [0], [1], [1], [0, 1, 1, 1], [], []>, transpose_lhs_hint = false} : vector<2000x64xf32>, vector<2000x128xf32>, vector<64x128xf32> -> vector<64x128xf32>
    %eq3A_26 = arith.constant 0 : i32
    %eq3A_27 = arith.cmpi eq, %arg0, %eq3A_26 : i32
    %convert_element_type3A_28 = arith.extui %eq3A_27 : i1 to i32
    %cond3A = arith.constant 0 : i32
    %cond3A_29 = arith.cmpi ne, %convert_element_type3A_28, %cond3A : i32
    scf.if %cond3A_29 {
      %broadcast_in_dim3A = arith.constant 0.000000e+00 : f32
      %broadcast_in_dim3A_41 = vector.broadcast %broadcast_in_dim3A : f32 to vector<64x128xf32>
      %swap3A_42 = arith.constant 0 : index
      %swap3A_43 = arith.constant 0 : index
      %swap3A_44 = vector.load %arg12[%swap3A_42, %swap3A_43] : memref<64x128xf32, #tpu.memory_space<vmem>>, vector<64x128xf32>
      tpu.vector_store %arg12[%swap3A_42, %swap3A_43], %broadcast_in_dim3A_41 {strides = array<i32>} : memref<64x128xf32, #tpu.memory_space<vmem>>, vector<64x128xf32>,
    } else {
    }
    %get3A_30 = arith.constant 0 : index
    %get3A_31 = arith.constant 0 : index
    %get3A_32 = vector.load %arg12[%get3A_30, %get3A_31] : memref<64x128xf32, #tpu.memory_space<vmem>>, vector<64x128xf32>
    %add3A_33 = arith.addf %get3A_32, %dot_general3A_25 : vector<64x128xf32>
    %swap3A = arith.constant 0 : index
    %swap3A_34 = arith.constant 0 : index
    %swap3A_35 = vector.load %arg12[%swap3A, %swap3A_34] : memref<64x128xf32, #tpu.memory_space<vmem>>, vector<64x128xf32>
    tpu.vector_store %arg12[%swap3A, %swap3A_34], %add3A_33 {strides = array<i32>} : memref<64x128xf32, #tpu.memory_space<vmem>>, vector<64x128xf32>,
    %eq3A_36 = arith.constant 4 : i32
    %eq3A_37 = arith.cmpi eq, %arg0, %eq3A_36 : i32
    %convert_element_type3A_38 = arith.extui %eq3A_37 : i1 to i32
    %cond3A_39 = arith.constant 0 : i32
    %cond3A_40 = arith.cmpi ne, %convert_element_type3A_38, %cond3A_39 : i32
    scf.if %cond3A_40 {
      %get3A_41 = arith.constant 0 : index
      %get3A_42 = arith.constant 0 : index
      %get3A_43 = vector.load %arg12[%get3A_41, %get3A_42] : memref<64x128xf32, #tpu.memory_space<vmem>>, vector<64x128xf32>
      %get3A_44 = arith.constant 0 : index
      %get3A_45 = arith.constant 0 : index
      %get3A_46 = vector.load %arg7[%get3A_44, %get3A_45] : memref<128x128xf32, #tpu.memory_space<vmem>>, vector<128x128xf32>
      %dot_general3A_47 = arith.constant dense<0.000000e+00> : vector<64x128xf32>
      %dot_general3A_48 = tpu.matmul %get3A_43, %get3A_46, %dot_general3A_47 {dimension_numbers = #tpu.dot_dimension_numbers<[1], [0], [0], [1], [0, 0, 1, 1], [], []>, transpose_lhs_hint = false} : vector<64x128xf32>, vector<128x128xf32>, vector<64x128xf32> -> vector<64x128xf32>
      %get3A_49 = arith.constant 0 : index
      %get3A_50 = arith.constant 0 : index
      %get3A_51 = vector.load %arg8[%get3A_49, %get3A_50] : memref<1x128xf32, #tpu.memory_space<vmem>>, vector<1x128xf32>
      %add3A_52 = vector.broadcast %get3A_51 : vector<1x128xf32> to vector<64x128xf32>
      %add3A_53 = arith.addf %dot_general3A_48, %add3A_52 : vector<64x128xf32>
      %max3A_54 = arith.constant 0.000000e+00 : f32
      %max3A_55 = vector.broadcast %max3A_54 : f32 to vector<64x128xf32>
      %max3A_56 = arith.maximumf %add3A_53, %max3A_55 : vector<64x128xf32>
      %get3A_57 = arith.constant 0 : index
      %get3A_58 = arith.constant 0 : index
      %get3A_59 = vector.load %arg9[%get3A_57, %get3A_58] : memref<128x128xf32, #tpu.memory_space<vmem>>, vector<128x128xf32>
      %dot_general3A_60 = arith.constant dense<0.000000e+00> : vector<64x128xf32>
      %dot_general3A_61 = tpu.matmul %max3A_56, %get3A_59, %dot_general3A_60 {dimension_numbers = #tpu.dot_dimension_numbers<[1], [0], [0], [1], [0, 0, 1, 1], [], []>, transpose_lhs_hint = false} : vector<64x128xf32>, vector<128x128xf32>, vector<64x128xf32> -> vector<64x128xf32>
      %get3A_62 = arith.constant 0 : index
      %get3A_63 = arith.constant 0 : index
      %get3A_64 = vector.load %arg10[%get3A_62, %get3A_63] : memref<1x128xf32, #tpu.memory_space<vmem>>, vector<1x128xf32>
      %add3A_65 = vector.broadcast %get3A_64 : vector<1x128xf32> to vector<64x128xf32>
      %add3A_66 = arith.addf %dot_general3A_61, %add3A_65 : vector<64x128xf32>
      %swap3A_67 = arith.constant 0 : index
      %swap3A_68 = arith.constant 0 : index
      %swap3A_69 = vector.load %arg11[%swap3A_67, %swap3A_68] : memref<64x128xf32, #tpu.memory_space<vmem>>, vector<64x128xf32>
      tpu.vector_store %arg11[%swap3A_67, %swap3A_68], %add3A_66 {strides = array<i32>} : memref<64x128xf32, #tpu.memory_space<vmem>>, vector<64x128xf32>,
    } else {
    }
    return
  }
  func.func @transform_0(%arg0: i32) -> (i32, i32) {
    %c0_i32 = arith.constant 0 : i32
    %c0_i32_0 = arith.constant 0 : i32
    return %arg0, %c0_i32 : i32, i32
  }
  func.func @transform_1(%arg0: i32) -> (i32, i32) {
    %c0_i32 = arith.constant 0 : i32
    %c0_i32_0 = arith.constant 0 : i32
    return %arg0, %c0_i32 : i32, i32
  }
  func.func @transform_2(%arg0: i32) -> (i32, i32) {
    %c0_i32 = arith.constant 0 : i32
    %c0_i32_0 = arith.constant 0 : i32
    return %arg0, %c0_i32 : i32, i32
  }
  func.func @transform_3(%arg0: i32) -> (i32, i32) {
    %c0_i32 = arith.constant 0 : i32
    %c0_i32_0 = arith.constant 0 : i32
    return %arg0, %c0_i32 : i32, i32
  }
  func.func @transform_4(%arg0: i32) -> (i32, i32) {
    %c0_i32 = arith.constant 0 : i32
    %c0_i32_0 = arith.constant 0 : i32
    %c0_i32_1 = arith.constant 0 : i32
    return %c0_i32, %c0_i32_0 : i32, i32
  }
  func.func @transform_5(%arg0: i32) -> (i32, i32) {
    %c0_i32 = arith.constant 0 : i32
    %c0_i32_0 = arith.constant 0 : i32
    return %arg0, %c0_i32 : i32, i32
  }
  func.func @transform_6(%arg0: i32) -> (i32, i32) {
    %c0_i32 = arith.constant 0 : i32
    %c0_i32_0 = arith.constant 0 : i32
    %c0_i32_1 = arith.constant 0 : i32
    return %c0_i32, %c0_i32_0 : i32, i32
  }
  func.func @transform_7(%arg0: i32) -> (i32, i32) {
    %c0_i32 = arith.constant 0 : i32
    %c0_i32_0 = arith.constant 0 : i32
    %c0_i32_1 = arith.constant 0 : i32
    return %c0_i32, %c0_i32_0 : i32, i32
  }
  func.func @transform_8(%arg0: i32) -> (i32, i32) {
    %c0_i32 = arith.constant 0 : i32
    %c0_i32_0 = arith.constant 0 : i32
    %c0_i32_1 = arith.constant 0 : i32
    return %c0_i32, %c0_i32_0 : i32, i32
  }
  func.func @transform_9(%arg0: i32) -> (i32, i32) {
    %c0_i32 = arith.constant 0 : i32
    %c0_i32_0 = arith.constant 0 : i32
    %c0_i32_1 = arith.constant 0 : i32
    return %c0_i32, %c0_i32_0 : i32, i32
  }
  func.func @transform_10(%arg0: i32) -> (i32, i32) {
    %c0_i32 = arith.constant 0 : i32
    %c0_i32_0 = arith.constant 0 : i32
    %c0_i32_1 = arith.constant 0 : i32
    return %c0_i32, %c0_i32_0 : i32, i32
  }
}

</mosaic_0001>

<sc_bundles>
// kernel: kernel.12.cloned.1.call-start
scs
__scs_entry_jumppad:
0x0: {  	(pc) =	sbr.rel $0x88, $3  }
0x1: {  	(tag) =	ssettag $0x0;
	lr =	simm.s32 $0x1  }
0x2: {  	[smem:$0x3F92] =	sst lr;
	_ =	strace $0xD0000000  }
0x3: {  	_ = 	snop  }
0x4: {  	_ = 	snop  }
0x5: {  	_ = 	snop  }
0x6: {  	_ = 	snop  }
0x7: {  	_ = 	snop  }
__scs_overlays_trampoline_lowered:
0x8: {  	[smem:$0x3FA1] =	sst s0  }
0x9: {  	[smem:$0x3FA2] =	sst s1  }
0xa: {  	[smem:$0x3FA3] =	sst s2  }
0xb: {  	[smem:$0x3FA4] =	sst s3  }
0xc: {  	[smem:$0x3FA5] =	sst s4  }
0xd: {  	[smem:$0x3FA6] =	sst s5  }
0xe: {  	[smem:$0x3FA7] =	sst s6  }
0xf: {  	[smem:$0x3FA8] =	sst s7  }
0x10: {  	[smem:$0x3FA9] =	sst s8  }
0x11: {  	[smem:$0x3FAA] =	sst s9;
	s0 =	simm.s32 @!p0 $0x0  }
0x12: {  	s1 =	sld [smem:$0x3F90];
	s0 =	simm.s32 @p0 $0x1  }
0x13: {  	[smem:$0x3FAB] =	sst s0;
	s0 =	simm.s32 @!p1 $0x0  }
0x14: {  	s2 =	sld [smem:$0x3F8F];
	s0 =	simm.s32 @p1 $0x1  }
0x15: {  	[smem:$0x3FAC] =	sst s0;
	s0 =	simm.s32 @!p2 $0x0  }
0x16: {  	s3 =	sld [smem:$0x3FDB];
	s0 =	simm.s32 @p2 $0x1  }
0x17: {  	s4 =	simm.s32 $0x1BF5;
	[smem:$0x3FAE] =	sst s0  }
0x18: {  	s0 =	sld [smem:$0x3F91];
	_ =	swait.ge [sflag:s4], $0x0  }
0x19: {  	s7 =	sld [smem:$0x3F92]  }
0x1a: {  	s8 =	sadd.s32 $0xFFFFE003, lr  }
0x1b: {  	s9 =	sadd.s32 $0xFFFFFEF7, lr;
	s5 =	simm.s32 $0xFFFFFFFF;
	p2 =	slt.u32 s8, $0xFFFFF086  }
0x1c: {  	p1 =	slt.u32 s9, $0xF7A;
	s5 =	simm.s32 @!p2 $0x0  }
0x1d: {  	s5 =	simm.s32 @p1 $0x1;
	p0 =	seq.s32 s7, s2  }
0x1e: {  	s7 =	smul.u32 @!p0 $0xF7A, s2;
	p2 =	seq.s32 @!p0 s5, $0x0  }
0x1f: {  	s9 =	smul.u32 $0xF7A, s1;
	s8 =	simm.s32 @!p0 $0x1BF5;
	p2 =	por !p2, p0  }
0x20: {  	[sflag:s8] =	ssyncset.s32 @!p0 $0xFFFFF086;
	s6 =	sadd.s32 @!p0 s3, s7;
	s7 =	simm.s32 @!p0 $0x108  }
0x21: {  	s3 =	sadd.s32 s3, s9;
	s6 =	sadd.s32 @!p0 $0x88, s6;
	s7 =	simm.s32 @p2 $0x1082  }
0x22: {  	[simem:s7], [sflag:s8] =	dma.local @!p0 [hbm:s6], $0xF7A  }
0x23: {  	s9 =	sor.u32 $0xD0000000, s2;
	s6 =	simm.s32 $0x108;
	_ =	swait.ge @!p0 [sflag:s8], $0x0  }
0x24: {  	s3 =	sadd.s32 $0x88, s3;
	s6 =	simm.s32 @!p1 $0x1082;
	[sflag:s4] =	ssyncset.s32 $0xFFFFF086  }
0x25: {  	[simem:s6], [sflag:s4] =	dma.local [hbm:s3], $0xF7A  }
0x26: {  	[smem:$0x3F92] =	sst s1;
	(tag) =	ssettag s2;
	_ =	strace s9  }
0x27: {  	s1 =	sld [smem:$0x3FA2]  }
0x28: {  	s2 =	sld [smem:$0x3FA3]  }
0x29: {  	s4 =	sld [smem:$0x3FA5]  }
0x2a: {  	p0 =	seq.s32 s5, $0x0;
	s5 =	sld [smem:$0x3FA6]  }
0x2b: {  	s6 =	sld [smem:$0x3FA7]  }
0x2c: {  	s7 =	sld [smem:$0x3FA8]  }
0x2d: {  	s3 =	simm.s32 $0x108;
	s8 =	sld [smem:$0x3FA9]  }
0x2e: {  	s3 =	simm.s32 @!p0 $0x1082;
	s9 =	sld [smem:$0x3FAA]  }
0x2f: {  	lr =	sadd.s32 s0, s3;
	s0 =	sld [smem:$0x3FA1]  }
0x30: {  	s3 =	sld [smem:$0x3FA4]  }
0x31: {  	[smem:$0x3FAD] =	sst s10  }
0x32: {  	s10 =	sld [smem:$0x3FAB];
	_ =	sdelay $0x3  }
0x33: {  	p0 =	seq.s32 s10, $0x1;
	s10 =	sld [smem:$0x3FAD];
	_ =	sdelay $0x3  }
0x34: {  	[smem:$0x3FAD] =	sst s10  }
0x35: {  	s10 =	sld [smem:$0x3FAC];
	_ =	sdelay $0x3  }
0x36: {  	p1 =	seq.s32 s10, $0x1;
	s10 =	sld [smem:$0x3FAD];
	_ =	sdelay $0x3  }
0x37: {  	[smem:$0x3FAD] =	sst s10  }
0x38: {  	s10 =	sld [smem:$0x3FAE]  }
0x39: {  	_ = 	snop;
	(pc) =	sbr.ind lr, $3  }
0x3a: {  	_ = 	snop  }
0x3b: {  	_ = 	snop  }
0x3c: {  	p2 =	seq.s32 s10, $0x1;
	s10 =	sld [smem:$0x3FAD]  }
0x3d: {  	_ =	shalt  }
0x3e: {  	_ =	shalt  }
0x3f: {  	_ =	shalt  }
0x40: {  	_ =	shalt  }
0x41: {  	_ =	shalt  }
0x42: {  	_ =	shalt  }
0x43: {  	_ =	shalt  }
0x44: {  	_ =	shalt  }
0x45: {  	_ =	shalt  }
0x46: {  	_ =	shalt  }
0x47: {  	_ =	shalt  }
0x48: {  	_ =	shalt  }
0x49: {  	_ =	shalt  }
0x4a: {  	_ =	shalt  }
0x4b: {  	_ =	shalt  }
0x4c: {  	_ =	shalt  }
0x4d: {  	_ =	shalt  }
0x4e: {  	_ =	shalt  }
0x4f: {  	_ =	shalt  }
0x50: {  	_ =	shalt  }
0x51: {  	_ =	shalt  }
0x52: {  	_ =	shalt  }
0x53: {  	_ =	shalt  }
0x54: {  	_ =	shalt  }
0x55: {  	_ =	shalt  }
0x56: {  	_ =	shalt  }
0x57: {  	_ =	shalt  }
0x58: {  	_ =	shalt  }
0x59: {  	_ =	shalt  }
0x5a: {  	_ =	shalt  }
0x5b: {  	_ =	shalt  }
0x5c: {  	_ =	shalt  }
0x5d: {  	_ =	shalt  }
0x5e: {  	_ =	shalt  }
0x5f: {  	_ =	shalt  }
0x60: {  	_ =	shalt  }
0x61: {  	_ =	shalt  }
0x62: {  	_ =	shalt  }
0x63: {  	_ =	shalt  }
0x64: {  	_ =	shalt  }
0x65: {  	_ =	shalt  }
0x66: {  	_ =	shalt  }
0x67: {  	_ =	shalt  }
0x68: {  	_ =	shalt  }
0x69: {  	_ =	shalt  }
0x6a: {  	_ =	shalt  }
0x6b: {  	_ =	shalt  }
0x6c: {  	_ =	shalt  }
0x6d: {  	_ =	shalt  }
0x6e: {  	_ =	shalt  }
0x6f: {  	_ =	shalt  }
0x70: {  	_ =	shalt  }
0x71: {  	_ =	shalt  }
0x72: {  	_ =	shalt  }
0x73: {  	_ =	shalt  }
0x74: {  	_ =	shalt  }
0x75: {  	_ =	shalt  }
0x76: {  	_ =	shalt  }
0x77: {  	_ =	shalt  }
0x78: {  	_ =	shalt  }
0x79: {  	_ =	shalt  }
0x7a: {  	_ =	shalt  }
0x7b: {  	_ =	shalt  }
0x7c: {  	_ =	shalt  }
0x7d: {  	_ =	shalt  }
0x7e: {  	_ =	shalt  }
0x7f: {  	_ =	shalt  }
0x80: {  	_ =	shalt  }
0x81: {  	_ =	shalt  }
0x82: {  	_ =	shalt  }
0x83: {  	_ =	shalt  }
0x84: {  	_ =	shalt  }
0x85: {  	_ =	shalt  }
0x86: {  	_ =	shalt  }
0x87: {  	_ =	shalt  }
.Lfunc_end0:
.L_simem_size_0:
called_computation.1_lowered:
.L_overlay_start_0:
0x88: {  	s2 =	sld [smem:$0x3FD9]  }
0x89: {  	s3 =	sld [smem:$0x3FFE];
	_ =	sdelay $0x1  }
0x8a: {  	s1 =	srdreg.scid  }
0x8b: {  	s0 =	sand.u32 $0x1, s1  }
0x8c: {  	s16 =	sshll.u32 s0, $0xA;
	s2 =	sadd.s32 s3, s2  }
0x8d: {  	s2 =	sadd.s32 s2, s16  }
0x8e: {  	[smem:$0x3FB9] =	sst s2  }
0x8f: {  	_ = 	snop  }
0x90: {  	(tm) =	ssettm $0x1  }
0x91: {  	s17 =	sld [smem:$0x3FFB];
	_ =	sdelay $0x3  }
0x92: {  	_ =	strace s17  }
0x93: {  	s2 =	sld [smem:$0x3FFC];
	_ =	sdelay $0x3  }
0x94: {  	_ =	strace s2  }
0x95: {  	s2 =	sld [smem:$0x3FFD];
	_ =	sdelay $0x3  }
0x96: {  	_ =	strace s2  }
0x97: {  	_ =	strace $0x8FFFFFFF  }
0x98: {  	s18 =	sld [smem:$0x3FDB];
	_ =	sdelay $0x1  }
0x99: {  	s19 =	simm.s32 $_scs_section_size  }
0x9a: {  	s4 =	simm.s32 $_size__tile_overlayer_lowered;
	s5 =	simm.s32 $_tile_overlayer_lowered  }
0x9b: {  	s22 =	simm.s32 $0x1BFF;
	s21 =	sshll.u32 s5, $0x1;
	s2 =	sadd.s32 s19, s18  }
0x9c: {  	s6 =	simm.s32 $0x0;
	s20 =	sshll.u32 s4, $0x1;
	s4 =	sadd.s32 s21, s2  }
0x9d: {  	[timem:s6], [sflag:s22] =	dma.local [hbm:s4], s20  }
0x9e: {  	_ =	swait.ge [sflag:s22], s20  }
0x9f: {  	s3 =	ssub.s32 $0x0, s20;
	[sflag:s22] =	ssyncset.done $0x0  }
0xa0: {  	[sflag:s22] =	ssyncadd.s32 s3;
	_ =	sdelay $0x1  }
0xa1: {  	s23 =	simm.s32 $0x1B8B  }
0xa2: {  	_ =	swait.ge [sflag:s23], $0x1  }
0xa3: {  	[sflag:s23] =	ssyncset.done $0x0  }
0xa4: {  	s25 =	simm.s32 $0x1B8E;
	s24 =	sld [smem:$0x3FFE];
	[sflag:s23] =	ssyncadd.s32 $0xFFFFFFFF  }
0xa5: {  	s26 =	simm.s32 $execute0_lowered;
	[smem:$0x3FD2] =	sst s25  }
0xa6: {  	s4 =	sshll.u32 s26, $0x1;
	_ =	strace $0x80000049;
	[dreg:$0x1] =	wrdreg $0xFFFFFFFF  }
0xa7: {  	s28 =	simm.s32 $_size_execute0_lowered;
	s2 =	sadd.s32 s2, s4;
	[dreg:$0x0] =	wrdreg $0x0  }
0xa8: {  	s4 =	sshll.u32 s28, $0x1;
	[dreg:$0x2] =	wrdreg s2  }
0xa9: {  	[dreg:$0x3] =	wrdreg s4  }
0xaa: {  	[dreg:$0x4] =	wrdreg $0xC0  }
0xab: {  	_ =	task [dreg:s6], $0x5FFFF  }
0xac: {  	[dreg:$0x1] =	wrdreg $0xFFFFFFFF  }
0xad: {  	[dreg:$0x0] =	wrdreg $0x60  }
0xae: {  	[dreg:$0x2] =	wrdreg s24  }
0xaf: {  	[dreg:$0x3] =	wrdreg $0x0  }
0xb0: {  	[dreg:$0x4] =	wrdreg $0x9  }
0xb1: {  	_ =	task.clear_ibuf [dreg:s6], $0x5FFFF;
	_ =	strace $0x90000049  }
0xb2: {  	s29 =	simm.s32 $0x9;
	_ =	strace $0x8000004B  }
0xb3: {  	_ =	swait.ge [sflag:s29], $0x1  }
0xb4: {  	[sflag:s29] =	ssyncadd.s32 $0xFFFFFFFF  }
0xb5: {  	_ =	strace $0x9000004B  }
0xb6: {  	_ =	sfence  }
0xb7: {  	s30 =	sld [smem:$0x0];
	_ =	sdelay $0x2  }
0xb8: {  	s31 =	sshll.u32 s1, $0xD;
	s1 =	sshrl.u32 s1, $0x2  }
0xb9: {  	s3 =	sand.u32 $0x4000, s31;
	s1 =	sadd.s32 s1, s30  }
0xba: {  	s0 =	sor.u32 s3, s0;
	s1 =	sshll.u32 s1, $0x11  }
0xbb: {  	s0 =	sor.u32 s1, s0  }
0xbc: {  	s0 =	sadd.s32 $0x8F2B, s0  }
0xbd: {  	[sflag:s0] =	ssyncadd.remote.s32 $0x1  }
0xbe: {  	_ =	sfence.sel $0xFFFF  }
0xbf: {  	[dreg:$0x0] =	wrdreg $0xFFFFFFFF;
	(pc) =	sbr.abs _section_cstart, $3  }
0xc0: {  	[dreg:$0x1] =	wrdreg $0xFFFFFFFF  }
0xc1: {  	_ =	task.clear_ibuf [dreg:s6], $0x2FFFF;
	_ =	strace $0x9FFFFFFF  }
0xc2: {  	(tm) =	ssettm $0x7FFFFFFF  }
0xc3: {  	_ =	shalt  }
tec
execute0_lowered:
.L_overlay_start_1:
0x0: {  	(tag) =	ssettag $0x1  }
0x1: {  	s0 =	rddreg [dreg:$0x0]  }
0x2: {  	s2 =	rddreg [dreg:$0x1]  }
0x3: {  	s1 =	srdreg.scid;
	s11 =	stileid.u32  }
0x4: {  	s4 =	simm.s32 $0x0;
	s18 =	simm.s32 $0x11;
	s19 =	simm.s32 $0x28  }
0x5: {  	s29 =	simm.s32 $0x1B1C0;
	s31 =	simm.s32 $0x1D9C0;
	s28 =	simm.s32 $0x5  }
0x6: {  	s30 =	simm.s32 $0x6;
	s16 =	simm.s32 $0xE;
	s13 =	simm.s32 $0xF  }
0x7: {  	s15 =	simm.s32 $0x0;
	s1 =	sand.u32 $0x1, s1;
	s6 =	smul.u32 $0x13880, s11  }
0x8: {  	[smem:$0x7FF] =	sst s4;
	s4 =	sadd.s32 $0x18200, s0;
	s22 =	sshll.u32 s11, $0x6  }
0x9: {  	s3 =	sshll.u32 s1, $0x4;
	s5 =	smul.u32 $0x138800, s1;
	_ =	strace $0x8000004A  }
0xa: {  	s1 =	ssub.s32 $0x2, s1;
	[dreg:$0x4] =	wrdreg s22;
	s3 =	sor.u32 s11, s3  }
0xb: {  	s10 =	sshrl.u32 s1, $0x1;
	s20 =	sadd.s32 s6, s2;
	s7 =	smul.u32 $0x4E2, s3  }
0xc: {  	s5 =	sadd.s32 s6, s5;
	s1 =	ssub.s32 s1, s10;
	s21 =	smul.u32 $0x2710, s3  }
0xd: {  	s6 =	sshrl.u32 s6, $0x3;
	s3 =	smul.u32 $0xFA, s3;
	s17 =	sshrl.u32 s20, $0x3  }
0xe: {  	s20 =	simm.s32 $0x161C0;
	s10 =	simm.s32 $0xC;
	s9 =	sshrl.u32 s5, $0x3  }
0xf: {  	s5 =	sadd.s32 $0xE400, s0;
	s6 =	sadd.s32 s4, s6;
	s26 =	smax.u32 s1, $0x1  }
0x10: {  	s1 =	simm.s32 $0x1C5C0;
	[dreg:$0xa] =	wrdreg s17;
	s8 =	sadd.s32 s7, s0  }
0x11: {  	s0 =	sadd.s32 s9, s0;
	[dreg:$0x3] =	wrdreg s6;
	s6 =	sor.u32 $0x1C01, s22  }
0x12: {  	s24 =	sadd.s32 $0x2648, s21;
	s7 =	sadd.s32 s5, s7;
	s11 =	sadd.s32 $0x7, s3  }
0x13: {  	[dreg:$0x9] =	wrdreg s26;
	s22 =	simm.s32 $0x175C0;
	s26 =	simm.s32 $0x19DC0  }
0x14: {  	s21 =	simm.s32 $0x2;
	s3 =	simm.s32 $0x8;
	[dreg:$0x5] =	wrdreg s6  }
0x15: {  	s9 =	simm.s32 $0xB;
	s23 =	sadd.s32 $0x4600, s8;
	[dreg:$0x7] =	wrdreg s7  }
0x16: {  	s25 =	sshrl.u32 s24, $0x3;
	s0 =	sadd.s32 $0x66600, s0;
	s24 =	simm.s32 $0x189C0  }
0x17: {  	s6 =	simm.s32 $0x9;
	s8 =	simm.s32 $0xA;
	[dreg:$0x6] =	wrdreg s23  }
0x18: {  	s7 =	simm.s32 $0xD;
	s12 =	sadd.s32 s5, s25;
	[dreg:$0x8] =	wrdreg s0  }
0x19: {  	s23 =	simm.s32 $0x3;
	s25 =	simm.s32 $0x4;
	s0 =	simm.s32 $0x7  }
.LBB2_1:
0x1a: {  	[dreg:$0xb] =	wrdreg s15  }
0x1b: {  	s14 =	rddreg [dreg:$0x3]  }
0x1c: {  	s15 =	rddreg [dreg:$0x5]  }
0x1d: {  	[spmem:s17], [sflag:s15] =	dma.local [hbm:s14], $0x2710  }
0x1e: {  	s14 =	simm.s32 $0x0;
	s17 =	simm.s32 $0x13880;
	s15 =	rddreg [dreg:$0x6]  }
0x1f: {  	[tilespmem:s17], [sflag:$0x11] =	stream.linear.gather [hbm4b:s15+s14], $0x2710, $0x38;
	[tilespmem:$0x1EDC0] =	vst v63  }
0x20: {  	_ =	swait.ge [sflag:s18], $0x2710  }
0x21: {  	[sflag:s18] =	ssyncset.done $0x0  }
0x22: {  	s15 =	rddreg [dreg:$0x7];
	[sflag:s18] =	ssyncadd.s32 $0xFFFFD8F0;
	s18 =	simm.s32 $0x15F90  }
0x23: {  	[tilespmem:s18], [sflag:$0x2] =	stream.linear.gather [hbm4b:s15+s14], $0x118, $0x38;
	[tilespmem:$0x1EDC0] =	vst v63  }
0x24: {  	_ = 	snop  }
0x25: {  	[tilespmem:s20], [sflag:$0x3] =	stream.indirect.gather [hbm4b:s4+s19], $0x80, s17, s19, $0xb8;
	[tilespmem:$0x1EDC0] =	vst v63  }
0x26: {  	s15 =	simm.s32 $0x138A8  }
0x27: {  	[tilespmem:s22], [sflag:$0x4] =	stream.indirect.gather [hbm4b:s4+s19], $0x80, s15, s19, $0xb8;
	[tilespmem:$0x1EDC0] =	vst v63  }
0x28: {  	s17 =	simm.s32 $0x138D0  }
0x29: {  	[tilespmem:s24], [sflag:$0x5] =	stream.indirect.gather [hbm4b:s4+s19], $0x80, s17, s19, $0xb8;
	[tilespmem:$0x1EDC0] =	vst v63  }
0x2a: {  	s18 =	simm.s32 $0x138F8  }
0x2b: {  	[tilespmem:s26], [sflag:$0x6] =	stream.indirect.gather [hbm4b:s4+s19], $0x80, s18, s19, $0xb8;
	[tilespmem:$0x1EDC0] =	vst v63  }
0x2c: {  	s15 =	simm.s32 $0x13920  }
0x2d: {  	[tilespmem:s29], [sflag:$0x7] =	stream.indirect.gather [hbm4b:s4+s19], $0x80, s15, s19, $0xb8;
	[tilespmem:$0x1EDC0] =	vst v63  }
0x2e: {  	s17 =	simm.s32 $0x13948  }
0x2f: {  	[tilespmem:s1], [sflag:$0x8] =	stream.indirect.gather [hbm4b:s4+s19], $0x80, s17, s19, $0xb8;
	[tilespmem:$0x1EDC0] =	vst v63  }
0x30: {  	s18 =	simm.s32 $0x13970  }
0x31: {  	[tilespmem:s31], [sflag:$0x9] =	stream.indirect.gather [hbm4b:s4+s19], $0x80, s18, s19, $0xb8;
	[tilespmem:$0x1EDC0] =	vst v63  }
0x32: {  	s31 =	simm.s32 $0x1  }
0x33: {  	_ =	swait.ge [sflag:s31], $0x2710  }
0x34: {  	[sflag:s31] =	ssyncset.done $0x0  }
0x35: {  	[sflag:s31] =	ssyncadd.s32 $0xFFFFD8F0  }
0x36: {  	s1 =	simm.s32 $0x1D9C0;
	s18 =	simm.s32 $0x0;
	[bflag:$0x0] =	sbarrier.arrive $0xFFFF  }
.LBB2_2:
0x37: {  	_ =	swait.ge [sflag:s21], $0x118  }
0x38: {  	p0 =	seq.s32 s18, $0x22;
	[sflag:s21] =	ssyncset.done $0x0  }
0x39: {  	s15 =	simm.s32 @p0 $0x0;
	s17 =	simm.s32 @p0 $0x160A8;
	[sflag:s21] =	ssyncadd.s32 $0xFFFFFEE8  }
0x3a: {  	[tilespmem:s17], [sflag:$0x2] =	stream.linear.gather @p0 [hbm4b:s12+s15], $0xC8, $0x38;
	[tilespmem:$0x1EDC0] =	vst v63  }
0x3b: {  	s15 =	sand.u32 $0x1, s18;
	s17 =	smul.u32 @!p0 $0x7, s18  }
0x3c: {  	s14 =	sxor.u32 @!p0 $0x1, s15  }
0x3d: {  	s17 =	sadd.s32 @!p0 s17, s11;
	s14 =	smul.u32 @!p0 $0x460, s14  }
0x3e: {  	s17 =	smul.u32 @!p0 $0x5, s17  }
0x3f: {  	s14 =	sshrl.u32 @!p0 s14, $0x2  }
0x40: {  	s31 =	simm.s32 @!p0 $0x0;
	s14 =	sadd.s32 @!p0 $0x15F90, s14;
	s17 =	sadd.s32 @!p0 s5, s17  }
0x41: {  	[tilespmem:s14], [sflag:$0x2] =	stream.linear.gather @!p0 [hbm4b:s17+s31], $0x118, $0x38;
	[tilespmem:$0x1EDC0] =	vst v63  }
0x42: {  	s17 =	smul.u32 $0x460, s15  }
0x43: {  	_ =	swait.ge [sflag:s23], $0x1400  }
0x44: {  	[sflag:s23] =	ssyncset.done $0x0;
	s14 =	sshrl.u32 s17, $0x2  }
0x45: {  	[sflag:s23] =	ssyncadd.s32 $0xFFFFEC00;
	s31 =	sadd.s32 $0x15F90, s14  }
0x46: {  	[spmem:s2] =	stream.indirect.scatter.add.f32 [tilespmem:s20], [sflag:$0xA], $0x80, s31, s19, $0xb8;
	[tilespmem:$0x1EDC0] =	vst v63  }
0x47: {  	_ =	swait.ge [sflag:s25], $0x1400  }
0x48: {  	[sflag:s25] =	ssyncset.done $0x0  }
0x49: {  	s17 =	sadd.s32 $0x15FB8, s14;
	[sflag:s25] =	ssyncadd.s32 $0xFFFFEC00  }
0x4a: {  	[spmem:s2] =	stream.indirect.scatter.add.f32 [tilespmem:s22], [sflag:$0xB], $0x80, s17, s19, $0xb8;
	[tilespmem:$0x1EDC0] =	vst v63  }
0x4b: {  	_ =	swait.ge [sflag:s28], $0x1400  }
0x4c: {  	[sflag:s28] =	ssyncset.done $0x0  }
0x4d: {  	s31 =	sadd.s32 $0x15FE0, s14;
	[sflag:s28] =	ssyncadd.s32 $0xFFFFEC00  }
0x4e: {  	[spmem:s2] =	stream.indirect.scatter.add.f32 [tilespmem:s24], [sflag:$0xC], $0x80, s31, s19, $0xb8;
	[tilespmem:$0x1EDC0] =	vst v63  }
0x4f: {  	_ =	swait.ge [sflag:s30], $0x1400  }
0x50: {  	[sflag:s30] =	ssyncset.done $0x0  }
0x51: {  	s17 =	sadd.s32 $0x16008, s14;
	[sflag:s30] =	ssyncadd.s32 $0xFFFFEC00  }
0x52: {  	[spmem:s2] =	stream.indirect.scatter.add.f32 [tilespmem:s26], [sflag:$0xD], $0x80, s17, s19, $0xb8;
	[tilespmem:$0x1EDC0] =	vst v63  }
0x53: {  	_ =	swait.ge [sflag:s0], $0x1400  }
0x54: {  	[sflag:s0] =	ssyncset.done $0x0  }
0x55: {  	s31 =	sadd.s32 $0x16030, s14;
	[sflag:s0] =	ssyncadd.s32 $0xFFFFEC00  }
0x56: {  	[spmem:s2] =	stream.indirect.scatter.add.f32 [tilespmem:s29], [sflag:$0xE], $0x80, s31, s19, $0xb8;
	[tilespmem:$0x1EDC0] =	vst v63  }
0x57: {  	_ =	swait.ge [sflag:s3], $0x1400  }
0x58: {  	[sflag:s3] =	ssyncset.done $0x0  }
0x59: {  	s17 =	sadd.s32 $0x16058, s14;
	s31 =	simm.s32 $0x1C5C0;
	[sflag:s3] =	ssyncadd.s32 $0xFFFFEC00  }
0x5a: {  	[spmem:s2] =	stream.indirect.scatter.add.f32 [tilespmem:s31], [sflag:$0xF], $0x80, s17, s19, $0xb8;
	[tilespmem:$0x1EDC0] =	vst v63  }
0x5b: {  	_ =	swait.ge [sflag:s6], $0x1400  }
0x5c: {  	[sflag:s6] =	ssyncset.done $0x0  }
0x5d: {  	s14 =	sadd.s32 $0x16080, s14;
	s17 =	smul.u32 $0x460, s18;
	[sflag:s6] =	ssyncadd.s32 $0xFFFFEC00  }
0x5e: {  	[spmem:s2] =	stream.indirect.scatter.add.f32 [tilespmem:s1], [sflag:$0x10], $0x80, s14, s19, $0xb8;
	[tilespmem:$0x1EDC0] =	vst v63  }
0x5f: {  	_ =	swait.ge [sflag:s8], $0x1400  }
0x60: {  	s14 =	sshra.s32 s17, $0x2;
	[sflag:s8] =	ssyncset.done $0x0  }
0x61: {  	s31 =	sadd.s32 $0x13998, s14;
	[sflag:s8] =	ssyncadd.s32 $0xFFFFEC00  }
0x62: {  	[tilespmem:s20], [sflag:$0x3] =	stream.indirect.gather [hbm4b:s4+s19], $0x80, s31, s19, $0xb8;
	[tilespmem:$0x1EDC0] =	vst v63  }
0x63: {  	_ =	swait.ge [sflag:s9], $0x1400  }
0x64: {  	[sflag:s9] =	ssyncset.done $0x0  }
0x65: {  	s17 =	sadd.s32 $0x139C0, s14;
	[sflag:s9] =	ssyncadd.s32 $0xFFFFEC00  }
0x66: {  	[tilespmem:s22], [sflag:$0x4] =	stream.indirect.gather [hbm4b:s4+s19], $0x80, s17, s19, $0xb8;
	[tilespmem:$0x1EDC0] =	vst v63  }
0x67: {  	_ =	swait.ge [sflag:s10], $0x1400  }
0x68: {  	[sflag:s10] =	ssyncset.done $0x0  }
0x69: {  	s31 =	sadd.s32 $0x139E8, s14;
	[sflag:s10] =	ssyncadd.s32 $0xFFFFEC00  }
0x6a: {  	[tilespmem:s24], [sflag:$0x5] =	stream.indirect.gather [hbm4b:s4+s19], $0x80, s31, s19, $0xb8;
	[tilespmem:$0x1EDC0] =	vst v63  }
0x6b: {  	_ =	swait.ge [sflag:s7], $0x1400  }
0x6c: {  	[sflag:s7] =	ssyncset.done $0x0  }
0x6d: {  	s17 =	sadd.s32 $0x13A10, s14;
	[sflag:s7] =	ssyncadd.s32 $0xFFFFEC00  }
0x6e: {  	[tilespmem:s26], [sflag:$0x6] =	stream.indirect.gather [hbm4b:s4+s19], $0x80, s17, s19, $0xb8;
	[tilespmem:$0x1EDC0] =	vst v63  }
0x6f: {  	_ =	swait.ge [sflag:s16], $0x1400  }
0x70: {  	[sflag:s16] =	ssyncset.done $0x0  }
0x71: {  	s31 =	sadd.s32 $0x13A38, s14;
	[sflag:s16] =	ssyncadd.s32 $0xFFFFEC00  }
0x72: {  	[tilespmem:s29], [sflag:$0x7] =	stream.indirect.gather [hbm4b:s4+s19], $0x80, s31, s19, $0xb8;
	[tilespmem:$0x1EDC0] =	vst v63  }
0x73: {  	p1 =	sne.s32 s18, $0x22;
	_ =	swait.ge [sflag:s13], $0x1400  }
0x74: {  	s15 =	sadd.s32 @p1 $0x13A60, s14;
	[sflag:s13] =	ssyncset.done $0x0  }
0x75: {  	s17 =	simm.s32 @p1 $0x28;
	s31 =	simm.s32 @p1 $0x1C5C0;
	[sflag:s13] =	ssyncadd.s32 $0xFFFFEC00  }
0x76: {  	[tilespmem:s31], [sflag:$0x8] =	stream.indirect.gather @p1 [hbm4b:s4+s17], $0x80, s15, s17, $0xb8;
	[tilespmem:$0x1EDC0] =	vst v63  }
0x77: {  	s18 =	sadd.s32 @!p0 $0x1, s18;
	s15 =	simm.s32 @p1 $0x10  }
0x78: {  	s18 =	simm.s32 @p0 $0x23;
	_ =	swait.ge @p1 [sflag:s15], $0x1400  }
0x79: {  	p0 =	slt.u32 s18, $0x23;
	[sflag:s15] =	ssyncset.done @p1 $0x0  }
0x7a: {  	s14 =	sadd.s32 @p1 $0x13A88, s14;
	[sflag:s15] =	ssyncadd.s32 @p1 $0xFFFFEC00;
	s15 =	simm.s32 @p1 $0x1D9C0  }
0x7b: {  	[tilespmem:s15], [sflag:$0x9] =	stream.indirect.gather @p1 [hbm4b:s4+s17], $0x80, s14, s17, $0xb8;
	[tilespmem:$0x1EDC0] =	vst v63  }
.Ltmp0:
0x7c: {  	_ = 	snop;
	(pc) =	sbr.rel @p0 .LBB2_2-.Ltmp0, $4  }
0x7d: {  	s14 =	simm.s32 @!p1 $0x10  }
0x7e: {  	_ =	swait.ge @!p1 [sflag:s14], $0x1400  }
0x7f: {  	[sflag:s14] =	ssyncset.done @!p1 $0x0  }
0x80: {  	[sflag:s14] =	ssyncadd.s32 @!p1 $0xFFFFEC00  }
0x81: {  	_ =	swait.ge [sflag:s21], $0xC8  }
0x82: {  	[sflag:s21] =	ssyncset.done $0x0  }
0x83: {  	[sflag:s21] =	ssyncadd.s32 $0xFFFFFF38  }
0x84: {  	_ =	swait.ge [sflag:s23], $0x1400  }
0x85: {  	[sflag:s23] =	ssyncset.done $0x0  }
0x86: {  	s1 =	simm.s32 $0x160A8;
	[sflag:s23] =	ssyncadd.s32 $0xFFFFEC00  }
0x87: {  	[spmem:s2] =	stream.indirect.scatter.add.f32 [tilespmem:s20], [sflag:$0xA], $0x80, s1, s19, $0xb8;
	[tilespmem:$0x1EDC0] =	vst v63  }
0x88: {  	_ =	swait.ge [sflag:s25], $0x1400  }
0x89: {  	[sflag:s25] =	ssyncset.done $0x0  }
0x8a: {  	s14 =	simm.s32 $0x160D0;
	[sflag:s25] =	ssyncadd.s32 $0xFFFFEC00  }
0x8b: {  	[spmem:s2] =	stream.indirect.scatter.add.f32 [tilespmem:s22], [sflag:$0xB], $0x80, s14, s19, $0xb8;
	[tilespmem:$0x1EDC0] =	vst v63  }
0x8c: {  	_ =	swait.ge [sflag:s28], $0x1400  }
0x8d: {  	[sflag:s28] =	ssyncset.done $0x0  }
0x8e: {  	s15 =	simm.s32 $0x160F8;
	[sflag:s28] =	ssyncadd.s32 $0xFFFFEC00  }
0x8f: {  	[spmem:s2] =	stream.indirect.scatter.add.f32 [tilespmem:s24], [sflag:$0xC], $0x80, s15, s19, $0xb8;
	[tilespmem:$0x1EDC0] =	vst v63  }
0x90: {  	_ =	swait.ge [sflag:s30], $0x1400  }
0x91: {  	[sflag:s30] =	ssyncset.done $0x0  }
0x92: {  	s17 =	simm.s32 $0x16120;
	[sflag:s30] =	ssyncadd.s32 $0xFFFFEC00  }
0x93: {  	[spmem:s2] =	stream.indirect.scatter.add.f32 [tilespmem:s26], [sflag:$0xD], $0x80, s17, s19, $0xb8;
	[tilespmem:$0x1EDC0] =	vst v63  }
0x94: {  	_ =	swait.ge [sflag:s0], $0x1400  }
0x95: {  	[sflag:s0] =	ssyncset.done $0x0  }
0x96: {  	s18 =	simm.s32 $0x16148;
	[sflag:s0] =	ssyncadd.s32 $0xFFFFEC00  }
0x97: {  	[spmem:s2] =	stream.indirect.scatter.add.f32 [tilespmem:s29], [sflag:$0xE], $0x80, s18, s19, $0xb8;
	[tilespmem:$0x1EDC0] =	vst v63  }
0x98: {  	_ =	swait.ge [sflag:s8], $0x1400  }
0x99: {  	[sflag:s8] =	ssyncset.done $0x0  }
0x9a: {  	[sflag:s8] =	ssyncadd.s32 $0xFFFFEC00  }
0x9b: {  	_ =	swait.ge [sflag:s9], $0x1400  }
0x9c: {  	[sflag:s9] =	ssyncset.done $0x0  }
0x9d: {  	[sflag:s9] =	ssyncadd.s32 $0xFFFFEC00  }
0x9e: {  	_ =	swait.ge [sflag:s10], $0x1400  }
0x9f: {  	[sflag:s10] =	ssyncset.done $0x0  }
0xa0: {  	[sflag:s10] =	ssyncadd.s32 $0xFFFFEC00  }
0xa1: {  	_ =	swait.ge [sflag:s7], $0x1400  }
0xa2: {  	[sflag:s7] =	ssyncset.done $0x0  }
0xa3: {  	[sflag:s7] =	ssyncadd.s32 $0xFFFFEC00  }
0xa4: {  	_ =	swait.ge [sflag:s16], $0x1400  }
0xa5: {  	[sflag:s16] =	ssyncset.done $0x0  }
0xa6: {  	[sflag:s16] =	ssyncadd.s32 $0xFFFFEC00  }
0xa7: {  	[bflag:$0x0] =	sbarrier.arrive $0xFFFF  }
0xa8: {  	s14 =	rddreg [dreg:$0x4]  }
0xa9: {  	s15 =	rddreg [dreg:$0x8]  }
0xaa: {  	s18 =	simm.s32 $0x11;
	s17 =	rddreg [dreg:$0xa];
	s14 =	sor.u32 $0x1C11, s14  }
0xab: {  	[hbm:s15], [sflag:s14] =	dma.local [spmem:s17], $0x2710  }
0xac: {  	_ =	swait.ge [sflag:s18], $0x2710  }
0xad: {  	s14 =	rddreg [dreg:$0xb]  }
0xae: {  	s1 =	rddreg [dreg:$0x9];
	s15 =	sadd.s32 $0x1, s14  }
0xaf: {  	p0 =	sne.s32 s15, s1  }
.Ltmp1:
0xb0: {  	_ = 	snop;
	(pc) =	sbr.rel @p0 .LBB2_1-.Ltmp1, $3  }
0xb1: {  	_ =	sdelay $0x1  }
0xb2: {  	[sflag:s18] =	ssyncset.done $0x0  }
0xb3: {  	s31 =	simm.s32 $0x1D9C0;
	[sflag:s18] =	ssyncadd.s32 $0xFFFFD8F0;
	s1 =	simm.s32 $0x1C5C0  }
0xb4: {  	_ =	sfence.sel $0x180000  }
0xb5: {  	[bflag:$0x0] =	sbarrier.arrive $0xFFFF  }
0xb6: {  	_ =	strace $0x9000004A  }
0xb7: {  	s0 =	stileid.u32;
	[bflag:$0x2] =	sbarrier.arrive $0xFFFF  }
0xb8: {  	p0 =	sne.s32 s0, $0x0;
	s0 =	rddreg [dreg:$0x2]  }
0xb9: {  	s0 =	sadd.s32 @!p0 $0x100000, s0  }
0xba: {  	[sflag:s0] =	ssyncadd.tile.s32 @!p0 $0x1;
	_ =	shalt  }
.Lfunc_end2:
_tile_overlayer_lowered:
.L_overlay_start_2:
0xbb: {  	(tag) =	ssettag $0x2  }
0xbc: {  	s0 =	rddreg [dreg:$0x0];
	s2 =	stileid.u32  }
0xbd: {  	s1 =	rddreg [dreg:$0x1];
	p0 =	sne.s32 s2, $0x0  }
0xbe: {  	s3 =	rddreg [dreg:$0x2];
	[bflag:$0x3] =	sbarrier.arrive $0xFFFF;
	s2 =	simm.s32 @!p0 $0x1C11  }
0xbf: {  	[timem:s3], [sflag:s2] =	dma.local @!p0 [hbm:s0], s1  }
0xc0: {  	s0 =	simm.s32 @!p0 $0x11  }
0xc1: {  	_ =	swait.ge @!p0 [sflag:s0], s1  }
0xc2: {  	s1 =	ssub.s32 @!p0 $0x0, s1;
	[sflag:s0] =	ssyncset.done @!p0 $0x0  }
0xc3: {  	[sflag:s0] =	ssyncadd.s32 @!p0 s1  }
0xc4: {  	[bflag:$0x3] =	sbarrier.arrive $0xFFFF  }
0xc5: {  	_ =	shalt  }

// kernel: kernel.15.cloned.1.call-start
scs
__scs_entry_jumppad:
0x0: {  	(pc) =	sbr.rel $0x88, $3  }
0x1: {  	(tag) =	ssettag $0x0;
	lr =	simm.s32 $0x1  }
0x2: {  	[smem:$0x3F92] =	sst lr;
	_ =	strace $0xD0000000  }
0x3: {  	_ = 	snop  }
0x4: {  	_ = 	snop  }
0x5: {  	_ = 	snop  }
0x6: {  	_ = 	snop  }
0x7: {  	_ = 	snop  }
__scs_overlays_trampoline_lowered:
0x8: {  	[smem:$0x3FA1] =	sst s0  }
0x9: {  	[smem:$0x3FA2] =	sst s1  }
0xa: {  	[smem:$0x3FA3] =	sst s2  }
0xb: {  	[smem:$0x3FA4] =	sst s3  }
0xc: {  	[smem:$0x3FA5] =	sst s4  }
0xd: {  	[smem:$0x3FA6] =	sst s5  }
0xe: {  	[smem:$0x3FA7] =	sst s6  }
0xf: {  	[smem:$0x3FA8] =	sst s7  }
0x10: {  	[smem:$0x3FA9] =	sst s8  }
0x11: {  	[smem:$0x3FAA] =	sst s9;
	s0 =	simm.s32 @!p0 $0x0  }
0x12: {  	s1 =	sld [smem:$0x3F90];
	s0 =	simm.s32 @p0 $0x1  }
0x13: {  	[smem:$0x3FAB] =	sst s0;
	s0 =	simm.s32 @!p1 $0x0  }
0x14: {  	s2 =	sld [smem:$0x3F8F];
	s0 =	simm.s32 @p1 $0x1  }
0x15: {  	[smem:$0x3FAC] =	sst s0;
	s0 =	simm.s32 @!p2 $0x0  }
0x16: {  	s3 =	sld [smem:$0x3FDB];
	s0 =	simm.s32 @p2 $0x1  }
0x17: {  	s4 =	simm.s32 $0x1BF5;
	[smem:$0x3FAE] =	sst s0  }
0x18: {  	s0 =	sld [smem:$0x3F91];
	_ =	swait.ge [sflag:s4], $0x0  }
0x19: {  	s7 =	sld [smem:$0x3F92]  }
0x1a: {  	s8 =	sadd.s32 $0xFFFFE003, lr  }
0x1b: {  	s9 =	sadd.s32 $0xFFFFFEF7, lr;
	s5 =	simm.s32 $0xFFFFFFFF;
	p2 =	slt.u32 s8, $0xFFFFF086  }
0x1c: {  	p1 =	slt.u32 s9, $0xF7A;
	s5 =	simm.s32 @!p2 $0x0  }
0x1d: {  	s5 =	simm.s32 @p1 $0x1;
	p0 =	seq.s32 s7, s2  }
0x1e: {  	s7 =	smul.u32 @!p0 $0xF7A, s2;
	p2 =	seq.s32 @!p0 s5, $0x0  }
0x1f: {  	s9 =	smul.u32 $0xF7A, s1;
	s8 =	simm.s32 @!p0 $0x1BF5;
	p2 =	por !p2, p0  }
0x20: {  	[sflag:s8] =	ssyncset.s32 @!p0 $0xFFFFF086;
	s6 =	sadd.s32 @!p0 s3, s7;
	s7 =	simm.s32 @!p0 $0x108  }
0x21: {  	s3 =	sadd.s32 s3, s9;
	s6 =	sadd.s32 @!p0 $0x88, s6;
	s7 =	simm.s32 @p2 $0x1082  }
0x22: {  	[simem:s7], [sflag:s8] =	dma.local @!p0 [hbm:s6], $0xF7A  }
0x23: {  	s9 =	sor.u32 $0xD0000000, s2;
	s6 =	simm.s32 $0x108;
	_ =	swait.ge @!p0 [sflag:s8], $0x0  }
0x24: {  	s3 =	sadd.s32 $0x88, s3;
	s6 =	simm.s32 @!p1 $0x1082;
	[sflag:s4] =	ssyncset.s32 $0xFFFFF086  }
0x25: {  	[simem:s6], [sflag:s4] =	dma.local [hbm:s3], $0xF7A  }
0x26: {  	[smem:$0x3F92] =	sst s1;
	(tag) =	ssettag s2;
	_ =	strace s9  }
0x27: {  	s1 =	sld [smem:$0x3FA2]  }
0x28: {  	s2 =	sld [smem:$0x3FA3]  }
0x29: {  	s4 =	sld [smem:$0x3FA5]  }
0x2a: {  	p0 =	seq.s32 s5, $0x0;
	s5 =	sld [smem:$0x3FA6]  }
0x2b: {  	s6 =	sld [smem:$0x3FA7]  }
0x2c: {  	s7 =	sld [smem:$0x3FA8]  }
0x2d: {  	s3 =	simm.s32 $0x108;
	s8 =	sld [smem:$0x3FA9]  }
0x2e: {  	s3 =	simm.s32 @!p0 $0x1082;
	s9 =	sld [smem:$0x3FAA]  }
0x2f: {  	lr =	sadd.s32 s0, s3;
	s0 =	sld [smem:$0x3FA1]  }
0x30: {  	s3 =	sld [smem:$0x3FA4]  }
0x31: {  	[smem:$0x3FAD] =	sst s10  }
0x32: {  	s10 =	sld [smem:$0x3FAB];
	_ =	sdelay $0x3  }
0x33: {  	p0 =	seq.s32 s10, $0x1;
	s10 =	sld [smem:$0x3FAD];
	_ =	sdelay $0x3  }
0x34: {  	[smem:$0x3FAD] =	sst s10  }
0x35: {  	s10 =	sld [smem:$0x3FAC];
	_ =	sdelay $0x3  }
0x36: {  	p1 =	seq.s32 s10, $0x1;
	s10 =	sld [smem:$0x3FAD];
	_ =	sdelay $0x3  }
0x37: {  	[smem:$0x3FAD] =	sst s10  }
0x38: {  	s10 =	sld [smem:$0x3FAE]  }
0x39: {  	_ = 	snop;
	(pc) =	sbr.ind lr, $3  }
0x3a: {  	_ = 	snop  }
0x3b: {  	_ = 	snop  }
0x3c: {  	p2 =	seq.s32 s10, $0x1;
	s10 =	sld [smem:$0x3FAD]  }
0x3d: {  	_ =	shalt  }
0x3e: {  	_ =	shalt  }
0x3f: {  	_ =	shalt  }
0x40: {  	_ =	shalt  }
0x41: {  	_ =	shalt  }
0x42: {  	_ =	shalt  }
0x43: {  	_ =	shalt  }
0x44: {  	_ =	shalt  }
0x45: {  	_ =	shalt  }
0x46: {  	_ =	shalt  }
0x47: {  	_ =	shalt  }
0x48: {  	_ =	shalt  }
0x49: {  	_ =	shalt  }
0x4a: {  	_ =	shalt  }
0x4b: {  	_ =	shalt  }
0x4c: {  	_ =	shalt  }
0x4d: {  	_ =	shalt  }
0x4e: {  	_ =	shalt  }
0x4f: {  	_ =	shalt  }
0x50: {  	_ =	shalt  }
0x51: {  	_ =	shalt  }
0x52: {  	_ =	shalt  }
0x53: {  	_ =	shalt  }
0x54: {  	_ =	shalt  }
0x55: {  	_ =	shalt  }
0x56: {  	_ =	shalt  }
0x57: {  	_ =	shalt  }
0x58: {  	_ =	shalt  }
0x59: {  	_ =	shalt  }
0x5a: {  	_ =	shalt  }
0x5b: {  	_ =	shalt  }
0x5c: {  	_ =	shalt  }
0x5d: {  	_ =	shalt  }
0x5e: {  	_ =	shalt  }
0x5f: {  	_ =	shalt  }
0x60: {  	_ =	shalt  }
0x61: {  	_ =	shalt  }
0x62: {  	_ =	shalt  }
0x63: {  	_ =	shalt  }
0x64: {  	_ =	shalt  }
0x65: {  	_ =	shalt  }
0x66: {  	_ =	shalt  }
0x67: {  	_ =	shalt  }
0x68: {  	_ =	shalt  }
0x69: {  	_ =	shalt  }
0x6a: {  	_ =	shalt  }
0x6b: {  	_ =	shalt  }
0x6c: {  	_ =	shalt  }
0x6d: {  	_ =	shalt  }
0x6e: {  	_ =	shalt  }
0x6f: {  	_ =	shalt  }
0x70: {  	_ =	shalt  }
0x71: {  	_ =	shalt  }
0x72: {  	_ =	shalt  }
0x73: {  	_ =	shalt  }
0x74: {  	_ =	shalt  }
0x75: {  	_ =	shalt  }
0x76: {  	_ =	shalt  }
0x77: {  	_ =	shalt  }
0x78: {  	_ =	shalt  }
0x79: {  	_ =	shalt  }
0x7a: {  	_ =	shalt  }
0x7b: {  	_ =	shalt  }
0x7c: {  	_ =	shalt  }
0x7d: {  	_ =	shalt  }
0x7e: {  	_ =	shalt  }
0x7f: {  	_ =	shalt  }
0x80: {  	_ =	shalt  }
0x81: {  	_ =	shalt  }
0x82: {  	_ =	shalt  }
0x83: {  	_ =	shalt  }
0x84: {  	_ =	shalt  }
0x85: {  	_ =	shalt  }
0x86: {  	_ =	shalt  }
0x87: {  	_ =	shalt  }
.Lfunc_end0:
.L_simem_size_0:
called_computation.2_lowered:
.L_overlay_start_0:
0x88: {  	s2 =	sld [smem:$0x3FD9]  }
0x89: {  	s3 =	sld [smem:$0x3FFE];
	_ =	sdelay $0x1  }
0x8a: {  	s1 =	srdreg.scid  }
0x8b: {  	s0 =	sand.u32 $0x1, s1  }
0x8c: {  	s16 =	sshll.u32 s0, $0xA;
	s2 =	sadd.s32 s3, s2  }
0x8d: {  	s2 =	sadd.s32 s2, s16  }
0x8e: {  	[smem:$0x3FB9] =	sst s2  }
0x8f: {  	_ = 	snop  }
0x90: {  	(tm) =	ssettm $0x1  }
0x91: {  	s17 =	sld [smem:$0x3FFB];
	_ =	sdelay $0x3  }
0x92: {  	_ =	strace s17  }
0x93: {  	s2 =	sld [smem:$0x3FFC];
	_ =	sdelay $0x3  }
0x94: {  	_ =	strace s2  }
0x95: {  	s2 =	sld [smem:$0x3FFD];
	_ =	sdelay $0x3  }
0x96: {  	_ =	strace s2  }
0x97: {  	_ =	strace $0x8FFFFFFF  }
0x98: {  	s18 =	sld [smem:$0x3FDB];
	_ =	sdelay $0x1  }
0x99: {  	s19 =	simm.s32 $_scs_section_size  }
0x9a: {  	s4 =	simm.s32 $_size__tile_overlayer_lowered;
	s5 =	simm.s32 $_tile_overlayer_lowered  }
0x9b: {  	s22 =	simm.s32 $0x1BFF;
	s21 =	sshll.u32 s5, $0x1;
	s2 =	sadd.s32 s19, s18  }
0x9c: {  	s6 =	simm.s32 $0x0;
	s20 =	sshll.u32 s4, $0x1;
	s4 =	sadd.s32 s21, s2  }
0x9d: {  	[timem:s6], [sflag:s22] =	dma.local [hbm:s4], s20  }
0x9e: {  	_ =	swait.ge [sflag:s22], s20  }
0x9f: {  	s3 =	ssub.s32 $0x0, s20;
	[sflag:s22] =	ssyncset.done $0x0  }
0xa0: {  	[sflag:s22] =	ssyncadd.s32 s3;
	_ =	sdelay $0x1  }
0xa1: {  	s23 =	simm.s32 $0x1B8B  }
0xa2: {  	_ =	swait.ge [sflag:s23], $0x1  }
0xa3: {  	[sflag:s23] =	ssyncset.done $0x0  }
0xa4: {  	s25 =	simm.s32 $0x1B8E;
	s24 =	sld [smem:$0x3FFE];
	[sflag:s23] =	ssyncadd.s32 $0xFFFFFFFF  }
0xa5: {  	s26 =	simm.s32 $execute0_lowered;
	[smem:$0x3FD2] =	sst s25  }
0xa6: {  	s4 =	sshll.u32 s26, $0x1;
	_ =	strace $0x8000004C;
	[dreg:$0x1] =	wrdreg $0xFFFFFFFF  }
0xa7: {  	s28 =	simm.s32 $_size_execute0_lowered;
	s2 =	sadd.s32 s2, s4;
	[dreg:$0x0] =	wrdreg $0x0  }
0xa8: {  	s4 =	sshll.u32 s28, $0x1;
	[dreg:$0x2] =	wrdreg s2  }
0xa9: {  	[dreg:$0x3] =	wrdreg s4  }
0xaa: {  	[dreg:$0x4] =	wrdreg $0xC0  }
0xab: {  	_ =	task [dreg:s6], $0x5FFFF  }
0xac: {  	[dreg:$0x1] =	wrdreg $0xFFFFFFFF  }
0xad: {  	[dreg:$0x0] =	wrdreg $0x60  }
0xae: {  	[dreg:$0x2] =	wrdreg s24  }
0xaf: {  	[dreg:$0x3] =	wrdreg $0x0  }
0xb0: {  	[dreg:$0x4] =	wrdreg $0x9  }
0xb1: {  	_ =	task.clear_ibuf [dreg:s6], $0x5FFFF;
	_ =	strace $0x9000004C  }
0xb2: {  	s29 =	simm.s32 $0x9;
	_ =	strace $0x8000004E  }
0xb3: {  	_ =	swait.ge [sflag:s29], $0x1  }
0xb4: {  	[sflag:s29] =	ssyncadd.s32 $0xFFFFFFFF  }
0xb5: {  	_ =	strace $0x9000004E  }
0xb6: {  	_ =	sfence  }
0xb7: {  	s30 =	sld [smem:$0x0];
	_ =	sdelay $0x2  }
0xb8: {  	s31 =	sshll.u32 s1, $0xD;
	s1 =	sshrl.u32 s1, $0x2  }
0xb9: {  	s3 =	sand.u32 $0x4000, s31;
	s1 =	sadd.s32 s1, s30  }
0xba: {  	s0 =	sor.u32 s3, s0;
	s1 =	sshll.u32 s1, $0x11  }
0xbb: {  	s0 =	sor.u32 s1, s0  }
0xbc: {  	s0 =	sadd.s32 $0x8F2B, s0  }
0xbd: {  	[sflag:s0] =	ssyncadd.remote.s32 $0x1  }
0xbe: {  	_ =	sfence.sel $0xFFFF  }
0xbf: {  	[dreg:$0x0] =	wrdreg $0xFFFFFFFF;
	(pc) =	sbr.abs _section_cstart, $3  }
0xc0: {  	[dreg:$0x1] =	wrdreg $0xFFFFFFFF  }
0xc1: {  	_ =	task.clear_ibuf [dreg:s6], $0x2FFFF;
	_ =	strace $0x9FFFFFFF  }
0xc2: {  	(tm) =	ssettm $0x7FFFFFFF  }
0xc3: {  	_ =	shalt  }
tec
execute0_lowered:
.L_overlay_start_1:
0x0: {  	(tag) =	ssettag $0x1  }
0x1: {  	s0 =	rddreg [dreg:$0x0]  }
0x2: {  	s2 =	rddreg [dreg:$0x1]  }
0x3: {  	s1 =	srdreg.scid;
	s11 =	stileid.u32  }
0x4: {  	s4 =	simm.s32 $0x0;
	s18 =	simm.s32 $0x11;
	s19 =	simm.s32 $0x28  }
0x5: {  	s29 =	simm.s32 $0x1B1C0;
	s31 =	simm.s32 $0x1D9C0;
	s28 =	simm.s32 $0x5  }
0x6: {  	s30 =	simm.s32 $0x6;
	s16 =	simm.s32 $0xE;
	s13 =	simm.s32 $0xF  }
0x7: {  	s15 =	simm.s32 $0x0;
	s1 =	sand.u32 $0x1, s1;
	s6 =	smul.u32 $0x13880, s11  }
0x8: {  	[smem:$0x7FF] =	sst s4;
	s4 =	sadd.s32 $0x18200, s0;
	s22 =	sshll.u32 s11, $0x6  }
0x9: {  	s3 =	sshll.u32 s1, $0x4;
	s5 =	smul.u32 $0x138800, s1;
	_ =	strace $0x8000004D  }
0xa: {  	s1 =	ssub.s32 $0x2, s1;
	[dreg:$0x4] =	wrdreg s22;
	s3 =	sor.u32 s11, s3  }
0xb: {  	s10 =	sshrl.u32 s1, $0x1;
	s20 =	sadd.s32 s6, s2;
	s7 =	smul.u32 $0x4E2, s3  }
0xc: {  	s5 =	sadd.s32 s6, s5;
	s1 =	ssub.s32 s1, s10;
	s21 =	smul.u32 $0x2710, s3  }
0xd: {  	s6 =	sshrl.u32 s6, $0x3;
	s3 =	smul.u32 $0xFA, s3;
	s17 =	sshrl.u32 s20, $0x3  }
0xe: {  	s20 =	simm.s32 $0x161C0;
	s10 =	simm.s32 $0xC;
	s9 =	sshrl.u32 s5, $0x3  }
0xf: {  	s5 =	sadd.s32 $0xE400, s0;
	s6 =	sadd.s32 s4, s6;
	s26 =	smax.u32 s1, $0x1  }
0x10: {  	s1 =	simm.s32 $0x1C5C0;
	[dreg:$0xa] =	wrdreg s17;
	s8 =	sadd.s32 s7, s0  }
0x11: {  	s0 =	sadd.s32 s9, s0;
	[dreg:$0x3] =	wrdreg s6;
	s6 =	sor.u32 $0x1C01, s22  }
0x12: {  	s24 =	sadd.s32 $0x2648, s21;
	s7 =	sadd.s32 s5, s7;
	s11 =	sadd.s32 $0x7, s3  }
0x13: {  	[dreg:$0x9] =	wrdreg s26;
	s22 =	simm.s32 $0x175C0;
	s26 =	simm.s32 $0x19DC0  }
0x14: {  	s21 =	simm.s32 $0x2;
	s3 =	simm.s32 $0x8;
	[dreg:$0x5] =	wrdreg s6  }
0x15: {  	s9 =	simm.s32 $0xB;
	s23 =	sadd.s32 $0x4600, s8;
	[dreg:$0x7] =	wrdreg s7  }
0x16: {  	s25 =	sshrl.u32 s24, $0x3;
	s0 =	sadd.s32 $0x66600, s0;
	s24 =	simm.s32 $0x189C0  }
0x17: {  	s6 =	simm.s32 $0x9;
	s8 =	simm.s32 $0xA;
	[dreg:$0x6] =	wrdreg s23  }
0x18: {  	s7 =	simm.s32 $0xD;
	s12 =	sadd.s32 s5, s25;
	[dreg:$0x8] =	wrdreg s0  }
0x19: {  	s23 =	simm.s32 $0x3;
	s25 =	simm.s32 $0x4;
	s0 =	simm.s32 $0x7  }
.LBB2_1:
0x1a: {  	[dreg:$0xb] =	wrdreg s15  }
0x1b: {  	s14 =	rddreg [dreg:$0x3]  }
0x1c: {  	s15 =	rddreg [dreg:$0x5]  }
0x1d: {  	[spmem:s17], [sflag:s15] =	dma.local [hbm:s14], $0x2710  }
0x1e: {  	s14 =	simm.s32 $0x0;
	s17 =	simm.s32 $0x13880;
	s15 =	rddreg [dreg:$0x6]  }
0x1f: {  	[tilespmem:s17], [sflag:$0x11] =	stream.linear.gather [hbm4b:s15+s14], $0x2710, $0x38;
	[tilespmem:$0x1EDC0] =	vst v63  }
0x20: {  	_ =	swait.ge [sflag:s18], $0x2710  }
0x21: {  	[sflag:s18] =	ssyncset.done $0x0  }
0x22: {  	s15 =	rddreg [dreg:$0x7];
	[sflag:s18] =	ssyncadd.s32 $0xFFFFD8F0;
	s18 =	simm.s32 $0x15F90  }
0x23: {  	[tilespmem:s18], [sflag:$0x2] =	stream.linear.gather [hbm4b:s15+s14], $0x118, $0x38;
	[tilespmem:$0x1EDC0] =	vst v63  }
0x24: {  	_ = 	snop  }
0x25: {  	[tilespmem:s20], [sflag:$0x3] =	stream.indirect.gather [hbm4b:s4+s19], $0x80, s17, s19, $0xb8;
	[tilespmem:$0x1EDC0] =	vst v63  }
0x26: {  	s15 =	simm.s32 $0x138A8  }
0x27: {  	[tilespmem:s22], [sflag:$0x4] =	stream.indirect.gather [hbm4b:s4+s19], $0x80, s15, s19, $0xb8;
	[tilespmem:$0x1EDC0] =	vst v63  }
0x28: {  	s17 =	simm.s32 $0x138D0  }
0x29: {  	[tilespmem:s24], [sflag:$0x5] =	stream.indirect.gather [hbm4b:s4+s19], $0x80, s17, s19, $0xb8;
	[tilespmem:$0x1EDC0] =	vst v63  }
0x2a: {  	s18 =	simm.s32 $0x138F8  }
0x2b: {  	[tilespmem:s26], [sflag:$0x6] =	stream.indirect.gather [hbm4b:s4+s19], $0x80, s18, s19, $0xb8;
	[tilespmem:$0x1EDC0] =	vst v63  }
0x2c: {  	s15 =	simm.s32 $0x13920  }
0x2d: {  	[tilespmem:s29], [sflag:$0x7] =	stream.indirect.gather [hbm4b:s4+s19], $0x80, s15, s19, $0xb8;
	[tilespmem:$0x1EDC0] =	vst v63  }
0x2e: {  	s17 =	simm.s32 $0x13948  }
0x2f: {  	[tilespmem:s1], [sflag:$0x8] =	stream.indirect.gather [hbm4b:s4+s19], $0x80, s17, s19, $0xb8;
	[tilespmem:$0x1EDC0] =	vst v63  }
0x30: {  	s18 =	simm.s32 $0x13970  }
0x31: {  	[tilespmem:s31], [sflag:$0x9] =	stream.indirect.gather [hbm4b:s4+s19], $0x80, s18, s19, $0xb8;
	[tilespmem:$0x1EDC0] =	vst v63  }
0x32: {  	s31 =	simm.s32 $0x1  }
0x33: {  	_ =	swait.ge [sflag:s31], $0x2710  }
0x34: {  	[sflag:s31] =	ssyncset.done $0x0  }
0x35: {  	[sflag:s31] =	ssyncadd.s32 $0xFFFFD8F0  }
0x36: {  	s1 =	simm.s32 $0x1D9C0;
	s18 =	simm.s32 $0x0;
	[bflag:$0x0] =	sbarrier.arrive $0xFFFF  }
.LBB2_2:
0x37: {  	_ =	swait.ge [sflag:s21], $0x118  }
0x38: {  	p0 =	seq.s32 s18, $0x22;
	[sflag:s21] =	ssyncset.done $0x0  }
0x39: {  	s15 =	simm.s32 @p0 $0x0;
	s17 =	simm.s32 @p0 $0x160A8;
	[sflag:s21] =	ssyncadd.s32 $0xFFFFFEE8  }
0x3a: {  	[tilespmem:s17], [sflag:$0x2] =	stream.linear.gather @p0 [hbm4b:s12+s15], $0xC8, $0x38;
	[tilespmem:$0x1EDC0] =	vst v63  }
0x3b: {  	s15 =	sand.u32 $0x1, s18;
	s17 =	smul.u32 @!p0 $0x7, s18  }
0x3c: {  	s14 =	sxor.u32 @!p0 $0x1, s15  }
0x3d: {  	s17 =	sadd.s32 @!p0 s17, s11;
	s14 =	smul.u32 @!p0 $0x460, s14  }
0x3e: {  	s17 =	smul.u32 @!p0 $0x5, s17  }
0x3f: {  	s14 =	sshrl.u32 @!p0 s14, $0x2  }
0x40: {  	s31 =	simm.s32 @!p0 $0x0;
	s14 =	sadd.s32 @!p0 $0x15F90, s14;
	s17 =	sadd.s32 @!p0 s5, s17  }
0x41: {  	[tilespmem:s14], [sflag:$0x2] =	stream.linear.gather @!p0 [hbm4b:s17+s31], $0x118, $0x38;
	[tilespmem:$0x1EDC0] =	vst v63  }
0x42: {  	s17 =	smul.u32 $0x460, s15  }
0x43: {  	_ =	swait.ge [sflag:s23], $0x1400  }
0x44: {  	[sflag:s23] =	ssyncset.done $0x0;
	s14 =	sshrl.u32 s17, $0x2  }
0x45: {  	[sflag:s23] =	ssyncadd.s32 $0xFFFFEC00;
	s31 =	sadd.s32 $0x15F90, s14  }
0x46: {  	[spmem:s2] =	stream.indirect.scatter.add.f32 [tilespmem:s20], [sflag:$0xA], $0x80, s31, s19, $0xb8;
	[tilespmem:$0x1EDC0] =	vst v63  }
0x47: {  	_ =	swait.ge [sflag:s25], $0x1400  }
0x48: {  	[sflag:s25] =	ssyncset.done $0x0  }
0x49: {  	s17 =	sadd.s32 $0x15FB8, s14;
	[sflag:s25] =	ssyncadd.s32 $0xFFFFEC00  }
0x4a: {  	[spmem:s2] =	stream.indirect.scatter.add.f32 [tilespmem:s22], [sflag:$0xB], $0x80, s17, s19, $0xb8;
	[tilespmem:$0x1EDC0] =	vst v63  }
0x4b: {  	_ =	swait.ge [sflag:s28], $0x1400  }
0x4c: {  	[sflag:s28] =	ssyncset.done $0x0  }
0x4d: {  	s31 =	sadd.s32 $0x15FE0, s14;
	[sflag:s28] =	ssyncadd.s32 $0xFFFFEC00  }
0x4e: {  	[spmem:s2] =	stream.indirect.scatter.add.f32 [tilespmem:s24], [sflag:$0xC], $0x80, s31, s19, $0xb8;
	[tilespmem:$0x1EDC0] =	vst v63  }
0x4f: {  	_ =	swait.ge [sflag:s30], $0x1400  }
0x50: {  	[sflag:s30] =	ssyncset.done $0x0  }
0x51: {  	s17 =	sadd.s32 $0x16008, s14;
	[sflag:s30] =	ssyncadd.s32 $0xFFFFEC00  }
0x52: {  	[spmem:s2] =	stream.indirect.scatter.add.f32 [tilespmem:s26], [sflag:$0xD], $0x80, s17, s19, $0xb8;
	[tilespmem:$0x1EDC0] =	vst v63  }
0x53: {  	_ =	swait.ge [sflag:s0], $0x1400  }
0x54: {  	[sflag:s0] =	ssyncset.done $0x0  }
0x55: {  	s31 =	sadd.s32 $0x16030, s14;
	[sflag:s0] =	ssyncadd.s32 $0xFFFFEC00  }
0x56: {  	[spmem:s2] =	stream.indirect.scatter.add.f32 [tilespmem:s29], [sflag:$0xE], $0x80, s31, s19, $0xb8;
	[tilespmem:$0x1EDC0] =	vst v63  }
0x57: {  	_ =	swait.ge [sflag:s3], $0x1400  }
0x58: {  	[sflag:s3] =	ssyncset.done $0x0  }
0x59: {  	s17 =	sadd.s32 $0x16058, s14;
	s31 =	simm.s32 $0x1C5C0;
	[sflag:s3] =	ssyncadd.s32 $0xFFFFEC00  }
0x5a: {  	[spmem:s2] =	stream.indirect.scatter.add.f32 [tilespmem:s31], [sflag:$0xF], $0x80, s17, s19, $0xb8;
	[tilespmem:$0x1EDC0] =	vst v63  }
0x5b: {  	_ =	swait.ge [sflag:s6], $0x1400  }
0x5c: {  	[sflag:s6] =	ssyncset.done $0x0  }
0x5d: {  	s14 =	sadd.s32 $0x16080, s14;
	s17 =	smul.u32 $0x460, s18;
	[sflag:s6] =	ssyncadd.s32 $0xFFFFEC00  }
0x5e: {  	[spmem:s2] =	stream.indirect.scatter.add.f32 [tilespmem:s1], [sflag:$0x10], $0x80, s14, s19, $0xb8;
	[tilespmem:$0x1EDC0] =	vst v63  }
0x5f: {  	_ =	swait.ge [sflag:s8], $0x1400  }
0x60: {  	s14 =	sshra.s32 s17, $0x2;
	[sflag:s8] =	ssyncset.done $0x0  }
0x61: {  	s31 =	sadd.s32 $0x13998, s14;
	[sflag:s8] =	ssyncadd.s32 $0xFFFFEC00  }
0x62: {  	[tilespmem:s20], [sflag:$0x3] =	stream.indirect.gather [hbm4b:s4+s19], $0x80, s31, s19, $0xb8;
	[tilespmem:$0x1EDC0] =	vst v63  }
0x63: {  	_ =	swait.ge [sflag:s9], $0x1400  }
0x64: {  	[sflag:s9] =	ssyncset.done $0x0  }
0x65: {  	s17 =	sadd.s32 $0x139C0, s14;
	[sflag:s9] =	ssyncadd.s32 $0xFFFFEC00  }
0x66: {  	[tilespmem:s22], [sflag:$0x4] =	stream.indirect.gather [hbm4b:s4+s19], $0x80, s17, s19, $0xb8;
	[tilespmem:$0x1EDC0] =	vst v63  }
0x67: {  	_ =	swait.ge [sflag:s10], $0x1400  }
0x68: {  	[sflag:s10] =	ssyncset.done $0x0  }
0x69: {  	s31 =	sadd.s32 $0x139E8, s14;
	[sflag:s10] =	ssyncadd.s32 $0xFFFFEC00  }
0x6a: {  	[tilespmem:s24], [sflag:$0x5] =	stream.indirect.gather [hbm4b:s4+s19], $0x80, s31, s19, $0xb8;
	[tilespmem:$0x1EDC0] =	vst v63  }
0x6b: {  	_ =	swait.ge [sflag:s7], $0x1400  }
0x6c: {  	[sflag:s7] =	ssyncset.done $0x0  }
0x6d: {  	s17 =	sadd.s32 $0x13A10, s14;
	[sflag:s7] =	ssyncadd.s32 $0xFFFFEC00  }
0x6e: {  	[tilespmem:s26], [sflag:$0x6] =	stream.indirect.gather [hbm4b:s4+s19], $0x80, s17, s19, $0xb8;
	[tilespmem:$0x1EDC0] =	vst v63  }
0x6f: {  	_ =	swait.ge [sflag:s16], $0x1400  }
0x70: {  	[sflag:s16] =	ssyncset.done $0x0  }
0x71: {  	s31 =	sadd.s32 $0x13A38, s14;
	[sflag:s16] =	ssyncadd.s32 $0xFFFFEC00  }
0x72: {  	[tilespmem:s29], [sflag:$0x7] =	stream.indirect.gather [hbm4b:s4+s19], $0x80, s31, s19, $0xb8;
	[tilespmem:$0x1EDC0] =	vst v63  }
0x73: {  	p1 =	sne.s32 s18, $0x22;
	_ =	swait.ge [sflag:s13], $0x1400  }
0x74: {  	s15 =	sadd.s32 @p1 $0x13A60, s14;
	[sflag:s13] =	ssyncset.done $0x0  }
0x75: {  	s17 =	simm.s32 @p1 $0x28;
	s31 =	simm.s32 @p1 $0x1C5C0;
	[sflag:s13] =	ssyncadd.s32 $0xFFFFEC00  }
0x76: {  	[tilespmem:s31], [sflag:$0x8] =	stream.indirect.gather @p1 [hbm4b:s4+s17], $0x80, s15, s17, $0xb8;
	[tilespmem:$0x1EDC0] =	vst v63  }
0x77: {  	s18 =	sadd.s32 @!p0 $0x1, s18;
	s15 =	simm.s32 @p1 $0x10  }
0x78: {  	s18 =	simm.s32 @p0 $0x23;
	_ =	swait.ge @p1 [sflag:s15], $0x1400  }
0x79: {  	p0 =	slt.u32 s18, $0x23;
	[sflag:s15] =	ssyncset.done @p1 $0x0  }
0x7a: {  	s14 =	sadd.s32 @p1 $0x13A88, s14;
	[sflag:s15] =	ssyncadd.s32 @p1 $0xFFFFEC00;
	s15 =	simm.s32 @p1 $0x1D9C0  }
0x7b: {  	[tilespmem:s15], [sflag:$0x9] =	stream.indirect.gather @p1 [hbm4b:s4+s17], $0x80, s14, s17, $0xb8;
	[tilespmem:$0x1EDC0] =	vst v63  }
.Ltmp0:
0x7c: {  	_ = 	snop;
	(pc) =	sbr.rel @p0 .LBB2_2-.Ltmp0, $4  }
0x7d: {  	s14 =	simm.s32 @!p1 $0x10  }
0x7e: {  	_ =	swait.ge @!p1 [sflag:s14], $0x1400  }
0x7f: {  	[sflag:s14] =	ssyncset.done @!p1 $0x0  }
0x80: {  	[sflag:s14] =	ssyncadd.s32 @!p1 $0xFFFFEC00  }
0x81: {  	_ =	swait.ge [sflag:s21], $0xC8  }
0x82: {  	[sflag:s21] =	ssyncset.done $0x0  }
0x83: {  	[sflag:s21] =	ssyncadd.s32 $0xFFFFFF38  }
0x84: {  	_ =	swait.ge [sflag:s23], $0x1400  }
0x85: {  	[sflag:s23] =	ssyncset.done $0x0  }
0x86: {  	s1 =	simm.s32 $0x160A8;
	[sflag:s23] =	ssyncadd.s32 $0xFFFFEC00  }
0x87: {  	[spmem:s2] =	stream.indirect.scatter.add.f32 [tilespmem:s20], [sflag:$0xA], $0x80, s1, s19, $0xb8;
	[tilespmem:$0x1EDC0] =	vst v63  }
0x88: {  	_ =	swait.ge [sflag:s25], $0x1400  }
0x89: {  	[sflag:s25] =	ssyncset.done $0x0  }
0x8a: {  	s14 =	simm.s32 $0x160D0;
	[sflag:s25] =	ssyncadd.s32 $0xFFFFEC00  }
0x8b: {  	[spmem:s2] =	stream.indirect.scatter.add.f32 [tilespmem:s22], [sflag:$0xB], $0x80, s14, s19, $0xb8;
	[tilespmem:$0x1EDC0] =	vst v63  }
0x8c: {  	_ =	swait.ge [sflag:s28], $0x1400  }
0x8d: {  	[sflag:s28] =	ssyncset.done $0x0  }
0x8e: {  	s15 =	simm.s32 $0x160F8;
	[sflag:s28] =	ssyncadd.s32 $0xFFFFEC00  }
0x8f: {  	[spmem:s2] =	stream.indirect.scatter.add.f32 [tilespmem:s24], [sflag:$0xC], $0x80, s15, s19, $0xb8;
	[tilespmem:$0x1EDC0] =	vst v63  }
0x90: {  	_ =	swait.ge [sflag:s30], $0x1400  }
0x91: {  	[sflag:s30] =	ssyncset.done $0x0  }
0x92: {  	s17 =	simm.s32 $0x16120;
	[sflag:s30] =	ssyncadd.s32 $0xFFFFEC00  }
0x93: {  	[spmem:s2] =	stream.indirect.scatter.add.f32 [tilespmem:s26], [sflag:$0xD], $0x80, s17, s19, $0xb8;
	[tilespmem:$0x1EDC0] =	vst v63  }
0x94: {  	_ =	swait.ge [sflag:s0], $0x1400  }
0x95: {  	[sflag:s0] =	ssyncset.done $0x0  }
0x96: {  	s18 =	simm.s32 $0x16148;
	[sflag:s0] =	ssyncadd.s32 $0xFFFFEC00  }
0x97: {  	[spmem:s2] =	stream.indirect.scatter.add.f32 [tilespmem:s29], [sflag:$0xE], $0x80, s18, s19, $0xb8;
	[tilespmem:$0x1EDC0] =	vst v63  }
0x98: {  	_ =	swait.ge [sflag:s8], $0x1400  }
0x99: {  	[sflag:s8] =	ssyncset.done $0x0  }
0x9a: {  	[sflag:s8] =	ssyncadd.s32 $0xFFFFEC00  }
0x9b: {  	_ =	swait.ge [sflag:s9], $0x1400  }
0x9c: {  	[sflag:s9] =	ssyncset.done $0x0  }
0x9d: {  	[sflag:s9] =	ssyncadd.s32 $0xFFFFEC00  }
0x9e: {  	_ =	swait.ge [sflag:s10], $0x1400  }
0x9f: {  	[sflag:s10] =	ssyncset.done $0x0  }
0xa0: {  	[sflag:s10] =	ssyncadd.s32 $0xFFFFEC00  }
0xa1: {  	_ =	swait.ge [sflag:s7], $0x1400  }
0xa2: {  	[sflag:s7] =	ssyncset.done $0x0  }
0xa3: {  	[sflag:s7] =	ssyncadd.s32 $0xFFFFEC00  }
0xa4: {  	_ =	swait.ge [sflag:s16], $0x1400  }
0xa5: {  	[sflag:s16] =	ssyncset.done $0x0  }
0xa6: {  	[sflag:s16] =	ssyncadd.s32 $0xFFFFEC00  }
0xa7: {  	[bflag:$0x0] =	sbarrier.arrive $0xFFFF  }
0xa8: {  	s14 =	rddreg [dreg:$0x4]  }
0xa9: {  	s15 =	rddreg [dreg:$0x8]  }
0xaa: {  	s18 =	simm.s32 $0x11;
	s17 =	rddreg [dreg:$0xa];
	s14 =	sor.u32 $0x1C11, s14  }
0xab: {  	[hbm:s15], [sflag:s14] =	dma.local [spmem:s17], $0x2710  }
0xac: {  	_ =	swait.ge [sflag:s18], $0x2710  }
0xad: {  	s14 =	rddreg [dreg:$0xb]  }
0xae: {  	s1 =	rddreg [dreg:$0x9];
	s15 =	sadd.s32 $0x1, s14  }
0xaf: {  	p0 =	sne.s32 s15, s1  }
.Ltmp1:
0xb0: {  	_ = 	snop;
	(pc) =	sbr.rel @p0 .LBB2_1-.Ltmp1, $3  }
0xb1: {  	_ =	sdelay $0x1  }
0xb2: {  	[sflag:s18] =	ssyncset.done $0x0  }
0xb3: {  	s31 =	simm.s32 $0x1D9C0;
	[sflag:s18] =	ssyncadd.s32 $0xFFFFD8F0;
	s1 =	simm.s32 $0x1C5C0  }
0xb4: {  	_ =	sfence.sel $0x180000  }
0xb5: {  	[bflag:$0x0] =	sbarrier.arrive $0xFFFF  }
0xb6: {  	_ =	strace $0x9000004D  }
0xb7: {  	s0 =	stileid.u32;
	[bflag:$0x2] =	sbarrier.arrive $0xFFFF  }
0xb8: {  	p0 =	sne.s32 s0, $0x0;
	s0 =	rddreg [dreg:$0x2]  }
0xb9: {  	s0 =	sadd.s32 @!p0 $0x100000, s0  }
0xba: {  	[sflag:s0] =	ssyncadd.tile.s32 @!p0 $0x1;
	_ =	shalt  }
.Lfunc_end2:
_tile_overlayer_lowered:
.L_overlay_start_2:
0xbb: {  	(tag) =	ssettag $0x2  }
0xbc: {  	s0 =	rddreg [dreg:$0x0];
	s2 =	stileid.u32  }
0xbd: {  	s1 =	rddreg [dreg:$0x1];
	p0 =	sne.s32 s2, $0x0  }
0xbe: {  	s3 =	rddreg [dreg:$0x2];
	[bflag:$0x3] =	sbarrier.arrive $0xFFFF;
	s2 =	simm.s32 @!p0 $0x1C11  }
0xbf: {  	[timem:s3], [sflag:s2] =	dma.local @!p0 [hbm:s0], s1  }
0xc0: {  	s0 =	simm.s32 @!p0 $0x11  }
0xc1: {  	_ =	swait.ge @!p0 [sflag:s0], s1  }
0xc2: {  	s1 =	ssub.s32 @!p0 $0x0, s1;
	[sflag:s0] =	ssyncset.done @!p0 $0x0  }
0xc3: {  	[sflag:s0] =	ssyncadd.s32 @!p0 s1  }
0xc4: {  	[bflag:$0x3] =	sbarrier.arrive $0xFFFF  }
0xc5: {  	_ =	shalt  }

// kernel: kernel.9.cloned.1.call-start
scs
__scs_entry_jumppad:
0x0: {  	(pc) =	sbr.rel $0x88, $3  }
0x1: {  	(tag) =	ssettag $0x0;
	lr =	simm.s32 $0x1  }
0x2: {  	[smem:$0x3F92] =	sst lr;
	_ =	strace $0xD0000000  }
0x3: {  	_ = 	snop  }
0x4: {  	_ = 	snop  }
0x5: {  	_ = 	snop  }
0x6: {  	_ = 	snop  }
0x7: {  	_ = 	snop  }
__scs_overlays_trampoline_lowered:
0x8: {  	[smem:$0x3FA1] =	sst s0  }
0x9: {  	[smem:$0x3FA2] =	sst s1  }
0xa: {  	[smem:$0x3FA3] =	sst s2  }
0xb: {  	[smem:$0x3FA4] =	sst s3  }
0xc: {  	[smem:$0x3FA5] =	sst s4  }
0xd: {  	[smem:$0x3FA6] =	sst s5  }
0xe: {  	[smem:$0x3FA7] =	sst s6  }
0xf: {  	[smem:$0x3FA8] =	sst s7  }
0x10: {  	[smem:$0x3FA9] =	sst s8  }
0x11: {  	[smem:$0x3FAA] =	sst s9;
	s0 =	simm.s32 @!p0 $0x0  }
0x12: {  	s1 =	sld [smem:$0x3F90];
	s0 =	simm.s32 @p0 $0x1  }
0x13: {  	[smem:$0x3FAB] =	sst s0;
	s0 =	simm.s32 @!p1 $0x0  }
0x14: {  	s2 =	sld [smem:$0x3F8F];
	s0 =	simm.s32 @p1 $0x1  }
0x15: {  	[smem:$0x3FAC] =	sst s0;
	s0 =	simm.s32 @!p2 $0x0  }
0x16: {  	s3 =	sld [smem:$0x3FDB];
	s0 =	simm.s32 @p2 $0x1  }
0x17: {  	s4 =	simm.s32 $0x1BF5;
	[smem:$0x3FAE] =	sst s0  }
0x18: {  	s0 =	sld [smem:$0x3F91];
	_ =	swait.ge [sflag:s4], $0x0  }
0x19: {  	s7 =	sld [smem:$0x3F92]  }
0x1a: {  	s8 =	sadd.s32 $0xFFFFE003, lr  }
0x1b: {  	s9 =	sadd.s32 $0xFFFFFEF7, lr;
	s5 =	simm.s32 $0xFFFFFFFF;
	p2 =	slt.u32 s8, $0xFFFFF086  }
0x1c: {  	p1 =	slt.u32 s9, $0xF7A;
	s5 =	simm.s32 @!p2 $0x0  }
0x1d: {  	s5 =	simm.s32 @p1 $0x1;
	p0 =	seq.s32 s7, s2  }
0x1e: {  	s7 =	smul.u32 @!p0 $0xF7A, s2;
	p2 =	seq.s32 @!p0 s5, $0x0  }
0x1f: {  	s9 =	smul.u32 $0xF7A, s1;
	s8 =	simm.s32 @!p0 $0x1BF5;
	p2 =	por !p2, p0  }
0x20: {  	[sflag:s8] =	ssyncset.s32 @!p0 $0xFFFFF086;
	s6 =	sadd.s32 @!p0 s3, s7;
	s7 =	simm.s32 @!p0 $0x108  }
0x21: {  	s3 =	sadd.s32 s3, s9;
	s6 =	sadd.s32 @!p0 $0x88, s6;
	s7 =	simm.s32 @p2 $0x1082  }
0x22: {  	[simem:s7], [sflag:s8] =	dma.local @!p0 [hbm:s6], $0xF7A  }
0x23: {  	s9 =	sor.u32 $0xD0000000, s2;
	s6 =	simm.s32 $0x108;
	_ =	swait.ge @!p0 [sflag:s8], $0x0  }
0x24: {  	s3 =	sadd.s32 $0x88, s3;
	s6 =	simm.s32 @!p1 $0x1082;
	[sflag:s4] =	ssyncset.s32 $0xFFFFF086  }
0x25: {  	[simem:s6], [sflag:s4] =	dma.local [hbm:s3], $0xF7A  }
0x26: {  	[smem:$0x3F92] =	sst s1;
	(tag) =	ssettag s2;
	_ =	strace s9  }
0x27: {  	s1 =	sld [smem:$0x3FA2]  }
0x28: {  	s2 =	sld [smem:$0x3FA3]  }
0x29: {  	s4 =	sld [smem:$0x3FA5]  }
0x2a: {  	p0 =	seq.s32 s5, $0x0;
	s5 =	sld [smem:$0x3FA6]  }
0x2b: {  	s6 =	sld [smem:$0x3FA7]  }
0x2c: {  	s7 =	sld [smem:$0x3FA8]  }
0x2d: {  	s3 =	simm.s32 $0x108;
	s8 =	sld [smem:$0x3FA9]  }
0x2e: {  	s3 =	simm.s32 @!p0 $0x1082;
	s9 =	sld [smem:$0x3FAA]  }
0x2f: {  	lr =	sadd.s32 s0, s3;
	s0 =	sld [smem:$0x3FA1]  }
0x30: {  	s3 =	sld [smem:$0x3FA4]  }
0x31: {  	[smem:$0x3FAD] =	sst s10  }
0x32: {  	s10 =	sld [smem:$0x3FAB];
	_ =	sdelay $0x3  }
0x33: {  	p0 =	seq.s32 s10, $0x1;
	s10 =	sld [smem:$0x3FAD];
	_ =	sdelay $0x3  }
0x34: {  	[smem:$0x3FAD] =	sst s10  }
0x35: {  	s10 =	sld [smem:$0x3FAC];
	_ =	sdelay $0x3  }
0x36: {  	p1 =	seq.s32 s10, $0x1;
	s10 =	sld [smem:$0x3FAD];
	_ =	sdelay $0x3  }
0x37: {  	[smem:$0x3FAD] =	sst s10  }
0x38: {  	s10 =	sld [smem:$0x3FAE]  }
0x39: {  	_ = 	snop;
	(pc) =	sbr.ind lr, $3  }
0x3a: {  	_ = 	snop  }
0x3b: {  	_ = 	snop  }
0x3c: {  	p2 =	seq.s32 s10, $0x1;
	s10 =	sld [smem:$0x3FAD]  }
0x3d: {  	_ =	shalt  }
0x3e: {  	_ =	shalt  }
0x3f: {  	_ =	shalt  }
0x40: {  	_ =	shalt  }
0x41: {  	_ =	shalt  }
0x42: {  	_ =	shalt  }
0x43: {  	_ =	shalt  }
0x44: {  	_ =	shalt  }
0x45: {  	_ =	shalt  }
0x46: {  	_ =	shalt  }
0x47: {  	_ =	shalt  }
0x48: {  	_ =	shalt  }
0x49: {  	_ =	shalt  }
0x4a: {  	_ =	shalt  }
0x4b: {  	_ =	shalt  }
0x4c: {  	_ =	shalt  }
0x4d: {  	_ =	shalt  }
0x4e: {  	_ =	shalt  }
0x4f: {  	_ =	shalt  }
0x50: {  	_ =	shalt  }
0x51: {  	_ =	shalt  }
0x52: {  	_ =	shalt  }
0x53: {  	_ =	shalt  }
0x54: {  	_ =	shalt  }
0x55: {  	_ =	shalt  }
0x56: {  	_ =	shalt  }
0x57: {  	_ =	shalt  }
0x58: {  	_ =	shalt  }
0x59: {  	_ =	shalt  }
0x5a: {  	_ =	shalt  }
0x5b: {  	_ =	shalt  }
0x5c: {  	_ =	shalt  }
0x5d: {  	_ =	shalt  }
0x5e: {  	_ =	shalt  }
0x5f: {  	_ =	shalt  }
0x60: {  	_ =	shalt  }
0x61: {  	_ =	shalt  }
0x62: {  	_ =	shalt  }
0x63: {  	_ =	shalt  }
0x64: {  	_ =	shalt  }
0x65: {  	_ =	shalt  }
0x66: {  	_ =	shalt  }
0x67: {  	_ =	shalt  }
0x68: {  	_ =	shalt  }
0x69: {  	_ =	shalt  }
0x6a: {  	_ =	shalt  }
0x6b: {  	_ =	shalt  }
0x6c: {  	_ =	shalt  }
0x6d: {  	_ =	shalt  }
0x6e: {  	_ =	shalt  }
0x6f: {  	_ =	shalt  }
0x70: {  	_ =	shalt  }
0x71: {  	_ =	shalt  }
0x72: {  	_ =	shalt  }
0x73: {  	_ =	shalt  }
0x74: {  	_ =	shalt  }
0x75: {  	_ =	shalt  }
0x76: {  	_ =	shalt  }
0x77: {  	_ =	shalt  }
0x78: {  	_ =	shalt  }
0x79: {  	_ =	shalt  }
0x7a: {  	_ =	shalt  }
0x7b: {  	_ =	shalt  }
0x7c: {  	_ =	shalt  }
0x7d: {  	_ =	shalt  }
0x7e: {  	_ =	shalt  }
0x7f: {  	_ =	shalt  }
0x80: {  	_ =	shalt  }
0x81: {  	_ =	shalt  }
0x82: {  	_ =	shalt  }
0x83: {  	_ =	shalt  }
0x84: {  	_ =	shalt  }
0x85: {  	_ =	shalt  }
0x86: {  	_ =	shalt  }
0x87: {  	_ =	shalt  }
.Lfunc_end0:
.L_simem_size_0:
called_computation_lowered:
.L_overlay_start_0:
0x88: {  	s2 =	sld [smem:$0x3FD9]  }
0x89: {  	s3 =	sld [smem:$0x3FFE];
	_ =	sdelay $0x1  }
0x8a: {  	s1 =	srdreg.scid  }
0x8b: {  	s0 =	sand.u32 $0x1, s1  }
0x8c: {  	s16 =	sshll.u32 s0, $0xA;
	s2 =	sadd.s32 s3, s2  }
0x8d: {  	s2 =	sadd.s32 s2, s16  }
0x8e: {  	[smem:$0x3FB9] =	sst s2  }
0x8f: {  	_ = 	snop  }
0x90: {  	(tm) =	ssettm $0x1  }
0x91: {  	s17 =	sld [smem:$0x3FFB];
	_ =	sdelay $0x3  }
0x92: {  	_ =	strace s17  }
0x93: {  	s2 =	sld [smem:$0x3FFC];
	_ =	sdelay $0x3  }
0x94: {  	_ =	strace s2  }
0x95: {  	s2 =	sld [smem:$0x3FFD];
	_ =	sdelay $0x3  }
0x96: {  	_ =	strace s2  }
0x97: {  	_ =	strace $0x8FFFFFFF  }
0x98: {  	s18 =	sld [smem:$0x3FDB];
	_ =	sdelay $0x1  }
0x99: {  	s19 =	simm.s32 $_scs_section_size  }
0x9a: {  	s4 =	simm.s32 $_size__tile_overlayer_lowered;
	s5 =	simm.s32 $_tile_overlayer_lowered  }
0x9b: {  	s22 =	simm.s32 $0x1BFF;
	s21 =	sshll.u32 s5, $0x1;
	s2 =	sadd.s32 s19, s18  }
0x9c: {  	s6 =	simm.s32 $0x0;
	s20 =	sshll.u32 s4, $0x1;
	s4 =	sadd.s32 s21, s2  }
0x9d: {  	[timem:s6], [sflag:s22] =	dma.local [hbm:s4], s20  }
0x9e: {  	_ =	swait.ge [sflag:s22], s20  }
0x9f: {  	s3 =	ssub.s32 $0x0, s20;
	[sflag:s22] =	ssyncset.done $0x0  }
0xa0: {  	[sflag:s22] =	ssyncadd.s32 s3;
	_ =	sdelay $0x1  }
0xa1: {  	s23 =	simm.s32 $0x1B8B  }
0xa2: {  	_ =	swait.ge [sflag:s23], $0x1  }
0xa3: {  	[sflag:s23] =	ssyncset.done $0x0  }
0xa4: {  	s25 =	simm.s32 $0x1B8E;
	s24 =	sld [smem:$0x3FFE];
	[sflag:s23] =	ssyncadd.s32 $0xFFFFFFFF  }
0xa5: {  	s26 =	simm.s32 $execute0_lowered;
	[smem:$0x3FD2] =	sst s25  }
0xa6: {  	s4 =	sshll.u32 s26, $0x1;
	_ =	strace $0x80000046;
	[dreg:$0x1] =	wrdreg $0xFFFFFFFF  }
0xa7: {  	s28 =	simm.s32 $_size_execute0_lowered;
	s2 =	sadd.s32 s2, s4;
	[dreg:$0x0] =	wrdreg $0x0  }
0xa8: {  	s4 =	sshll.u32 s28, $0x1;
	[dreg:$0x2] =	wrdreg s2  }
0xa9: {  	[dreg:$0x3] =	wrdreg s4  }
0xaa: {  	[dreg:$0x4] =	wrdreg $0xC0  }
0xab: {  	_ =	task [dreg:s6], $0x5FFFF  }
0xac: {  	[dreg:$0x1] =	wrdreg $0xFFFFFFFF  }
0xad: {  	[dreg:$0x0] =	wrdreg $0x60  }
0xae: {  	[dreg:$0x2] =	wrdreg s24  }
0xaf: {  	[dreg:$0x3] =	wrdreg $0x2EE00  }
0xb0: {  	[dreg:$0x4] =	wrdreg $0x9  }
0xb1: {  	_ =	task.clear_ibuf [dreg:s6], $0x5FFFF;
	_ =	strace $0x90000046  }
0xb2: {  	s29 =	simm.s32 $0x9;
	_ =	strace $0x80000048  }
0xb3: {  	_ =	swait.ge [sflag:s29], $0x1  }
0xb4: {  	[sflag:s29] =	ssyncadd.s32 $0xFFFFFFFF  }
0xb5: {  	_ =	strace $0x90000048  }
0xb6: {  	_ =	sfence  }
0xb7: {  	s30 =	sld [smem:$0x0];
	_ =	sdelay $0x2  }
0xb8: {  	s31 =	sshll.u32 s1, $0xD;
	s1 =	sshrl.u32 s1, $0x2  }
0xb9: {  	s3 =	sand.u32 $0x4000, s31;
	s1 =	sadd.s32 s1, s30  }
0xba: {  	s0 =	sor.u32 s3, s0;
	s1 =	sshll.u32 s1, $0x11  }
0xbb: {  	s0 =	sor.u32 s1, s0  }
0xbc: {  	s0 =	sadd.s32 $0x8F2B, s0  }
0xbd: {  	[sflag:s0] =	ssyncadd.remote.s32 $0x1  }
0xbe: {  	_ =	sfence.sel $0xFFFF  }
0xbf: {  	[dreg:$0x0] =	wrdreg $0xFFFFFFFF;
	(pc) =	sbr.abs _section_cstart, $3  }
0xc0: {  	[dreg:$0x1] =	wrdreg $0xFFFFFFFF  }
0xc1: {  	_ =	task.clear_ibuf [dreg:s6], $0x2FFFF;
	_ =	strace $0x9FFFFFFF  }
0xc2: {  	(tm) =	ssettm $0x7FFFFFFF  }
0xc3: {  	_ =	shalt  }
tec
execute0_lowered:
.L_overlay_start_1:
0x0: {  	(tag) =	ssettag $0x1  }
0x1: {  	s0 =	srdreg.scid  }
0x2: {  	s7 =	stileid.u32;
	s3 =	rddreg [dreg:$0x0]  }
0x3: {  	s4 =	rddreg [dreg:$0x1];
	s2 =	simm.s32 $0x0;
	s28 =	simm.s32 $0x2710  }
0x4: {  	s29 =	simm.s32 $0x1;
	s31 =	simm.s32 $0x0;
	s0 =	sand.u32 $0x1, s0  }
0x5: {  	s5 =	smul.u32 $0x270, s7;
	[smem:$0x7FF] =	sst s2;
	s1 =	sshll.u32 s0, $0x4  }
0x6: {  	s6 =	smul.u32 $0x2710, s0;
	_ =	strace $0x80000047;
	s0 =	ssub.s32 $0x2, s0  }
0x7: {  	s1 =	sor.u32 s7, s1;
	s7 =	smul.u32 $0x9C40, s7;
	s26 =	sshrl.u32 s0, $0x1  }
0x8: {  	s1 =	smul.u32 $0x2710, s1;
	s6 =	sadd.s32 s5, s6;
	s0 =	ssub.s32 s0, s26  }
0x9: {  	s6 =	sshrl.u32 s6, $0x3;
	s7 =	sshrl.u32 s7, $0x2;
	s20 =	smax.u32 s0, $0x1  }
0xa: {  	s1 =	sshrl.u32 s1, $0x3;
	s30 =	sadd.s32 s7, s4;
	s4 =	sadd.s32 s5, s4  }
0xb: {  	s1 =	sadd.s32 s1, s3;
	s3 =	sadd.s32 s6, s3;
	[dreg:$0x3] =	wrdreg s30  }
0xc: {  	s5 =	sadd.s32 $0x2710, s4;
	s6 =	sadd.s32 $0x4E20, s4;
	s7 =	sadd.s32 $0x7530, s4  }
0xd: {  	s8 =	sadd.s32 $0x9C40, s4;
	s9 =	sadd.s32 $0xC350, s4;
	s10 =	sadd.s32 $0xEA60, s4  }
0xe: {  	s11 =	sadd.s32 $0x11170, s4;
	s12 =	sadd.s32 $0x13880, s4;
	s13 =	sadd.s32 $0x15F90, s4  }
0xf: {  	s14 =	sadd.s32 $0x186A0, s4;
	s15 =	sadd.s32 $0x1ADB0, s4;
	s16 =	sadd.s32 $0x1D4C0, s4  }
0x10: {  	s17 =	sadd.s32 $0x1FBD0, s4;
	s18 =	sadd.s32 $0x222E0, s4;
	s26 =	sadd.s32 $0x249F0, s4  }
0x11: {  	s19 =	sadd.s32 $0x18200, s3;
	s21 =	sadd.s32 $0xE400, s1;
	s22 =	sadd.s32 $0xE4FA, s1  }
0x12: {  	v0 =	vimm.f32 $0.0e+00;
	v1 =	vimm.f32 $1.000000000e+00;
	s23 =	sadd.s32 $0xE5F4, s1;
	s24 =	sadd.s32 $0xE6EE, s1;
	s25 =	sadd.s32 $0xE7E8, s1  }
.LBB2_1:
0x13: {  	s0 =	simm.s32 $0x40;
	s1 =	simm.s32 $0x0  }
.LBB2_2:
0x14: {  	p0 =	sne.s32 s0, $0x9C00;
	[tilespmem:s1+$0x0] =	vst v0;
	s1 =	smov.u32 s0;
	s0 =	sadd.s32 $0x40, s0  }
.Ltmp0:
0x15: {  	(pc) =	sbr.rel @p0 .LBB2_2-.Ltmp0, $2  }
0x16: {  	_ =	sdelay $0x2  }
0x17: {  	s1 =	sshra.s32 s1, $0x2  }
0x18: {  	[tilespmem:s1+$0x0] =	vst v0;
	s0 =	simm.s32 $0x0  }
0x19: {  	[tilespmem:s28], [sflag:$0x1] =	stream.linear.gather [hbm4b:s21+s0], $0x7D0, $0x38;
	[tilespmem:$0x8070] =	vst v63  }
0x1a: {  	_ =	swait.ge [sflag:s29], $0x7D0  }
0x1b: {  	[sflag:s29] =	ssyncset.done $0x0  }
0x1c: {  	s1 =	simm.s32 $0x0;
	s0 =	simm.s32 $0x40;
	[sflag:s29] =	ssyncadd.s32 $0xFFFFF830  }
.LBB2_4:
0x1d: {  	p0 =	sne.s32 s0, $0x1F00;
	v2 =	vld [tilespmem:s1+$0x2710];
	_ =	sdelay $0x3  }
.Ltmp1:
0x1e: {  	(pc) =	sbr.rel @p0 .LBB2_4-.Ltmp1, $2  }
0x1f: {  	_ =	sdelay $0x2  }
0x20: {  	s1 =	sshra.s32 s0, $0x2;
	s0 =	sadd.s32 $0x40, s0;
	[tilespmem:v2+s2+$0x0] =	vst.idx.add.f32.msk $0xffff, v1  }
0x21: {  	v2 =	vld [tilespmem:s1+$0x2710];
	_ =	sdelay $0x7  }
0x22: {  	s0 =	simm.s32 $0x0;
	[tilespmem:v2+s2+$0x0] =	vst.idx.add.f32.msk $0xffff, v1  }
0x23: {  	[tilespmem:s28], [sflag:$0x1] =	stream.linear.gather [hbm4b:s22+s0], $0x7D0, $0x38;
	[tilespmem:$0x8070] =	vst v63  }
0x24: {  	_ =	swait.ge [sflag:s29], $0x7D0  }
0x25: {  	[sflag:s29] =	ssyncset.done $0x0  }
0x26: {  	s1 =	simm.s32 $0x0;
	s0 =	simm.s32 $0x40;
	[sflag:s29] =	ssyncadd.s32 $0xFFFFF830  }
.LBB2_6:
0x27: {  	p0 =	sne.s32 s0, $0x1F00;
	v2 =	vld [tilespmem:s1+$0x2710];
	_ =	sdelay $0x3  }
.Ltmp2:
0x28: {  	(pc) =	sbr.rel @p0 .LBB2_6-.Ltmp2, $2  }
0x29: {  	_ =	sdelay $0x2  }
0x2a: {  	s1 =	sshra.s32 s0, $0x2;
	s0 =	sadd.s32 $0x40, s0;
	[tilespmem:v2+s2+$0x0] =	vst.idx.add.f32.msk $0xffff, v1  }
0x2b: {  	v2 =	vld [tilespmem:s1+$0x2710];
	_ =	sdelay $0x7  }
0x2c: {  	s0 =	simm.s32 $0x0;
	[tilespmem:v2+s2+$0x0] =	vst.idx.add.f32.msk $0xffff, v1  }
0x2d: {  	[tilespmem:s28], [sflag:$0x1] =	stream.linear.gather [hbm4b:s23+s0], $0x7D0, $0x38;
	[tilespmem:$0x8070] =	vst v63  }
0x2e: {  	_ =	swait.ge [sflag:s29], $0x7D0  }
0x2f: {  	[sflag:s29] =	ssyncset.done $0x0  }
0x30: {  	s1 =	simm.s32 $0x0;
	s0 =	simm.s32 $0x40;
	[sflag:s29] =	ssyncadd.s32 $0xFFFFF830  }
.LBB2_8:
0x31: {  	p0 =	sne.s32 s0, $0x1F00;
	v2 =	vld [tilespmem:s1+$0x2710];
	_ =	sdelay $0x3  }
.Ltmp3:
0x32: {  	(pc) =	sbr.rel @p0 .LBB2_8-.Ltmp3, $2  }
0x33: {  	_ =	sdelay $0x2  }
0x34: {  	s1 =	sshra.s32 s0, $0x2;
	s0 =	sadd.s32 $0x40, s0;
	[tilespmem:v2+s2+$0x0] =	vst.idx.add.f32.msk $0xffff, v1  }
0x35: {  	v2 =	vld [tilespmem:s1+$0x2710];
	_ =	sdelay $0x7  }
0x36: {  	s0 =	simm.s32 $0x0;
	[tilespmem:v2+s2+$0x0] =	vst.idx.add.f32.msk $0xffff, v1  }
0x37: {  	[tilespmem:s28], [sflag:$0x1] =	stream.linear.gather [hbm4b:s24+s0], $0x7D0, $0x38;
	[tilespmem:$0x8070] =	vst v63  }
0x38: {  	_ =	swait.ge [sflag:s29], $0x7D0  }
0x39: {  	[sflag:s29] =	ssyncset.done $0x0  }
0x3a: {  	s1 =	simm.s32 $0x0;
	s0 =	simm.s32 $0x40;
	[sflag:s29] =	ssyncadd.s32 $0xFFFFF830  }
.LBB2_10:
0x3b: {  	p0 =	sne.s32 s0, $0x1F00;
	v2 =	vld [tilespmem:s1+$0x2710];
	_ =	sdelay $0x3  }
.Ltmp4:
0x3c: {  	(pc) =	sbr.rel @p0 .LBB2_10-.Ltmp4, $2  }
0x3d: {  	_ =	sdelay $0x2  }
0x3e: {  	s1 =	sshra.s32 s0, $0x2;
	s0 =	sadd.s32 $0x40, s0;
	[tilespmem:v2+s2+$0x0] =	vst.idx.add.f32.msk $0xffff, v1  }
0x3f: {  	v2 =	vld [tilespmem:s1+$0x2710];
	_ =	sdelay $0x7  }
0x40: {  	s0 =	simm.s32 $0x0;
	[tilespmem:v2+s2+$0x0] =	vst.idx.add.f32.msk $0xffff, v1  }
0x41: {  	[tilespmem:s28], [sflag:$0x1] =	stream.linear.gather [hbm4b:s25+s0], $0x7D0, $0x38;
	[tilespmem:$0x8070] =	vst v63  }
0x42: {  	_ =	swait.ge [sflag:s29], $0x7D0  }
0x43: {  	[sflag:s29] =	ssyncset.done $0x0  }
0x44: {  	s1 =	simm.s32 $0x0;
	s0 =	simm.s32 $0x40;
	[sflag:s29] =	ssyncadd.s32 $0xFFFFF830  }
.LBB2_12:
0x45: {  	p0 =	sne.s32 s0, $0x1F00;
	v2 =	vld [tilespmem:s1+$0x2710];
	_ =	sdelay $0x3  }
.Ltmp5:
0x46: {  	(pc) =	sbr.rel @p0 .LBB2_12-.Ltmp5, $2  }
0x47: {  	_ =	sdelay $0x2  }
0x48: {  	s1 =	sshra.s32 s0, $0x2;
	s0 =	sadd.s32 $0x40, s0;
	[tilespmem:v2+s2+$0x0] =	vst.idx.add.f32.msk $0xffff, v1  }
0x49: {  	v2 =	vld [tilespmem:s1+$0x2710];
	_ =	sdelay $0x7  }
0x4a: {  	s0 =	simm.s32 $0x0;
	s3 =	rddreg [dreg:$0x3];
	[tilespmem:v2+s2+$0x0] =	vst.idx.add.f32.msk $0xffff, v1  }
0x4b: {  	[spmem:s3] =	stream.linear.scatter [tilespmem:s0], [sflag:$0x1], $0x2710, $0x38;
	[tilespmem:$0x8070] =	vst v63  }
0x4c: {  	_ =	swait.ge [sflag:s29], $0x2710  }
0x4d: {  	[sflag:s29] =	ssyncset.done $0x0  }
0x4e: {  	[sflag:s29] =	ssyncadd.s32 $0xFFFFD8F0  }
0x4f: {  	s1 =	simm.s32 $0x55F0;
	[bflag:$0x0] =	sbarrier.arrive $0xFFFF  }
0x50: {  	[tilespmem:s1], [sflag:$0x1] =	stream.linear.gather [spmem:s4], $0x280, $0x38;
	[tilespmem:$0x8070] =	vst v63  }
0x51: {  	_ =	swait.ge [sflag:s29], $0x280  }
0x52: {  	[sflag:s29] =	ssyncset.done $0x0  }
0x53: {  	s3 =	simm.s32 $0x5870;
	[sflag:s29] =	ssyncadd.s32 $0xFFFFFD80  }
0x54: {  	[tilespmem:s3], [sflag:$0x1] =	stream.linear.gather [spmem:s5], $0x280, $0x38;
	[tilespmem:$0x8070] =	vst v63  }
0x55: {  	_ =	swait.ge [sflag:s29], $0x280  }
0x56: {  	[sflag:s29] =	ssyncset.done $0x0  }
0x57: {  	s1 =	simm.s32 $0x5AF0;
	[sflag:s29] =	ssyncadd.s32 $0xFFFFFD80  }
0x58: {  	[tilespmem:s1], [sflag:$0x1] =	stream.linear.gather [spmem:s6], $0x280, $0x38;
	[tilespmem:$0x8070] =	vst v63  }
0x59: {  	_ =	swait.ge [sflag:s29], $0x280  }
0x5a: {  	[sflag:s29] =	ssyncset.done $0x0  }
0x5b: {  	s3 =	simm.s32 $0x5D70;
	[sflag:s29] =	ssyncadd.s32 $0xFFFFFD80  }
0x5c: {  	[tilespmem:s3], [sflag:$0x1] =	stream.linear.gather [spmem:s7], $0x280, $0x38;
	[tilespmem:$0x8070] =	vst v63  }
0x5d: {  	_ =	swait.ge [sflag:s29], $0x280  }
0x5e: {  	[sflag:s29] =	ssyncset.done $0x0  }
0x5f: {  	s1 =	simm.s32 $0x5FF0;
	[sflag:s29] =	ssyncadd.s32 $0xFFFFFD80  }
0x60: {  	[tilespmem:s1], [sflag:$0x1] =	stream.linear.gather [spmem:s8], $0x280, $0x38;
	[tilespmem:$0x8070] =	vst v63  }
0x61: {  	_ =	swait.ge [sflag:s29], $0x280  }
0x62: {  	[sflag:s29] =	ssyncset.done $0x0  }
0x63: {  	s3 =	simm.s32 $0x6270;
	[sflag:s29] =	ssyncadd.s32 $0xFFFFFD80  }
0x64: {  	[tilespmem:s3], [sflag:$0x1] =	stream.linear.gather [spmem:s9], $0x280, $0x38;
	[tilespmem:$0x8070] =	vst v63  }
0x65: {  	_ =	swait.ge [sflag:s29], $0x280  }
0x66: {  	[sflag:s29] =	ssyncset.done $0x0  }
0x67: {  	s1 =	simm.s32 $0x64F0;
	[sflag:s29] =	ssyncadd.s32 $0xFFFFFD80  }
0x68: {  	[tilespmem:s1], [sflag:$0x1] =	stream.linear.gather [spmem:s10], $0x280, $0x38;
	[tilespmem:$0x8070] =	vst v63  }
0x69: {  	_ =	swait.ge [sflag:s29], $0x280  }
0x6a: {  	[sflag:s29] =	ssyncset.done $0x0  }
0x6b: {  	s3 =	simm.s32 $0x6770;
	[sflag:s29] =	ssyncadd.s32 $0xFFFFFD80  }
0x6c: {  	[tilespmem:s3], [sflag:$0x1] =	stream.linear.gather [spmem:s11], $0x280, $0x38;
	[tilespmem:$0x8070] =	vst v63  }
0x6d: {  	_ =	swait.ge [sflag:s29], $0x280  }
0x6e: {  	[sflag:s29] =	ssyncset.done $0x0  }
0x6f: {  	s1 =	simm.s32 $0x69F0;
	[sflag:s29] =	ssyncadd.s32 $0xFFFFFD80  }
0x70: {  	[tilespmem:s1], [sflag:$0x1] =	stream.linear.gather [spmem:s12], $0x280, $0x38;
	[tilespmem:$0x8070] =	vst v63  }
0x71: {  	_ =	swait.ge [sflag:s29], $0x280  }
0x72: {  	[sflag:s29] =	ssyncset.done $0x0  }
0x73: {  	s3 =	simm.s32 $0x6C70;
	[sflag:s29] =	ssyncadd.s32 $0xFFFFFD80  }
0x74: {  	[tilespmem:s3], [sflag:$0x1] =	stream.linear.gather [spmem:s13], $0x280, $0x38;
	[tilespmem:$0x8070] =	vst v63  }
0x75: {  	_ =	swait.ge [sflag:s29], $0x280  }
0x76: {  	[sflag:s29] =	ssyncset.done $0x0  }
0x77: {  	s1 =	simm.s32 $0x6EF0;
	[sflag:s29] =	ssyncadd.s32 $0xFFFFFD80  }
0x78: {  	[tilespmem:s1], [sflag:$0x1] =	stream.linear.gather [spmem:s14], $0x280, $0x38;
	[tilespmem:$0x8070] =	vst v63  }
0x79: {  	_ =	swait.ge [sflag:s29], $0x280  }
0x7a: {  	[sflag:s29] =	ssyncset.done $0x0  }
0x7b: {  	s3 =	simm.s32 $0x7170;
	[sflag:s29] =	ssyncadd.s32 $0xFFFFFD80  }
0x7c: {  	[tilespmem:s3], [sflag:$0x1] =	stream.linear.gather [spmem:s15], $0x280, $0x38;
	[tilespmem:$0x8070] =	vst v63  }
0x7d: {  	_ =	swait.ge [sflag:s29], $0x280  }
0x7e: {  	[sflag:s29] =	ssyncset.done $0x0  }
0x7f: {  	s1 =	simm.s32 $0x73F0;
	[sflag:s29] =	ssyncadd.s32 $0xFFFFFD80  }
0x80: {  	[tilespmem:s1], [sflag:$0x1] =	stream.linear.gather [spmem:s16], $0x280, $0x38;
	[tilespmem:$0x8070] =	vst v63  }
0x81: {  	_ =	swait.ge [sflag:s29], $0x280  }
0x82: {  	[sflag:s29] =	ssyncset.done $0x0  }
0x83: {  	s3 =	simm.s32 $0x7670;
	[sflag:s29] =	ssyncadd.s32 $0xFFFFFD80  }
0x84: {  	[tilespmem:s3], [sflag:$0x1] =	stream.linear.gather [spmem:s17], $0x280, $0x38;
	[tilespmem:$0x8070] =	vst v63  }
0x85: {  	_ =	swait.ge [sflag:s29], $0x280  }
0x86: {  	[sflag:s29] =	ssyncset.done $0x0  }
0x87: {  	s1 =	simm.s32 $0x78F0;
	[sflag:s29] =	ssyncadd.s32 $0xFFFFFD80  }
0x88: {  	[tilespmem:s1], [sflag:$0x1] =	stream.linear.gather [spmem:s18], $0x280, $0x38;
	[tilespmem:$0x8070] =	vst v63  }
0x89: {  	_ =	swait.ge [sflag:s29], $0x280  }
0x8a: {  	[sflag:s29] =	ssyncset.done $0x0  }
0x8b: {  	s3 =	simm.s32 $0x7B70;
	[sflag:s29] =	ssyncadd.s32 $0xFFFFFD80  }
0x8c: {  	[tilespmem:s3], [sflag:$0x1] =	stream.linear.gather [spmem:s26], $0x280, $0x38;
	[tilespmem:$0x8070] =	vst v63  }
0x8d: {  	_ =	swait.ge [sflag:s29], $0x280  }
0x8e: {  	[sflag:s29] =	ssyncset.done $0x0  }
0x8f: {  	s0 =	simm.s32 $0x0;
	[sflag:s29] =	ssyncadd.s32 $0xFFFFFD80  }
0x90: {  	v2 =	vld [tilespmem:s0+$0x55F0]  }
0x91: {  	v3 =	vld [tilespmem:s0+$0x5870];
	_ =	sdelay $0x1  }
0x92: {  	v4 =	vld [tilespmem:s0+$0x5AF0];
	_ =	sdelay $0x1  }
0x93: {  	v5 =	vld [tilespmem:s0+$0x5D70]  }
0x94: {  	v2 =	vadd.f32 v3, v2  }
0x95: {  	v3 =	vld [tilespmem:s0+$0x5FF0]  }
0x96: {  	v2 =	vadd.f32 v4, v2  }
0x97: {  	v4 =	vld [tilespmem:s0+$0x6270]  }
0x98: {  	v2 =	vadd.f32 v5, v2  }
0x99: {  	v5 =	vld [tilespmem:s0+$0x64F0]  }
0x9a: {  	v2 =	vadd.f32 v3, v2  }
0x9b: {  	v3 =	vld [tilespmem:s0+$0x6770]  }
0x9c: {  	s1 =	simm.s32 $0x10;
	v6 =	vld [tilespmem:s0+$0x69F0];
	v2 =	vadd.f32 v4, v2  }
0x9d: {  	v7 =	vld [tilespmem:s1+$0x55F0]  }
0x9e: {  	v4 =	vld [tilespmem:s0+$0x6C70];
	v2 =	vadd.f32 v5, v2  }
0x9f: {  	v5 =	vld [tilespmem:s1+$0x5870]  }
0xa0: {  	v8 =	vld [tilespmem:s1+$0x5AF0];
	v2 =	vadd.f32 v3, v2  }
0xa1: {  	v3 =	vld [tilespmem:s0+$0x6EF0]  }
0xa2: {  	v9 =	vld [tilespmem:s1+$0x5D70];
	v2 =	vadd.f32 v6, v2  }
0xa3: {  	v6 =	vld [tilespmem:s0+$0x7170]  }
0xa4: {  	v5 =	vadd.f32 v5, v7;
	v7 =	vld [tilespmem:s1+$0x5FF0];
	v2 =	vadd.f32 v4, v2  }
0xa5: {  	v4 =	vld [tilespmem:s0+$0x73F0]  }
0xa6: {  	v5 =	vadd.f32 v8, v5;
	v8 =	vld [tilespmem:s1+$0x6270];
	v2 =	vadd.f32 v3, v2  }
0xa7: {  	v3 =	vld [tilespmem:s0+$0x7670]  }
0xa8: {  	v10 =	vld [tilespmem:s1+$0x64F0];
	v5 =	vadd.f32 v9, v5;
	v2 =	vadd.f32 v6, v2  }
0xa9: {  	v9 =	vld [tilespmem:s0+$0x78F0]  }
0xaa: {  	v6 =	vadd.f32 v7, v5;
	v5 =	vld [tilespmem:s1+$0x6770];
	v7 =	vadd.f32 v4, v2  }
0xab: {  	v4 =	vld [tilespmem:s0+$0x7B70]  }
0xac: {  	v2 =	vld [tilespmem:s1+$0x6C70];
	v8 =	vadd.f32 v8, v6;
	v11 =	vadd.f32 v3, v7  }
0xad: {  	s30 =	simm.s32 $0x20;
	v6 =	vld [tilespmem:s1+$0x69F0]  }
0xae: {  	s3 =	simm.s32 $0xC0;
	v3 =	vld [tilespmem:s30+$0x55F0];
	v7 =	vadd.f32 v10, v8;
	v8 =	vadd.f32 v9, v11  }
.LBB2_14:
0xaf: {  	p0 =	sne.s32 s3, $0x9C0;
	v9 =	vld [tilespmem:s30+$0x5870]  }
0xb0: {  	v5 =	vadd.f32 v5, v7;
	v7 =	vld [tilespmem:s1+$0x6EF0];
	v4 =	vadd.f32 v4, v8  }
0xb1: {  	v8 =	vld [tilespmem:s30+$0x5AF0]  }
0xb2: {  	v5 =	vadd.f32 v6, v5;
	v6 =	vld [tilespmem:s1+$0x7170];
	[tilespmem:s0+$0x7DF0] =	vst v4;
	s0 =	smov.u32 s1;
	s1 =	smov.u32 s30  }
0xb3: {  	v4 =	vld [tilespmem:s1+$0x5D70]  }
0xb4: {  	v3 =	vadd.f32 v9, v3;
	v2 =	vadd.f32 v2, v5;
	v5 =	vld [tilespmem:s0+$0x73F0]  }
0xb5: {  	v9 =	vld [tilespmem:s1+$0x5FF0]  }
0xb6: {  	v3 =	vadd.f32 v8, v3;
	v2 =	vadd.f32 v7, v2;
	v7 =	vld [tilespmem:s0+$0x7670]  }
0xb7: {  	v8 =	vld [tilespmem:s1+$0x6270]  }
0xb8: {  	v3 =	vadd.f32 v4, v3;
	v2 =	vadd.f32 v6, v2;
	v10 =	vld [tilespmem:s0+$0x78F0]  }
0xb9: {  	v11 =	vld [tilespmem:s1+$0x64F0]  }
.Ltmp6:
0xba: {  	v3 =	vadd.f32 v9, v3;
	v6 =	vadd.f32 v5, v2;
	v4 =	vld [tilespmem:s0+$0x7B70];
	(pc) =	sbr.rel @p0 .LBB2_14-.Ltmp6, $4  }
0xbb: {  	v5 =	vld [tilespmem:s1+$0x6770]  }
0xbc: {  	v8 =	vadd.f32 v8, v3;
	v2 =	vld [tilespmem:s1+$0x6C70];
	v9 =	vadd.f32 v7, v6  }
0xbd: {  	s30 =	sshra.s32 s3, $0x2;
	v6 =	vld [tilespmem:s1+$0x69F0]  }
0xbe: {  	s3 =	sadd.s32 $0x40, s3;
	v3 =	vld [tilespmem:s30+$0x55F0];
	v7 =	vadd.f32 v11, v8;
	v8 =	vadd.f32 v10, v9  }
0xbf: {  	v9 =	vld [tilespmem:s30+$0x5870]  }
0xc0: {  	v10 =	vld [tilespmem:s1+$0x6EF0];
	v4 =	vadd.f32 v4, v8  }
0xc1: {  	v49 =	vld [tilespmem:s30+$0x5AF0]  }
0xc2: {  	v11 =	vld [tilespmem:s1+$0x7170];
	v5 =	vadd.f32 v5, v7;
	[tilespmem:s0+$0x7DF0] =	vst v4  }
0xc3: {  	v4 =	vld [tilespmem:s30+$0x5D70]  }
0xc4: {  	v5 =	vadd.f32 v6, v5;
	v3 =	vadd.f32 v9, v3  }
0xc5: {  	v50 =	vld [tilespmem:s30+$0x5FF0]  }
0xc6: {  	v51 =	vld [tilespmem:s1+$0x73F0];
	v2 =	vadd.f32 v2, v5;
	v3 =	vadd.f32 v49, v3  }
0xc7: {  	v52 =	vld [tilespmem:s30+$0x6270]  }
0xc8: {  	v53 =	vld [tilespmem:s1+$0x7670];
	v2 =	vadd.f32 v10, v2;
	v3 =	vadd.f32 v4, v3  }
0xc9: {  	v54 =	vld [tilespmem:s30+$0x64F0]  }
0xca: {  	v55 =	vld [tilespmem:s1+$0x78F0];
	v2 =	vadd.f32 v11, v2;
	v3 =	vadd.f32 v50, v3  }
0xcb: {  	v56 =	vld [tilespmem:s30+$0x6770]  }
0xcc: {  	v57 =	vld [tilespmem:s1+$0x7B70];
	v2 =	vadd.f32 v51, v2;
	v3 =	vadd.f32 v52, v3  }
0xcd: {  	v58 =	vld [tilespmem:s30+$0x69F0]  }
0xce: {  	v2 =	vadd.f32 v53, v2;
	v3 =	vadd.f32 v54, v3  }
0xcf: {  	v59 =	vld [tilespmem:s30+$0x6C70]  }
0xd0: {  	v2 =	vadd.f32 v55, v2;
	v3 =	vadd.f32 v56, v3  }
0xd1: {  	v60 =	vld [tilespmem:s30+$0x6EF0]  }
0xd2: {  	v2 =	vadd.f32 v57, v2;
	v3 =	vadd.f32 v58, v3  }
0xd3: {  	v61 =	vld [tilespmem:s30+$0x7170]  }
0xd4: {  	[tilespmem:s1+$0x7DF0] =	vst v2;
	v2 =	vadd.f32 v59, v3  }
0xd5: {  	v3 =	vld [tilespmem:s30+$0x73F0]  }
0xd6: {  	v2 =	vadd.f32 v60, v2  }
0xd7: {  	v62 =	vld [tilespmem:s30+$0x7670]  }
0xd8: {  	v2 =	vadd.f32 v61, v2  }
0xd9: {  	v63 =	vld [tilespmem:s30+$0x78F0]  }
0xda: {  	v2 =	vadd.f32 v3, v2  }
0xdb: {  	v3 =	vld [tilespmem:s30+$0x7B70]  }
0xdc: {  	v2 =	vadd.f32 v62, v2;
	_ =	sdelay $0x1  }
0xdd: {  	v2 =	vadd.f32 v63, v2;
	_ =	sdelay $0x1  }
0xde: {  	s31 =	sadd.s32 $0x1, s31;
	v2 =	vadd.f32 v3, v2  }
0xdf: {  	p0 =	sne.s32 s31, s20  }
.Ltmp7:
0xe0: {  	[tilespmem:s30+$0x7DF0] =	vst v2;
	s30 =	simm.s32 $0x7DF0;
	(pc) =	sbr.rel @p0 .LBB2_1-.Ltmp7, $4  }
0xe1: {  	[hbm4b:s19+s2] =	stream.linear.scatter [tilespmem:s30], [sflag:$0x1], $0x280, $0x38;
	[tilespmem:$0x8070] =	vst v63  }
0xe2: {  	_ =	swait.ge [sflag:s29], $0x280  }
0xe3: {  	[sflag:s29] =	ssyncset.done $0x0  }
0xe4: {  	[sflag:s29] =	ssyncadd.s32 $0xFFFFFD80  }
0xe5: {  	_ =	sfence.sel $0x180000  }
0xe6: {  	[bflag:$0x0] =	sbarrier.arrive $0xFFFF  }
0xe7: {  	_ =	strace $0x90000047  }
0xe8: {  	s0 =	stileid.u32;
	[bflag:$0x2] =	sbarrier.arrive $0xFFFF  }
0xe9: {  	p0 =	sne.s32 s0, $0x0;
	s0 =	rddreg [dreg:$0x2]  }
0xea: {  	s0 =	sadd.s32 @!p0 $0x100000, s0  }
0xeb: {  	[sflag:s0] =	ssyncadd.tile.s32 @!p0 $0x1;
	_ =	shalt  }
.Lfunc_end2:
_tile_overlayer_lowered:
.L_overlay_start_2:
0xec: {  	(tag) =	ssettag $0x2  }
0xed: {  	s0 =	rddreg [dreg:$0x0];
	s2 =	stileid.u32  }
0xee: {  	s1 =	rddreg [dreg:$0x1];
	p0 =	sne.s32 s2, $0x0  }
0xef: {  	s3 =	rddreg [dreg:$0x2];
	[bflag:$0x3] =	sbarrier.arrive $0xFFFF;
	s2 =	simm.s32 @!p0 $0x1C01  }
0xf0: {  	[timem:s3], [sflag:s2] =	dma.local @!p0 [hbm:s0], s1  }
0xf1: {  	s0 =	simm.s32 @!p0 $0x1  }
0xf2: {  	_ =	swait.ge @!p0 [sflag:s0], s1  }
0xf3: {  	s1 =	ssub.s32 @!p0 $0x0, s1;
	[sflag:s0] =	ssyncset.done @!p0 $0x0  }
0xf4: {  	[sflag:s0] =	ssyncadd.s32 @!p0 s1  }
0xf5: {  	[bflag:$0x3] =	sbarrier.arrive $0xFFFF  }
0xf6: {  	_ =	shalt  }

</sc_bundles>
